<compile_context>
chip_gen: v7x
topology: tpu7x:2x2x1
jax: 0.10.2.dev20260603
libtpu: 0.0.44.dev20260713+nightly
codegen_flags: <defaults>
</compile_context>

<pallas_src>
import functools

import jax
import jax.numpy as jnp
from jax import lax
from jax.experimental import pallas as pl
from jax.experimental.pallas import tpu as pltpu
from jax.experimental.pallas import tpu_sc as plsc

EPS = 1e-5
N = 10000
K = 16
NF = 4
VOCAB = 1000
ED = 32
HID = 64
OUT = 64

NC, NS = 2, 16
NW = NC * NS
CH = 128

NPAD = 10240
RPAD = NPAD * K
EPAD = 40960

F32 = jnp.float32
HIGH = jax.lax.Precision.HIGHEST


def _artanh(x):
    x = jnp.clip(x, -1.0 + EPS, 1.0 - EPS)
    return 0.5 * jnp.log((1.0 + x) / (1.0 - x))


def _sc_emb_lookup(tc_flat, ts_flat, idx):
    rows_w = EPAD // NW
    nch = rows_w // CH

    mesh = plsc.VectorSubcoreMesh(core_axis_name="c", subcore_axis_name="s")

    @functools.partial(
        pl.kernel,
        mesh=mesh,
        out_type=[jax.ShapeDtypeStruct((EPAD, ED), F32),
                  jax.ShapeDtypeStruct((EPAD, ED), F32)],
        scratch_types=[pltpu.VMEM((rows_w,), jnp.int32),
                       pltpu.VMEM((CH, ED), F32),
                       pltpu.VMEM((CH, ED), F32),
                       pltpu.SemaphoreType.DMA],
        compiler_params=pltpu.CompilerParams(use_tc_tiling_on_sc=False),
    )
    def k(tc_hbm, ts_hbm, idx_hbm, outc_hbm, outs_hbm, idx_v, bufc, bufs, sem):
        wid = lax.axis_index("s") * NC + lax.axis_index("c")
        base = wid * rows_w
        pltpu.sync_copy(idx_hbm.at[pl.ds(base, rows_w)], idx_v)

        def body(j, _):
            off = j * CH
            iv = idx_v.at[pl.ds(off, CH)]
            cc = pltpu.async_copy(tc_hbm.at[iv], bufc, sem)
            cs = pltpu.async_copy(ts_hbm.at[iv], bufs, sem)
            cc.wait()
            cs.wait()
            pltpu.sync_copy(bufc, outc_hbm.at[pl.ds(base + off, CH)])
            pltpu.sync_copy(bufs, outs_hbm.at[pl.ds(base + off, CH)])
            return 0

        lax.fori_loop(0, nch, body, 0)

    return k(tc_flat, ts_flat, idx)


def _sc_neigh_gather(emb_c, emb_s, ia, ib):
    rows_w = RPAD // NW
    CHN = 80
    GEN = 4
    nch = rows_w // CHN
    nT = nch // GEN

    mesh = plsc.VectorSubcoreMesh(core_axis_name="c", subcore_axis_name="s")
    ot = jax.ShapeDtypeStruct((RPAD, HID), F32)

    @functools.partial(
        pl.kernel,
        mesh=mesh,
        out_type=[ot, ot, ot, ot],
        scratch_types=[pltpu.VMEM((rows_w,), jnp.int32),
                       pltpu.VMEM((rows_w,), jnp.int32),
                       pltpu.VMEM((GEN, CHN, HID), F32),
                       pltpu.VMEM((GEN, CHN, HID), F32),
                       pltpu.VMEM((GEN, CHN, HID), F32),
                       pltpu.VMEM((GEN, CHN, HID), F32),
                       pltpu.SemaphoreType.DMA,
                       pltpu.SemaphoreType.DMA,
                       pltpu.SemaphoreType.DMA,
                       pltpu.SemaphoreType.DMA],
        compiler_params=pltpu.CompilerParams(use_tc_tiling_on_sc=False),
    )
    def k(embc_hbm, embs_hbm, ia_hbm, ib_hbm,
          odc_hbm, oqc_hbm, ods_hbm, oqs_hbm,
          iav, ibv, bdc, bqc, bds, bqs, s0, s1, s2, s3):
        sems = [s0, s1, s2, s3]
        wid = lax.axis_index("s") * NC + lax.axis_index("c")
        base = wid * rows_w
        pltpu.sync_copy(ia_hbm.at[pl.ds(base, rows_w)], iav)
        pltpu.sync_copy(ib_hbm.at[pl.ds(base, rows_w)], ibv)

        def fire_g(ch, g):
            off = ch * CHN
            ivA = iav.at[pl.ds(off, CHN)]
            ivB = ibv.at[pl.ds(off, CHN)]
            pltpu.async_copy(embc_hbm.at[ivA], bdc.at[g], sems[g])
            pltpu.async_copy(embs_hbm.at[ivA], bqs.at[g], sems[g])
            pltpu.async_copy(embc_hbm.at[ivB], bqc.at[g], sems[g])
            pltpu.async_copy(embs_hbm.at[ivB], bds.at[g], sems[g])

        def wait4g(g):
            iv0 = iav.at[pl.ds(0, CHN)]
            for _ in range(4):
                pltpu.make_async_copy(embc_hbm.at[iv0], bdc.at[g],
                                      sems[g]).wait()

        def wait4s(g):
            for _ in range(4):
                pltpu.make_async_copy(bdc.at[g],
                                      odc_hbm.at[pl.ds(base, CHN)],
                                      sems[g]).wait()

        def fire_s(ch, g):
            off = ch * CHN
            pltpu.async_copy(bdc.at[g], odc_hbm.at[pl.ds(base + off, CHN)],
                             sems[g])
            pltpu.async_copy(bqc.at[g], oqc_hbm.at[pl.ds(base + off, CHN)],
                             sems[g])
            pltpu.async_copy(bds.at[g], ods_hbm.at[pl.ds(base + off, CHN)],
                             sems[g])
            pltpu.async_copy(bqs.at[g], oqs_hbm.at[pl.ds(base + off, CHN)],
                             sems[g])

        for g in range(GEN):
            fire_g(g, g)

        def body(t, _):
            for g in range(GEN):
                wait4g(g)
                fire_s(4 * t + g, g)
            for g in range(GEN):
                @pl.when(t < nT - 1)
                def _():
                    wait4s(g)
                    fire_g(4 * (t + 1) + g, g)
            return 0

        lax.fori_loop(0, nT, body, 0)
        for g in range(GEN):
            wait4s(g)

    return k(emb_c, emb_s, ia, ib)


def _tc_emb_body(xc_ref, w_ref, b_ref, o_ref):
    mm = jnp.dot(xc_ref[...], w_ref[...], precision=HIGH,
                 preferred_element_type=F32) + b_ref[...]
    n = jnp.sqrt(jnp.sum(mm * mm, axis=-1, keepdims=True) + 1e-15)
    o_ref[...] = jnp.tanh(n) * mm / jnp.maximum(n, 1e-10)


def _tc_emb(embcat, w, b):
    blk = 2000
    return pl.pallas_call(
        _tc_emb_body,
        grid=(N // blk,),
        in_specs=[pl.BlockSpec((blk, NF * ED), lambda i: (i, 0)),
                  pl.BlockSpec((NF * ED, HID), lambda i: (0, 0)),
                  pl.BlockSpec((1, HID), lambda i: (0, 0))],
        out_specs=pl.BlockSpec((blk, HID), lambda i: (i, 0)),
        out_shape=jax.ShapeDtypeStruct((N, HID), F32),
    )(embcat, w, b)


NB = 256
NG = NB // K
GR = K * K


def _branch(h, h2, V, v2r, nVr, aVr):
    hrep = jnp.reshape(jnp.broadcast_to(h[:, None, :], (NB, K, HID)),
                       (NB * K, HID))
    hv = jnp.reshape(jnp.sum(hrep * V, axis=-1), (NB, K))
    a1 = 1.0 - 2.0 * hv + v2r
    b1 = 1.0 - h2
    num2 = a1 * a1 * h2 + b1 * b1 * v2r - 2.0 * a1 * b1 * hv
    den = jnp.maximum(1.0 - 2.0 * hv + h2 * v2r, EPS)
    nrm = jnp.sqrt(jnp.maximum(num2, 0.0) / (den * den) + 1e-15)
    att = -2.0 * _artanh(nrm)
    att = att - jnp.max(att, axis=-1, keepdims=True)
    e = jnp.exp(att)
    att = e / jnp.sum(e, axis=-1, keepdims=True)
    c = _artanh(jnp.tanh(att * aVr)) / jnp.maximum(nVr, 1e-10)
    crep = jnp.reshape(c, (NB * K, 1))
    s = jnp.sum(jnp.reshape(crep * V, (NB, K, HID)), axis=1)
    ns = jnp.sqrt(jnp.sum(s * s, axis=-1, keepdims=True) + 1e-15)
    te = jnp.tanh(ns) * s / jnp.maximum(ns, 1e-10)
    nte = jnp.sqrt(jnp.sum(te * te, axis=-1, keepdims=True) + 1e-15)
    return _artanh(nte) * te / jnp.maximum(nte, 1e-10)


def _tc_main_body(d_ref, q_ref, h_ref, a1w_ref, a1b_ref, a2w_ref,
                  wo_ref, bo_ref, o_ref):
    Dr = d_ref[...]
    Qr = q_ref[...]
    h = h_ref[...]
    d2 = jnp.sum(Dr * Dr, axis=-1, keepdims=True)
    q2 = jnp.sum(Qr * Qr, axis=-1, keepdims=True)
    nQ = jnp.sqrt(q2 + 1e-15)
    aQ = _artanh(nQ)
    U = Qr / jnp.maximum(nQ, 1e-10)

    sgs = []
    for g in range(NG):
        Dg = Dr[g * GR:(g + 1) * GR, :]
        Qg = Qr[g * GR:(g + 1) * GR, :]
        Sg = jax.lax.dot_general(Dg, Qg, (((1,), (1,)), ((), ())),
                                 precision=HIGH, preferred_element_type=F32)
        for bb in range(K):
            sgs.append(Sg[bb * K:(bb + 1) * K, bb * K:(bb + 1) * K])
    Sc = jnp.concatenate(sgs, axis=0)

    q2r = jnp.reshape(q2, (NB, K))
    aQr = jnp.reshape(aQ, (NB, K))
    nQr = jnp.reshape(nQ, (NB, K))
    q2c = jnp.reshape(jnp.broadcast_to(q2r[:, None, :], (NB, K, K)),
                      (NB * K, K))
    aQc = jnp.reshape(jnp.broadcast_to(aQr[:, None, :], (NB, K, K)),
                      (NB * K, K))

    a = 1.0 - 2.0 * Sc + q2c
    b = 1.0 - d2
    num2 = a * a * d2 + b * b * q2c - 2.0 * a * b * Sc
    den = jnp.maximum(1.0 - 2.0 * Sc + d2 * q2c, EPS)
    nrm = jnp.sqrt(jnp.maximum(num2, 0.0) / (den * den) + 1e-15)
    L = -2.0 * _artanh(nrm)
    L = L - jnp.max(L, axis=-1, keepdims=True)
    eL = jnp.exp(L)
    G = eL / jnp.sum(eL, axis=-1, keepdims=True)
    A = _artanh(jnp.tanh(G * aQc))

    h1s = []
    for g in range(NG):
        Ug = U[g * GR:(g + 1) * GR, :]
        rows = []
        for bb in range(K):
            Ab = A[g * GR + bb * K:g * GR + (bb + 1) * K, :]
            left = bb * K
            right = GR - (bb + 1) * K
            parts = []
            if left:
                parts.append(jnp.zeros((K, left), F32))
            parts.append(Ab)
            if right:
                parts.append(jnp.zeros((K, right), F32))
            rows.append(jnp.concatenate(parts, axis=1) if len(parts) > 1
                        else parts[0])
        BD = jnp.concatenate(rows, axis=0)
        h1s.append(jnp.dot(BD, Ug, precision=HIGH,
                           preferred_element_type=F32))
    h1 = jnp.concatenate(h1s, axis=0)

    nh1 = jnp.sqrt(jnp.sum(h1 * h1, axis=-1, keepdims=True) + 1e-15)
    hh = jnp.tanh(nh1) * h1 / jnp.maximum(nh1, 1e-10)
    hh2 = jnp.sum(hh * hh, axis=-1, keepdims=True)
    nhh = jnp.sqrt(hh2 + 1e-15)
    ahh = _artanh(nhh)

    h2 = jnp.sum(h * h, axis=-1, keepdims=True)
    rst0 = _branch(h, h2, hh,
                   jnp.reshape(hh2, (NB, K)),
                   jnp.reshape(nhh, (NB, K)),
                   jnp.reshape(ahh, (NB, K)))
    rst1 = _branch(h, h2, Qr, q2r, nQr, aQr)

    w0 = jnp.sum(jnp.tanh(jnp.dot(rst0, a1w_ref[...], precision=HIGH,
                                  preferred_element_type=F32) + a1b_ref[...])
                 * a2w_ref[...], axis=-1, keepdims=True)
    w1 = jnp.sum(jnp.tanh(jnp.dot(rst1, a1w_ref[...], precision=HIGH,
                                  preferred_element_type=F32) + a1b_ref[...])
                 * a2w_ref[...], axis=-1, keepdims=True)
    m = jnp.maximum(w0, w1)
    e0 = jnp.exp(w0 - m)
    e1 = jnp.exp(w1 - m)
    inv = 1.0 / (e0 + e1)
    rstc = (e0 * inv) * rst0 + (e1 * inv) * rst1

    nr = jnp.sqrt(jnp.sum(rstc * rstc, axis=-1, keepdims=True) + 1e-15)
    lo = jnp.tanh(nr) * rstc / jnp.maximum(nr, 1e-10)
    nlo = jnp.sqrt(jnp.sum(lo * lo, axis=-1, keepdims=True) + 1e-15)
    lg = _artanh(nlo) * lo / jnp.maximum(nlo, 1e-10)
    z = jnp.dot(lg, wo_ref[...], precision=HIGH,
                preferred_element_type=F32) + bo_ref[...]
    nz = jnp.sqrt(jnp.sum(z * z, axis=-1, keepdims=True) + 1e-15)
    o_ref[...] = jnp.tanh(nz) * z / jnp.maximum(nz, 1e-10)


def _tc_main(Dr, Qr, emb_pad, a1w, a1b, a2w, wo, bo):
    grid = NPAD // NB
    return pl.pallas_call(
        _tc_main_body,
        grid=(grid,),
        in_specs=[pl.BlockSpec((NB * K, HID), lambda i: (i, 0)),
                  pl.BlockSpec((NB * K, HID), lambda i: (i, 0)),
                  pl.BlockSpec((NB, HID), lambda i: (i, 0)),
                  pl.BlockSpec((HID, 32), lambda i: (0, 0)),
                  pl.BlockSpec((1, 32), lambda i: (0, 0)),
                  pl.BlockSpec((1, 32), lambda i: (0, 0)),
                  pl.BlockSpec((HID, OUT), lambda i: (0, 0)),
                  pl.BlockSpec((1, OUT), lambda i: (0, 0))],
        out_specs=pl.BlockSpec((NB, HID), lambda i: (i, 0)),
        out_shape=jax.ShapeDtypeStruct((NPAD, HID), F32),
    )(Dr, Qr, emb_pad, a1w, a1b, a2w, wo, bo)


def kernel(x, idx_sim, idx_cor,
           T_cor, W_in_cor, b_in_cor, q_cor, qq_cor, q1_cor, A1W_cor,
           A1b_cor, A2W_cor, W_out_cor, b_out_cor,
           T_sim, W_in_sim, b_in_sim, q_sim, qq_sim, q1_sim, A1W_sim,
           A1b_sim, A2W_sim, W_out_sim, b_out_sim):
    x = x.astype(jnp.int32)
    xoff = (x + (jnp.arange(NF, dtype=jnp.int32) * VOCAB)[None, :]).reshape(-1)
    xoff = jnp.pad(xoff, (0, EPAD - N * NF))
    tc_flat = T_cor.reshape(NF * VOCAB, ED)
    ts_flat = T_sim.reshape(NF * VOCAB, ED)
    ec_rows, es_rows = _sc_emb_lookup(tc_flat, ts_flat, xoff)
    embcat_c = ec_rows[:N * NF].reshape(N, NF * ED)
    embcat_s = es_rows[:N * NF].reshape(N, NF * ED)

    emb_c = _tc_emb(embcat_c, W_in_cor, b_in_cor.reshape(1, HID))
    emb_s = _tc_emb(embcat_s, W_in_sim, b_in_sim.reshape(1, HID))

    ia = jnp.pad(idx_sim.astype(jnp.int32).reshape(-1), (0, RPAD - N * K))
    ib = jnp.pad(idx_cor.astype(jnp.int32).reshape(-1), (0, RPAD - N * K))
    Dc, Qc, Ds, Qs = _sc_neigh_gather(emb_c, emb_s, ia, ib)

    embc_pad = jnp.pad(emb_c, ((0, NPAD - N), (0, 0)))
    embs_pad = jnp.pad(emb_s, ((0, NPAD - N), (0, 0)))
    out_c = _tc_main(Dc, Qc, embc_pad, A1W_cor, A1b_cor.reshape(1, 32),
                     A2W_cor.reshape(1, 32), W_out_cor,
                     b_out_cor.reshape(1, OUT))
    out_s = _tc_main(Ds, Qs, embs_pad, A1W_sim, A1b_sim.reshape(1, 32),
                     A2W_sim.reshape(1, 32), W_out_sim,
                     b_out_sim.reshape(1, OUT))
    return jnp.stack([out_c[:N], out_s[:N]], axis=0)

# --- scband reference (transcript-rebuilt; emitter-appended) ---
"""Pipeline reference for scband-hyperbolic-gcn-90177133346928 (READ-ONLY COPY).

The authoritative reference and input builder live on the scoring server;
editing this copy changes nothing except your own understanding.
"""

import jax, jax.numpy as jnp
import numpy as np

EPS = 1e-5
N = 10000
K = 16
NF = 4
VOCAB = 1000
ED = 32
HID = 64
OUT = 64


def _norm(x):
    return jnp.sqrt(jnp.sum(x * x, axis=-1, keepdims=True) + 1e-15)


def _artanh(x):
    x = jnp.clip(x, -1.0 + EPS, 1.0 - EPS)
    return 0.5 * (jnp.log1p(x) - jnp.log1p(-x))


def exp_map_zero(v):
    n = _norm(v)
    nc = jnp.maximum(n, 1e-10)
    return jnp.tanh(n) * v / nc


def log_map_zero(y):
    n = _norm(y)
    nc = jnp.maximum(n, 1e-10)
    return _artanh(n) * y / nc


def mob_add(x, y):
    xy = jnp.sum(x * y, axis=-1, keepdims=True)
    x2 = jnp.sum(x * x, axis=-1, keepdims=True)
    y2 = jnp.sum(y * y, axis=-1, keepdims=True)
    num = (1.0 + 2.0 * xy + y2) * x + (1.0 - x2) * y
    den = 1.0 + 2.0 * xy + x2 * y2
    return num / jnp.maximum(den, EPS)


def mob_scalar_multi(x, r):
    n = _norm(x)
    nc = jnp.maximum(n, 1e-10)
    return jnp.tanh(r * _artanh(n)) * x / nc


def distance(x, y):
    return 2.0 * _artanh(_norm(mob_add(-x, y)))


def coattention(D, Q, q1):
    outs = []
    for i in range(K):
        Zk = jax.lax.stop_gradient(D[:, i:i + 1, :])
        L = -distance(Zk, Q)
        G = jax.nn.softmax(L, axis=1)
        neigh_E = mob_scalar_multi(Q, G)
        h1 = jnp.sum(log_map_zero(neigh_E), axis=1, keepdims=True)
        hh = exp_map_zero(h1)
        outs.append(mob_add(mob_scalar_multi(Zk, q1), hh))
    return jnp.concatenate(outs, axis=1)


def _run_mode(mode, x, idx_sim, idx_cor, T, Wi, bi, q, qq, q1, A1W, A1b, A2W, Wo, bo):
    emb = jnp.concatenate([jnp.take(T[f], x[:, f], axis=0) for f in range(NF)], axis=1)
    emb = emb @ Wi + bi
    emb = exp_map_zero(emb)
    h_self = emb
    h = h_self[:, None, :]
    if mode == 'cor':
        D = jnp.take(emb, idx_sim, axis=0)
        Q = jnp.take(emb, idx_cor, axis=0)
    else:
        D = jnp.take(emb, idx_cor, axis=0)
        Q = jnp.take(emb, idx_sim, axis=0)
    h_neigh = coattention(D, Q, q1)
    atten = -distance(h, h_neigh)
    n_atten = jax.nn.softmax(atten, axis=1)
    neigh_T = mob_scalar_multi(h_neigh, n_atten)
    neigh_TE = exp_map_zero(jnp.sum(log_map_zero(neigh_T), axis=1, keepdims=True))[:, 0, :]
    neigh_TE = mob_add(mob_scalar_multi(h_self, q), neigh_TE)
    h_neigh_dir = Q
    atten1 = -distance(h, h_neigh_dir)
    n_atten1 = jax.nn.softmax(atten1, axis=1)
    neigh_T_dir = mob_scalar_multi(h_neigh_dir, n_atten1)
    neigh_TE_dir = exp_map_zero(jnp.sum(log_map_zero(neigh_T_dir), axis=1, keepdims=True))[:, 0, :]
    neigh_TE_dir = mob_add(mob_scalar_multi(h_self, qq), neigh_TE_dir)
    rst = jnp.stack([log_map_zero(neigh_TE), log_map_zero(neigh_TE_dir)], axis=1)
    w = jnp.tanh(rst @ A1W + A1b) @ A2W
    beta = jax.nn.softmax(w, axis=1)
    rst = jnp.sum(beta * rst, axis=1)
    layer_out = exp_map_zero(rst)
    return exp_map_zero(log_map_zero(layer_out) @ Wo + bo)


def _make_params(key):
    ks = jax.random.split(key, 8)
    T = jax.random.normal(ks[0], (NF, VOCAB, ED), dtype=jnp.float32) * 0.05
    Wi = jax.random.normal(ks[1], (NF * ED, HID), dtype=jnp.float32) * 0.05
    bi = jnp.zeros((HID,), jnp.float32)
    q = jnp.zeros((1,), jnp.float32)
    qq = jnp.zeros((1,), jnp.float32)
    q1 = jnp.zeros((1,), jnp.float32)
    A1W = jax.random.normal(ks[2], (HID, 32), dtype=jnp.float32) * 0.05
    A1b = jnp.zeros((32,), jnp.float32)
    A2W = jax.random.normal(ks[3], (32, 1), dtype=jnp.float32) * 0.05
    Wo = jax.random.normal(ks[4], (HID, OUT), dtype=jnp.float32) * 0.05
    bo = jnp.zeros((OUT,), jnp.float32)
    return [T, Wi, bi, q, qq, q1, A1W, A1b, A2W, Wo, bo]


def setup_inputs(seed: int = 0) -> dict:
    key = jax.random.key(seed)
    x = jax.random.randint(jax.random.fold_in(key, 1), (N, NF), 0, VOCAB)
    idx_sim = jax.random.randint(jax.random.fold_in(key, 2), (N, K), 0, N)
    idx_cor = jax.random.randint(jax.random.fold_in(key, 3), (N, K), 0, N)
    pc = _make_params(jax.random.fold_in(key, 4))
    ps = _make_params(jax.random.fold_in(key, 5))
    names = ['T', 'W_in', 'b_in', 'q', 'qq', 'q1', 'A1W', 'A1b', 'A2W', 'W_out', 'b_out']
    inp = {'x': x, 'idx_sim': idx_sim, 'idx_cor': idx_cor}
    for n, v in zip(names, pc):
        inp[n + '_cor'] = v
    for n, v in zip(names, ps):
        inp[n + '_sim'] = v
    return inp


def reference(x, idx_sim, idx_cor,
              T_cor, W_in_cor, b_in_cor, q_cor, qq_cor, q1_cor, A1W_cor, A1b_cor, A2W_cor, W_out_cor, b_out_cor,
              T_sim, W_in_sim, b_in_sim, q_sim, qq_sim, q1_sim, A1W_sim, A1b_sim, A2W_sim, W_out_sim, b_out_sim):
    out_c = _run_mode('cor', x, idx_sim, idx_cor, T_cor, W_in_cor, b_in_cor, q_cor, qq_cor, q1_cor, A1W_cor, A1b_cor, A2W_cor, W_out_cor, b_out_cor)
    out_s = _run_mode('sim', x, idx_sim, idx_cor, T_sim, W_in_sim, b_in_sim, q_sim, qq_sim, q1_sim, A1W_sim, A1b_sim, A2W_sim, W_out_sim, b_out_sim)
    return jnp.stack([out_c, out_s], axis=0)

if __name__ == "__main__":
    import jax
    _d = setup_inputs()
    print(jax.jit(kernel)(*tuple(_d.values())))

</pallas_src>

<mosaic_0001>
#map = affine_map<(d0, d1) -> (0, 0)>
#map1 = affine_map<(d0, d1) -> (0)>
module attributes {stable_mosaic.version = 14 : i64} {
  func.func @k(%arg0: i32, %arg1: i32, %arg2: memref<4000x32xf32, #tpu.memory_space<hbm>>, %arg3: memref<4000x32xf32, #tpu.memory_space<hbm>>, %arg4: memref<40960xi32, #tpu.memory_space<hbm>>, %arg5: memref<40960x32xf32, #tpu.memory_space<hbm>>, %arg6: memref<40960x32xf32, #tpu.memory_space<hbm>>, %arg7: memref<1280xi32, #tpu.memory_space<vmem>>, %arg8: memref<128x32xf32, #tpu.memory_space<vmem>>, %arg9: memref<128x32xf32, #tpu.memory_space<vmem>>, %arg10: memref<!tpu.dma_semaphore, #tpu.memory_space<semaphore_mem>>) attributes {dimension_semantics = [#tpu.dimension_semantics<core_parallel>, #tpu.dimension_semantics<subcore_parallel>], iteration_bounds = array<i64: 2, 16>, scalar_prefetch = 0 : i64, scratch_operands = 4 : i64, tpu.core_type = #tpu.core_type<sc_vector_subcore>, window_params = [{transform_indices = #map}, {transform_indices = #map}, {transform_indices = #map1}, {transform_indices = #map}, {transform_indices = #map}]} {
    %mul3A = arith.constant 2 : i32
    %mul3A_0 = arith.muli %arg1, %mul3A : i32
    %add3A = arith.addi %mul3A_0, %arg0 : i32
    %mul3A_1 = arith.constant 1280 : i32
    %mul3A_2 = arith.muli %add3A, %mul3A_1 : i32
    "tpu.region"() ({
      %run_scoped3A = tpu.sem_alloc : memref<!tpu.dma_semaphore, #tpu.memory_space<semaphore_mem>>
      %dma_start3A = tpu.memref_slice %arg4[%mul3A_2] : memref<40960xi32, #tpu.memory_space<hbm>> -> memref<1280xi32, #tpu.memory_space<hbm>>
      %dma_start3A_9 = tpu.memref_slice %arg4[%mul3A_2] : memref<40960xi32, #tpu.memory_space<hbm>> -> memref<1280xi32, #tpu.memory_space<hbm>>
      tpu.enqueue_dma source(%dma_start3A_9 : memref<1280xi32, #tpu.memory_space<hbm>>) target(%arg7 : memref<1280xi32, #tpu.memory_space<vmem>>) target_semaphore(%run_scoped3A : memref<!tpu.dma_semaphore, #tpu.memory_space<semaphore_mem>>)
      %dma_wait3A = tpu.memref_slice %arg4[%mul3A_2] : memref<40960xi32, #tpu.memory_space<hbm>> -> memref<1280xi32, #tpu.memory_space<hbm>>
      %dma_wait3A_10 = tpu.memref_slice %arg4[%mul3A_2] : memref<40960xi32, #tpu.memory_space<hbm>> -> memref<1280xi32, #tpu.memory_space<hbm>>
      tpu.wait_dma2 semaphore(%run_scoped3A : memref<!tpu.dma_semaphore, #tpu.memory_space<semaphore_mem>>) src(%dma_wait3A_10 : memref<1280xi32, #tpu.memory_space<hbm>>) dst(%arg7 : memref<1280xi32, #tpu.memory_space<vmem>>)
      tpu.yield
    }) : () -> ()
    %scan3A = arith.constant 0 : i32
    %scan3A_3 = arith.constant 0 : i32
    %scan3A_4 = arith.constant 10 : i32
    %scan3A_5 = arith.addi %scan3A_3, %scan3A_4 : i32
    %scan3A_6 = arith.constant 1 : i32
    %scan3A_7 = scf.for %scan3A_9 = %scan3A_3 to %scan3A_5 step %scan3A_6 iter_args(%scan3A_10 = %scan3A) -> (i32)  : i32 {
      %mul3A_11 = arith.constant 128 : i32
      %mul3A_12 = arith.muli %scan3A_9, %mul3A_11 : i32
      %dma_start3A = tpu.memref_slice %arg7[%mul3A_12] : memref<1280xi32, #tpu.memory_space<vmem>> -> memref<128xi32, #tpu.memory_space<vmem>>
      %dma_start3A_13 = arith.constant 0 : i32
      %dma_start3A_14 = arith.constant 0 : i32
      %dma_start3A_15 = tpu.memref_slice %arg2[%dma_start3A_13, %dma_start3A_14] : memref<4000x32xf32, #tpu.memory_space<hbm>> -> memref<4000x32xf32, #tpu.memory_space<hbm>>
      tpu.enqueue_indirect_dma source(%dma_start3A_15 : memref<4000x32xf32, #tpu.memory_space<hbm>>) target(%arg8 : memref<128x32xf32, #tpu.memory_space<vmem>>) offsets(%dma_start3A : memref<128xi32, #tpu.memory_space<vmem>>) semaphore(%arg10 : memref<!tpu.dma_semaphore, #tpu.memory_space<semaphore_mem>>)
      %dma_start3A_16 = tpu.memref_slice %arg7[%mul3A_12] : memref<1280xi32, #tpu.memory_space<vmem>> -> memref<128xi32, #tpu.memory_space<vmem>>
      %dma_start3A_17 = arith.constant 0 : i32
      %dma_start3A_18 = arith.constant 0 : i32
      %dma_start3A_19 = tpu.memref_slice %arg3[%dma_start3A_17, %dma_start3A_18] : memref<4000x32xf32, #tpu.memory_space<hbm>> -> memref<4000x32xf32, #tpu.memory_space<hbm>>
      tpu.enqueue_indirect_dma source(%dma_start3A_19 : memref<4000x32xf32, #tpu.memory_space<hbm>>) target(%arg9 : memref<128x32xf32, #tpu.memory_space<vmem>>) offsets(%dma_start3A_16 : memref<128xi32, #tpu.memory_space<vmem>>) semaphore(%arg10 : memref<!tpu.dma_semaphore, #tpu.memory_space<semaphore_mem>>)
      %dma_wait3A = tpu.memref_slice %arg7[%mul3A_12] : memref<1280xi32, #tpu.memory_space<vmem>> -> memref<128xi32, #tpu.memory_space<vmem>>
      %dma_wait3A_20 = arith.constant 0 : i32
      %dma_wait3A_21 = arith.constant 0 : i32
      %dma_wait3A_22 = tpu.memref_slice %arg2[%dma_wait3A_20, %dma_wait3A_21] : memref<4000x32xf32, #tpu.memory_space<hbm>> -> memref<4000x32xf32, #tpu.memory_space<hbm>>
      tpu.wait_indirect_dma semaphore(%arg10 : memref<!tpu.dma_semaphore, #tpu.memory_space<semaphore_mem>>) src(%dma_wait3A_22 : memref<4000x32xf32, #tpu.memory_space<hbm>>) dst(%arg8 : memref<128x32xf32, #tpu.memory_space<vmem>>)
      %dma_wait3A_23 = tpu.memref_slice %arg7[%mul3A_12] : memref<1280xi32, #tpu.memory_space<vmem>> -> memref<128xi32, #tpu.memory_space<vmem>>
      %dma_wait3A_24 = arith.constant 0 : i32
      %dma_wait3A_25 = arith.constant 0 : i32
      %dma_wait3A_26 = tpu.memref_slice %arg3[%dma_wait3A_24, %dma_wait3A_25] : memref<4000x32xf32, #tpu.memory_space<hbm>> -> memref<4000x32xf32, #tpu.memory_space<hbm>>
      tpu.wait_indirect_dma semaphore(%arg10 : memref<!tpu.dma_semaphore, #tpu.memory_space<semaphore_mem>>) src(%dma_wait3A_26 : memref<4000x32xf32, #tpu.memory_space<hbm>>) dst(%arg9 : memref<128x32xf32, #tpu.memory_space<vmem>>)
      %add3A_27 = arith.addi %mul3A_2, %mul3A_12 : i32
      "tpu.region"() ({
        %run_scoped3A = tpu.sem_alloc : memref<!tpu.dma_semaphore, #tpu.memory_space<semaphore_mem>>
        %dma_start3A_30 = arith.constant 0 : i32
        %dma_start3A_31 = tpu.memref_slice %arg5[%add3A_27, %dma_start3A_30] : memref<40960x32xf32, #tpu.memory_space<hbm>> -> memref<128x32xf32, #tpu.memory_space<hbm>>
        %dma_start3A_32 = arith.constant 0 : i32
        %dma_start3A_33 = tpu.memref_slice %arg5[%add3A_27, %dma_start3A_32] : memref<40960x32xf32, #tpu.memory_space<hbm>> -> memref<128x32xf32, #tpu.memory_space<hbm>>
        tpu.enqueue_dma source(%arg8 : memref<128x32xf32, #tpu.memory_space<vmem>>) target(%dma_start3A_33 : memref<128x32xf32, #tpu.memory_space<hbm>>) target_semaphore(%run_scoped3A : memref<!tpu.dma_semaphore, #tpu.memory_space<semaphore_mem>>)
        %dma_wait3A_34 = arith.constant 0 : i32
        %dma_wait3A_35 = tpu.memref_slice %arg5[%add3A_27, %dma_wait3A_34] : memref<40960x32xf32, #tpu.memory_space<hbm>> -> memref<128x32xf32, #tpu.memory_space<hbm>>
        %dma_wait3A_36 = arith.constant 0 : i32
        %dma_wait3A_37 = tpu.memref_slice %arg5[%add3A_27, %dma_wait3A_36] : memref<40960x32xf32, #tpu.memory_space<hbm>> -> memref<128x32xf32, #tpu.memory_space<hbm>>
        tpu.wait_dma2 semaphore(%run_scoped3A : memref<!tpu.dma_semaphore, #tpu.memory_space<semaphore_mem>>) src(%arg8 : memref<128x32xf32, #tpu.memory_space<vmem>>) dst(%dma_wait3A_37 : memref<128x32xf32, #tpu.memory_space<hbm>>)
        tpu.yield
      }) : () -> ()
      %add3A_28 = arith.addi %mul3A_2, %mul3A_12 : i32
      "tpu.region"() ({
        %run_scoped3A = tpu.sem_alloc : memref<!tpu.dma_semaphore, #tpu.memory_space<semaphore_mem>>
        %dma_start3A_30 = arith.constant 0 : i32
        %dma_start3A_31 = tpu.memref_slice %arg6[%add3A_28, %dma_start3A_30] : memref<40960x32xf32, #tpu.memory_space<hbm>> -> memref<128x32xf32, #tpu.memory_space<hbm>>
        %dma_start3A_32 = arith.constant 0 : i32
        %dma_start3A_33 = tpu.memref_slice %arg6[%add3A_28, %dma_start3A_32] : memref<40960x32xf32, #tpu.memory_space<hbm>> -> memref<128x32xf32, #tpu.memory_space<hbm>>
        tpu.enqueue_dma source(%arg9 : memref<128x32xf32, #tpu.memory_space<vmem>>) target(%dma_start3A_33 : memref<128x32xf32, #tpu.memory_space<hbm>>) target_semaphore(%run_scoped3A : memref<!tpu.dma_semaphore, #tpu.memory_space<semaphore_mem>>)
        %dma_wait3A_34 = arith.constant 0 : i32
        %dma_wait3A_35 = tpu.memref_slice %arg6[%add3A_28, %dma_wait3A_34] : memref<40960x32xf32, #tpu.memory_space<hbm>> -> memref<128x32xf32, #tpu.memory_space<hbm>>
        %dma_wait3A_36 = arith.constant 0 : i32
        %dma_wait3A_37 = tpu.memref_slice %arg6[%add3A_28, %dma_wait3A_36] : memref<40960x32xf32, #tpu.memory_space<hbm>> -> memref<128x32xf32, #tpu.memory_space<hbm>>
        tpu.wait_dma2 semaphore(%run_scoped3A : memref<!tpu.dma_semaphore, #tpu.memory_space<semaphore_mem>>) src(%arg9 : memref<128x32xf32, #tpu.memory_space<vmem>>) dst(%dma_wait3A_37 : memref<128x32xf32, #tpu.memory_space<hbm>>)
        tpu.yield
      }) : () -> ()
      %scan3A_29 = arith.constant 0 : i32
      scf.yield %scan3A_29 : i32
    }
    %scan3A_8 = arith.constant 10 : i32
    return
  }
}

#map = affine_map<(d0, d1) -> (0, 0)>
#map1 = affine_map<(d0, d1) -> (0)>
module attributes {stable_mosaic.version = 14 : i64} {
  func.func @k(%arg0: i32, %arg1: i32, %arg2: memref<10000x64xf32, #tpu.memory_space<hbm>>, %arg3: memref<10000x64xf32, #tpu.memory_space<hbm>>, %arg4: memref<163840xi32, #tpu.memory_space<hbm>>, %arg5: memref<163840xi32, #tpu.memory_space<hbm>>, %arg6: memref<163840x64xf32, #tpu.memory_space<hbm>>, %arg7: memref<163840x64xf32, #tpu.memory_space<hbm>>, %arg8: memref<163840x64xf32, #tpu.memory_space<hbm>>, %arg9: memref<163840x64xf32, #tpu.memory_space<hbm>>, %arg10: memref<5120xi32, #tpu.memory_space<vmem>>, %arg11: memref<5120xi32, #tpu.memory_space<vmem>>, %arg12: memref<4x80x64xf32, #tpu.memory_space<vmem>>, %arg13: memref<4x80x64xf32, #tpu.memory_space<vmem>>, %arg14: memref<4x80x64xf32, #tpu.memory_space<vmem>>, %arg15: memref<4x80x64xf32, #tpu.memory_space<vmem>>, %arg16: memref<!tpu.dma_semaphore, #tpu.memory_space<semaphore_mem>>, %arg17: memref<!tpu.dma_semaphore, #tpu.memory_space<semaphore_mem>>, %arg18: memref<!tpu.dma_semaphore, #tpu.memory_space<semaphore_mem>>, %arg19: memref<!tpu.dma_semaphore, #tpu.memory_space<semaphore_mem>>) attributes {dimension_semantics = [#tpu.dimension_semantics<core_parallel>, #tpu.dimension_semantics<subcore_parallel>], iteration_bounds = array<i64: 2, 16>, scalar_prefetch = 0 : i64, scratch_operands = 10 : i64, tpu.core_type = #tpu.core_type<sc_vector_subcore>, window_params = [{transform_indices = #map}, {transform_indices = #map}, {transform_indices = #map1}, {transform_indices = #map1}, {transform_indices = #map}, {transform_indices = #map}, {transform_indices = #map}, {transform_indices = #map}]} {
    %mul3A = arith.constant 2 : i32
    %mul3A_0 = arith.muli %arg1, %mul3A : i32
    %add3A = arith.addi %mul3A_0, %arg0 : i32
    %mul3A_1 = arith.constant 5120 : i32
    %mul3A_2 = arith.muli %add3A, %mul3A_1 : i32
    "tpu.region"() ({
      %run_scoped3A = tpu.sem_alloc : memref<!tpu.dma_semaphore, #tpu.memory_space<semaphore_mem>>
      %dma_start3A_375 = tpu.memref_slice %arg4[%mul3A_2] : memref<163840xi32, #tpu.memory_space<hbm>> -> memref<5120xi32, #tpu.memory_space<hbm>>
      %dma_start3A_376 = tpu.memref_slice %arg4[%mul3A_2] : memref<163840xi32, #tpu.memory_space<hbm>> -> memref<5120xi32, #tpu.memory_space<hbm>>
      tpu.enqueue_dma source(%dma_start3A_376 : memref<5120xi32, #tpu.memory_space<hbm>>) target(%arg10 : memref<5120xi32, #tpu.memory_space<vmem>>) target_semaphore(%run_scoped3A : memref<!tpu.dma_semaphore, #tpu.memory_space<semaphore_mem>>)
      %dma_wait3A_377 = tpu.memref_slice %arg4[%mul3A_2] : memref<163840xi32, #tpu.memory_space<hbm>> -> memref<5120xi32, #tpu.memory_space<hbm>>
      %dma_wait3A_378 = tpu.memref_slice %arg4[%mul3A_2] : memref<163840xi32, #tpu.memory_space<hbm>> -> memref<5120xi32, #tpu.memory_space<hbm>>
      tpu.wait_dma2 semaphore(%run_scoped3A : memref<!tpu.dma_semaphore, #tpu.memory_space<semaphore_mem>>) src(%dma_wait3A_378 : memref<5120xi32, #tpu.memory_space<hbm>>) dst(%arg10 : memref<5120xi32, #tpu.memory_space<vmem>>)
      tpu.yield
    }) : () -> ()
    "tpu.region"() ({
      %run_scoped3A = tpu.sem_alloc : memref<!tpu.dma_semaphore, #tpu.memory_space<semaphore_mem>>
      %dma_start3A_375 = tpu.memref_slice %arg5[%mul3A_2] : memref<163840xi32, #tpu.memory_space<hbm>> -> memref<5120xi32, #tpu.memory_space<hbm>>
      %dma_start3A_376 = tpu.memref_slice %arg5[%mul3A_2] : memref<163840xi32, #tpu.memory_space<hbm>> -> memref<5120xi32, #tpu.memory_space<hbm>>
      tpu.enqueue_dma source(%dma_start3A_376 : memref<5120xi32, #tpu.memory_space<hbm>>) target(%arg11 : memref<5120xi32, #tpu.memory_space<vmem>>) target_semaphore(%run_scoped3A : memref<!tpu.dma_semaphore, #tpu.memory_space<semaphore_mem>>)
      %dma_wait3A_377 = tpu.memref_slice %arg5[%mul3A_2] : memref<163840xi32, #tpu.memory_space<hbm>> -> memref<5120xi32, #tpu.memory_space<hbm>>
      %dma_wait3A_378 = tpu.memref_slice %arg5[%mul3A_2] : memref<163840xi32, #tpu.memory_space<hbm>> -> memref<5120xi32, #tpu.memory_space<hbm>>
      tpu.wait_dma2 semaphore(%run_scoped3A : memref<!tpu.dma_semaphore, #tpu.memory_space<semaphore_mem>>) src(%dma_wait3A_378 : memref<5120xi32, #tpu.memory_space<hbm>>) dst(%arg11 : memref<5120xi32, #tpu.memory_space<vmem>>)
      tpu.yield
    }) : () -> ()
    %dma_start3A = arith.constant 0 : i32
    %dma_start3A_3 = arith.constant 0 : i32
    %dma_start3A_4 = arith.constant 0 : i32
    %dma_start3A_5 = tpu.memref_slice %arg12[%dma_start3A, %dma_start3A_3, %dma_start3A_4] : memref<4x80x64xf32, #tpu.memory_space<vmem>> -> memref<1x80x64xf32, #tpu.memory_space<vmem>>
    %dma_start3A_6 = tpu.memref_squeeze %dma_start3A_5 : memref<1x80x64xf32, #tpu.memory_space<vmem>> -> memref<80x64xf32, #tpu.memory_space<vmem>>
    %dma_start3A_7 = arith.constant 0 : i32
    %dma_start3A_8 = tpu.memref_slice %arg10[%dma_start3A_7] : memref<5120xi32, #tpu.memory_space<vmem>> -> memref<80xi32, #tpu.memory_space<vmem>>
    %dma_start3A_9 = arith.constant 0 : i32
    %dma_start3A_10 = arith.constant 0 : i32
    %dma_start3A_11 = tpu.memref_slice %arg2[%dma_start3A_9, %dma_start3A_10] : memref<10000x64xf32, #tpu.memory_space<hbm>> -> memref<10000x64xf32, #tpu.memory_space<hbm>>
    tpu.enqueue_indirect_dma source(%dma_start3A_11 : memref<10000x64xf32, #tpu.memory_space<hbm>>) target(%dma_start3A_6 : memref<80x64xf32, #tpu.memory_space<vmem>>) offsets(%dma_start3A_8 : memref<80xi32, #tpu.memory_space<vmem>>) semaphore(%arg16 : memref<!tpu.dma_semaphore, #tpu.memory_space<semaphore_mem>>)
    %dma_start3A_12 = arith.constant 0 : i32
    %dma_start3A_13 = arith.constant 0 : i32
    %dma_start3A_14 = arith.constant 0 : i32
    %dma_start3A_15 = tpu.memref_slice %arg15[%dma_start3A_12, %dma_start3A_13, %dma_start3A_14] : memref<4x80x64xf32, #tpu.memory_space<vmem>> -> memref<1x80x64xf32, #tpu.memory_space<vmem>>
    %dma_start3A_16 = tpu.memref_squeeze %dma_start3A_15 : memref<1x80x64xf32, #tpu.memory_space<vmem>> -> memref<80x64xf32, #tpu.memory_space<vmem>>
    %dma_start3A_17 = arith.constant 0 : i32
    %dma_start3A_18 = tpu.memref_slice %arg10[%dma_start3A_17] : memref<5120xi32, #tpu.memory_space<vmem>> -> memref<80xi32, #tpu.memory_space<vmem>>
    %dma_start3A_19 = arith.constant 0 : i32
    %dma_start3A_20 = arith.constant 0 : i32
    %dma_start3A_21 = tpu.memref_slice %arg3[%dma_start3A_19, %dma_start3A_20] : memref<10000x64xf32, #tpu.memory_space<hbm>> -> memref<10000x64xf32, #tpu.memory_space<hbm>>
    tpu.enqueue_indirect_dma source(%dma_start3A_21 : memref<10000x64xf32, #tpu.memory_space<hbm>>) target(%dma_start3A_16 : memref<80x64xf32, #tpu.memory_space<vmem>>) offsets(%dma_start3A_18 : memref<80xi32, #tpu.memory_space<vmem>>) semaphore(%arg16 : memref<!tpu.dma_semaphore, #tpu.memory_space<semaphore_mem>>)
    %dma_start3A_22 = arith.constant 0 : i32
    %dma_start3A_23 = arith.constant 0 : i32
    %dma_start3A_24 = arith.constant 0 : i32
    %dma_start3A_25 = tpu.memref_slice %arg13[%dma_start3A_22, %dma_start3A_23, %dma_start3A_24] : memref<4x80x64xf32, #tpu.memory_space<vmem>> -> memref<1x80x64xf32, #tpu.memory_space<vmem>>
    %dma_start3A_26 = tpu.memref_squeeze %dma_start3A_25 : memref<1x80x64xf32, #tpu.memory_space<vmem>> -> memref<80x64xf32, #tpu.memory_space<vmem>>
    %dma_start3A_27 = arith.constant 0 : i32
    %dma_start3A_28 = tpu.memref_slice %arg11[%dma_start3A_27] : memref<5120xi32, #tpu.memory_space<vmem>> -> memref<80xi32, #tpu.memory_space<vmem>>
    %dma_start3A_29 = arith.constant 0 : i32
    %dma_start3A_30 = arith.constant 0 : i32
    %dma_start3A_31 = tpu.memref_slice %arg2[%dma_start3A_29, %dma_start3A_30] : memref<10000x64xf32, #tpu.memory_space<hbm>> -> memref<10000x64xf32, #tpu.memory_space<hbm>>
    tpu.enqueue_indirect_dma source(%dma_start3A_31 : memref<10000x64xf32, #tpu.memory_space<hbm>>) target(%dma_start3A_26 : memref<80x64xf32, #tpu.memory_space<vmem>>) offsets(%dma_start3A_28 : memref<80xi32, #tpu.memory_space<vmem>>) semaphore(%arg16 : memref<!tpu.dma_semaphore, #tpu.memory_space<semaphore_mem>>)
    %dma_start3A_32 = arith.constant 0 : i32
    %dma_start3A_33 = arith.constant 0 : i32
    %dma_start3A_34 = arith.constant 0 : i32
    %dma_start3A_35 = tpu.memref_slice %arg14[%dma_start3A_32, %dma_start3A_33, %dma_start3A_34] : memref<4x80x64xf32, #tpu.memory_space<vmem>> -> memref<1x80x64xf32, #tpu.memory_space<vmem>>
    %dma_start3A_36 = tpu.memref_squeeze %dma_start3A_35 : memref<1x80x64xf32, #tpu.memory_space<vmem>> -> memref<80x64xf32, #tpu.memory_space<vmem>>
    %dma_start3A_37 = arith.constant 0 : i32
    %dma_start3A_38 = tpu.memref_slice %arg11[%dma_start3A_37] : memref<5120xi32, #tpu.memory_space<vmem>> -> memref<80xi32, #tpu.memory_space<vmem>>
    %dma_start3A_39 = arith.constant 0 : i32
    %dma_start3A_40 = arith.constant 0 : i32
    %dma_start3A_41 = tpu.memref_slice %arg3[%dma_start3A_39, %dma_start3A_40] : memref<10000x64xf32, #tpu.memory_space<hbm>> -> memref<10000x64xf32, #tpu.memory_space<hbm>>
    tpu.enqueue_indirect_dma source(%dma_start3A_41 : memref<10000x64xf32, #tpu.memory_space<hbm>>) target(%dma_start3A_36 : memref<80x64xf32, #tpu.memory_space<vmem>>) offsets(%dma_start3A_38 : memref<80xi32, #tpu.memory_space<vmem>>) semaphore(%arg16 : memref<!tpu.dma_semaphore, #tpu.memory_space<semaphore_mem>>)
    %dma_start3A_42 = arith.constant 1 : i32
    %dma_start3A_43 = arith.constant 0 : i32
    %dma_start3A_44 = arith.constant 0 : i32
    %dma_start3A_45 = tpu.memref_slice %arg12[%dma_start3A_42, %dma_start3A_43, %dma_start3A_44] : memref<4x80x64xf32, #tpu.memory_space<vmem>> -> memref<1x80x64xf32, #tpu.memory_space<vmem>>
    %dma_start3A_46 = tpu.memref_squeeze %dma_start3A_45 : memref<1x80x64xf32, #tpu.memory_space<vmem>> -> memref<80x64xf32, #tpu.memory_space<vmem>>
    %dma_start3A_47 = arith.constant 80 : i32
    %dma_start3A_48 = tpu.memref_slice %arg10[%dma_start3A_47] : memref<5120xi32, #tpu.memory_space<vmem>> -> memref<80xi32, #tpu.memory_space<vmem>>
    %dma_start3A_49 = arith.constant 0 : i32
    %dma_start3A_50 = arith.constant 0 : i32
    %dma_start3A_51 = tpu.memref_slice %arg2[%dma_start3A_49, %dma_start3A_50] : memref<10000x64xf32, #tpu.memory_space<hbm>> -> memref<10000x64xf32, #tpu.memory_space<hbm>>
    tpu.enqueue_indirect_dma source(%dma_start3A_51 : memref<10000x64xf32, #tpu.memory_space<hbm>>) target(%dma_start3A_46 : memref<80x64xf32, #tpu.memory_space<vmem>>) offsets(%dma_start3A_48 : memref<80xi32, #tpu.memory_space<vmem>>) semaphore(%arg17 : memref<!tpu.dma_semaphore, #tpu.memory_space<semaphore_mem>>)
    %dma_start3A_52 = arith.constant 1 : i32
    %dma_start3A_53 = arith.constant 0 : i32
    %dma_start3A_54 = arith.constant 0 : i32
    %dma_start3A_55 = tpu.memref_slice %arg15[%dma_start3A_52, %dma_start3A_53, %dma_start3A_54] : memref<4x80x64xf32, #tpu.memory_space<vmem>> -> memref<1x80x64xf32, #tpu.memory_space<vmem>>
    %dma_start3A_56 = tpu.memref_squeeze %dma_start3A_55 : memref<1x80x64xf32, #tpu.memory_space<vmem>> -> memref<80x64xf32, #tpu.memory_space<vmem>>
    %dma_start3A_57 = arith.constant 80 : i32
    %dma_start3A_58 = tpu.memref_slice %arg10[%dma_start3A_57] : memref<5120xi32, #tpu.memory_space<vmem>> -> memref<80xi32, #tpu.memory_space<vmem>>
    %dma_start3A_59 = arith.constant 0 : i32
    %dma_start3A_60 = arith.constant 0 : i32
    %dma_start3A_61 = tpu.memref_slice %arg3[%dma_start3A_59, %dma_start3A_60] : memref<10000x64xf32, #tpu.memory_space<hbm>> -> memref<10000x64xf32, #tpu.memory_space<hbm>>
    tpu.enqueue_indirect_dma source(%dma_start3A_61 : memref<10000x64xf32, #tpu.memory_space<hbm>>) target(%dma_start3A_56 : memref<80x64xf32, #tpu.memory_space<vmem>>) offsets(%dma_start3A_58 : memref<80xi32, #tpu.memory_space<vmem>>) semaphore(%arg17 : memref<!tpu.dma_semaphore, #tpu.memory_space<semaphore_mem>>)
    %dma_start3A_62 = arith.constant 1 : i32
    %dma_start3A_63 = arith.constant 0 : i32
    %dma_start3A_64 = arith.constant 0 : i32
    %dma_start3A_65 = tpu.memref_slice %arg13[%dma_start3A_62, %dma_start3A_63, %dma_start3A_64] : memref<4x80x64xf32, #tpu.memory_space<vmem>> -> memref<1x80x64xf32, #tpu.memory_space<vmem>>
    %dma_start3A_66 = tpu.memref_squeeze %dma_start3A_65 : memref<1x80x64xf32, #tpu.memory_space<vmem>> -> memref<80x64xf32, #tpu.memory_space<vmem>>
    %dma_start3A_67 = arith.constant 80 : i32
    %dma_start3A_68 = tpu.memref_slice %arg11[%dma_start3A_67] : memref<5120xi32, #tpu.memory_space<vmem>> -> memref<80xi32, #tpu.memory_space<vmem>>
    %dma_start3A_69 = arith.constant 0 : i32
    %dma_start3A_70 = arith.constant 0 : i32
    %dma_start3A_71 = tpu.memref_slice %arg2[%dma_start3A_69, %dma_start3A_70] : memref<10000x64xf32, #tpu.memory_space<hbm>> -> memref<10000x64xf32, #tpu.memory_space<hbm>>
    tpu.enqueue_indirect_dma source(%dma_start3A_71 : memref<10000x64xf32, #tpu.memory_space<hbm>>) target(%dma_start3A_66 : memref<80x64xf32, #tpu.memory_space<vmem>>) offsets(%dma_start3A_68 : memref<80xi32, #tpu.memory_space<vmem>>) semaphore(%arg17 : memref<!tpu.dma_semaphore, #tpu.memory_space<semaphore_mem>>)
    %dma_start3A_72 = arith.constant 1 : i32
    %dma_start3A_73 = arith.constant 0 : i32
    %dma_start3A_74 = arith.constant 0 : i32
    %dma_start3A_75 = tpu.memref_slice %arg14[%dma_start3A_72, %dma_start3A_73, %dma_start3A_74] : memref<4x80x64xf32, #tpu.memory_space<vmem>> -> memref<1x80x64xf32, #tpu.memory_space<vmem>>
    %dma_start3A_76 = tpu.memref_squeeze %dma_start3A_75 : memref<1x80x64xf32, #tpu.memory_space<vmem>> -> memref<80x64xf32, #tpu.memory_space<vmem>>
    %dma_start3A_77 = arith.constant 80 : i32
    %dma_start3A_78 = tpu.memref_slice %arg11[%dma_start3A_77] : memref<5120xi32, #tpu.memory_space<vmem>> -> memref<80xi32, #tpu.memory_space<vmem>>
    %dma_start3A_79 = arith.constant 0 : i32
    %dma_start3A_80 = arith.constant 0 : i32
    %dma_start3A_81 = tpu.memref_slice %arg3[%dma_start3A_79, %dma_start3A_80] : memref<10000x64xf32, #tpu.memory_space<hbm>> -> memref<10000x64xf32, #tpu.memory_space<hbm>>
    tpu.enqueue_indirect_dma source(%dma_start3A_81 : memref<10000x64xf32, #tpu.memory_space<hbm>>) target(%dma_start3A_76 : memref<80x64xf32, #tpu.memory_space<vmem>>) offsets(%dma_start3A_78 : memref<80xi32, #tpu.memory_space<vmem>>) semaphore(%arg17 : memref<!tpu.dma_semaphore, #tpu.memory_space<semaphore_mem>>)
    %dma_start3A_82 = arith.constant 2 : i32
    %dma_start3A_83 = arith.constant 0 : i32
    %dma_start3A_84 = arith.constant 0 : i32
    %dma_start3A_85 = tpu.memref_slice %arg12[%dma_start3A_82, %dma_start3A_83, %dma_start3A_84] : memref<4x80x64xf32, #tpu.memory_space<vmem>> -> memref<1x80x64xf32, #tpu.memory_space<vmem>>
    %dma_start3A_86 = tpu.memref_squeeze %dma_start3A_85 : memref<1x80x64xf32, #tpu.memory_space<vmem>> -> memref<80x64xf32, #tpu.memory_space<vmem>>
    %dma_start3A_87 = arith.constant 160 : i32
    %dma_start3A_88 = tpu.memref_slice %arg10[%dma_start3A_87] : memref<5120xi32, #tpu.memory_space<vmem>> -> memref<80xi32, #tpu.memory_space<vmem>>
    %dma_start3A_89 = arith.constant 0 : i32
    %dma_start3A_90 = arith.constant 0 : i32
    %dma_start3A_91 = tpu.memref_slice %arg2[%dma_start3A_89, %dma_start3A_90] : memref<10000x64xf32, #tpu.memory_space<hbm>> -> memref<10000x64xf32, #tpu.memory_space<hbm>>
    tpu.enqueue_indirect_dma source(%dma_start3A_91 : memref<10000x64xf32, #tpu.memory_space<hbm>>) target(%dma_start3A_86 : memref<80x64xf32, #tpu.memory_space<vmem>>) offsets(%dma_start3A_88 : memref<80xi32, #tpu.memory_space<vmem>>) semaphore(%arg18 : memref<!tpu.dma_semaphore, #tpu.memory_space<semaphore_mem>>)
    %dma_start3A_92 = arith.constant 2 : i32
    %dma_start3A_93 = arith.constant 0 : i32
    %dma_start3A_94 = arith.constant 0 : i32
    %dma_start3A_95 = tpu.memref_slice %arg15[%dma_start3A_92, %dma_start3A_93, %dma_start3A_94] : memref<4x80x64xf32, #tpu.memory_space<vmem>> -> memref<1x80x64xf32, #tpu.memory_space<vmem>>
    %dma_start3A_96 = tpu.memref_squeeze %dma_start3A_95 : memref<1x80x64xf32, #tpu.memory_space<vmem>> -> memref<80x64xf32, #tpu.memory_space<vmem>>
    %dma_start3A_97 = arith.constant 160 : i32
    %dma_start3A_98 = tpu.memref_slice %arg10[%dma_start3A_97] : memref<5120xi32, #tpu.memory_space<vmem>> -> memref<80xi32, #tpu.memory_space<vmem>>
    %dma_start3A_99 = arith.constant 0 : i32
    %dma_start3A_100 = arith.constant 0 : i32
    %dma_start3A_101 = tpu.memref_slice %arg3[%dma_start3A_99, %dma_start3A_100] : memref<10000x64xf32, #tpu.memory_space<hbm>> -> memref<10000x64xf32, #tpu.memory_space<hbm>>
    tpu.enqueue_indirect_dma source(%dma_start3A_101 : memref<10000x64xf32, #tpu.memory_space<hbm>>) target(%dma_start3A_96 : memref<80x64xf32, #tpu.memory_space<vmem>>) offsets(%dma_start3A_98 : memref<80xi32, #tpu.memory_space<vmem>>) semaphore(%arg18 : memref<!tpu.dma_semaphore, #tpu.memory_space<semaphore_mem>>)
    %dma_start3A_102 = arith.constant 2 : i32
    %dma_start3A_103 = arith.constant 0 : i32
    %dma_start3A_104 = arith.constant 0 : i32
    %dma_start3A_105 = tpu.memref_slice %arg13[%dma_start3A_102, %dma_start3A_103, %dma_start3A_104] : memref<4x80x64xf32, #tpu.memory_space<vmem>> -> memref<1x80x64xf32, #tpu.memory_space<vmem>>
    %dma_start3A_106 = tpu.memref_squeeze %dma_start3A_105 : memref<1x80x64xf32, #tpu.memory_space<vmem>> -> memref<80x64xf32, #tpu.memory_space<vmem>>
    %dma_start3A_107 = arith.constant 160 : i32
    %dma_start3A_108 = tpu.memref_slice %arg11[%dma_start3A_107] : memref<5120xi32, #tpu.memory_space<vmem>> -> memref<80xi32, #tpu.memory_space<vmem>>
    %dma_start3A_109 = arith.constant 0 : i32
    %dma_start3A_110 = arith.constant 0 : i32
    %dma_start3A_111 = tpu.memref_slice %arg2[%dma_start3A_109, %dma_start3A_110] : memref<10000x64xf32, #tpu.memory_space<hbm>> -> memref<10000x64xf32, #tpu.memory_space<hbm>>
    tpu.enqueue_indirect_dma source(%dma_start3A_111 : memref<10000x64xf32, #tpu.memory_space<hbm>>) target(%dma_start3A_106 : memref<80x64xf32, #tpu.memory_space<vmem>>) offsets(%dma_start3A_108 : memref<80xi32, #tpu.memory_space<vmem>>) semaphore(%arg18 : memref<!tpu.dma_semaphore, #tpu.memory_space<semaphore_mem>>)
    %dma_start3A_112 = arith.constant 2 : i32
    %dma_start3A_113 = arith.constant 0 : i32
    %dma_start3A_114 = arith.constant 0 : i32
    %dma_start3A_115 = tpu.memref_slice %arg14[%dma_start3A_112, %dma_start3A_113, %dma_start3A_114] : memref<4x80x64xf32, #tpu.memory_space<vmem>> -> memref<1x80x64xf32, #tpu.memory_space<vmem>>
    %dma_start3A_116 = tpu.memref_squeeze %dma_start3A_115 : memref<1x80x64xf32, #tpu.memory_space<vmem>> -> memref<80x64xf32, #tpu.memory_space<vmem>>
    %dma_start3A_117 = arith.constant 160 : i32
    %dma_start3A_118 = tpu.memref_slice %arg11[%dma_start3A_117] : memref<5120xi32, #tpu.memory_space<vmem>> -> memref<80xi32, #tpu.memory_space<vmem>>
    %dma_start3A_119 = arith.constant 0 : i32
    %dma_start3A_120 = arith.constant 0 : i32
    %dma_start3A_121 = tpu.memref_slice %arg3[%dma_start3A_119, %dma_start3A_120] : memref<10000x64xf32, #tpu.memory_space<hbm>> -> memref<10000x64xf32, #tpu.memory_space<hbm>>
    tpu.enqueue_indirect_dma source(%dma_start3A_121 : memref<10000x64xf32, #tpu.memory_space<hbm>>) target(%dma_start3A_116 : memref<80x64xf32, #tpu.memory_space<vmem>>) offsets(%dma_start3A_118 : memref<80xi32, #tpu.memory_space<vmem>>) semaphore(%arg18 : memref<!tpu.dma_semaphore, #tpu.memory_space<semaphore_mem>>)
    %dma_start3A_122 = arith.constant 3 : i32
    %dma_start3A_123 = arith.constant 0 : i32
    %dma_start3A_124 = arith.constant 0 : i32
    %dma_start3A_125 = tpu.memref_slice %arg12[%dma_start3A_122, %dma_start3A_123, %dma_start3A_124] : memref<4x80x64xf32, #tpu.memory_space<vmem>> -> memref<1x80x64xf32, #tpu.memory_space<vmem>>
    %dma_start3A_126 = tpu.memref_squeeze %dma_start3A_125 : memref<1x80x64xf32, #tpu.memory_space<vmem>> -> memref<80x64xf32, #tpu.memory_space<vmem>>
    %dma_start3A_127 = arith.constant 240 : i32
    %dma_start3A_128 = tpu.memref_slice %arg10[%dma_start3A_127] : memref<5120xi32, #tpu.memory_space<vmem>> -> memref<80xi32, #tpu.memory_space<vmem>>
    %dma_start3A_129 = arith.constant 0 : i32
    %dma_start3A_130 = arith.constant 0 : i32
    %dma_start3A_131 = tpu.memref_slice %arg2[%dma_start3A_129, %dma_start3A_130] : memref<10000x64xf32, #tpu.memory_space<hbm>> -> memref<10000x64xf32, #tpu.memory_space<hbm>>
    tpu.enqueue_indirect_dma source(%dma_start3A_131 : memref<10000x64xf32, #tpu.memory_space<hbm>>) target(%dma_start3A_126 : memref<80x64xf32, #tpu.memory_space<vmem>>) offsets(%dma_start3A_128 : memref<80xi32, #tpu.memory_space<vmem>>) semaphore(%arg19 : memref<!tpu.dma_semaphore, #tpu.memory_space<semaphore_mem>>)
    %dma_start3A_132 = arith.constant 3 : i32
    %dma_start3A_133 = arith.constant 0 : i32
    %dma_start3A_134 = arith.constant 0 : i32
    %dma_start3A_135 = tpu.memref_slice %arg15[%dma_start3A_132, %dma_start3A_133, %dma_start3A_134] : memref<4x80x64xf32, #tpu.memory_space<vmem>> -> memref<1x80x64xf32, #tpu.memory_space<vmem>>
    %dma_start3A_136 = tpu.memref_squeeze %dma_start3A_135 : memref<1x80x64xf32, #tpu.memory_space<vmem>> -> memref<80x64xf32, #tpu.memory_space<vmem>>
    %dma_start3A_137 = arith.constant 240 : i32
    %dma_start3A_138 = tpu.memref_slice %arg10[%dma_start3A_137] : memref<5120xi32, #tpu.memory_space<vmem>> -> memref<80xi32, #tpu.memory_space<vmem>>
    %dma_start3A_139 = arith.constant 0 : i32
    %dma_start3A_140 = arith.constant 0 : i32
    %dma_start3A_141 = tpu.memref_slice %arg3[%dma_start3A_139, %dma_start3A_140] : memref<10000x64xf32, #tpu.memory_space<hbm>> -> memref<10000x64xf32, #tpu.memory_space<hbm>>
    tpu.enqueue_indirect_dma source(%dma_start3A_141 : memref<10000x64xf32, #tpu.memory_space<hbm>>) target(%dma_start3A_136 : memref<80x64xf32, #tpu.memory_space<vmem>>) offsets(%dma_start3A_138 : memref<80xi32, #tpu.memory_space<vmem>>) semaphore(%arg19 : memref<!tpu.dma_semaphore, #tpu.memory_space<semaphore_mem>>)
    %dma_start3A_142 = arith.constant 3 : i32
    %dma_start3A_143 = arith.constant 0 : i32
    %dma_start3A_144 = arith.constant 0 : i32
    %dma_start3A_145 = tpu.memref_slice %arg13[%dma_start3A_142, %dma_start3A_143, %dma_start3A_144] : memref<4x80x64xf32, #tpu.memory_space<vmem>> -> memref<1x80x64xf32, #tpu.memory_space<vmem>>
    %dma_start3A_146 = tpu.memref_squeeze %dma_start3A_145 : memref<1x80x64xf32, #tpu.memory_space<vmem>> -> memref<80x64xf32, #tpu.memory_space<vmem>>
    %dma_start3A_147 = arith.constant 240 : i32
    %dma_start3A_148 = tpu.memref_slice %arg11[%dma_start3A_147] : memref<5120xi32, #tpu.memory_space<vmem>> -> memref<80xi32, #tpu.memory_space<vmem>>
    %dma_start3A_149 = arith.constant 0 : i32
    %dma_start3A_150 = arith.constant 0 : i32
    %dma_start3A_151 = tpu.memref_slice %arg2[%dma_start3A_149, %dma_start3A_150] : memref<10000x64xf32, #tpu.memory_space<hbm>> -> memref<10000x64xf32, #tpu.memory_space<hbm>>
    tpu.enqueue_indirect_dma source(%dma_start3A_151 : memref<10000x64xf32, #tpu.memory_space<hbm>>) target(%dma_start3A_146 : memref<80x64xf32, #tpu.memory_space<vmem>>) offsets(%dma_start3A_148 : memref<80xi32, #tpu.memory_space<vmem>>) semaphore(%arg19 : memref<!tpu.dma_semaphore, #tpu.memory_space<semaphore_mem>>)
    %dma_start3A_152 = arith.constant 3 : i32
    %dma_start3A_153 = arith.constant 0 : i32
    %dma_start3A_154 = arith.constant 0 : i32
    %dma_start3A_155 = tpu.memref_slice %arg14[%dma_start3A_152, %dma_start3A_153, %dma_start3A_154] : memref<4x80x64xf32, #tpu.memory_space<vmem>> -> memref<1x80x64xf32, #tpu.memory_space<vmem>>
    %dma_start3A_156 = tpu.memref_squeeze %dma_start3A_155 : memref<1x80x64xf32, #tpu.memory_space<vmem>> -> memref<80x64xf32, #tpu.memory_space<vmem>>
    %dma_start3A_157 = arith.constant 240 : i32
    %dma_start3A_158 = tpu.memref_slice %arg11[%dma_start3A_157] : memref<5120xi32, #tpu.memory_space<vmem>> -> memref<80xi32, #tpu.memory_space<vmem>>
    %dma_start3A_159 = arith.constant 0 : i32
    %dma_start3A_160 = arith.constant 0 : i32
    %dma_start3A_161 = tpu.memref_slice %arg3[%dma_start3A_159, %dma_start3A_160] : memref<10000x64xf32, #tpu.memory_space<hbm>> -> memref<10000x64xf32, #tpu.memory_space<hbm>>
    tpu.enqueue_indirect_dma source(%dma_start3A_161 : memref<10000x64xf32, #tpu.memory_space<hbm>>) target(%dma_start3A_156 : memref<80x64xf32, #tpu.memory_space<vmem>>) offsets(%dma_start3A_158 : memref<80xi32, #tpu.memory_space<vmem>>) semaphore(%arg19 : memref<!tpu.dma_semaphore, #tpu.memory_space<semaphore_mem>>)
    %scan3A = arith.constant 0 : i32
    %scan3A_162 = arith.constant 0 : i32
    %scan3A_163 = arith.constant 16 : i32
    %scan3A_164 = arith.addi %scan3A_162, %scan3A_163 : i32
    %scan3A_165 = arith.constant 1 : i32
    %scan3A_166 = scf.for %scan3A_375 = %scan3A_162 to %scan3A_164 step %scan3A_165 iter_args(%scan3A_376 = %scan3A) -> (i32)  : i32 {
      %dma_wait3A_377 = arith.constant 0 : i32
      %dma_wait3A_378 = arith.constant 0 : i32
      %dma_wait3A_379 = arith.constant 0 : i32
      %dma_wait3A_380 = tpu.memref_slice %arg12[%dma_wait3A_377, %dma_wait3A_378, %dma_wait3A_379] : memref<4x80x64xf32, #tpu.memory_space<vmem>> -> memref<1x80x64xf32, #tpu.memory_space<vmem>>
      %dma_wait3A_381 = tpu.memref_squeeze %dma_wait3A_380 : memref<1x80x64xf32, #tpu.memory_space<vmem>> -> memref<80x64xf32, #tpu.memory_space<vmem>>
      %dma_wait3A_382 = arith.constant 0 : i32
      %dma_wait3A_383 = tpu.memref_slice %arg10[%dma_wait3A_382] : memref<5120xi32, #tpu.memory_space<vmem>> -> memref<80xi32, #tpu.memory_space<vmem>>
      %dma_wait3A_384 = arith.constant 0 : i32
      %dma_wait3A_385 = arith.constant 0 : i32
      %dma_wait3A_386 = tpu.memref_slice %arg2[%dma_wait3A_384, %dma_wait3A_385] : memref<10000x64xf32, #tpu.memory_space<hbm>> -> memref<10000x64xf32, #tpu.memory_space<hbm>>
      tpu.wait_indirect_dma semaphore(%arg16 : memref<!tpu.dma_semaphore, #tpu.memory_space<semaphore_mem>>) src(%dma_wait3A_386 : memref<10000x64xf32, #tpu.memory_space<hbm>>) dst(%dma_wait3A_381 : memref<80x64xf32, #tpu.memory_space<vmem>>)
      %dma_wait3A_387 = arith.constant 0 : i32
      %dma_wait3A_388 = arith.constant 0 : i32
      %dma_wait3A_389 = arith.constant 0 : i32
      %dma_wait3A_390 = tpu.memref_slice %arg12[%dma_wait3A_387, %dma_wait3A_388, %dma_wait3A_389] : memref<4x80x64xf32, #tpu.memory_space<vmem>> -> memref<1x80x64xf32, #tpu.memory_space<vmem>>
      %dma_wait3A_391 = tpu.memref_squeeze %dma_wait3A_390 : memref<1x80x64xf32, #tpu.memory_space<vmem>> -> memref<80x64xf32, #tpu.memory_space<vmem>>
      %dma_wait3A_392 = arith.constant 0 : i32
      %dma_wait3A_393 = tpu.memref_slice %arg10[%dma_wait3A_392] : memref<5120xi32, #tpu.memory_space<vmem>> -> memref<80xi32, #tpu.memory_space<vmem>>
      %dma_wait3A_394 = arith.constant 0 : i32
      %dma_wait3A_395 = arith.constant 0 : i32
      %dma_wait3A_396 = tpu.memref_slice %arg2[%dma_wait3A_394, %dma_wait3A_395] : memref<10000x64xf32, #tpu.memory_space<hbm>> -> memref<10000x64xf32, #tpu.memory_space<hbm>>
      tpu.wait_indirect_dma semaphore(%arg16 : memref<!tpu.dma_semaphore, #tpu.memory_space<semaphore_mem>>) src(%dma_wait3A_396 : memref<10000x64xf32, #tpu.memory_space<hbm>>) dst(%dma_wait3A_391 : memref<80x64xf32, #tpu.memory_space<vmem>>)
      %dma_wait3A_397 = arith.constant 0 : i32
      %dma_wait3A_398 = arith.constant 0 : i32
      %dma_wait3A_399 = arith.constant 0 : i32
      %dma_wait3A_400 = tpu.memref_slice %arg12[%dma_wait3A_397, %dma_wait3A_398, %dma_wait3A_399] : memref<4x80x64xf32, #tpu.memory_space<vmem>> -> memref<1x80x64xf32, #tpu.memory_space<vmem>>
      %dma_wait3A_401 = tpu.memref_squeeze %dma_wait3A_400 : memref<1x80x64xf32, #tpu.memory_space<vmem>> -> memref<80x64xf32, #tpu.memory_space<vmem>>
      %dma_wait3A_402 = arith.constant 0 : i32
      %dma_wait3A_403 = tpu.memref_slice %arg10[%dma_wait3A_402] : memref<5120xi32, #tpu.memory_space<vmem>> -> memref<80xi32, #tpu.memory_space<vmem>>
      %dma_wait3A_404 = arith.constant 0 : i32
      %dma_wait3A_405 = arith.constant 0 : i32
      %dma_wait3A_406 = tpu.memref_slice %arg2[%dma_wait3A_404, %dma_wait3A_405] : memref<10000x64xf32, #tpu.memory_space<hbm>> -> memref<10000x64xf32, #tpu.memory_space<hbm>>
      tpu.wait_indirect_dma semaphore(%arg16 : memref<!tpu.dma_semaphore, #tpu.memory_space<semaphore_mem>>) src(%dma_wait3A_406 : memref<10000x64xf32, #tpu.memory_space<hbm>>) dst(%dma_wait3A_401 : memref<80x64xf32, #tpu.memory_space<vmem>>)
      %dma_wait3A_407 = arith.constant 0 : i32
      %dma_wait3A_408 = arith.constant 0 : i32
      %dma_wait3A_409 = arith.constant 0 : i32
      %dma_wait3A_410 = tpu.memref_slice %arg12[%dma_wait3A_407, %dma_wait3A_408, %dma_wait3A_409] : memref<4x80x64xf32, #tpu.memory_space<vmem>> -> memref<1x80x64xf32, #tpu.memory_space<vmem>>
      %dma_wait3A_411 = tpu.memref_squeeze %dma_wait3A_410 : memref<1x80x64xf32, #tpu.memory_space<vmem>> -> memref<80x64xf32, #tpu.memory_space<vmem>>
      %dma_wait3A_412 = arith.constant 0 : i32
      %dma_wait3A_413 = tpu.memref_slice %arg10[%dma_wait3A_412] : memref<5120xi32, #tpu.memory_space<vmem>> -> memref<80xi32, #tpu.memory_space<vmem>>
      %dma_wait3A_414 = arith.constant 0 : i32
      %dma_wait3A_415 = arith.constant 0 : i32
      %dma_wait3A_416 = tpu.memref_slice %arg2[%dma_wait3A_414, %dma_wait3A_415] : memref<10000x64xf32, #tpu.memory_space<hbm>> -> memref<10000x64xf32, #tpu.memory_space<hbm>>
      tpu.wait_indirect_dma semaphore(%arg16 : memref<!tpu.dma_semaphore, #tpu.memory_space<semaphore_mem>>) src(%dma_wait3A_416 : memref<10000x64xf32, #tpu.memory_space<hbm>>) dst(%dma_wait3A_411 : memref<80x64xf32, #tpu.memory_space<vmem>>)
      %mul3A_417 = arith.constant 4 : i32
      %mul3A_418 = arith.muli %mul3A_417, %scan3A_375 : i32
      %add3A_419 = arith.constant 0 : i32
      %add3A_420 = arith.addi %mul3A_418, %add3A_419 : i32
      %mul3A_421 = arith.constant 80 : i32
      %mul3A_422 = arith.muli %add3A_420, %mul3A_421 : i32
      %add3A_423 = arith.addi %mul3A_2, %mul3A_422 : i32
      %dma_start3A_424 = arith.constant 0 : i32
      %dma_start3A_425 = arith.constant 0 : i32
      %dma_start3A_426 = arith.constant 0 : i32
      %dma_start3A_427 = tpu.memref_slice %arg12[%dma_start3A_424, %dma_start3A_425, %dma_start3A_426] : memref<4x80x64xf32, #tpu.memory_space<vmem>> -> memref<1x80x64xf32, #tpu.memory_space<vmem>>
      %dma_start3A_428 = tpu.memref_squeeze %dma_start3A_427 : memref<1x80x64xf32, #tpu.memory_space<vmem>> -> memref<80x64xf32, #tpu.memory_space<vmem>>
      %dma_start3A_429 = arith.constant 0 : i32
      %dma_start3A_430 = tpu.memref_slice %arg6[%add3A_423, %dma_start3A_429] : memref<163840x64xf32, #tpu.memory_space<hbm>> -> memref<80x64xf32, #tpu.memory_space<hbm>>
      %dma_start3A_431 = arith.constant 0 : i32
      %dma_start3A_432 = tpu.memref_slice %arg6[%add3A_423, %dma_start3A_431] : memref<163840x64xf32, #tpu.memory_space<hbm>> -> memref<80x64xf32, #tpu.memory_space<hbm>>
      %dma_start3A_433 = arith.constant 0 : i32
      %dma_start3A_434 = arith.constant 0 : i32
      %dma_start3A_435 = tpu.memref_slice %arg12[%dma_start3A_424, %dma_start3A_433, %dma_start3A_434] : memref<4x80x64xf32, #tpu.memory_space<vmem>> -> memref<1x80x64xf32, #tpu.memory_space<vmem>>
      %dma_start3A_436 = tpu.memref_squeeze %dma_start3A_435 : memref<1x80x64xf32, #tpu.memory_space<vmem>> -> memref<80x64xf32, #tpu.memory_space<vmem>>
      tpu.enqueue_dma source(%dma_start3A_436 : memref<80x64xf32, #tpu.memory_space<vmem>>) target(%dma_start3A_432 : memref<80x64xf32, #tpu.memory_space<hbm>>) target_semaphore(%arg16 : memref<!tpu.dma_semaphore, #tpu.memory_space<semaphore_mem>>)
      %add3A_437 = arith.addi %mul3A_2, %mul3A_422 : i32
      %dma_start3A_438 = arith.constant 0 : i32
      %dma_start3A_439 = arith.constant 0 : i32
      %dma_start3A_440 = arith.constant 0 : i32
      %dma_start3A_441 = tpu.memref_slice %arg13[%dma_start3A_438, %dma_start3A_439, %dma_start3A_440] : memref<4x80x64xf32, #tpu.memory_space<vmem>> -> memref<1x80x64xf32, #tpu.memory_space<vmem>>
      %dma_start3A_442 = tpu.memref_squeeze %dma_start3A_441 : memref<1x80x64xf32, #tpu.memory_space<vmem>> -> memref<80x64xf32, #tpu.memory_space<vmem>>
      %dma_start3A_443 = arith.constant 0 : i32
      %dma_start3A_444 = tpu.memref_slice %arg7[%add3A_437, %dma_start3A_443] : memref<163840x64xf32, #tpu.memory_space<hbm>> -> memref<80x64xf32, #tpu.memory_space<hbm>>
      %dma_start3A_445 = arith.constant 0 : i32
      %dma_start3A_446 = tpu.memref_slice %arg7[%add3A_437, %dma_start3A_445] : memref<163840x64xf32, #tpu.memory_space<hbm>> -> memref<80x64xf32, #tpu.memory_space<hbm>>
      %dma_start3A_447 = arith.constant 0 : i32
      %dma_start3A_448 = arith.constant 0 : i32
      %dma_start3A_449 = tpu.memref_slice %arg13[%dma_start3A_438, %dma_start3A_447, %dma_start3A_448] : memref<4x80x64xf32, #tpu.memory_space<vmem>> -> memref<1x80x64xf32, #tpu.memory_space<vmem>>
      %dma_start3A_450 = tpu.memref_squeeze %dma_start3A_449 : memref<1x80x64xf32, #tpu.memory_space<vmem>> -> memref<80x64xf32, #tpu.memory_space<vmem>>
      tpu.enqueue_dma source(%dma_start3A_450 : memref<80x64xf32, #tpu.memory_space<vmem>>) target(%dma_start3A_446 : memref<80x64xf32, #tpu.memory_space<hbm>>) target_semaphore(%arg16 : memref<!tpu.dma_semaphore, #tpu.memory_space<semaphore_mem>>)
      %add3A_451 = arith.addi %mul3A_2, %mul3A_422 : i32
      %dma_start3A_452 = arith.constant 0 : i32
      %dma_start3A_453 = arith.constant 0 : i32
      %dma_start3A_454 = arith.constant 0 : i32
      %dma_start3A_455 = tpu.memref_slice %arg14[%dma_start3A_452, %dma_start3A_453, %dma_start3A_454] : memref<4x80x64xf32, #tpu.memory_space<vmem>> -> memref<1x80x64xf32, #tpu.memory_space<vmem>>
      %dma_start3A_456 = tpu.memref_squeeze %dma_start3A_455 : memref<1x80x64xf32, #tpu.memory_space<vmem>> -> memref<80x64xf32, #tpu.memory_space<vmem>>
      %dma_start3A_457 = arith.constant 0 : i32
      %dma_start3A_458 = tpu.memref_slice %arg8[%add3A_451, %dma_start3A_457] : memref<163840x64xf32, #tpu.memory_space<hbm>> -> memref<80x64xf32, #tpu.memory_space<hbm>>
      %dma_start3A_459 = arith.constant 0 : i32
      %dma_start3A_460 = tpu.memref_slice %arg8[%add3A_451, %dma_start3A_459] : memref<163840x64xf32, #tpu.memory_space<hbm>> -> memref<80x64xf32, #tpu.memory_space<hbm>>
      %dma_start3A_461 = arith.constant 0 : i32
      %dma_start3A_462 = arith.constant 0 : i32
      %dma_start3A_463 = tpu.memref_slice %arg14[%dma_start3A_452, %dma_start3A_461, %dma_start3A_462] : memref<4x80x64xf32, #tpu.memory_space<vmem>> -> memref<1x80x64xf32, #tpu.memory_space<vmem>>
      %dma_start3A_464 = tpu.memref_squeeze %dma_start3A_463 : memref<1x80x64xf32, #tpu.memory_space<vmem>> -> memref<80x64xf32, #tpu.memory_space<vmem>>
      tpu.enqueue_dma source(%dma_start3A_464 : memref<80x64xf32, #tpu.memory_space<vmem>>) target(%dma_start3A_460 : memref<80x64xf32, #tpu.memory_space<hbm>>) target_semaphore(%arg16 : memref<!tpu.dma_semaphore, #tpu.memory_space<semaphore_mem>>)
      %add3A_465 = arith.addi %mul3A_2, %mul3A_422 : i32
      %dma_start3A_466 = arith.constant 0 : i32
      %dma_start3A_467 = arith.constant 0 : i32
      %dma_start3A_468 = arith.constant 0 : i32
      %dma_start3A_469 = tpu.memref_slice %arg15[%dma_start3A_466, %dma_start3A_467, %dma_start3A_468] : memref<4x80x64xf32, #tpu.memory_space<vmem>> -> memref<1x80x64xf32, #tpu.memory_space<vmem>>
      %dma_start3A_470 = tpu.memref_squeeze %dma_start3A_469 : memref<1x80x64xf32, #tpu.memory_space<vmem>> -> memref<80x64xf32, #tpu.memory_space<vmem>>
      %dma_start3A_471 = arith.constant 0 : i32
      %dma_start3A_472 = tpu.memref_slice %arg9[%add3A_465, %dma_start3A_471] : memref<163840x64xf32, #tpu.memory_space<hbm>> -> memref<80x64xf32, #tpu.memory_space<hbm>>
      %dma_start3A_473 = arith.constant 0 : i32
      %dma_start3A_474 = tpu.memref_slice %arg9[%add3A_465, %dma_start3A_473] : memref<163840x64xf32, #tpu.memory_space<hbm>> -> memref<80x64xf32, #tpu.memory_space<hbm>>
      %dma_start3A_475 = arith.constant 0 : i32
      %dma_start3A_476 = arith.constant 0 : i32
      %dma_start3A_477 = tpu.memref_slice %arg15[%dma_start3A_466, %dma_start3A_475, %dma_start3A_476] : memref<4x80x64xf32, #tpu.memory_space<vmem>> -> memref<1x80x64xf32, #tpu.memory_space<vmem>>
      %dma_start3A_478 = tpu.memref_squeeze %dma_start3A_477 : memref<1x80x64xf32, #tpu.memory_space<vmem>> -> memref<80x64xf32, #tpu.memory_space<vmem>>
      tpu.enqueue_dma source(%dma_start3A_478 : memref<80x64xf32, #tpu.memory_space<vmem>>) target(%dma_start3A_474 : memref<80x64xf32, #tpu.memory_space<hbm>>) target_semaphore(%arg16 : memref<!tpu.dma_semaphore, #tpu.memory_space<semaphore_mem>>)
      %dma_wait3A_479 = arith.constant 1 : i32
      %dma_wait3A_480 = arith.constant 0 : i32
      %dma_wait3A_481 = arith.constant 0 : i32
      %dma_wait3A_482 = tpu.memref_slice %arg12[%dma_wait3A_479, %dma_wait3A_480, %dma_wait3A_481] : memref<4x80x64xf32, #tpu.memory_space<vmem>> -> memref<1x80x64xf32, #tpu.memory_space<vmem>>
      %dma_wait3A_483 = tpu.memref_squeeze %dma_wait3A_482 : memref<1x80x64xf32, #tpu.memory_space<vmem>> -> memref<80x64xf32, #tpu.memory_space<vmem>>
      %dma_wait3A_484 = arith.constant 0 : i32
      %dma_wait3A_485 = tpu.memref_slice %arg10[%dma_wait3A_484] : memref<5120xi32, #tpu.memory_space<vmem>> -> memref<80xi32, #tpu.memory_space<vmem>>
      %dma_wait3A_486 = arith.constant 0 : i32
      %dma_wait3A_487 = arith.constant 0 : i32
      %dma_wait3A_488 = tpu.memref_slice %arg2[%dma_wait3A_486, %dma_wait3A_487] : memref<10000x64xf32, #tpu.memory_space<hbm>> -> memref<10000x64xf32, #tpu.memory_space<hbm>>
      tpu.wait_indirect_dma semaphore(%arg17 : memref<!tpu.dma_semaphore, #tpu.memory_space<semaphore_mem>>) src(%dma_wait3A_488 : memref<10000x64xf32, #tpu.memory_space<hbm>>) dst(%dma_wait3A_483 : memref<80x64xf32, #tpu.memory_space<vmem>>)
      %dma_wait3A_489 = arith.constant 1 : i32
      %dma_wait3A_490 = arith.constant 0 : i32
      %dma_wait3A_491 = arith.constant 0 : i32
      %dma_wait3A_492 = tpu.memref_slice %arg12[%dma_wait3A_489, %dma_wait3A_490, %dma_wait3A_491] : memref<4x80x64xf32, #tpu.memory_space<vmem>> -> memref<1x80x64xf32, #tpu.memory_space<vmem>>
      %dma_wait3A_493 = tpu.memref_squeeze %dma_wait3A_492 : memref<1x80x64xf32, #tpu.memory_space<vmem>> -> memref<80x64xf32, #tpu.memory_space<vmem>>
      %dma_wait3A_494 = arith.constant 0 : i32
      %dma_wait3A_495 = tpu.memref_slice %arg10[%dma_wait3A_494] : memref<5120xi32, #tpu.memory_space<vmem>> -> memref<80xi32, #tpu.memory_space<vmem>>
      %dma_wait3A_496 = arith.constant 0 : i32
      %dma_wait3A_497 = arith.constant 0 : i32
      %dma_wait3A_498 = tpu.memref_slice %arg2[%dma_wait3A_496, %dma_wait3A_497] : memref<10000x64xf32, #tpu.memory_space<hbm>> -> memref<10000x64xf32, #tpu.memory_space<hbm>>
      tpu.wait_indirect_dma semaphore(%arg17 : memref<!tpu.dma_semaphore, #tpu.memory_space<semaphore_mem>>) src(%dma_wait3A_498 : memref<10000x64xf32, #tpu.memory_space<hbm>>) dst(%dma_wait3A_493 : memref<80x64xf32, #tpu.memory_space<vmem>>)
      %dma_wait3A_499 = arith.constant 1 : i32
      %dma_wait3A_500 = arith.constant 0 : i32
      %dma_wait3A_501 = arith.constant 0 : i32
      %dma_wait3A_502 = tpu.memref_slice %arg12[%dma_wait3A_499, %dma_wait3A_500, %dma_wait3A_501] : memref<4x80x64xf32, #tpu.memory_space<vmem>> -> memref<1x80x64xf32, #tpu.memory_space<vmem>>
      %dma_wait3A_503 = tpu.memref_squeeze %dma_wait3A_502 : memref<1x80x64xf32, #tpu.memory_space<vmem>> -> memref<80x64xf32, #tpu.memory_space<vmem>>
      %dma_wait3A_504 = arith.constant 0 : i32
      %dma_wait3A_505 = tpu.memref_slice %arg10[%dma_wait3A_504] : memref<5120xi32, #tpu.memory_space<vmem>> -> memref<80xi32, #tpu.memory_space<vmem>>
      %dma_wait3A_506 = arith.constant 0 : i32
      %dma_wait3A_507 = arith.constant 0 : i32
      %dma_wait3A_508 = tpu.memref_slice %arg2[%dma_wait3A_506, %dma_wait3A_507] : memref<10000x64xf32, #tpu.memory_space<hbm>> -> memref<10000x64xf32, #tpu.memory_space<hbm>>
      tpu.wait_indirect_dma semaphore(%arg17 : memref<!tpu.dma_semaphore, #tpu.memory_space<semaphore_mem>>) src(%dma_wait3A_508 : memref<10000x64xf32, #tpu.memory_space<hbm>>) dst(%dma_wait3A_503 : memref<80x64xf32, #tpu.memory_space<vmem>>)
      %dma_wait3A_509 = arith.constant 1 : i32
      %dma_wait3A_510 = arith.constant 0 : i32
      %dma_wait3A_511 = arith.constant 0 : i32
      %dma_wait3A_512 = tpu.memref_slice %arg12[%dma_wait3A_509, %dma_wait3A_510, %dma_wait3A_511] : memref<4x80x64xf32, #tpu.memory_space<vmem>> -> memref<1x80x64xf32, #tpu.memory_space<vmem>>
      %dma_wait3A_513 = tpu.memref_squeeze %dma_wait3A_512 : memref<1x80x64xf32, #tpu.memory_space<vmem>> -> memref<80x64xf32, #tpu.memory_space<vmem>>
      %dma_wait3A_514 = arith.constant 0 : i32
      %dma_wait3A_515 = tpu.memref_slice %arg10[%dma_wait3A_514] : memref<5120xi32, #tpu.memory_space<vmem>> -> memref<80xi32, #tpu.memory_space<vmem>>
      %dma_wait3A_516 = arith.constant 0 : i32
      %dma_wait3A_517 = arith.constant 0 : i32
      %dma_wait3A_518 = tpu.memref_slice %arg2[%dma_wait3A_516, %dma_wait3A_517] : memref<10000x64xf32, #tpu.memory_space<hbm>> -> memref<10000x64xf32, #tpu.memory_space<hbm>>
      tpu.wait_indirect_dma semaphore(%arg17 : memref<!tpu.dma_semaphore, #tpu.memory_space<semaphore_mem>>) src(%dma_wait3A_518 : memref<10000x64xf32, #tpu.memory_space<hbm>>) dst(%dma_wait3A_513 : memref<80x64xf32, #tpu.memory_space<vmem>>)
      %mul3A_519 = arith.constant 4 : i32
      %mul3A_520 = arith.muli %mul3A_519, %scan3A_375 : i32
      %add3A_521 = arith.constant 1 : i32
      %add3A_522 = arith.addi %mul3A_520, %add3A_521 : i32
      %mul3A_523 = arith.constant 80 : i32
      %mul3A_524 = arith.muli %add3A_522, %mul3A_523 : i32
      %add3A_525 = arith.addi %mul3A_2, %mul3A_524 : i32
      %dma_start3A_526 = arith.constant 1 : i32
      %dma_start3A_527 = arith.constant 0 : i32
      %dma_start3A_528 = arith.constant 0 : i32
      %dma_start3A_529 = tpu.memref_slice %arg12[%dma_start3A_526, %dma_start3A_527, %dma_start3A_528] : memref<4x80x64xf32, #tpu.memory_space<vmem>> -> memref<1x80x64xf32, #tpu.memory_space<vmem>>
      %dma_start3A_530 = tpu.memref_squeeze %dma_start3A_529 : memref<1x80x64xf32, #tpu.memory_space<vmem>> -> memref<80x64xf32, #tpu.memory_space<vmem>>
      %dma_start3A_531 = arith.constant 0 : i32
      %dma_start3A_532 = tpu.memref_slice %arg6[%add3A_525, %dma_start3A_531] : memref<163840x64xf32, #tpu.memory_space<hbm>> -> memref<80x64xf32, #tpu.memory_space<hbm>>
      %dma_start3A_533 = arith.constant 0 : i32
      %dma_start3A_534 = tpu.memref_slice %arg6[%add3A_525, %dma_start3A_533] : memref<163840x64xf32, #tpu.memory_space<hbm>> -> memref<80x64xf32, #tpu.memory_space<hbm>>
      %dma_start3A_535 = arith.constant 0 : i32
      %dma_start3A_536 = arith.constant 0 : i32
      %dma_start3A_537 = tpu.memref_slice %arg12[%dma_start3A_526, %dma_start3A_535, %dma_start3A_536] : memref<4x80x64xf32, #tpu.memory_space<vmem>> -> memref<1x80x64xf32, #tpu.memory_space<vmem>>
      %dma_start3A_538 = tpu.memref_squeeze %dma_start3A_537 : memref<1x80x64xf32, #tpu.memory_space<vmem>> -> memref<80x64xf32, #tpu.memory_space<vmem>>
      tpu.enqueue_dma source(%dma_start3A_538 : memref<80x64xf32, #tpu.memory_space<vmem>>) target(%dma_start3A_534 : memref<80x64xf32, #tpu.memory_space<hbm>>) target_semaphore(%arg17 : memref<!tpu.dma_semaphore, #tpu.memory_space<semaphore_mem>>)
      %add3A_539 = arith.addi %mul3A_2, %mul3A_524 : i32
      %dma_start3A_540 = arith.constant 1 : i32
      %dma_start3A_541 = arith.constant 0 : i32
      %dma_start3A_542 = arith.constant 0 : i32
      %dma_start3A_543 = tpu.memref_slice %arg13[%dma_start3A_540, %dma_start3A_541, %dma_start3A_542] : memref<4x80x64xf32, #tpu.memory_space<vmem>> -> memref<1x80x64xf32, #tpu.memory_space<vmem>>
      %dma_start3A_544 = tpu.memref_squeeze %dma_start3A_543 : memref<1x80x64xf32, #tpu.memory_space<vmem>> -> memref<80x64xf32, #tpu.memory_space<vmem>>
      %dma_start3A_545 = arith.constant 0 : i32
      %dma_start3A_546 = tpu.memref_slice %arg7[%add3A_539, %dma_start3A_545] : memref<163840x64xf32, #tpu.memory_space<hbm>> -> memref<80x64xf32, #tpu.memory_space<hbm>>
      %dma_start3A_547 = arith.constant 0 : i32
      %dma_start3A_548 = tpu.memref_slice %arg7[%add3A_539, %dma_start3A_547] : memref<163840x64xf32, #tpu.memory_space<hbm>> -> memref<80x64xf32, #tpu.memory_space<hbm>>
      %dma_start3A_549 = arith.constant 0 : i32
      %dma_start3A_550 = arith.constant 0 : i32
      %dma_start3A_551 = tpu.memref_slice %arg13[%dma_start3A_540, %dma_start3A_549, %dma_start3A_550] : memref<4x80x64xf32, #tpu.memory_space<vmem>> -> memref<1x80x64xf32, #tpu.memory_space<vmem>>
      %dma_start3A_552 = tpu.memref_squeeze %dma_start3A_551 : memref<1x80x64xf32, #tpu.memory_space<vmem>> -> memref<80x64xf32, #tpu.memory_space<vmem>>
      tpu.enqueue_dma source(%dma_start3A_552 : memref<80x64xf32, #tpu.memory_space<vmem>>) target(%dma_start3A_548 : memref<80x64xf32, #tpu.memory_space<hbm>>) target_semaphore(%arg17 : memref<!tpu.dma_semaphore, #tpu.memory_space<semaphore_mem>>)
      %add3A_553 = arith.addi %mul3A_2, %mul3A_524 : i32
      %dma_start3A_554 = arith.constant 1 : i32
      %dma_start3A_555 = arith.constant 0 : i32
      %dma_start3A_556 = arith.constant 0 : i32
      %dma_start3A_557 = tpu.memref_slice %arg14[%dma_start3A_554, %dma_start3A_555, %dma_start3A_556] : memref<4x80x64xf32, #tpu.memory_space<vmem>> -> memref<1x80x64xf32, #tpu.memory_space<vmem>>
      %dma_start3A_558 = tpu.memref_squeeze %dma_start3A_557 : memref<1x80x64xf32, #tpu.memory_space<vmem>> -> memref<80x64xf32, #tpu.memory_space<vmem>>
      %dma_start3A_559 = arith.constant 0 : i32
      %dma_start3A_560 = tpu.memref_slice %arg8[%add3A_553, %dma_start3A_559] : memref<163840x64xf32, #tpu.memory_space<hbm>> -> memref<80x64xf32, #tpu.memory_space<hbm>>
      %dma_start3A_561 = arith.constant 0 : i32
      %dma_start3A_562 = tpu.memref_slice %arg8[%add3A_553, %dma_start3A_561] : memref<163840x64xf32, #tpu.memory_space<hbm>> -> memref<80x64xf32, #tpu.memory_space<hbm>>
      %dma_start3A_563 = arith.constant 0 : i32
      %dma_start3A_564 = arith.constant 0 : i32
      %dma_start3A_565 = tpu.memref_slice %arg14[%dma_start3A_554, %dma_start3A_563, %dma_start3A_564] : memref<4x80x64xf32, #tpu.memory_space<vmem>> -> memref<1x80x64xf32, #tpu.memory_space<vmem>>
      %dma_start3A_566 = tpu.memref_squeeze %dma_start3A_565 : memref<1x80x64xf32, #tpu.memory_space<vmem>> -> memref<80x64xf32, #tpu.memory_space<vmem>>
      tpu.enqueue_dma source(%dma_start3A_566 : memref<80x64xf32, #tpu.memory_space<vmem>>) target(%dma_start3A_562 : memref<80x64xf32, #tpu.memory_space<hbm>>) target_semaphore(%arg17 : memref<!tpu.dma_semaphore, #tpu.memory_space<semaphore_mem>>)
      %add3A_567 = arith.addi %mul3A_2, %mul3A_524 : i32
      %dma_start3A_568 = arith.constant 1 : i32
      %dma_start3A_569 = arith.constant 0 : i32
      %dma_start3A_570 = arith.constant 0 : i32
      %dma_start3A_571 = tpu.memref_slice %arg15[%dma_start3A_568, %dma_start3A_569, %dma_start3A_570] : memref<4x80x64xf32, #tpu.memory_space<vmem>> -> memref<1x80x64xf32, #tpu.memory_space<vmem>>
      %dma_start3A_572 = tpu.memref_squeeze %dma_start3A_571 : memref<1x80x64xf32, #tpu.memory_space<vmem>> -> memref<80x64xf32, #tpu.memory_space<vmem>>
      %dma_start3A_573 = arith.constant 0 : i32
      %dma_start3A_574 = tpu.memref_slice %arg9[%add3A_567, %dma_start3A_573] : memref<163840x64xf32, #tpu.memory_space<hbm>> -> memref<80x64xf32, #tpu.memory_space<hbm>>
      %dma_start3A_575 = arith.constant 0 : i32
      %dma_start3A_576 = tpu.memref_slice %arg9[%add3A_567, %dma_start3A_575] : memref<163840x64xf32, #tpu.memory_space<hbm>> -> memref<80x64xf32, #tpu.memory_space<hbm>>
      %dma_start3A_577 = arith.constant 0 : i32
      %dma_start3A_578 = arith.constant 0 : i32
      %dma_start3A_579 = tpu.memref_slice %arg15[%dma_start3A_568, %dma_start3A_577, %dma_start3A_578] : memref<4x80x64xf32, #tpu.memory_space<vmem>> -> memref<1x80x64xf32, #tpu.memory_space<vmem>>
      %dma_start3A_580 = tpu.memref_squeeze %dma_start3A_579 : memref<1x80x64xf32, #tpu.memory_space<vmem>> -> memref<80x64xf32, #tpu.memory_space<vmem>>
      tpu.enqueue_dma source(%dma_start3A_580 : memref<80x64xf32, #tpu.memory_space<vmem>>) target(%dma_start3A_576 : memref<80x64xf32, #tpu.memory_space<hbm>>) target_semaphore(%arg17 : memref<!tpu.dma_semaphore, #tpu.memory_space<semaphore_mem>>)
      %dma_wait3A_581 = arith.constant 2 : i32
      %dma_wait3A_582 = arith.constant 0 : i32
      %dma_wait3A_583 = arith.constant 0 : i32
      %dma_wait3A_584 = tpu.memref_slice %arg12[%dma_wait3A_581, %dma_wait3A_582, %dma_wait3A_583] : memref<4x80x64xf32, #tpu.memory_space<vmem>> -> memref<1x80x64xf32, #tpu.memory_space<vmem>>
      %dma_wait3A_585 = tpu.memref_squeeze %dma_wait3A_584 : memref<1x80x64xf32, #tpu.memory_space<vmem>> -> memref<80x64xf32, #tpu.memory_space<vmem>>
      %dma_wait3A_586 = arith.constant 0 : i32
      %dma_wait3A_587 = tpu.memref_slice %arg10[%dma_wait3A_586] : memref<5120xi32, #tpu.memory_space<vmem>> -> memref<80xi32, #tpu.memory_space<vmem>>
      %dma_wait3A_588 = arith.constant 0 : i32
      %dma_wait3A_589 = arith.constant 0 : i32
      %dma_wait3A_590 = tpu.memref_slice %arg2[%dma_wait3A_588, %dma_wait3A_589] : memref<10000x64xf32, #tpu.memory_space<hbm>> -> memref<10000x64xf32, #tpu.memory_space<hbm>>
      tpu.wait_indirect_dma semaphore(%arg18 : memref<!tpu.dma_semaphore, #tpu.memory_space<semaphore_mem>>) src(%dma_wait3A_590 : memref<10000x64xf32, #tpu.memory_space<hbm>>) dst(%dma_wait3A_585 : memref<80x64xf32, #tpu.memory_space<vmem>>)
      %dma_wait3A_591 = arith.constant 2 : i32
      %dma_wait3A_592 = arith.constant 0 : i32
      %dma_wait3A_593 = arith.constant 0 : i32
      %dma_wait3A_594 = tpu.memref_slice %arg12[%dma_wait3A_591, %dma_wait3A_592, %dma_wait3A_593] : memref<4x80x64xf32, #tpu.memory_space<vmem>> -> memref<1x80x64xf32, #tpu.memory_space<vmem>>
      %dma_wait3A_595 = tpu.memref_squeeze %dma_wait3A_594 : memref<1x80x64xf32, #tpu.memory_space<vmem>> -> memref<80x64xf32, #tpu.memory_space<vmem>>
      %dma_wait3A_596 = arith.constant 0 : i32
      %dma_wait3A_597 = tpu.memref_slice %arg10[%dma_wait3A_596] : memref<5120xi32, #tpu.memory_space<vmem>> -> memref<80xi32, #tpu.memory_space<vmem>>
      %dma_wait3A_598 = arith.constant 0 : i32
      %dma_wait3A_599 = arith.constant 0 : i32
      %dma_wait3A_600 = tpu.memref_slice %arg2[%dma_wait3A_598, %dma_wait3A_599] : memref<10000x64xf32, #tpu.memory_space<hbm>> -> memref<10000x64xf32, #tpu.memory_space<hbm>>
      tpu.wait_indirect_dma semaphore(%arg18 : memref<!tpu.dma_semaphore, #tpu.memory_space<semaphore_mem>>) src(%dma_wait3A_600 : memref<10000x64xf32, #tpu.memory_space<hbm>>) dst(%dma_wait3A_595 : memref<80x64xf32, #tpu.memory_space<vmem>>)
      %dma_wait3A_601 = arith.constant 2 : i32
      %dma_wait3A_602 = arith.constant 0 : i32
      %dma_wait3A_603 = arith.constant 0 : i32
      %dma_wait3A_604 = tpu.memref_slice %arg12[%dma_wait3A_601, %dma_wait3A_602, %dma_wait3A_603] : memref<4x80x64xf32, #tpu.memory_space<vmem>> -> memref<1x80x64xf32, #tpu.memory_space<vmem>>
      %dma_wait3A_605 = tpu.memref_squeeze %dma_wait3A_604 : memref<1x80x64xf32, #tpu.memory_space<vmem>> -> memref<80x64xf32, #tpu.memory_space<vmem>>
      %dma_wait3A_606 = arith.constant 0 : i32
      %dma_wait3A_607 = tpu.memref_slice %arg10[%dma_wait3A_606] : memref<5120xi32, #tpu.memory_space<vmem>> -> memref<80xi32, #tpu.memory_space<vmem>>
      %dma_wait3A_608 = arith.constant 0 : i32
      %dma_wait3A_609 = arith.constant 0 : i32
      %dma_wait3A_610 = tpu.memref_slice %arg2[%dma_wait3A_608, %dma_wait3A_609] : memref<10000x64xf32, #tpu.memory_space<hbm>> -> memref<10000x64xf32, #tpu.memory_space<hbm>>
      tpu.wait_indirect_dma semaphore(%arg18 : memref<!tpu.dma_semaphore, #tpu.memory_space<semaphore_mem>>) src(%dma_wait3A_610 : memref<10000x64xf32, #tpu.memory_space<hbm>>) dst(%dma_wait3A_605 : memref<80x64xf32, #tpu.memory_space<vmem>>)
      %dma_wait3A_611 = arith.constant 2 : i32
      %dma_wait3A_612 = arith.constant 0 : i32
      %dma_wait3A_613 = arith.constant 0 : i32
      %dma_wait3A_614 = tpu.memref_slice %arg12[%dma_wait3A_611, %dma_wait3A_612, %dma_wait3A_613] : memref<4x80x64xf32, #tpu.memory_space<vmem>> -> memref<1x80x64xf32, #tpu.memory_space<vmem>>
      %dma_wait3A_615 = tpu.memref_squeeze %dma_wait3A_614 : memref<1x80x64xf32, #tpu.memory_space<vmem>> -> memref<80x64xf32, #tpu.memory_space<vmem>>
      %dma_wait3A_616 = arith.constant 0 : i32
      %dma_wait3A_617 = tpu.memref_slice %arg10[%dma_wait3A_616] : memref<5120xi32, #tpu.memory_space<vmem>> -> memref<80xi32, #tpu.memory_space<vmem>>
      %dma_wait3A_618 = arith.constant 0 : i32
      %dma_wait3A_619 = arith.constant 0 : i32
      %dma_wait3A_620 = tpu.memref_slice %arg2[%dma_wait3A_618, %dma_wait3A_619] : memref<10000x64xf32, #tpu.memory_space<hbm>> -> memref<10000x64xf32, #tpu.memory_space<hbm>>
      tpu.wait_indirect_dma semaphore(%arg18 : memref<!tpu.dma_semaphore, #tpu.memory_space<semaphore_mem>>) src(%dma_wait3A_620 : memref<10000x64xf32, #tpu.memory_space<hbm>>) dst(%dma_wait3A_615 : memref<80x64xf32, #tpu.memory_space<vmem>>)
      %mul3A_621 = arith.constant 4 : i32
      %mul3A_622 = arith.muli %mul3A_621, %scan3A_375 : i32
      %add3A_623 = arith.constant 2 : i32
      %add3A_624 = arith.addi %mul3A_622, %add3A_623 : i32
      %mul3A_625 = arith.constant 80 : i32
      %mul3A_626 = arith.muli %add3A_624, %mul3A_625 : i32
      %add3A_627 = arith.addi %mul3A_2, %mul3A_626 : i32
      %dma_start3A_628 = arith.constant 2 : i32
      %dma_start3A_629 = arith.constant 0 : i32
      %dma_start3A_630 = arith.constant 0 : i32
      %dma_start3A_631 = tpu.memref_slice %arg12[%dma_start3A_628, %dma_start3A_629, %dma_start3A_630] : memref<4x80x64xf32, #tpu.memory_space<vmem>> -> memref<1x80x64xf32, #tpu.memory_space<vmem>>
      %dma_start3A_632 = tpu.memref_squeeze %dma_start3A_631 : memref<1x80x64xf32, #tpu.memory_space<vmem>> -> memref<80x64xf32, #tpu.memory_space<vmem>>
      %dma_start3A_633 = arith.constant 0 : i32
      %dma_start3A_634 = tpu.memref_slice %arg6[%add3A_627, %dma_start3A_633] : memref<163840x64xf32, #tpu.memory_space<hbm>> -> memref<80x64xf32, #tpu.memory_space<hbm>>
      %dma_start3A_635 = arith.constant 0 : i32
      %dma_start3A_636 = tpu.memref_slice %arg6[%add3A_627, %dma_start3A_635] : memref<163840x64xf32, #tpu.memory_space<hbm>> -> memref<80x64xf32, #tpu.memory_space<hbm>>
      %dma_start3A_637 = arith.constant 0 : i32
      %dma_start3A_638 = arith.constant 0 : i32
      %dma_start3A_639 = tpu.memref_slice %arg12[%dma_start3A_628, %dma_start3A_637, %dma_start3A_638] : memref<4x80x64xf32, #tpu.memory_space<vmem>> -> memref<1x80x64xf32, #tpu.memory_space<vmem>>
      %dma_start3A_640 = tpu.memref_squeeze %dma_start3A_639 : memref<1x80x64xf32, #tpu.memory_space<vmem>> -> memref<80x64xf32, #tpu.memory_space<vmem>>
      tpu.enqueue_dma source(%dma_start3A_640 : memref<80x64xf32, #tpu.memory_space<vmem>>) target(%dma_start3A_636 : memref<80x64xf32, #tpu.memory_space<hbm>>) target_semaphore(%arg18 : memref<!tpu.dma_semaphore, #tpu.memory_space<semaphore_mem>>)
      %add3A_641 = arith.addi %mul3A_2, %mul3A_626 : i32
      %dma_start3A_642 = arith.constant 2 : i32
      %dma_start3A_643 = arith.constant 0 : i32
      %dma_start3A_644 = arith.constant 0 : i32
      %dma_start3A_645 = tpu.memref_slice %arg13[%dma_start3A_642, %dma_start3A_643, %dma_start3A_644] : memref<4x80x64xf32, #tpu.memory_space<vmem>> -> memref<1x80x64xf32, #tpu.memory_space<vmem>>
      %dma_start3A_646 = tpu.memref_squeeze %dma_start3A_645 : memref<1x80x64xf32, #tpu.memory_space<vmem>> -> memref<80x64xf32, #tpu.memory_space<vmem>>
      %dma_start3A_647 = arith.constant 0 : i32
      %dma_start3A_648 = tpu.memref_slice %arg7[%add3A_641, %dma_start3A_647] : memref<163840x64xf32, #tpu.memory_space<hbm>> -> memref<80x64xf32, #tpu.memory_space<hbm>>
      %dma_start3A_649 = arith.constant 0 : i32
      %dma_start3A_650 = tpu.memref_slice %arg7[%add3A_641, %dma_start3A_649] : memref<163840x64xf32, #tpu.memory_space<hbm>> -> memref<80x64xf32, #tpu.memory_space<hbm>>
      %dma_start3A_651 = arith.constant 0 : i32
      %dma_start3A_652 = arith.constant 0 : i32
      %dma_start3A_653 = tpu.memref_slice %arg13[%dma_start3A_642, %dma_start3A_651, %dma_start3A_652] : memref<4x80x64xf32, #tpu.memory_space<vmem>> -> memref<1x80x64xf32, #tpu.memory_space<vmem>>
      %dma_start3A_654 = tpu.memref_squeeze %dma_start3A_653 : memref<1x80x64xf32, #tpu.memory_space<vmem>> -> memref<80x64xf32, #tpu.memory_space<vmem>>
      tpu.enqueue_dma source(%dma_start3A_654 : memref<80x64xf32, #tpu.memory_space<vmem>>) target(%dma_start3A_650 : memref<80x64xf32, #tpu.memory_space<hbm>>) target_semaphore(%arg18 : memref<!tpu.dma_semaphore, #tpu.memory_space<semaphore_mem>>)
      %add3A_655 = arith.addi %mul3A_2, %mul3A_626 : i32
      %dma_start3A_656 = arith.constant 2 : i32
      %dma_start3A_657 = arith.constant 0 : i32
      %dma_start3A_658 = arith.constant 0 : i32
      %dma_start3A_659 = tpu.memref_slice %arg14[%dma_start3A_656, %dma_start3A_657, %dma_start3A_658] : memref<4x80x64xf32, #tpu.memory_space<vmem>> -> memref<1x80x64xf32, #tpu.memory_space<vmem>>
      %dma_start3A_660 = tpu.memref_squeeze %dma_start3A_659 : memref<1x80x64xf32, #tpu.memory_space<vmem>> -> memref<80x64xf32, #tpu.memory_space<vmem>>
      %dma_start3A_661 = arith.constant 0 : i32
      %dma_start3A_662 = tpu.memref_slice %arg8[%add3A_655, %dma_start3A_661] : memref<163840x64xf32, #tpu.memory_space<hbm>> -> memref<80x64xf32, #tpu.memory_space<hbm>>
      %dma_start3A_663 = arith.constant 0 : i32
      %dma_start3A_664 = tpu.memref_slice %arg8[%add3A_655, %dma_start3A_663] : memref<163840x64xf32, #tpu.memory_space<hbm>> -> memref<80x64xf32, #tpu.memory_space<hbm>>
      %dma_start3A_665 = arith.constant 0 : i32
      %dma_start3A_666 = arith.constant 0 : i32
      %dma_start3A_667 = tpu.memref_slice %arg14[%dma_start3A_656, %dma_start3A_665, %dma_start3A_666] : memref<4x80x64xf32, #tpu.memory_space<vmem>> -> memref<1x80x64xf32, #tpu.memory_space<vmem>>
      %dma_start3A_668 = tpu.memref_squeeze %dma_start3A_667 : memref<1x80x64xf32, #tpu.memory_space<vmem>> -> memref<80x64xf32, #tpu.memory_space<vmem>>
      tpu.enqueue_dma source(%dma_start3A_668 : memref<80x64xf32, #tpu.memory_space<vmem>>) target(%dma_start3A_664 : memref<80x64xf32, #tpu.memory_space<hbm>>) target_semaphore(%arg18 : memref<!tpu.dma_semaphore, #tpu.memory_space<semaphore_mem>>)
      %add3A_669 = arith.addi %mul3A_2, %mul3A_626 : i32
      %dma_start3A_670 = arith.constant 2 : i32
      %dma_start3A_671 = arith.constant 0 : i32
      %dma_start3A_672 = arith.constant 0 : i32
      %dma_start3A_673 = tpu.memref_slice %arg15[%dma_start3A_670, %dma_start3A_671, %dma_start3A_672] : memref<4x80x64xf32, #tpu.memory_space<vmem>> -> memref<1x80x64xf32, #tpu.memory_space<vmem>>
      %dma_start3A_674 = tpu.memref_squeeze %dma_start3A_673 : memref<1x80x64xf32, #tpu.memory_space<vmem>> -> memref<80x64xf32, #tpu.memory_space<vmem>>
      %dma_start3A_675 = arith.constant 0 : i32
      %dma_start3A_676 = tpu.memref_slice %arg9[%add3A_669, %dma_start3A_675] : memref<163840x64xf32, #tpu.memory_space<hbm>> -> memref<80x64xf32, #tpu.memory_space<hbm>>
      %dma_start3A_677 = arith.constant 0 : i32
      %dma_start3A_678 = tpu.memref_slice %arg9[%add3A_669, %dma_start3A_677] : memref<163840x64xf32, #tpu.memory_space<hbm>> -> memref<80x64xf32, #tpu.memory_space<hbm>>
      %dma_start3A_679 = arith.constant 0 : i32
      %dma_start3A_680 = arith.constant 0 : i32
      %dma_start3A_681 = tpu.memref_slice %arg15[%dma_start3A_670, %dma_start3A_679, %dma_start3A_680] : memref<4x80x64xf32, #tpu.memory_space<vmem>> -> memref<1x80x64xf32, #tpu.memory_space<vmem>>
      %dma_start3A_682 = tpu.memref_squeeze %dma_start3A_681 : memref<1x80x64xf32, #tpu.memory_space<vmem>> -> memref<80x64xf32, #tpu.memory_space<vmem>>
      tpu.enqueue_dma source(%dma_start3A_682 : memref<80x64xf32, #tpu.memory_space<vmem>>) target(%dma_start3A_678 : memref<80x64xf32, #tpu.memory_space<hbm>>) target_semaphore(%arg18 : memref<!tpu.dma_semaphore, #tpu.memory_space<semaphore_mem>>)
      %dma_wait3A_683 = arith.constant 3 : i32
      %dma_wait3A_684 = arith.constant 0 : i32
      %dma_wait3A_685 = arith.constant 0 : i32
      %dma_wait3A_686 = tpu.memref_slice %arg12[%dma_wait3A_683, %dma_wait3A_684, %dma_wait3A_685] : memref<4x80x64xf32, #tpu.memory_space<vmem>> -> memref<1x80x64xf32, #tpu.memory_space<vmem>>
      %dma_wait3A_687 = tpu.memref_squeeze %dma_wait3A_686 : memref<1x80x64xf32, #tpu.memory_space<vmem>> -> memref<80x64xf32, #tpu.memory_space<vmem>>
      %dma_wait3A_688 = arith.constant 0 : i32
      %dma_wait3A_689 = tpu.memref_slice %arg10[%dma_wait3A_688] : memref<5120xi32, #tpu.memory_space<vmem>> -> memref<80xi32, #tpu.memory_space<vmem>>
      %dma_wait3A_690 = arith.constant 0 : i32
      %dma_wait3A_691 = arith.constant 0 : i32
      %dma_wait3A_692 = tpu.memref_slice %arg2[%dma_wait3A_690, %dma_wait3A_691] : memref<10000x64xf32, #tpu.memory_space<hbm>> -> memref<10000x64xf32, #tpu.memory_space<hbm>>
      tpu.wait_indirect_dma semaphore(%arg19 : memref<!tpu.dma_semaphore, #tpu.memory_space<semaphore_mem>>) src(%dma_wait3A_692 : memref<10000x64xf32, #tpu.memory_space<hbm>>) dst(%dma_wait3A_687 : memref<80x64xf32, #tpu.memory_space<vmem>>)
      %dma_wait3A_693 = arith.constant 3 : i32
      %dma_wait3A_694 = arith.constant 0 : i32
      %dma_wait3A_695 = arith.constant 0 : i32
      %dma_wait3A_696 = tpu.memref_slice %arg12[%dma_wait3A_693, %dma_wait3A_694, %dma_wait3A_695] : memref<4x80x64xf32, #tpu.memory_space<vmem>> -> memref<1x80x64xf32, #tpu.memory_space<vmem>>
      %dma_wait3A_697 = tpu.memref_squeeze %dma_wait3A_696 : memref<1x80x64xf32, #tpu.memory_space<vmem>> -> memref<80x64xf32, #tpu.memory_space<vmem>>
      %dma_wait3A_698 = arith.constant 0 : i32
      %dma_wait3A_699 = tpu.memref_slice %arg10[%dma_wait3A_698] : memref<5120xi32, #tpu.memory_space<vmem>> -> memref<80xi32, #tpu.memory_space<vmem>>
      %dma_wait3A_700 = arith.constant 0 : i32
      %dma_wait3A_701 = arith.constant 0 : i32
      %dma_wait3A_702 = tpu.memref_slice %arg2[%dma_wait3A_700, %dma_wait3A_701] : memref<10000x64xf32, #tpu.memory_space<hbm>> -> memref<10000x64xf32, #tpu.memory_space<hbm>>
      tpu.wait_indirect_dma semaphore(%arg19 : memref<!tpu.dma_semaphore, #tpu.memory_space<semaphore_mem>>) src(%dma_wait3A_702 : memref<10000x64xf32, #tpu.memory_space<hbm>>) dst(%dma_wait3A_697 : memref<80x64xf32, #tpu.memory_space<vmem>>)
      %dma_wait3A_703 = arith.constant 3 : i32
      %dma_wait3A_704 = arith.constant 0 : i32
      %dma_wait3A_705 = arith.constant 0 : i32
      %dma_wait3A_706 = tpu.memref_slice %arg12[%dma_wait3A_703, %dma_wait3A_704, %dma_wait3A_705] : memref<4x80x64xf32, #tpu.memory_space<vmem>> -> memref<1x80x64xf32, #tpu.memory_space<vmem>>
      %dma_wait3A_707 = tpu.memref_squeeze %dma_wait3A_706 : memref<1x80x64xf32, #tpu.memory_space<vmem>> -> memref<80x64xf32, #tpu.memory_space<vmem>>
      %dma_wait3A_708 = arith.constant 0 : i32
      %dma_wait3A_709 = tpu.memref_slice %arg10[%dma_wait3A_708] : memref<5120xi32, #tpu.memory_space<vmem>> -> memref<80xi32, #tpu.memory_space<vmem>>
      %dma_wait3A_710 = arith.constant 0 : i32
      %dma_wait3A_711 = arith.constant 0 : i32
      %dma_wait3A_712 = tpu.memref_slice %arg2[%dma_wait3A_710, %dma_wait3A_711] : memref<10000x64xf32, #tpu.memory_space<hbm>> -> memref<10000x64xf32, #tpu.memory_space<hbm>>
      tpu.wait_indirect_dma semaphore(%arg19 : memref<!tpu.dma_semaphore, #tpu.memory_space<semaphore_mem>>) src(%dma_wait3A_712 : memref<10000x64xf32, #tpu.memory_space<hbm>>) dst(%dma_wait3A_707 : memref<80x64xf32, #tpu.memory_space<vmem>>)
      %dma_wait3A_713 = arith.constant 3 : i32
      %dma_wait3A_714 = arith.constant 0 : i32
      %dma_wait3A_715 = arith.constant 0 : i32
      %dma_wait3A_716 = tpu.memref_slice %arg12[%dma_wait3A_713, %dma_wait3A_714, %dma_wait3A_715] : memref<4x80x64xf32, #tpu.memory_space<vmem>> -> memref<1x80x64xf32, #tpu.memory_space<vmem>>
      %dma_wait3A_717 = tpu.memref_squeeze %dma_wait3A_716 : memref<1x80x64xf32, #tpu.memory_space<vmem>> -> memref<80x64xf32, #tpu.memory_space<vmem>>
      %dma_wait3A_718 = arith.constant 0 : i32
      %dma_wait3A_719 = tpu.memref_slice %arg10[%dma_wait3A_718] : memref<5120xi32, #tpu.memory_space<vmem>> -> memref<80xi32, #tpu.memory_space<vmem>>
      %dma_wait3A_720 = arith.constant 0 : i32
      %dma_wait3A_721 = arith.constant 0 : i32
      %dma_wait3A_722 = tpu.memref_slice %arg2[%dma_wait3A_720, %dma_wait3A_721] : memref<10000x64xf32, #tpu.memory_space<hbm>> -> memref<10000x64xf32, #tpu.memory_space<hbm>>
      tpu.wait_indirect_dma semaphore(%arg19 : memref<!tpu.dma_semaphore, #tpu.memory_space<semaphore_mem>>) src(%dma_wait3A_722 : memref<10000x64xf32, #tpu.memory_space<hbm>>) dst(%dma_wait3A_717 : memref<80x64xf32, #tpu.memory_space<vmem>>)
      %mul3A_723 = arith.constant 4 : i32
      %mul3A_724 = arith.muli %mul3A_723, %scan3A_375 : i32
      %add3A_725 = arith.constant 3 : i32
      %add3A_726 = arith.addi %mul3A_724, %add3A_725 : i32
      %mul3A_727 = arith.constant 80 : i32
      %mul3A_728 = arith.muli %add3A_726, %mul3A_727 : i32
      %add3A_729 = arith.addi %mul3A_2, %mul3A_728 : i32
      %dma_start3A_730 = arith.constant 3 : i32
      %dma_start3A_731 = arith.constant 0 : i32
      %dma_start3A_732 = arith.constant 0 : i32
      %dma_start3A_733 = tpu.memref_slice %arg12[%dma_start3A_730, %dma_start3A_731, %dma_start3A_732] : memref<4x80x64xf32, #tpu.memory_space<vmem>> -> memref<1x80x64xf32, #tpu.memory_space<vmem>>
      %dma_start3A_734 = tpu.memref_squeeze %dma_start3A_733 : memref<1x80x64xf32, #tpu.memory_space<vmem>> -> memref<80x64xf32, #tpu.memory_space<vmem>>
      %dma_start3A_735 = arith.constant 0 : i32
      %dma_start3A_736 = tpu.memref_slice %arg6[%add3A_729, %dma_start3A_735] : memref<163840x64xf32, #tpu.memory_space<hbm>> -> memref<80x64xf32, #tpu.memory_space<hbm>>
      %dma_start3A_737 = arith.constant 0 : i32
      %dma_start3A_738 = tpu.memref_slice %arg6[%add3A_729, %dma_start3A_737] : memref<163840x64xf32, #tpu.memory_space<hbm>> -> memref<80x64xf32, #tpu.memory_space<hbm>>
      %dma_start3A_739 = arith.constant 0 : i32
      %dma_start3A_740 = arith.constant 0 : i32
      %dma_start3A_741 = tpu.memref_slice %arg12[%dma_start3A_730, %dma_start3A_739, %dma_start3A_740] : memref<4x80x64xf32, #tpu.memory_space<vmem>> -> memref<1x80x64xf32, #tpu.memory_space<vmem>>
      %dma_start3A_742 = tpu.memref_squeeze %dma_start3A_741 : memref<1x80x64xf32, #tpu.memory_space<vmem>> -> memref<80x64xf32, #tpu.memory_space<vmem>>
      tpu.enqueue_dma source(%dma_start3A_742 : memref<80x64xf32, #tpu.memory_space<vmem>>) target(%dma_start3A_738 : memref<80x64xf32, #tpu.memory_space<hbm>>) target_semaphore(%arg19 : memref<!tpu.dma_semaphore, #tpu.memory_space<semaphore_mem>>)
      %add3A_743 = arith.addi %mul3A_2, %mul3A_728 : i32
      %dma_start3A_744 = arith.constant 3 : i32
      %dma_start3A_745 = arith.constant 0 : i32
      %dma_start3A_746 = arith.constant 0 : i32
      %dma_start3A_747 = tpu.memref_slice %arg13[%dma_start3A_744, %dma_start3A_745, %dma_start3A_746] : memref<4x80x64xf32, #tpu.memory_space<vmem>> -> memref<1x80x64xf32, #tpu.memory_space<vmem>>
      %dma_start3A_748 = tpu.memref_squeeze %dma_start3A_747 : memref<1x80x64xf32, #tpu.memory_space<vmem>> -> memref<80x64xf32, #tpu.memory_space<vmem>>
      %dma_start3A_749 = arith.constant 0 : i32
      %dma_start3A_750 = tpu.memref_slice %arg7[%add3A_743, %dma_start3A_749] : memref<163840x64xf32, #tpu.memory_space<hbm>> -> memref<80x64xf32, #tpu.memory_space<hbm>>
      %dma_start3A_751 = arith.constant 0 : i32
      %dma_start3A_752 = tpu.memref_slice %arg7[%add3A_743, %dma_start3A_751] : memref<163840x64xf32, #tpu.memory_space<hbm>> -> memref<80x64xf32, #tpu.memory_space<hbm>>
      %dma_start3A_753 = arith.constant 0 : i32
      %dma_start3A_754 = arith.constant 0 : i32
      %dma_start3A_755 = tpu.memref_slice %arg13[%dma_start3A_744, %dma_start3A_753, %dma_start3A_754] : memref<4x80x64xf32, #tpu.memory_space<vmem>> -> memref<1x80x64xf32, #tpu.memory_space<vmem>>
      %dma_start3A_756 = tpu.memref_squeeze %dma_start3A_755 : memref<1x80x64xf32, #tpu.memory_space<vmem>> -> memref<80x64xf32, #tpu.memory_space<vmem>>
      tpu.enqueue_dma source(%dma_start3A_756 : memref<80x64xf32, #tpu.memory_space<vmem>>) target(%dma_start3A_752 : memref<80x64xf32, #tpu.memory_space<hbm>>) target_semaphore(%arg19 : memref<!tpu.dma_semaphore, #tpu.memory_space<semaphore_mem>>)
      %add3A_757 = arith.addi %mul3A_2, %mul3A_728 : i32
      %dma_start3A_758 = arith.constant 3 : i32
      %dma_start3A_759 = arith.constant 0 : i32
      %dma_start3A_760 = arith.constant 0 : i32
      %dma_start3A_761 = tpu.memref_slice %arg14[%dma_start3A_758, %dma_start3A_759, %dma_start3A_760] : memref<4x80x64xf32, #tpu.memory_space<vmem>> -> memref<1x80x64xf32, #tpu.memory_space<vmem>>
      %dma_start3A_762 = tpu.memref_squeeze %dma_start3A_761 : memref<1x80x64xf32, #tpu.memory_space<vmem>> -> memref<80x64xf32, #tpu.memory_space<vmem>>
      %dma_start3A_763 = arith.constant 0 : i32
      %dma_start3A_764 = tpu.memref_slice %arg8[%add3A_757, %dma_start3A_763] : memref<163840x64xf32, #tpu.memory_space<hbm>> -> memref<80x64xf32, #tpu.memory_space<hbm>>
      %dma_start3A_765 = arith.constant 0 : i32
      %dma_start3A_766 = tpu.memref_slice %arg8[%add3A_757, %dma_start3A_765] : memref<163840x64xf32, #tpu.memory_space<hbm>> -> memref<80x64xf32, #tpu.memory_space<hbm>>
      %dma_start3A_767 = arith.constant 0 : i32
      %dma_start3A_768 = arith.constant 0 : i32
      %dma_start3A_769 = tpu.memref_slice %arg14[%dma_start3A_758, %dma_start3A_767, %dma_start3A_768] : memref<4x80x64xf32, #tpu.memory_space<vmem>> -> memref<1x80x64xf32, #tpu.memory_space<vmem>>
      %dma_start3A_770 = tpu.memref_squeeze %dma_start3A_769 : memref<1x80x64xf32, #tpu.memory_space<vmem>> -> memref<80x64xf32, #tpu.memory_space<vmem>>
      tpu.enqueue_dma source(%dma_start3A_770 : memref<80x64xf32, #tpu.memory_space<vmem>>) target(%dma_start3A_766 : memref<80x64xf32, #tpu.memory_space<hbm>>) target_semaphore(%arg19 : memref<!tpu.dma_semaphore, #tpu.memory_space<semaphore_mem>>)
      %add3A_771 = arith.addi %mul3A_2, %mul3A_728 : i32
      %dma_start3A_772 = arith.constant 3 : i32
      %dma_start3A_773 = arith.constant 0 : i32
      %dma_start3A_774 = arith.constant 0 : i32
      %dma_start3A_775 = tpu.memref_slice %arg15[%dma_start3A_772, %dma_start3A_773, %dma_start3A_774] : memref<4x80x64xf32, #tpu.memory_space<vmem>> -> memref<1x80x64xf32, #tpu.memory_space<vmem>>
      %dma_start3A_776 = tpu.memref_squeeze %dma_start3A_775 : memref<1x80x64xf32, #tpu.memory_space<vmem>> -> memref<80x64xf32, #tpu.memory_space<vmem>>
      %dma_start3A_777 = arith.constant 0 : i32
      %dma_start3A_778 = tpu.memref_slice %arg9[%add3A_771, %dma_start3A_777] : memref<163840x64xf32, #tpu.memory_space<hbm>> -> memref<80x64xf32, #tpu.memory_space<hbm>>
      %dma_start3A_779 = arith.constant 0 : i32
      %dma_start3A_780 = tpu.memref_slice %arg9[%add3A_771, %dma_start3A_779] : memref<163840x64xf32, #tpu.memory_space<hbm>> -> memref<80x64xf32, #tpu.memory_space<hbm>>
      %dma_start3A_781 = arith.constant 0 : i32
      %dma_start3A_782 = arith.constant 0 : i32
      %dma_start3A_783 = tpu.memref_slice %arg15[%dma_start3A_772, %dma_start3A_781, %dma_start3A_782] : memref<4x80x64xf32, #tpu.memory_space<vmem>> -> memref<1x80x64xf32, #tpu.memory_space<vmem>>
      %dma_start3A_784 = tpu.memref_squeeze %dma_start3A_783 : memref<1x80x64xf32, #tpu.memory_space<vmem>> -> memref<80x64xf32, #tpu.memory_space<vmem>>
      tpu.enqueue_dma source(%dma_start3A_784 : memref<80x64xf32, #tpu.memory_space<vmem>>) target(%dma_start3A_780 : memref<80x64xf32, #tpu.memory_space<hbm>>) target_semaphore(%arg19 : memref<!tpu.dma_semaphore, #tpu.memory_space<semaphore_mem>>)
      %lt3A = arith.constant 15 : i32
      %lt3A_785 = arith.cmpi slt, %scan3A_375, %lt3A : i32
      %convert_element_type3A = arith.extui %lt3A_785 : i1 to i32
      %cond3A = arith.constant 0 : i32
      %cond3A_786 = arith.cmpi ne, %convert_element_type3A, %cond3A : i32
      scf.if %cond3A_786 {
        %dma_wait3A_803 = arith.constant 0 : i32
        %dma_wait3A_804 = arith.constant 0 : i32
        %dma_wait3A_805 = arith.constant 0 : i32
        %dma_wait3A_806 = tpu.memref_slice %arg12[%dma_wait3A_803, %dma_wait3A_804, %dma_wait3A_805] : memref<4x80x64xf32, #tpu.memory_space<vmem>> -> memref<1x80x64xf32, #tpu.memory_space<vmem>>
        %dma_wait3A_807 = tpu.memref_squeeze %dma_wait3A_806 : memref<1x80x64xf32, #tpu.memory_space<vmem>> -> memref<80x64xf32, #tpu.memory_space<vmem>>
        %dma_wait3A_808 = arith.constant 0 : i32
        %dma_wait3A_809 = tpu.memref_slice %arg6[%mul3A_2, %dma_wait3A_808] : memref<163840x64xf32, #tpu.memory_space<hbm>> -> memref<80x64xf32, #tpu.memory_space<hbm>>
        %dma_wait3A_810 = arith.constant 0 : i32
        %dma_wait3A_811 = tpu.memref_slice %arg6[%mul3A_2, %dma_wait3A_810] : memref<163840x64xf32, #tpu.memory_space<hbm>> -> memref<80x64xf32, #tpu.memory_space<hbm>>
        %dma_wait3A_812 = arith.constant 0 : i32
        %dma_wait3A_813 = arith.constant 0 : i32
        %dma_wait3A_814 = tpu.memref_slice %arg12[%dma_wait3A_803, %dma_wait3A_812, %dma_wait3A_813] : memref<4x80x64xf32, #tpu.memory_space<vmem>> -> memref<1x80x64xf32, #tpu.memory_space<vmem>>
        %dma_wait3A_815 = tpu.memref_squeeze %dma_wait3A_814 : memref<1x80x64xf32, #tpu.memory_space<vmem>> -> memref<80x64xf32, #tpu.memory_space<vmem>>
        tpu.wait_dma2 semaphore(%arg16 : memref<!tpu.dma_semaphore, #tpu.memory_space<semaphore_mem>>) src(%dma_wait3A_815 : memref<80x64xf32, #tpu.memory_space<vmem>>) dst(%dma_wait3A_811 : memref<80x64xf32, #tpu.memory_space<hbm>>)
        %dma_wait3A_816 = arith.constant 0 : i32
        %dma_wait3A_817 = arith.constant 0 : i32
        %dma_wait3A_818 = arith.constant 0 : i32
        %dma_wait3A_819 = tpu.memref_slice %arg12[%dma_wait3A_816, %dma_wait3A_817, %dma_wait3A_818] : memref<4x80x64xf32, #tpu.memory_space<vmem>> -> memref<1x80x64xf32, #tpu.memory_space<vmem>>
        %dma_wait3A_820 = tpu.memref_squeeze %dma_wait3A_819 : memref<1x80x64xf32, #tpu.memory_space<vmem>> -> memref<80x64xf32, #tpu.memory_space<vmem>>
        %dma_wait3A_821 = arith.constant 0 : i32
        %dma_wait3A_822 = tpu.memref_slice %arg6[%mul3A_2, %dma_wait3A_821] : memref<163840x64xf32, #tpu.memory_space<hbm>> -> memref<80x64xf32, #tpu.memory_space<hbm>>
        %dma_wait3A_823 = arith.constant 0 : i32
        %dma_wait3A_824 = tpu.memref_slice %arg6[%mul3A_2, %dma_wait3A_823] : memref<163840x64xf32, #tpu.memory_space<hbm>> -> memref<80x64xf32, #tpu.memory_space<hbm>>
        %dma_wait3A_825 = arith.constant 0 : i32
        %dma_wait3A_826 = arith.constant 0 : i32
        %dma_wait3A_827 = tpu.memref_slice %arg12[%dma_wait3A_816, %dma_wait3A_825, %dma_wait3A_826] : memref<4x80x64xf32, #tpu.memory_space<vmem>> -> memref<1x80x64xf32, #tpu.memory_space<vmem>>
        %dma_wait3A_828 = tpu.memref_squeeze %dma_wait3A_827 : memref<1x80x64xf32, #tpu.memory_space<vmem>> -> memref<80x64xf32, #tpu.memory_space<vmem>>
        tpu.wait_dma2 semaphore(%arg16 : memref<!tpu.dma_semaphore, #tpu.memory_space<semaphore_mem>>) src(%dma_wait3A_828 : memref<80x64xf32, #tpu.memory_space<vmem>>) dst(%dma_wait3A_824 : memref<80x64xf32, #tpu.memory_space<hbm>>)
        %dma_wait3A_829 = arith.constant 0 : i32
        %dma_wait3A_830 = arith.constant 0 : i32
        %dma_wait3A_831 = arith.constant 0 : i32
        %dma_wait3A_832 = tpu.memref_slice %arg12[%dma_wait3A_829, %dma_wait3A_830, %dma_wait3A_831] : memref<4x80x64xf32, #tpu.memory_space<vmem>> -> memref<1x80x64xf32, #tpu.memory_space<vmem>>
        %dma_wait3A_833 = tpu.memref_squeeze %dma_wait3A_832 : memref<1x80x64xf32, #tpu.memory_space<vmem>> -> memref<80x64xf32, #tpu.memory_space<vmem>>
        %dma_wait3A_834 = arith.constant 0 : i32
        %dma_wait3A_835 = tpu.memref_slice %arg6[%mul3A_2, %dma_wait3A_834] : memref<163840x64xf32, #tpu.memory_space<hbm>> -> memref<80x64xf32, #tpu.memory_space<hbm>>
        %dma_wait3A_836 = arith.constant 0 : i32
        %dma_wait3A_837 = tpu.memref_slice %arg6[%mul3A_2, %dma_wait3A_836] : memref<163840x64xf32, #tpu.memory_space<hbm>> -> memref<80x64xf32, #tpu.memory_space<hbm>>
        %dma_wait3A_838 = arith.constant 0 : i32
        %dma_wait3A_839 = arith.constant 0 : i32
        %dma_wait3A_840 = tpu.memref_slice %arg12[%dma_wait3A_829, %dma_wait3A_838, %dma_wait3A_839] : memref<4x80x64xf32, #tpu.memory_space<vmem>> -> memref<1x80x64xf32, #tpu.memory_space<vmem>>
        %dma_wait3A_841 = tpu.memref_squeeze %dma_wait3A_840 : memref<1x80x64xf32, #tpu.memory_space<vmem>> -> memref<80x64xf32, #tpu.memory_space<vmem>>
        tpu.wait_dma2 semaphore(%arg16 : memref<!tpu.dma_semaphore, #tpu.memory_space<semaphore_mem>>) src(%dma_wait3A_841 : memref<80x64xf32, #tpu.memory_space<vmem>>) dst(%dma_wait3A_837 : memref<80x64xf32, #tpu.memory_space<hbm>>)
        %dma_wait3A_842 = arith.constant 0 : i32
        %dma_wait3A_843 = arith.constant 0 : i32
        %dma_wait3A_844 = arith.constant 0 : i32
        %dma_wait3A_845 = tpu.memref_slice %arg12[%dma_wait3A_842, %dma_wait3A_843, %dma_wait3A_844] : memref<4x80x64xf32, #tpu.memory_space<vmem>> -> memref<1x80x64xf32, #tpu.memory_space<vmem>>
        %dma_wait3A_846 = tpu.memref_squeeze %dma_wait3A_845 : memref<1x80x64xf32, #tpu.memory_space<vmem>> -> memref<80x64xf32, #tpu.memory_space<vmem>>
        %dma_wait3A_847 = arith.constant 0 : i32
        %dma_wait3A_848 = tpu.memref_slice %arg6[%mul3A_2, %dma_wait3A_847] : memref<163840x64xf32, #tpu.memory_space<hbm>> -> memref<80x64xf32, #tpu.memory_space<hbm>>
        %dma_wait3A_849 = arith.constant 0 : i32
        %dma_wait3A_850 = tpu.memref_slice %arg6[%mul3A_2, %dma_wait3A_849] : memref<163840x64xf32, #tpu.memory_space<hbm>> -> memref<80x64xf32, #tpu.memory_space<hbm>>
        %dma_wait3A_851 = arith.constant 0 : i32
        %dma_wait3A_852 = arith.constant 0 : i32
        %dma_wait3A_853 = tpu.memref_slice %arg12[%dma_wait3A_842, %dma_wait3A_851, %dma_wait3A_852] : memref<4x80x64xf32, #tpu.memory_space<vmem>> -> memref<1x80x64xf32, #tpu.memory_space<vmem>>
        %dma_wait3A_854 = tpu.memref_squeeze %dma_wait3A_853 : memref<1x80x64xf32, #tpu.memory_space<vmem>> -> memref<80x64xf32, #tpu.memory_space<vmem>>
        tpu.wait_dma2 semaphore(%arg16 : memref<!tpu.dma_semaphore, #tpu.memory_space<semaphore_mem>>) src(%dma_wait3A_854 : memref<80x64xf32, #tpu.memory_space<vmem>>) dst(%dma_wait3A_850 : memref<80x64xf32, #tpu.memory_space<hbm>>)
        %add3A_855 = arith.constant 1 : i32
        %add3A_856 = arith.addi %scan3A_375, %add3A_855 : i32
        %mul3A_857 = arith.constant 4 : i32
        %mul3A_858 = arith.muli %mul3A_857, %add3A_856 : i32
        %add3A_859 = arith.constant 0 : i32
        %add3A_860 = arith.addi %mul3A_858, %add3A_859 : i32
        %mul3A_861 = arith.constant 80 : i32
        %mul3A_862 = arith.muli %add3A_860, %mul3A_861 : i32
        %dma_start3A_863 = arith.constant 0 : i32
        %dma_start3A_864 = arith.constant 0 : i32
        %dma_start3A_865 = arith.constant 0 : i32
        %dma_start3A_866 = tpu.memref_slice %arg12[%dma_start3A_863, %dma_start3A_864, %dma_start3A_865] : memref<4x80x64xf32, #tpu.memory_space<vmem>> -> memref<1x80x64xf32, #tpu.memory_space<vmem>>
        %dma_start3A_867 = tpu.memref_squeeze %dma_start3A_866 : memref<1x80x64xf32, #tpu.memory_space<vmem>> -> memref<80x64xf32, #tpu.memory_space<vmem>>
        %dma_start3A_868 = tpu.memref_slice %arg10[%mul3A_862] : memref<5120xi32, #tpu.memory_space<vmem>> -> memref<80xi32, #tpu.memory_space<vmem>>
        %dma_start3A_869 = arith.constant 0 : i32
        %dma_start3A_870 = arith.constant 0 : i32
        %dma_start3A_871 = tpu.memref_slice %arg2[%dma_start3A_869, %dma_start3A_870] : memref<10000x64xf32, #tpu.memory_space<hbm>> -> memref<10000x64xf32, #tpu.memory_space<hbm>>
        tpu.enqueue_indirect_dma source(%dma_start3A_871 : memref<10000x64xf32, #tpu.memory_space<hbm>>) target(%dma_start3A_867 : memref<80x64xf32, #tpu.memory_space<vmem>>) offsets(%dma_start3A_868 : memref<80xi32, #tpu.memory_space<vmem>>) semaphore(%arg16 : memref<!tpu.dma_semaphore, #tpu.memory_space<semaphore_mem>>)
        %dma_start3A_872 = arith.constant 0 : i32
        %dma_start3A_873 = arith.constant 0 : i32
        %dma_start3A_874 = arith.constant 0 : i32
        %dma_start3A_875 = tpu.memref_slice %arg15[%dma_start3A_872, %dma_start3A_873, %dma_start3A_874] : memref<4x80x64xf32, #tpu.memory_space<vmem>> -> memref<1x80x64xf32, #tpu.memory_space<vmem>>
        %dma_start3A_876 = tpu.memref_squeeze %dma_start3A_875 : memref<1x80x64xf32, #tpu.memory_space<vmem>> -> memref<80x64xf32, #tpu.memory_space<vmem>>
        %dma_start3A_877 = tpu.memref_slice %arg10[%mul3A_862] : memref<5120xi32, #tpu.memory_space<vmem>> -> memref<80xi32, #tpu.memory_space<vmem>>
        %dma_start3A_878 = arith.constant 0 : i32
        %dma_start3A_879 = arith.constant 0 : i32
        %dma_start3A_880 = tpu.memref_slice %arg3[%dma_start3A_878, %dma_start3A_879] : memref<10000x64xf32, #tpu.memory_space<hbm>> -> memref<10000x64xf32, #tpu.memory_space<hbm>>
        tpu.enqueue_indirect_dma source(%dma_start3A_880 : memref<10000x64xf32, #tpu.memory_space<hbm>>) target(%dma_start3A_876 : memref<80x64xf32, #tpu.memory_space<vmem>>) offsets(%dma_start3A_877 : memref<80xi32, #tpu.memory_space<vmem>>) semaphore(%arg16 : memref<!tpu.dma_semaphore, #tpu.memory_space<semaphore_mem>>)
        %dma_start3A_881 = arith.constant 0 : i32
        %dma_start3A_882 = arith.constant 0 : i32
        %dma_start3A_883 = arith.constant 0 : i32
        %dma_start3A_884 = tpu.memref_slice %arg13[%dma_start3A_881, %dma_start3A_882, %dma_start3A_883] : memref<4x80x64xf32, #tpu.memory_space<vmem>> -> memref<1x80x64xf32, #tpu.memory_space<vmem>>
        %dma_start3A_885 = tpu.memref_squeeze %dma_start3A_884 : memref<1x80x64xf32, #tpu.memory_space<vmem>> -> memref<80x64xf32, #tpu.memory_space<vmem>>
        %dma_start3A_886 = tpu.memref_slice %arg11[%mul3A_862] : memref<5120xi32, #tpu.memory_space<vmem>> -> memref<80xi32, #tpu.memory_space<vmem>>
        %dma_start3A_887 = arith.constant 0 : i32
        %dma_start3A_888 = arith.constant 0 : i32
        %dma_start3A_889 = tpu.memref_slice %arg2[%dma_start3A_887, %dma_start3A_888] : memref<10000x64xf32, #tpu.memory_space<hbm>> -> memref<10000x64xf32, #tpu.memory_space<hbm>>
        tpu.enqueue_indirect_dma source(%dma_start3A_889 : memref<10000x64xf32, #tpu.memory_space<hbm>>) target(%dma_start3A_885 : memref<80x64xf32, #tpu.memory_space<vmem>>) offsets(%dma_start3A_886 : memref<80xi32, #tpu.memory_space<vmem>>) semaphore(%arg16 : memref<!tpu.dma_semaphore, #tpu.memory_space<semaphore_mem>>)
        %dma_start3A_890 = arith.constant 0 : i32
        %dma_start3A_891 = arith.constant 0 : i32
        %dma_start3A_892 = arith.constant 0 : i32
        %dma_start3A_893 = tpu.memref_slice %arg14[%dma_start3A_890, %dma_start3A_891, %dma_start3A_892] : memref<4x80x64xf32, #tpu.memory_space<vmem>> -> memref<1x80x64xf32, #tpu.memory_space<vmem>>
        %dma_start3A_894 = tpu.memref_squeeze %dma_start3A_893 : memref<1x80x64xf32, #tpu.memory_space<vmem>> -> memref<80x64xf32, #tpu.memory_space<vmem>>
        %dma_start3A_895 = tpu.memref_slice %arg11[%mul3A_862] : memref<5120xi32, #tpu.memory_space<vmem>> -> memref<80xi32, #tpu.memory_space<vmem>>
        %dma_start3A_896 = arith.constant 0 : i32
        %dma_start3A_897 = arith.constant 0 : i32
        %dma_start3A_898 = tpu.memref_slice %arg3[%dma_start3A_896, %dma_start3A_897] : memref<10000x64xf32, #tpu.memory_space<hbm>> -> memref<10000x64xf32, #tpu.memory_space<hbm>>
        tpu.enqueue_indirect_dma source(%dma_start3A_898 : memref<10000x64xf32, #tpu.memory_space<hbm>>) target(%dma_start3A_894 : memref<80x64xf32, #tpu.memory_space<vmem>>) offsets(%dma_start3A_895 : memref<80xi32, #tpu.memory_space<vmem>>) semaphore(%arg16 : memref<!tpu.dma_semaphore, #tpu.memory_space<semaphore_mem>>)
      } else {
      }
      %lt3A_787 = arith.constant 15 : i32
      %lt3A_788 = arith.cmpi slt, %scan3A_375, %lt3A_787 : i32
      %convert_element_type3A_789 = arith.extui %lt3A_788 : i1 to i32
      %cond3A_790 = arith.constant 0 : i32
      %cond3A_791 = arith.cmpi ne, %convert_element_type3A_789, %cond3A_790 : i32
      scf.if %cond3A_791 {
        %dma_wait3A_803 = arith.constant 1 : i32
        %dma_wait3A_804 = arith.constant 0 : i32
        %dma_wait3A_805 = arith.constant 0 : i32
        %dma_wait3A_806 = tpu.memref_slice %arg12[%dma_wait3A_803, %dma_wait3A_804, %dma_wait3A_805] : memref<4x80x64xf32, #tpu.memory_space<vmem>> -> memref<1x80x64xf32, #tpu.memory_space<vmem>>
        %dma_wait3A_807 = tpu.memref_squeeze %dma_wait3A_806 : memref<1x80x64xf32, #tpu.memory_space<vmem>> -> memref<80x64xf32, #tpu.memory_space<vmem>>
        %dma_wait3A_808 = arith.constant 0 : i32
        %dma_wait3A_809 = tpu.memref_slice %arg6[%mul3A_2, %dma_wait3A_808] : memref<163840x64xf32, #tpu.memory_space<hbm>> -> memref<80x64xf32, #tpu.memory_space<hbm>>
        %dma_wait3A_810 = arith.constant 0 : i32
        %dma_wait3A_811 = tpu.memref_slice %arg6[%mul3A_2, %dma_wait3A_810] : memref<163840x64xf32, #tpu.memory_space<hbm>> -> memref<80x64xf32, #tpu.memory_space<hbm>>
        %dma_wait3A_812 = arith.constant 0 : i32
        %dma_wait3A_813 = arith.constant 0 : i32
        %dma_wait3A_814 = tpu.memref_slice %arg12[%dma_wait3A_803, %dma_wait3A_812, %dma_wait3A_813] : memref<4x80x64xf32, #tpu.memory_space<vmem>> -> memref<1x80x64xf32, #tpu.memory_space<vmem>>
        %dma_wait3A_815 = tpu.memref_squeeze %dma_wait3A_814 : memref<1x80x64xf32, #tpu.memory_space<vmem>> -> memref<80x64xf32, #tpu.memory_space<vmem>>
        tpu.wait_dma2 semaphore(%arg17 : memref<!tpu.dma_semaphore, #tpu.memory_space<semaphore_mem>>) src(%dma_wait3A_815 : memref<80x64xf32, #tpu.memory_space<vmem>>) dst(%dma_wait3A_811 : memref<80x64xf32, #tpu.memory_space<hbm>>)
        %dma_wait3A_816 = arith.constant 1 : i32
        %dma_wait3A_817 = arith.constant 0 : i32
        %dma_wait3A_818 = arith.constant 0 : i32
        %dma_wait3A_819 = tpu.memref_slice %arg12[%dma_wait3A_816, %dma_wait3A_817, %dma_wait3A_818] : memref<4x80x64xf32, #tpu.memory_space<vmem>> -> memref<1x80x64xf32, #tpu.memory_space<vmem>>
        %dma_wait3A_820 = tpu.memref_squeeze %dma_wait3A_819 : memref<1x80x64xf32, #tpu.memory_space<vmem>> -> memref<80x64xf32, #tpu.memory_space<vmem>>
        %dma_wait3A_821 = arith.constant 0 : i32
        %dma_wait3A_822 = tpu.memref_slice %arg6[%mul3A_2, %dma_wait3A_821] : memref<163840x64xf32, #tpu.memory_space<hbm>> -> memref<80x64xf32, #tpu.memory_space<hbm>>
        %dma_wait3A_823 = arith.constant 0 : i32
        %dma_wait3A_824 = tpu.memref_slice %arg6[%mul3A_2, %dma_wait3A_823] : memref<163840x64xf32, #tpu.memory_space<hbm>> -> memref<80x64xf32, #tpu.memory_space<hbm>>
        %dma_wait3A_825 = arith.constant 0 : i32
        %dma_wait3A_826 = arith.constant 0 : i32
        %dma_wait3A_827 = tpu.memref_slice %arg12[%dma_wait3A_816, %dma_wait3A_825, %dma_wait3A_826] : memref<4x80x64xf32, #tpu.memory_space<vmem>> -> memref<1x80x64xf32, #tpu.memory_space<vmem>>
        %dma_wait3A_828 = tpu.memref_squeeze %dma_wait3A_827 : memref<1x80x64xf32, #tpu.memory_space<vmem>> -> memref<80x64xf32, #tpu.memory_space<vmem>>
        tpu.wait_dma2 semaphore(%arg17 : memref<!tpu.dma_semaphore, #tpu.memory_space<semaphore_mem>>) src(%dma_wait3A_828 : memref<80x64xf32, #tpu.memory_space<vmem>>) dst(%dma_wait3A_824 : memref<80x64xf32, #tpu.memory_space<hbm>>)
        %dma_wait3A_829 = arith.constant 1 : i32
        %dma_wait3A_830 = arith.constant 0 : i32
        %dma_wait3A_831 = arith.constant 0 : i32
        %dma_wait3A_832 = tpu.memref_slice %arg12[%dma_wait3A_829, %dma_wait3A_830, %dma_wait3A_831] : memref<4x80x64xf32, #tpu.memory_space<vmem>> -> memref<1x80x64xf32, #tpu.memory_space<vmem>>
        %dma_wait3A_833 = tpu.memref_squeeze %dma_wait3A_832 : memref<1x80x64xf32, #tpu.memory_space<vmem>> -> memref<80x64xf32, #tpu.memory_space<vmem>>
        %dma_wait3A_834 = arith.constant 0 : i32
        %dma_wait3A_835 = tpu.memref_slice %arg6[%mul3A_2, %dma_wait3A_834] : memref<163840x64xf32, #tpu.memory_space<hbm>> -> memref<80x64xf32, #tpu.memory_space<hbm>>
        %dma_wait3A_836 = arith.constant 0 : i32
        %dma_wait3A_837 = tpu.memref_slice %arg6[%mul3A_2, %dma_wait3A_836] : memref<163840x64xf32, #tpu.memory_space<hbm>> -> memref<80x64xf32, #tpu.memory_space<hbm>>
        %dma_wait3A_838 = arith.constant 0 : i32
        %dma_wait3A_839 = arith.constant 0 : i32
        %dma_wait3A_840 = tpu.memref_slice %arg12[%dma_wait3A_829, %dma_wait3A_838, %dma_wait3A_839] : memref<4x80x64xf32, #tpu.memory_space<vmem>> -> memref<1x80x64xf32, #tpu.memory_space<vmem>>
        %dma_wait3A_841 = tpu.memref_squeeze %dma_wait3A_840 : memref<1x80x64xf32, #tpu.memory_space<vmem>> -> memref<80x64xf32, #tpu.memory_space<vmem>>
        tpu.wait_dma2 semaphore(%arg17 : memref<!tpu.dma_semaphore, #tpu.memory_space<semaphore_mem>>) src(%dma_wait3A_841 : memref<80x64xf32, #tpu.memory_space<vmem>>) dst(%dma_wait3A_837 : memref<80x64xf32, #tpu.memory_space<hbm>>)
        %dma_wait3A_842 = arith.constant 1 : i32
        %dma_wait3A_843 = arith.constant 0 : i32
        %dma_wait3A_844 = arith.constant 0 : i32
        %dma_wait3A_845 = tpu.memref_slice %arg12[%dma_wait3A_842, %dma_wait3A_843, %dma_wait3A_844] : memref<4x80x64xf32, #tpu.memory_space<vmem>> -> memref<1x80x64xf32, #tpu.memory_space<vmem>>
        %dma_wait3A_846 = tpu.memref_squeeze %dma_wait3A_845 : memref<1x80x64xf32, #tpu.memory_space<vmem>> -> memref<80x64xf32, #tpu.memory_space<vmem>>
        %dma_wait3A_847 = arith.constant 0 : i32
        %dma_wait3A_848 = tpu.memref_slice %arg6[%mul3A_2, %dma_wait3A_847] : memref<163840x64xf32, #tpu.memory_space<hbm>> -> memref<80x64xf32, #tpu.memory_space<hbm>>
        %dma_wait3A_849 = arith.constant 0 : i32
        %dma_wait3A_850 = tpu.memref_slice %arg6[%mul3A_2, %dma_wait3A_849] : memref<163840x64xf32, #tpu.memory_space<hbm>> -> memref<80x64xf32, #tpu.memory_space<hbm>>
        %dma_wait3A_851 = arith.constant 0 : i32
        %dma_wait3A_852 = arith.constant 0 : i32
        %dma_wait3A_853 = tpu.memref_slice %arg12[%dma_wait3A_842, %dma_wait3A_851, %dma_wait3A_852] : memref<4x80x64xf32, #tpu.memory_space<vmem>> -> memref<1x80x64xf32, #tpu.memory_space<vmem>>
        %dma_wait3A_854 = tpu.memref_squeeze %dma_wait3A_853 : memref<1x80x64xf32, #tpu.memory_space<vmem>> -> memref<80x64xf32, #tpu.memory_space<vmem>>
        tpu.wait_dma2 semaphore(%arg17 : memref<!tpu.dma_semaphore, #tpu.memory_space<semaphore_mem>>) src(%dma_wait3A_854 : memref<80x64xf32, #tpu.memory_space<vmem>>) dst(%dma_wait3A_850 : memref<80x64xf32, #tpu.memory_space<hbm>>)
        %add3A_855 = arith.constant 1 : i32
        %add3A_856 = arith.addi %scan3A_375, %add3A_855 : i32
        %mul3A_857 = arith.constant 4 : i32
        %mul3A_858 = arith.muli %mul3A_857, %add3A_856 : i32
        %add3A_859 = arith.constant 1 : i32
        %add3A_860 = arith.addi %mul3A_858, %add3A_859 : i32
        %mul3A_861 = arith.constant 80 : i32
        %mul3A_862 = arith.muli %add3A_860, %mul3A_861 : i32
        %dma_start3A_863 = arith.constant 1 : i32
        %dma_start3A_864 = arith.constant 0 : i32
        %dma_start3A_865 = arith.constant 0 : i32
        %dma_start3A_866 = tpu.memref_slice %arg12[%dma_start3A_863, %dma_start3A_864, %dma_start3A_865] : memref<4x80x64xf32, #tpu.memory_space<vmem>> -> memref<1x80x64xf32, #tpu.memory_space<vmem>>
        %dma_start3A_867 = tpu.memref_squeeze %dma_start3A_866 : memref<1x80x64xf32, #tpu.memory_space<vmem>> -> memref<80x64xf32, #tpu.memory_space<vmem>>
        %dma_start3A_868 = tpu.memref_slice %arg10[%mul3A_862] : memref<5120xi32, #tpu.memory_space<vmem>> -> memref<80xi32, #tpu.memory_space<vmem>>
        %dma_start3A_869 = arith.constant 0 : i32
        %dma_start3A_870 = arith.constant 0 : i32
        %dma_start3A_871 = tpu.memref_slice %arg2[%dma_start3A_869, %dma_start3A_870] : memref<10000x64xf32, #tpu.memory_space<hbm>> -> memref<10000x64xf32, #tpu.memory_space<hbm>>
        tpu.enqueue_indirect_dma source(%dma_start3A_871 : memref<10000x64xf32, #tpu.memory_space<hbm>>) target(%dma_start3A_867 : memref<80x64xf32, #tpu.memory_space<vmem>>) offsets(%dma_start3A_868 : memref<80xi32, #tpu.memory_space<vmem>>) semaphore(%arg17 : memref<!tpu.dma_semaphore, #tpu.memory_space<semaphore_mem>>)
        %dma_start3A_872 = arith.constant 1 : i32
        %dma_start3A_873 = arith.constant 0 : i32
        %dma_start3A_874 = arith.constant 0 : i32
        %dma_start3A_875 = tpu.memref_slice %arg15[%dma_start3A_872, %dma_start3A_873, %dma_start3A_874] : memref<4x80x64xf32, #tpu.memory_space<vmem>> -> memref<1x80x64xf32, #tpu.memory_space<vmem>>
        %dma_start3A_876 = tpu.memref_squeeze %dma_start3A_875 : memref<1x80x64xf32, #tpu.memory_space<vmem>> -> memref<80x64xf32, #tpu.memory_space<vmem>>
        %dma_start3A_877 = tpu.memref_slice %arg10[%mul3A_862] : memref<5120xi32, #tpu.memory_space<vmem>> -> memref<80xi32, #tpu.memory_space<vmem>>
        %dma_start3A_878 = arith.constant 0 : i32
        %dma_start3A_879 = arith.constant 0 : i32
        %dma_start3A_880 = tpu.memref_slice %arg3[%dma_start3A_878, %dma_start3A_879] : memref<10000x64xf32, #tpu.memory_space<hbm>> -> memref<10000x64xf32, #tpu.memory_space<hbm>>
        tpu.enqueue_indirect_dma source(%dma_start3A_880 : memref<10000x64xf32, #tpu.memory_space<hbm>>) target(%dma_start3A_876 : memref<80x64xf32, #tpu.memory_space<vmem>>) offsets(%dma_start3A_877 : memref<80xi32, #tpu.memory_space<vmem>>) semaphore(%arg17 : memref<!tpu.dma_semaphore, #tpu.memory_space<semaphore_mem>>)
        %dma_start3A_881 = arith.constant 1 : i32
        %dma_start3A_882 = arith.constant 0 : i32
        %dma_start3A_883 = arith.constant 0 : i32
        %dma_start3A_884 = tpu.memref_slice %arg13[%dma_start3A_881, %dma_start3A_882, %dma_start3A_883] : memref<4x80x64xf32, #tpu.memory_space<vmem>> -> memref<1x80x64xf32, #tpu.memory_space<vmem>>
        %dma_start3A_885 = tpu.memref_squeeze %dma_start3A_884 : memref<1x80x64xf32, #tpu.memory_space<vmem>> -> memref<80x64xf32, #tpu.memory_space<vmem>>
        %dma_start3A_886 = tpu.memref_slice %arg11[%mul3A_862] : memref<5120xi32, #tpu.memory_space<vmem>> -> memref<80xi32, #tpu.memory_space<vmem>>
        %dma_start3A_887 = arith.constant 0 : i32
        %dma_start3A_888 = arith.constant 0 : i32
        %dma_start3A_889 = tpu.memref_slice %arg2[%dma_start3A_887, %dma_start3A_888] : memref<10000x64xf32, #tpu.memory_space<hbm>> -> memref<10000x64xf32, #tpu.memory_space<hbm>>
        tpu.enqueue_indirect_dma source(%dma_start3A_889 : memref<10000x64xf32, #tpu.memory_space<hbm>>) target(%dma_start3A_885 : memref<80x64xf32, #tpu.memory_space<vmem>>) offsets(%dma_start3A_886 : memref<80xi32, #tpu.memory_space<vmem>>) semaphore(%arg17 : memref<!tpu.dma_semaphore, #tpu.memory_space<semaphore_mem>>)
        %dma_start3A_890 = arith.constant 1 : i32
        %dma_start3A_891 = arith.constant 0 : i32
        %dma_start3A_892 = arith.constant 0 : i32
        %dma_start3A_893 = tpu.memref_slice %arg14[%dma_start3A_890, %dma_start3A_891, %dma_start3A_892] : memref<4x80x64xf32, #tpu.memory_space<vmem>> -> memref<1x80x64xf32, #tpu.memory_space<vmem>>
        %dma_start3A_894 = tpu.memref_squeeze %dma_start3A_893 : memref<1x80x64xf32, #tpu.memory_space<vmem>> -> memref<80x64xf32, #tpu.memory_space<vmem>>
        %dma_start3A_895 = tpu.memref_slice %arg11[%mul3A_862] : memref<5120xi32, #tpu.memory_space<vmem>> -> memref<80xi32, #tpu.memory_space<vmem>>
        %dma_start3A_896 = arith.constant 0 : i32
        %dma_start3A_897 = arith.constant 0 : i32
        %dma_start3A_898 = tpu.memref_slice %arg3[%dma_start3A_896, %dma_start3A_897] : memref<10000x64xf32, #tpu.memory_space<hbm>> -> memref<10000x64xf32, #tpu.memory_space<hbm>>
        tpu.enqueue_indirect_dma source(%dma_start3A_898 : memref<10000x64xf32, #tpu.memory_space<hbm>>) target(%dma_start3A_894 : memref<80x64xf32, #tpu.memory_space<vmem>>) offsets(%dma_start3A_895 : memref<80xi32, #tpu.memory_space<vmem>>) semaphore(%arg17 : memref<!tpu.dma_semaphore, #tpu.memory_space<semaphore_mem>>)
      } else {
      }
      %lt3A_792 = arith.constant 15 : i32
      %lt3A_793 = arith.cmpi slt, %scan3A_375, %lt3A_792 : i32
      %convert_element_type3A_794 = arith.extui %lt3A_793 : i1 to i32
      %cond3A_795 = arith.constant 0 : i32
      %cond3A_796 = arith.cmpi ne, %convert_element_type3A_794, %cond3A_795 : i32
      scf.if %cond3A_796 {
        %dma_wait3A_803 = arith.constant 2 : i32
        %dma_wait3A_804 = arith.constant 0 : i32
        %dma_wait3A_805 = arith.constant 0 : i32
        %dma_wait3A_806 = tpu.memref_slice %arg12[%dma_wait3A_803, %dma_wait3A_804, %dma_wait3A_805] : memref<4x80x64xf32, #tpu.memory_space<vmem>> -> memref<1x80x64xf32, #tpu.memory_space<vmem>>
        %dma_wait3A_807 = tpu.memref_squeeze %dma_wait3A_806 : memref<1x80x64xf32, #tpu.memory_space<vmem>> -> memref<80x64xf32, #tpu.memory_space<vmem>>
        %dma_wait3A_808 = arith.constant 0 : i32
        %dma_wait3A_809 = tpu.memref_slice %arg6[%mul3A_2, %dma_wait3A_808] : memref<163840x64xf32, #tpu.memory_space<hbm>> -> memref<80x64xf32, #tpu.memory_space<hbm>>
        %dma_wait3A_810 = arith.constant 0 : i32
        %dma_wait3A_811 = tpu.memref_slice %arg6[%mul3A_2, %dma_wait3A_810] : memref<163840x64xf32, #tpu.memory_space<hbm>> -> memref<80x64xf32, #tpu.memory_space<hbm>>
        %dma_wait3A_812 = arith.constant 0 : i32
        %dma_wait3A_813 = arith.constant 0 : i32
        %dma_wait3A_814 = tpu.memref_slice %arg12[%dma_wait3A_803, %dma_wait3A_812, %dma_wait3A_813] : memref<4x80x64xf32, #tpu.memory_space<vmem>> -> memref<1x80x64xf32, #tpu.memory_space<vmem>>
        %dma_wait3A_815 = tpu.memref_squeeze %dma_wait3A_814 : memref<1x80x64xf32, #tpu.memory_space<vmem>> -> memref<80x64xf32, #tpu.memory_space<vmem>>
        tpu.wait_dma2 semaphore(%arg18 : memref<!tpu.dma_semaphore, #tpu.memory_space<semaphore_mem>>) src(%dma_wait3A_815 : memref<80x64xf32, #tpu.memory_space<vmem>>) dst(%dma_wait3A_811 : memref<80x64xf32, #tpu.memory_space<hbm>>)
        %dma_wait3A_816 = arith.constant 2 : i32
        %dma_wait3A_817 = arith.constant 0 : i32
        %dma_wait3A_818 = arith.constant 0 : i32
        %dma_wait3A_819 = tpu.memref_slice %arg12[%dma_wait3A_816, %dma_wait3A_817, %dma_wait3A_818] : memref<4x80x64xf32, #tpu.memory_space<vmem>> -> memref<1x80x64xf32, #tpu.memory_space<vmem>>
        %dma_wait3A_820 = tpu.memref_squeeze %dma_wait3A_819 : memref<1x80x64xf32, #tpu.memory_space<vmem>> -> memref<80x64xf32, #tpu.memory_space<vmem>>
        %dma_wait3A_821 = arith.constant 0 : i32
        %dma_wait3A_822 = tpu.memref_slice %arg6[%mul3A_2, %dma_wait3A_821] : memref<163840x64xf32, #tpu.memory_space<hbm>> -> memref<80x64xf32, #tpu.memory_space<hbm>>
        %dma_wait3A_823 = arith.constant 0 : i32
        %dma_wait3A_824 = tpu.memref_slice %arg6[%mul3A_2, %dma_wait3A_823] : memref<163840x64xf32, #tpu.memory_space<hbm>> -> memref<80x64xf32, #tpu.memory_space<hbm>>
        %dma_wait3A_825 = arith.constant 0 : i32
        %dma_wait3A_826 = arith.constant 0 : i32
        %dma_wait3A_827 = tpu.memref_slice %arg12[%dma_wait3A_816, %dma_wait3A_825, %dma_wait3A_826] : memref<4x80x64xf32, #tpu.memory_space<vmem>> -> memref<1x80x64xf32, #tpu.memory_space<vmem>>
        %dma_wait3A_828 = tpu.memref_squeeze %dma_wait3A_827 : memref<1x80x64xf32, #tpu.memory_space<vmem>> -> memref<80x64xf32, #tpu.memory_space<vmem>>
        tpu.wait_dma2 semaphore(%arg18 : memref<!tpu.dma_semaphore, #tpu.memory_space<semaphore_mem>>) src(%dma_wait3A_828 : memref<80x64xf32, #tpu.memory_space<vmem>>) dst(%dma_wait3A_824 : memref<80x64xf32, #tpu.memory_space<hbm>>)
        %dma_wait3A_829 = arith.constant 2 : i32
        %dma_wait3A_830 = arith.constant 0 : i32
        %dma_wait3A_831 = arith.constant 0 : i32
        %dma_wait3A_832 = tpu.memref_slice %arg12[%dma_wait3A_829, %dma_wait3A_830, %dma_wait3A_831] : memref<4x80x64xf32, #tpu.memory_space<vmem>> -> memref<1x80x64xf32, #tpu.memory_space<vmem>>
        %dma_wait3A_833 = tpu.memref_squeeze %dma_wait3A_832 : memref<1x80x64xf32, #tpu.memory_space<vmem>> -> memref<80x64xf32, #tpu.memory_space<vmem>>
        %dma_wait3A_834 = arith.constant 0 : i32
        %dma_wait3A_835 = tpu.memref_slice %arg6[%mul3A_2, %dma_wait3A_834] : memref<163840x64xf32, #tpu.memory_space<hbm>> -> memref<80x64xf32, #tpu.memory_space<hbm>>
        %dma_wait3A_836 = arith.constant 0 : i32
        %dma_wait3A_837 = tpu.memref_slice %arg6[%mul3A_2, %dma_wait3A_836] : memref<163840x64xf32, #tpu.memory_space<hbm>> -> memref<80x64xf32, #tpu.memory_space<hbm>>
        %dma_wait3A_838 = arith.constant 0 : i32
        %dma_wait3A_839 = arith.constant 0 : i32
        %dma_wait3A_840 = tpu.memref_slice %arg12[%dma_wait3A_829, %dma_wait3A_838, %dma_wait3A_839] : memref<4x80x64xf32, #tpu.memory_space<vmem>> -> memref<1x80x64xf32, #tpu.memory_space<vmem>>
        %dma_wait3A_841 = tpu.memref_squeeze %dma_wait3A_840 : memref<1x80x64xf32, #tpu.memory_space<vmem>> -> memref<80x64xf32, #tpu.memory_space<vmem>>
        tpu.wait_dma2 semaphore(%arg18 : memref<!tpu.dma_semaphore, #tpu.memory_space<semaphore_mem>>) src(%dma_wait3A_841 : memref<80x64xf32, #tpu.memory_space<vmem>>) dst(%dma_wait3A_837 : memref<80x64xf32, #tpu.memory_space<hbm>>)
        %dma_wait3A_842 = arith.constant 2 : i32
        %dma_wait3A_843 = arith.constant 0 : i32
        %dma_wait3A_844 = arith.constant 0 : i32
        %dma_wait3A_845 = tpu.memref_slice %arg12[%dma_wait3A_842, %dma_wait3A_843, %dma_wait3A_844] : memref<4x80x64xf32, #tpu.memory_space<vmem>> -> memref<1x80x64xf32, #tpu.memory_space<vmem>>
        %dma_wait3A_846 = tpu.memref_squeeze %dma_wait3A_845 : memref<1x80x64xf32, #tpu.memory_space<vmem>> -> memref<80x64xf32, #tpu.memory_space<vmem>>
        %dma_wait3A_847 = arith.constant 0 : i32
        %dma_wait3A_848 = tpu.memref_slice %arg6[%mul3A_2, %dma_wait3A_847] : memref<163840x64xf32, #tpu.memory_space<hbm>> -> memref<80x64xf32, #tpu.memory_space<hbm>>
        %dma_wait3A_849 = arith.constant 0 : i32
        %dma_wait3A_850 = tpu.memref_slice %arg6[%mul3A_2, %dma_wait3A_849] : memref<163840x64xf32, #tpu.memory_space<hbm>> -> memref<80x64xf32, #tpu.memory_space<hbm>>
        %dma_wait3A_851 = arith.constant 0 : i32
        %dma_wait3A_852 = arith.constant 0 : i32
        %dma_wait3A_853 = tpu.memref_slice %arg12[%dma_wait3A_842, %dma_wait3A_851, %dma_wait3A_852] : memref<4x80x64xf32, #tpu.memory_space<vmem>> -> memref<1x80x64xf32, #tpu.memory_space<vmem>>
        %dma_wait3A_854 = tpu.memref_squeeze %dma_wait3A_853 : memref<1x80x64xf32, #tpu.memory_space<vmem>> -> memref<80x64xf32, #tpu.memory_space<vmem>>
        tpu.wait_dma2 semaphore(%arg18 : memref<!tpu.dma_semaphore, #tpu.memory_space<semaphore_mem>>) src(%dma_wait3A_854 : memref<80x64xf32, #tpu.memory_space<vmem>>) dst(%dma_wait3A_850 : memref<80x64xf32, #tpu.memory_space<hbm>>)
        %add3A_855 = arith.constant 1 : i32
        %add3A_856 = arith.addi %scan3A_375, %add3A_855 : i32
        %mul3A_857 = arith.constant 4 : i32
        %mul3A_858 = arith.muli %mul3A_857, %add3A_856 : i32
        %add3A_859 = arith.constant 2 : i32
        %add3A_860 = arith.addi %mul3A_858, %add3A_859 : i32
        %mul3A_861 = arith.constant 80 : i32
        %mul3A_862 = arith.muli %add3A_860, %mul3A_861 : i32
        %dma_start3A_863 = arith.constant 2 : i32
        %dma_start3A_864 = arith.constant 0 : i32
        %dma_start3A_865 = arith.constant 0 : i32
        %dma_start3A_866 = tpu.memref_slice %arg12[%dma_start3A_863, %dma_start3A_864, %dma_start3A_865] : memref<4x80x64xf32, #tpu.memory_space<vmem>> -> memref<1x80x64xf32, #tpu.memory_space<vmem>>
        %dma_start3A_867 = tpu.memref_squeeze %dma_start3A_866 : memref<1x80x64xf32, #tpu.memory_space<vmem>> -> memref<80x64xf32, #tpu.memory_space<vmem>>
        %dma_start3A_868 = tpu.memref_slice %arg10[%mul3A_862] : memref<5120xi32, #tpu.memory_space<vmem>> -> memref<80xi32, #tpu.memory_space<vmem>>
        %dma_start3A_869 = arith.constant 0 : i32
        %dma_start3A_870 = arith.constant 0 : i32
        %dma_start3A_871 = tpu.memref_slice %arg2[%dma_start3A_869, %dma_start3A_870] : memref<10000x64xf32, #tpu.memory_space<hbm>> -> memref<10000x64xf32, #tpu.memory_space<hbm>>
        tpu.enqueue_indirect_dma source(%dma_start3A_871 : memref<10000x64xf32, #tpu.memory_space<hbm>>) target(%dma_start3A_867 : memref<80x64xf32, #tpu.memory_space<vmem>>) offsets(%dma_start3A_868 : memref<80xi32, #tpu.memory_space<vmem>>) semaphore(%arg18 : memref<!tpu.dma_semaphore, #tpu.memory_space<semaphore_mem>>)
        %dma_start3A_872 = arith.constant 2 : i32
        %dma_start3A_873 = arith.constant 0 : i32
        %dma_start3A_874 = arith.constant 0 : i32
        %dma_start3A_875 = tpu.memref_slice %arg15[%dma_start3A_872, %dma_start3A_873, %dma_start3A_874] : memref<4x80x64xf32, #tpu.memory_space<vmem>> -> memref<1x80x64xf32, #tpu.memory_space<vmem>>
        %dma_start3A_876 = tpu.memref_squeeze %dma_start3A_875 : memref<1x80x64xf32, #tpu.memory_space<vmem>> -> memref<80x64xf32, #tpu.memory_space<vmem>>
        %dma_start3A_877 = tpu.memref_slice %arg10[%mul3A_862] : memref<5120xi32, #tpu.memory_space<vmem>> -> memref<80xi32, #tpu.memory_space<vmem>>
        %dma_start3A_878 = arith.constant 0 : i32
        %dma_start3A_879 = arith.constant 0 : i32
        %dma_start3A_880 = tpu.memref_slice %arg3[%dma_start3A_878, %dma_start3A_879] : memref<10000x64xf32, #tpu.memory_space<hbm>> -> memref<10000x64xf32, #tpu.memory_space<hbm>>
        tpu.enqueue_indirect_dma source(%dma_start3A_880 : memref<10000x64xf32, #tpu.memory_space<hbm>>) target(%dma_start3A_876 : memref<80x64xf32, #tpu.memory_space<vmem>>) offsets(%dma_start3A_877 : memref<80xi32, #tpu.memory_space<vmem>>) semaphore(%arg18 : memref<!tpu.dma_semaphore, #tpu.memory_space<semaphore_mem>>)
        %dma_start3A_881 = arith.constant 2 : i32
        %dma_start3A_882 = arith.constant 0 : i32
        %dma_start3A_883 = arith.constant 0 : i32
        %dma_start3A_884 = tpu.memref_slice %arg13[%dma_start3A_881, %dma_start3A_882, %dma_start3A_883] : memref<4x80x64xf32, #tpu.memory_space<vmem>> -> memref<1x80x64xf32, #tpu.memory_space<vmem>>
        %dma_start3A_885 = tpu.memref_squeeze %dma_start3A_884 : memref<1x80x64xf32, #tpu.memory_space<vmem>> -> memref<80x64xf32, #tpu.memory_space<vmem>>
        %dma_start3A_886 = tpu.memref_slice %arg11[%mul3A_862] : memref<5120xi32, #tpu.memory_space<vmem>> -> memref<80xi32, #tpu.memory_space<vmem>>
        %dma_start3A_887 = arith.constant 0 : i32
        %dma_start3A_888 = arith.constant 0 : i32
        %dma_start3A_889 = tpu.memref_slice %arg2[%dma_start3A_887, %dma_start3A_888] : memref<10000x64xf32, #tpu.memory_space<hbm>> -> memref<10000x64xf32, #tpu.memory_space<hbm>>
        tpu.enqueue_indirect_dma source(%dma_start3A_889 : memref<10000x64xf32, #tpu.memory_space<hbm>>) target(%dma_start3A_885 : memref<80x64xf32, #tpu.memory_space<vmem>>) offsets(%dma_start3A_886 : memref<80xi32, #tpu.memory_space<vmem>>) semaphore(%arg18 : memref<!tpu.dma_semaphore, #tpu.memory_space<semaphore_mem>>)
        %dma_start3A_890 = arith.constant 2 : i32
        %dma_start3A_891 = arith.constant 0 : i32
        %dma_start3A_892 = arith.constant 0 : i32
        %dma_start3A_893 = tpu.memref_slice %arg14[%dma_start3A_890, %dma_start3A_891, %dma_start3A_892] : memref<4x80x64xf32, #tpu.memory_space<vmem>> -> memref<1x80x64xf32, #tpu.memory_space<vmem>>
        %dma_start3A_894 = tpu.memref_squeeze %dma_start3A_893 : memref<1x80x64xf32, #tpu.memory_space<vmem>> -> memref<80x64xf32, #tpu.memory_space<vmem>>
        %dma_start3A_895 = tpu.memref_slice %arg11[%mul3A_862] : memref<5120xi32, #tpu.memory_space<vmem>> -> memref<80xi32, #tpu.memory_space<vmem>>
        %dma_start3A_896 = arith.constant 0 : i32
        %dma_start3A_897 = arith.constant 0 : i32
        %dma_start3A_898 = tpu.memref_slice %arg3[%dma_start3A_896, %dma_start3A_897] : memref<10000x64xf32, #tpu.memory_space<hbm>> -> memref<10000x64xf32, #tpu.memory_space<hbm>>
        tpu.enqueue_indirect_dma source(%dma_start3A_898 : memref<10000x64xf32, #tpu.memory_space<hbm>>) target(%dma_start3A_894 : memref<80x64xf32, #tpu.memory_space<vmem>>) offsets(%dma_start3A_895 : memref<80xi32, #tpu.memory_space<vmem>>) semaphore(%arg18 : memref<!tpu.dma_semaphore, #tpu.memory_space<semaphore_mem>>)
      } else {
      }
      %lt3A_797 = arith.constant 15 : i32
      %lt3A_798 = arith.cmpi slt, %scan3A_375, %lt3A_797 : i32
      %convert_element_type3A_799 = arith.extui %lt3A_798 : i1 to i32
      %cond3A_800 = arith.constant 0 : i32
      %cond3A_801 = arith.cmpi ne, %convert_element_type3A_799, %cond3A_800 : i32
      scf.if %cond3A_801 {
        %dma_wait3A_803 = arith.constant 3 : i32
        %dma_wait3A_804 = arith.constant 0 : i32
        %dma_wait3A_805 = arith.constant 0 : i32
        %dma_wait3A_806 = tpu.memref_slice %arg12[%dma_wait3A_803, %dma_wait3A_804, %dma_wait3A_805] : memref<4x80x64xf32, #tpu.memory_space<vmem>> -> memref<1x80x64xf32, #tpu.memory_space<vmem>>
        %dma_wait3A_807 = tpu.memref_squeeze %dma_wait3A_806 : memref<1x80x64xf32, #tpu.memory_space<vmem>> -> memref<80x64xf32, #tpu.memory_space<vmem>>
        %dma_wait3A_808 = arith.constant 0 : i32
        %dma_wait3A_809 = tpu.memref_slice %arg6[%mul3A_2, %dma_wait3A_808] : memref<163840x64xf32, #tpu.memory_space<hbm>> -> memref<80x64xf32, #tpu.memory_space<hbm>>
        %dma_wait3A_810 = arith.constant 0 : i32
        %dma_wait3A_811 = tpu.memref_slice %arg6[%mul3A_2, %dma_wait3A_810] : memref<163840x64xf32, #tpu.memory_space<hbm>> -> memref<80x64xf32, #tpu.memory_space<hbm>>
        %dma_wait3A_812 = arith.constant 0 : i32
        %dma_wait3A_813 = arith.constant 0 : i32
        %dma_wait3A_814 = tpu.memref_slice %arg12[%dma_wait3A_803, %dma_wait3A_812, %dma_wait3A_813] : memref<4x80x64xf32, #tpu.memory_space<vmem>> -> memref<1x80x64xf32, #tpu.memory_space<vmem>>
        %dma_wait3A_815 = tpu.memref_squeeze %dma_wait3A_814 : memref<1x80x64xf32, #tpu.memory_space<vmem>> -> memref<80x64xf32, #tpu.memory_space<vmem>>
        tpu.wait_dma2 semaphore(%arg19 : memref<!tpu.dma_semaphore, #tpu.memory_space<semaphore_mem>>) src(%dma_wait3A_815 : memref<80x64xf32, #tpu.memory_space<vmem>>) dst(%dma_wait3A_811 : memref<80x64xf32, #tpu.memory_space<hbm>>)
        %dma_wait3A_816 = arith.constant 3 : i32
        %dma_wait3A_817 = arith.constant 0 : i32
        %dma_wait3A_818 = arith.constant 0 : i32
        %dma_wait3A_819 = tpu.memref_slice %arg12[%dma_wait3A_816, %dma_wait3A_817, %dma_wait3A_818] : memref<4x80x64xf32, #tpu.memory_space<vmem>> -> memref<1x80x64xf32, #tpu.memory_space<vmem>>
        %dma_wait3A_820 = tpu.memref_squeeze %dma_wait3A_819 : memref<1x80x64xf32, #tpu.memory_space<vmem>> -> memref<80x64xf32, #tpu.memory_space<vmem>>
        %dma_wait3A_821 = arith.constant 0 : i32
        %dma_wait3A_822 = tpu.memref_slice %arg6[%mul3A_2, %dma_wait3A_821] : memref<163840x64xf32, #tpu.memory_space<hbm>> -> memref<80x64xf32, #tpu.memory_space<hbm>>
        %dma_wait3A_823 = arith.constant 0 : i32
        %dma_wait3A_824 = tpu.memref_slice %arg6[%mul3A_2, %dma_wait3A_823] : memref<163840x64xf32, #tpu.memory_space<hbm>> -> memref<80x64xf32, #tpu.memory_space<hbm>>
        %dma_wait3A_825 = arith.constant 0 : i32
        %dma_wait3A_826 = arith.constant 0 : i32
        %dma_wait3A_827 = tpu.memref_slice %arg12[%dma_wait3A_816, %dma_wait3A_825, %dma_wait3A_826] : memref<4x80x64xf32, #tpu.memory_space<vmem>> -> memref<1x80x64xf32, #tpu.memory_space<vmem>>
        %dma_wait3A_828 = tpu.memref_squeeze %dma_wait3A_827 : memref<1x80x64xf32, #tpu.memory_space<vmem>> -> memref<80x64xf32, #tpu.memory_space<vmem>>
        tpu.wait_dma2 semaphore(%arg19 : memref<!tpu.dma_semaphore, #tpu.memory_space<semaphore_mem>>) src(%dma_wait3A_828 : memref<80x64xf32, #tpu.memory_space<vmem>>) dst(%dma_wait3A_824 : memref<80x64xf32, #tpu.memory_space<hbm>>)
        %dma_wait3A_829 = arith.constant 3 : i32
        %dma_wait3A_830 = arith.constant 0 : i32
        %dma_wait3A_831 = arith.constant 0 : i32
        %dma_wait3A_832 = tpu.memref_slice %arg12[%dma_wait3A_829, %dma_wait3A_830, %dma_wait3A_831] : memref<4x80x64xf32, #tpu.memory_space<vmem>> -> memref<1x80x64xf32, #tpu.memory_space<vmem>>
        %dma_wait3A_833 = tpu.memref_squeeze %dma_wait3A_832 : memref<1x80x64xf32, #tpu.memory_space<vmem>> -> memref<80x64xf32, #tpu.memory_space<vmem>>
        %dma_wait3A_834 = arith.constant 0 : i32
        %dma_wait3A_835 = tpu.memref_slice %arg6[%mul3A_2, %dma_wait3A_834] : memref<163840x64xf32, #tpu.memory_space<hbm>> -> memref<80x64xf32, #tpu.memory_space<hbm>>
        %dma_wait3A_836 = arith.constant 0 : i32
        %dma_wait3A_837 = tpu.memref_slice %arg6[%mul3A_2, %dma_wait3A_836] : memref<163840x64xf32, #tpu.memory_space<hbm>> -> memref<80x64xf32, #tpu.memory_space<hbm>>
        %dma_wait3A_838 = arith.constant 0 : i32
        %dma_wait3A_839 = arith.constant 0 : i32
        %dma_wait3A_840 = tpu.memref_slice %arg12[%dma_wait3A_829, %dma_wait3A_838, %dma_wait3A_839] : memref<4x80x64xf32, #tpu.memory_space<vmem>> -> memref<1x80x64xf32, #tpu.memory_space<vmem>>
        %dma_wait3A_841 = tpu.memref_squeeze %dma_wait3A_840 : memref<1x80x64xf32, #tpu.memory_space<vmem>> -> memref<80x64xf32, #tpu.memory_space<vmem>>
        tpu.wait_dma2 semaphore(%arg19 : memref<!tpu.dma_semaphore, #tpu.memory_space<semaphore_mem>>) src(%dma_wait3A_841 : memref<80x64xf32, #tpu.memory_space<vmem>>) dst(%dma_wait3A_837 : memref<80x64xf32, #tpu.memory_space<hbm>>)
        %dma_wait3A_842 = arith.constant 3 : i32
        %dma_wait3A_843 = arith.constant 0 : i32
        %dma_wait3A_844 = arith.constant 0 : i32
        %dma_wait3A_845 = tpu.memref_slice %arg12[%dma_wait3A_842, %dma_wait3A_843, %dma_wait3A_844] : memref<4x80x64xf32, #tpu.memory_space<vmem>> -> memref<1x80x64xf32, #tpu.memory_space<vmem>>
        %dma_wait3A_846 = tpu.memref_squeeze %dma_wait3A_845 : memref<1x80x64xf32, #tpu.memory_space<vmem>> -> memref<80x64xf32, #tpu.memory_space<vmem>>
        %dma_wait3A_847 = arith.constant 0 : i32
        %dma_wait3A_848 = tpu.memref_slice %arg6[%mul3A_2, %dma_wait3A_847] : memref<163840x64xf32, #tpu.memory_space<hbm>> -> memref<80x64xf32, #tpu.memory_space<hbm>>
        %dma_wait3A_849 = arith.constant 0 : i32
        %dma_wait3A_850 = tpu.memref_slice %arg6[%mul3A_2, %dma_wait3A_849] : memref<163840x64xf32, #tpu.memory_space<hbm>> -> memref<80x64xf32, #tpu.memory_space<hbm>>
        %dma_wait3A_851 = arith.constant 0 : i32
        %dma_wait3A_852 = arith.constant 0 : i32
        %dma_wait3A_853 = tpu.memref_slice %arg12[%dma_wait3A_842, %dma_wait3A_851, %dma_wait3A_852] : memref<4x80x64xf32, #tpu.memory_space<vmem>> -> memref<1x80x64xf32, #tpu.memory_space<vmem>>
        %dma_wait3A_854 = tpu.memref_squeeze %dma_wait3A_853 : memref<1x80x64xf32, #tpu.memory_space<vmem>> -> memref<80x64xf32, #tpu.memory_space<vmem>>
        tpu.wait_dma2 semaphore(%arg19 : memref<!tpu.dma_semaphore, #tpu.memory_space<semaphore_mem>>) src(%dma_wait3A_854 : memref<80x64xf32, #tpu.memory_space<vmem>>) dst(%dma_wait3A_850 : memref<80x64xf32, #tpu.memory_space<hbm>>)
        %add3A_855 = arith.constant 1 : i32
        %add3A_856 = arith.addi %scan3A_375, %add3A_855 : i32
        %mul3A_857 = arith.constant 4 : i32
        %mul3A_858 = arith.muli %mul3A_857, %add3A_856 : i32
        %add3A_859 = arith.constant 3 : i32
        %add3A_860 = arith.addi %mul3A_858, %add3A_859 : i32
        %mul3A_861 = arith.constant 80 : i32
        %mul3A_862 = arith.muli %add3A_860, %mul3A_861 : i32
        %dma_start3A_863 = arith.constant 3 : i32
        %dma_start3A_864 = arith.constant 0 : i32
        %dma_start3A_865 = arith.constant 0 : i32
        %dma_start3A_866 = tpu.memref_slice %arg12[%dma_start3A_863, %dma_start3A_864, %dma_start3A_865] : memref<4x80x64xf32, #tpu.memory_space<vmem>> -> memref<1x80x64xf32, #tpu.memory_space<vmem>>
        %dma_start3A_867 = tpu.memref_squeeze %dma_start3A_866 : memref<1x80x64xf32, #tpu.memory_space<vmem>> -> memref<80x64xf32, #tpu.memory_space<vmem>>
        %dma_start3A_868 = tpu.memref_slice %arg10[%mul3A_862] : memref<5120xi32, #tpu.memory_space<vmem>> -> memref<80xi32, #tpu.memory_space<vmem>>
        %dma_start3A_869 = arith.constant 0 : i32
        %dma_start3A_870 = arith.constant 0 : i32
        %dma_start3A_871 = tpu.memref_slice %arg2[%dma_start3A_869, %dma_start3A_870] : memref<10000x64xf32, #tpu.memory_space<hbm>> -> memref<10000x64xf32, #tpu.memory_space<hbm>>
        tpu.enqueue_indirect_dma source(%dma_start3A_871 : memref<10000x64xf32, #tpu.memory_space<hbm>>) target(%dma_start3A_867 : memref<80x64xf32, #tpu.memory_space<vmem>>) offsets(%dma_start3A_868 : memref<80xi32, #tpu.memory_space<vmem>>) semaphore(%arg19 : memref<!tpu.dma_semaphore, #tpu.memory_space<semaphore_mem>>)
        %dma_start3A_872 = arith.constant 3 : i32
        %dma_start3A_873 = arith.constant 0 : i32
        %dma_start3A_874 = arith.constant 0 : i32
        %dma_start3A_875 = tpu.memref_slice %arg15[%dma_start3A_872, %dma_start3A_873, %dma_start3A_874] : memref<4x80x64xf32, #tpu.memory_space<vmem>> -> memref<1x80x64xf32, #tpu.memory_space<vmem>>
        %dma_start3A_876 = tpu.memref_squeeze %dma_start3A_875 : memref<1x80x64xf32, #tpu.memory_space<vmem>> -> memref<80x64xf32, #tpu.memory_space<vmem>>
        %dma_start3A_877 = tpu.memref_slice %arg10[%mul3A_862] : memref<5120xi32, #tpu.memory_space<vmem>> -> memref<80xi32, #tpu.memory_space<vmem>>
        %dma_start3A_878 = arith.constant 0 : i32
        %dma_start3A_879 = arith.constant 0 : i32
        %dma_start3A_880 = tpu.memref_slice %arg3[%dma_start3A_878, %dma_start3A_879] : memref<10000x64xf32, #tpu.memory_space<hbm>> -> memref<10000x64xf32, #tpu.memory_space<hbm>>
        tpu.enqueue_indirect_dma source(%dma_start3A_880 : memref<10000x64xf32, #tpu.memory_space<hbm>>) target(%dma_start3A_876 : memref<80x64xf32, #tpu.memory_space<vmem>>) offsets(%dma_start3A_877 : memref<80xi32, #tpu.memory_space<vmem>>) semaphore(%arg19 : memref<!tpu.dma_semaphore, #tpu.memory_space<semaphore_mem>>)
        %dma_start3A_881 = arith.constant 3 : i32
        %dma_start3A_882 = arith.constant 0 : i32
        %dma_start3A_883 = arith.constant 0 : i32
        %dma_start3A_884 = tpu.memref_slice %arg13[%dma_start3A_881, %dma_start3A_882, %dma_start3A_883] : memref<4x80x64xf32, #tpu.memory_space<vmem>> -> memref<1x80x64xf32, #tpu.memory_space<vmem>>
        %dma_start3A_885 = tpu.memref_squeeze %dma_start3A_884 : memref<1x80x64xf32, #tpu.memory_space<vmem>> -> memref<80x64xf32, #tpu.memory_space<vmem>>
        %dma_start3A_886 = tpu.memref_slice %arg11[%mul3A_862] : memref<5120xi32, #tpu.memory_space<vmem>> -> memref<80xi32, #tpu.memory_space<vmem>>
        %dma_start3A_887 = arith.constant 0 : i32
        %dma_start3A_888 = arith.constant 0 : i32
        %dma_start3A_889 = tpu.memref_slice %arg2[%dma_start3A_887, %dma_start3A_888] : memref<10000x64xf32, #tpu.memory_space<hbm>> -> memref<10000x64xf32, #tpu.memory_space<hbm>>
        tpu.enqueue_indirect_dma source(%dma_start3A_889 : memref<10000x64xf32, #tpu.memory_space<hbm>>) target(%dma_start3A_885 : memref<80x64xf32, #tpu.memory_space<vmem>>) offsets(%dma_start3A_886 : memref<80xi32, #tpu.memory_space<vmem>>) semaphore(%arg19 : memref<!tpu.dma_semaphore, #tpu.memory_space<semaphore_mem>>)
        %dma_start3A_890 = arith.constant 3 : i32
        %dma_start3A_891 = arith.constant 0 : i32
        %dma_start3A_892 = arith.constant 0 : i32
        %dma_start3A_893 = tpu.memref_slice %arg14[%dma_start3A_890, %dma_start3A_891, %dma_start3A_892] : memref<4x80x64xf32, #tpu.memory_space<vmem>> -> memref<1x80x64xf32, #tpu.memory_space<vmem>>
        %dma_start3A_894 = tpu.memref_squeeze %dma_start3A_893 : memref<1x80x64xf32, #tpu.memory_space<vmem>> -> memref<80x64xf32, #tpu.memory_space<vmem>>
        %dma_start3A_895 = tpu.memref_slice %arg11[%mul3A_862] : memref<5120xi32, #tpu.memory_space<vmem>> -> memref<80xi32, #tpu.memory_space<vmem>>
        %dma_start3A_896 = arith.constant 0 : i32
        %dma_start3A_897 = arith.constant 0 : i32
        %dma_start3A_898 = tpu.memref_slice %arg3[%dma_start3A_896, %dma_start3A_897] : memref<10000x64xf32, #tpu.memory_space<hbm>> -> memref<10000x64xf32, #tpu.memory_space<hbm>>
        tpu.enqueue_indirect_dma source(%dma_start3A_898 : memref<10000x64xf32, #tpu.memory_space<hbm>>) target(%dma_start3A_894 : memref<80x64xf32, #tpu.memory_space<vmem>>) offsets(%dma_start3A_895 : memref<80xi32, #tpu.memory_space<vmem>>) semaphore(%arg19 : memref<!tpu.dma_semaphore, #tpu.memory_space<semaphore_mem>>)
      } else {
      }
      %scan3A_802 = arith.constant 0 : i32
      scf.yield %scan3A_802 : i32
    }
    %scan3A_167 = arith.constant 16 : i32
    %dma_wait3A = arith.constant 0 : i32
    %dma_wait3A_168 = arith.constant 0 : i32
    %dma_wait3A_169 = arith.constant 0 : i32
    %dma_wait3A_170 = tpu.memref_slice %arg12[%dma_wait3A, %dma_wait3A_168, %dma_wait3A_169] : memref<4x80x64xf32, #tpu.memory_space<vmem>> -> memref<1x80x64xf32, #tpu.memory_space<vmem>>
    %dma_wait3A_171 = tpu.memref_squeeze %dma_wait3A_170 : memref<1x80x64xf32, #tpu.memory_space<vmem>> -> memref<80x64xf32, #tpu.memory_space<vmem>>
    %dma_wait3A_172 = arith.constant 0 : i32
    %dma_wait3A_173 = tpu.memref_slice %arg6[%mul3A_2, %dma_wait3A_172] : memref<163840x64xf32, #tpu.memory_space<hbm>> -> memref<80x64xf32, #tpu.memory_space<hbm>>
    %dma_wait3A_174 = arith.constant 0 : i32
    %dma_wait3A_175 = tpu.memref_slice %arg6[%mul3A_2, %dma_wait3A_174] : memref<163840x64xf32, #tpu.memory_space<hbm>> -> memref<80x64xf32, #tpu.memory_space<hbm>>
    %dma_wait3A_176 = arith.constant 0 : i32
    %dma_wait3A_177 = arith.constant 0 : i32
    %dma_wait3A_178 = tpu.memref_slice %arg12[%dma_wait3A, %dma_wait3A_176, %dma_wait3A_177] : memref<4x80x64xf32, #tpu.memory_space<vmem>> -> memref<1x80x64xf32, #tpu.memory_space<vmem>>
    %dma_wait3A_179 = tpu.memref_squeeze %dma_wait3A_178 : memref<1x80x64xf32, #tpu.memory_space<vmem>> -> memref<80x64xf32, #tpu.memory_space<vmem>>
    tpu.wait_dma2 semaphore(%arg16 : memref<!tpu.dma_semaphore, #tpu.memory_space<semaphore_mem>>) src(%dma_wait3A_179 : memref<80x64xf32, #tpu.memory_space<vmem>>) dst(%dma_wait3A_175 : memref<80x64xf32, #tpu.memory_space<hbm>>)
    %dma_wait3A_180 = arith.constant 0 : i32
    %dma_wait3A_181 = arith.constant 0 : i32
    %dma_wait3A_182 = arith.constant 0 : i32
    %dma_wait3A_183 = tpu.memref_slice %arg12[%dma_wait3A_180, %dma_wait3A_181, %dma_wait3A_182] : memref<4x80x64xf32, #tpu.memory_space<vmem>> -> memref<1x80x64xf32, #tpu.memory_space<vmem>>
    %dma_wait3A_184 = tpu.memref_squeeze %dma_wait3A_183 : memref<1x80x64xf32, #tpu.memory_space<vmem>> -> memref<80x64xf32, #tpu.memory_space<vmem>>
    %dma_wait3A_185 = arith.constant 0 : i32
    %dma_wait3A_186 = tpu.memref_slice %arg6[%mul3A_2, %dma_wait3A_185] : memref<163840x64xf32, #tpu.memory_space<hbm>> -> memref<80x64xf32, #tpu.memory_space<hbm>>
    %dma_wait3A_187 = arith.constant 0 : i32
    %dma_wait3A_188 = tpu.memref_slice %arg6[%mul3A_2, %dma_wait3A_187] : memref<163840x64xf32, #tpu.memory_space<hbm>> -> memref<80x64xf32, #tpu.memory_space<hbm>>
    %dma_wait3A_189 = arith.constant 0 : i32
    %dma_wait3A_190 = arith.constant 0 : i32
    %dma_wait3A_191 = tpu.memref_slice %arg12[%dma_wait3A_180, %dma_wait3A_189, %dma_wait3A_190] : memref<4x80x64xf32, #tpu.memory_space<vmem>> -> memref<1x80x64xf32, #tpu.memory_space<vmem>>
    %dma_wait3A_192 = tpu.memref_squeeze %dma_wait3A_191 : memref<1x80x64xf32, #tpu.memory_space<vmem>> -> memref<80x64xf32, #tpu.memory_space<vmem>>
    tpu.wait_dma2 semaphore(%arg16 : memref<!tpu.dma_semaphore, #tpu.memory_space<semaphore_mem>>) src(%dma_wait3A_192 : memref<80x64xf32, #tpu.memory_space<vmem>>) dst(%dma_wait3A_188 : memref<80x64xf32, #tpu.memory_space<hbm>>)
    %dma_wait3A_193 = arith.constant 0 : i32
    %dma_wait3A_194 = arith.constant 0 : i32
    %dma_wait3A_195 = arith.constant 0 : i32
    %dma_wait3A_196 = tpu.memref_slice %arg12[%dma_wait3A_193, %dma_wait3A_194, %dma_wait3A_195] : memref<4x80x64xf32, #tpu.memory_space<vmem>> -> memref<1x80x64xf32, #tpu.memory_space<vmem>>
    %dma_wait3A_197 = tpu.memref_squeeze %dma_wait3A_196 : memref<1x80x64xf32, #tpu.memory_space<vmem>> -> memref<80x64xf32, #tpu.memory_space<vmem>>
    %dma_wait3A_198 = arith.constant 0 : i32
    %dma_wait3A_199 = tpu.memref_slice %arg6[%mul3A_2, %dma_wait3A_198] : memref<163840x64xf32, #tpu.memory_space<hbm>> -> memref<80x64xf32, #tpu.memory_space<hbm>>
    %dma_wait3A_200 = arith.constant 0 : i32
    %dma_wait3A_201 = tpu.memref_slice %arg6[%mul3A_2, %dma_wait3A_200] : memref<163840x64xf32, #tpu.memory_space<hbm>> -> memref<80x64xf32, #tpu.memory_space<hbm>>
    %dma_wait3A_202 = arith.constant 0 : i32
    %dma_wait3A_203 = arith.constant 0 : i32
    %dma_wait3A_204 = tpu.memref_slice %arg12[%dma_wait3A_193, %dma_wait3A_202, %dma_wait3A_203] : memref<4x80x64xf32, #tpu.memory_space<vmem>> -> memref<1x80x64xf32, #tpu.memory_space<vmem>>
    %dma_wait3A_205 = tpu.memref_squeeze %dma_wait3A_204 : memref<1x80x64xf32, #tpu.memory_space<vmem>> -> memref<80x64xf32, #tpu.memory_space<vmem>>
    tpu.wait_dma2 semaphore(%arg16 : memref<!tpu.dma_semaphore, #tpu.memory_space<semaphore_mem>>) src(%dma_wait3A_205 : memref<80x64xf32, #tpu.memory_space<vmem>>) dst(%dma_wait3A_201 : memref<80x64xf32, #tpu.memory_space<hbm>>)
    %dma_wait3A_206 = arith.constant 0 : i32
    %dma_wait3A_207 = arith.constant 0 : i32
    %dma_wait3A_208 = arith.constant 0 : i32
    %dma_wait3A_209 = tpu.memref_slice %arg12[%dma_wait3A_206, %dma_wait3A_207, %dma_wait3A_208] : memref<4x80x64xf32, #tpu.memory_space<vmem>> -> memref<1x80x64xf32, #tpu.memory_space<vmem>>
    %dma_wait3A_210 = tpu.memref_squeeze %dma_wait3A_209 : memref<1x80x64xf32, #tpu.memory_space<vmem>> -> memref<80x64xf32, #tpu.memory_space<vmem>>
    %dma_wait3A_211 = arith.constant 0 : i32
    %dma_wait3A_212 = tpu.memref_slice %arg6[%mul3A_2, %dma_wait3A_211] : memref<163840x64xf32, #tpu.memory_space<hbm>> -> memref<80x64xf32, #tpu.memory_space<hbm>>
    %dma_wait3A_213 = arith.constant 0 : i32
    %dma_wait3A_214 = tpu.memref_slice %arg6[%mul3A_2, %dma_wait3A_213] : memref<163840x64xf32, #tpu.memory_space<hbm>> -> memref<80x64xf32, #tpu.memory_space<hbm>>
    %dma_wait3A_215 = arith.constant 0 : i32
    %dma_wait3A_216 = arith.constant 0 : i32
    %dma_wait3A_217 = tpu.memref_slice %arg12[%dma_wait3A_206, %dma_wait3A_215, %dma_wait3A_216] : memref<4x80x64xf32, #tpu.memory_space<vmem>> -> memref<1x80x64xf32, #tpu.memory_space<vmem>>
    %dma_wait3A_218 = tpu.memref_squeeze %dma_wait3A_217 : memref<1x80x64xf32, #tpu.memory_space<vmem>> -> memref<80x64xf32, #tpu.memory_space<vmem>>
    tpu.wait_dma2 semaphore(%arg16 : memref<!tpu.dma_semaphore, #tpu.memory_space<semaphore_mem>>) src(%dma_wait3A_218 : memref<80x64xf32, #tpu.memory_space<vmem>>) dst(%dma_wait3A_214 : memref<80x64xf32, #tpu.memory_space<hbm>>)
    %dma_wait3A_219 = arith.constant 1 : i32
    %dma_wait3A_220 = arith.constant 0 : i32
    %dma_wait3A_221 = arith.constant 0 : i32
    %dma_wait3A_222 = tpu.memref_slice %arg12[%dma_wait3A_219, %dma_wait3A_220, %dma_wait3A_221] : memref<4x80x64xf32, #tpu.memory_space<vmem>> -> memref<1x80x64xf32, #tpu.memory_space<vmem>>
    %dma_wait3A_223 = tpu.memref_squeeze %dma_wait3A_222 : memref<1x80x64xf32, #tpu.memory_space<vmem>> -> memref<80x64xf32, #tpu.memory_space<vmem>>
    %dma_wait3A_224 = arith.constant 0 : i32
    %dma_wait3A_225 = tpu.memref_slice %arg6[%mul3A_2, %dma_wait3A_224] : memref<163840x64xf32, #tpu.memory_space<hbm>> -> memref<80x64xf32, #tpu.memory_space<hbm>>
    %dma_wait3A_226 = arith.constant 0 : i32
    %dma_wait3A_227 = tpu.memref_slice %arg6[%mul3A_2, %dma_wait3A_226] : memref<163840x64xf32, #tpu.memory_space<hbm>> -> memref<80x64xf32, #tpu.memory_space<hbm>>
    %dma_wait3A_228 = arith.constant 0 : i32
    %dma_wait3A_229 = arith.constant 0 : i32
    %dma_wait3A_230 = tpu.memref_slice %arg12[%dma_wait3A_219, %dma_wait3A_228, %dma_wait3A_229] : memref<4x80x64xf32, #tpu.memory_space<vmem>> -> memref<1x80x64xf32, #tpu.memory_space<vmem>>
    %dma_wait3A_231 = tpu.memref_squeeze %dma_wait3A_230 : memref<1x80x64xf32, #tpu.memory_space<vmem>> -> memref<80x64xf32, #tpu.memory_space<vmem>>
    tpu.wait_dma2 semaphore(%arg17 : memref<!tpu.dma_semaphore, #tpu.memory_space<semaphore_mem>>) src(%dma_wait3A_231 : memref<80x64xf32, #tpu.memory_space<vmem>>) dst(%dma_wait3A_227 : memref<80x64xf32, #tpu.memory_space<hbm>>)
    %dma_wait3A_232 = arith.constant 1 : i32
    %dma_wait3A_233 = arith.constant 0 : i32
    %dma_wait3A_234 = arith.constant 0 : i32
    %dma_wait3A_235 = tpu.memref_slice %arg12[%dma_wait3A_232, %dma_wait3A_233, %dma_wait3A_234] : memref<4x80x64xf32, #tpu.memory_space<vmem>> -> memref<1x80x64xf32, #tpu.memory_space<vmem>>
    %dma_wait3A_236 = tpu.memref_squeeze %dma_wait3A_235 : memref<1x80x64xf32, #tpu.memory_space<vmem>> -> memref<80x64xf32, #tpu.memory_space<vmem>>
    %dma_wait3A_237 = arith.constant 0 : i32
    %dma_wait3A_238 = tpu.memref_slice %arg6[%mul3A_2, %dma_wait3A_237] : memref<163840x64xf32, #tpu.memory_space<hbm>> -> memref<80x64xf32, #tpu.memory_space<hbm>>
    %dma_wait3A_239 = arith.constant 0 : i32
    %dma_wait3A_240 = tpu.memref_slice %arg6[%mul3A_2, %dma_wait3A_239] : memref<163840x64xf32, #tpu.memory_space<hbm>> -> memref<80x64xf32, #tpu.memory_space<hbm>>
    %dma_wait3A_241 = arith.constant 0 : i32
    %dma_wait3A_242 = arith.constant 0 : i32
    %dma_wait3A_243 = tpu.memref_slice %arg12[%dma_wait3A_232, %dma_wait3A_241, %dma_wait3A_242] : memref<4x80x64xf32, #tpu.memory_space<vmem>> -> memref<1x80x64xf32, #tpu.memory_space<vmem>>
    %dma_wait3A_244 = tpu.memref_squeeze %dma_wait3A_243 : memref<1x80x64xf32, #tpu.memory_space<vmem>> -> memref<80x64xf32, #tpu.memory_space<vmem>>
    tpu.wait_dma2 semaphore(%arg17 : memref<!tpu.dma_semaphore, #tpu.memory_space<semaphore_mem>>) src(%dma_wait3A_244 : memref<80x64xf32, #tpu.memory_space<vmem>>) dst(%dma_wait3A_240 : memref<80x64xf32, #tpu.memory_space<hbm>>)
    %dma_wait3A_245 = arith.constant 1 : i32
    %dma_wait3A_246 = arith.constant 0 : i32
    %dma_wait3A_247 = arith.constant 0 : i32
    %dma_wait3A_248 = tpu.memref_slice %arg12[%dma_wait3A_245, %dma_wait3A_246, %dma_wait3A_247] : memref<4x80x64xf32, #tpu.memory_space<vmem>> -> memref<1x80x64xf32, #tpu.memory_space<vmem>>
    %dma_wait3A_249 = tpu.memref_squeeze %dma_wait3A_248 : memref<1x80x64xf32, #tpu.memory_space<vmem>> -> memref<80x64xf32, #tpu.memory_space<vmem>>
    %dma_wait3A_250 = arith.constant 0 : i32
    %dma_wait3A_251 = tpu.memref_slice %arg6[%mul3A_2, %dma_wait3A_250] : memref<163840x64xf32, #tpu.memory_space<hbm>> -> memref<80x64xf32, #tpu.memory_space<hbm>>
    %dma_wait3A_252 = arith.constant 0 : i32
    %dma_wait3A_253 = tpu.memref_slice %arg6[%mul3A_2, %dma_wait3A_252] : memref<163840x64xf32, #tpu.memory_space<hbm>> -> memref<80x64xf32, #tpu.memory_space<hbm>>
    %dma_wait3A_254 = arith.constant 0 : i32
    %dma_wait3A_255 = arith.constant 0 : i32
    %dma_wait3A_256 = tpu.memref_slice %arg12[%dma_wait3A_245, %dma_wait3A_254, %dma_wait3A_255] : memref<4x80x64xf32, #tpu.memory_space<vmem>> -> memref<1x80x64xf32, #tpu.memory_space<vmem>>
    %dma_wait3A_257 = tpu.memref_squeeze %dma_wait3A_256 : memref<1x80x64xf32, #tpu.memory_space<vmem>> -> memref<80x64xf32, #tpu.memory_space<vmem>>
    tpu.wait_dma2 semaphore(%arg17 : memref<!tpu.dma_semaphore, #tpu.memory_space<semaphore_mem>>) src(%dma_wait3A_257 : memref<80x64xf32, #tpu.memory_space<vmem>>) dst(%dma_wait3A_253 : memref<80x64xf32, #tpu.memory_space<hbm>>)
    %dma_wait3A_258 = arith.constant 1 : i32
    %dma_wait3A_259 = arith.constant 0 : i32
    %dma_wait3A_260 = arith.constant 0 : i32
    %dma_wait3A_261 = tpu.memref_slice %arg12[%dma_wait3A_258, %dma_wait3A_259, %dma_wait3A_260] : memref<4x80x64xf32, #tpu.memory_space<vmem>> -> memref<1x80x64xf32, #tpu.memory_space<vmem>>
    %dma_wait3A_262 = tpu.memref_squeeze %dma_wait3A_261 : memref<1x80x64xf32, #tpu.memory_space<vmem>> -> memref<80x64xf32, #tpu.memory_space<vmem>>
    %dma_wait3A_263 = arith.constant 0 : i32
    %dma_wait3A_264 = tpu.memref_slice %arg6[%mul3A_2, %dma_wait3A_263] : memref<163840x64xf32, #tpu.memory_space<hbm>> -> memref<80x64xf32, #tpu.memory_space<hbm>>
    %dma_wait3A_265 = arith.constant 0 : i32
    %dma_wait3A_266 = tpu.memref_slice %arg6[%mul3A_2, %dma_wait3A_265] : memref<163840x64xf32, #tpu.memory_space<hbm>> -> memref<80x64xf32, #tpu.memory_space<hbm>>
    %dma_wait3A_267 = arith.constant 0 : i32
    %dma_wait3A_268 = arith.constant 0 : i32
    %dma_wait3A_269 = tpu.memref_slice %arg12[%dma_wait3A_258, %dma_wait3A_267, %dma_wait3A_268] : memref<4x80x64xf32, #tpu.memory_space<vmem>> -> memref<1x80x64xf32, #tpu.memory_space<vmem>>
    %dma_wait3A_270 = tpu.memref_squeeze %dma_wait3A_269 : memref<1x80x64xf32, #tpu.memory_space<vmem>> -> memref<80x64xf32, #tpu.memory_space<vmem>>
    tpu.wait_dma2 semaphore(%arg17 : memref<!tpu.dma_semaphore, #tpu.memory_space<semaphore_mem>>) src(%dma_wait3A_270 : memref<80x64xf32, #tpu.memory_space<vmem>>) dst(%dma_wait3A_266 : memref<80x64xf32, #tpu.memory_space<hbm>>)
    %dma_wait3A_271 = arith.constant 2 : i32
    %dma_wait3A_272 = arith.constant 0 : i32
    %dma_wait3A_273 = arith.constant 0 : i32
    %dma_wait3A_274 = tpu.memref_slice %arg12[%dma_wait3A_271, %dma_wait3A_272, %dma_wait3A_273] : memref<4x80x64xf32, #tpu.memory_space<vmem>> -> memref<1x80x64xf32, #tpu.memory_space<vmem>>
    %dma_wait3A_275 = tpu.memref_squeeze %dma_wait3A_274 : memref<1x80x64xf32, #tpu.memory_space<vmem>> -> memref<80x64xf32, #tpu.memory_space<vmem>>
    %dma_wait3A_276 = arith.constant 0 : i32
    %dma_wait3A_277 = tpu.memref_slice %arg6[%mul3A_2, %dma_wait3A_276] : memref<163840x64xf32, #tpu.memory_space<hbm>> -> memref<80x64xf32, #tpu.memory_space<hbm>>
    %dma_wait3A_278 = arith.constant 0 : i32
    %dma_wait3A_279 = tpu.memref_slice %arg6[%mul3A_2, %dma_wait3A_278] : memref<163840x64xf32, #tpu.memory_space<hbm>> -> memref<80x64xf32, #tpu.memory_space<hbm>>
    %dma_wait3A_280 = arith.constant 0 : i32
    %dma_wait3A_281 = arith.constant 0 : i32
    %dma_wait3A_282 = tpu.memref_slice %arg12[%dma_wait3A_271, %dma_wait3A_280, %dma_wait3A_281] : memref<4x80x64xf32, #tpu.memory_space<vmem>> -> memref<1x80x64xf32, #tpu.memory_space<vmem>>
    %dma_wait3A_283 = tpu.memref_squeeze %dma_wait3A_282 : memref<1x80x64xf32, #tpu.memory_space<vmem>> -> memref<80x64xf32, #tpu.memory_space<vmem>>
    tpu.wait_dma2 semaphore(%arg18 : memref<!tpu.dma_semaphore, #tpu.memory_space<semaphore_mem>>) src(%dma_wait3A_283 : memref<80x64xf32, #tpu.memory_space<vmem>>) dst(%dma_wait3A_279 : memref<80x64xf32, #tpu.memory_space<hbm>>)
    %dma_wait3A_284 = arith.constant 2 : i32
    %dma_wait3A_285 = arith.constant 0 : i32
    %dma_wait3A_286 = arith.constant 0 : i32
    %dma_wait3A_287 = tpu.memref_slice %arg12[%dma_wait3A_284, %dma_wait3A_285, %dma_wait3A_286] : memref<4x80x64xf32, #tpu.memory_space<vmem>> -> memref<1x80x64xf32, #tpu.memory_space<vmem>>
    %dma_wait3A_288 = tpu.memref_squeeze %dma_wait3A_287 : memref<1x80x64xf32, #tpu.memory_space<vmem>> -> memref<80x64xf32, #tpu.memory_space<vmem>>
    %dma_wait3A_289 = arith.constant 0 : i32
    %dma_wait3A_290 = tpu.memref_slice %arg6[%mul3A_2, %dma_wait3A_289] : memref<163840x64xf32, #tpu.memory_space<hbm>> -> memref<80x64xf32, #tpu.memory_space<hbm>>
    %dma_wait3A_291 = arith.constant 0 : i32
    %dma_wait3A_292 = tpu.memref_slice %arg6[%mul3A_2, %dma_wait3A_291] : memref<163840x64xf32, #tpu.memory_space<hbm>> -> memref<80x64xf32, #tpu.memory_space<hbm>>
    %dma_wait3A_293 = arith.constant 0 : i32
    %dma_wait3A_294 = arith.constant 0 : i32
    %dma_wait3A_295 = tpu.memref_slice %arg12[%dma_wait3A_284, %dma_wait3A_293, %dma_wait3A_294] : memref<4x80x64xf32, #tpu.memory_space<vmem>> -> memref<1x80x64xf32, #tpu.memory_space<vmem>>
    %dma_wait3A_296 = tpu.memref_squeeze %dma_wait3A_295 : memref<1x80x64xf32, #tpu.memory_space<vmem>> -> memref<80x64xf32, #tpu.memory_space<vmem>>
    tpu.wait_dma2 semaphore(%arg18 : memref<!tpu.dma_semaphore, #tpu.memory_space<semaphore_mem>>) src(%dma_wait3A_296 : memref<80x64xf32, #tpu.memory_space<vmem>>) dst(%dma_wait3A_292 : memref<80x64xf32, #tpu.memory_space<hbm>>)
    %dma_wait3A_297 = arith.constant 2 : i32
    %dma_wait3A_298 = arith.constant 0 : i32
    %dma_wait3A_299 = arith.constant 0 : i32
    %dma_wait3A_300 = tpu.memref_slice %arg12[%dma_wait3A_297, %dma_wait3A_298, %dma_wait3A_299] : memref<4x80x64xf32, #tpu.memory_space<vmem>> -> memref<1x80x64xf32, #tpu.memory_space<vmem>>
    %dma_wait3A_301 = tpu.memref_squeeze %dma_wait3A_300 : memref<1x80x64xf32, #tpu.memory_space<vmem>> -> memref<80x64xf32, #tpu.memory_space<vmem>>
    %dma_wait3A_302 = arith.constant 0 : i32
    %dma_wait3A_303 = tpu.memref_slice %arg6[%mul3A_2, %dma_wait3A_302] : memref<163840x64xf32, #tpu.memory_space<hbm>> -> memref<80x64xf32, #tpu.memory_space<hbm>>
    %dma_wait3A_304 = arith.constant 0 : i32
    %dma_wait3A_305 = tpu.memref_slice %arg6[%mul3A_2, %dma_wait3A_304] : memref<163840x64xf32, #tpu.memory_space<hbm>> -> memref<80x64xf32, #tpu.memory_space<hbm>>
    %dma_wait3A_306 = arith.constant 0 : i32
    %dma_wait3A_307 = arith.constant 0 : i32
    %dma_wait3A_308 = tpu.memref_slice %arg12[%dma_wait3A_297, %dma_wait3A_306, %dma_wait3A_307] : memref<4x80x64xf32, #tpu.memory_space<vmem>> -> memref<1x80x64xf32, #tpu.memory_space<vmem>>
    %dma_wait3A_309 = tpu.memref_squeeze %dma_wait3A_308 : memref<1x80x64xf32, #tpu.memory_space<vmem>> -> memref<80x64xf32, #tpu.memory_space<vmem>>
    tpu.wait_dma2 semaphore(%arg18 : memref<!tpu.dma_semaphore, #tpu.memory_space<semaphore_mem>>) src(%dma_wait3A_309 : memref<80x64xf32, #tpu.memory_space<vmem>>) dst(%dma_wait3A_305 : memref<80x64xf32, #tpu.memory_space<hbm>>)
    %dma_wait3A_310 = arith.constant 2 : i32
    %dma_wait3A_311 = arith.constant 0 : i32
    %dma_wait3A_312 = arith.constant 0 : i32
    %dma_wait3A_313 = tpu.memref_slice %arg12[%dma_wait3A_310, %dma_wait3A_311, %dma_wait3A_312] : memref<4x80x64xf32, #tpu.memory_space<vmem>> -> memref<1x80x64xf32, #tpu.memory_space<vmem>>
    %dma_wait3A_314 = tpu.memref_squeeze %dma_wait3A_313 : memref<1x80x64xf32, #tpu.memory_space<vmem>> -> memref<80x64xf32, #tpu.memory_space<vmem>>
    %dma_wait3A_315 = arith.constant 0 : i32
    %dma_wait3A_316 = tpu.memref_slice %arg6[%mul3A_2, %dma_wait3A_315] : memref<163840x64xf32, #tpu.memory_space<hbm>> -> memref<80x64xf32, #tpu.memory_space<hbm>>
    %dma_wait3A_317 = arith.constant 0 : i32
    %dma_wait3A_318 = tpu.memref_slice %arg6[%mul3A_2, %dma_wait3A_317] : memref<163840x64xf32, #tpu.memory_space<hbm>> -> memref<80x64xf32, #tpu.memory_space<hbm>>
    %dma_wait3A_319 = arith.constant 0 : i32
    %dma_wait3A_320 = arith.constant 0 : i32
    %dma_wait3A_321 = tpu.memref_slice %arg12[%dma_wait3A_310, %dma_wait3A_319, %dma_wait3A_320] : memref<4x80x64xf32, #tpu.memory_space<vmem>> -> memref<1x80x64xf32, #tpu.memory_space<vmem>>
    %dma_wait3A_322 = tpu.memref_squeeze %dma_wait3A_321 : memref<1x80x64xf32, #tpu.memory_space<vmem>> -> memref<80x64xf32, #tpu.memory_space<vmem>>
    tpu.wait_dma2 semaphore(%arg18 : memref<!tpu.dma_semaphore, #tpu.memory_space<semaphore_mem>>) src(%dma_wait3A_322 : memref<80x64xf32, #tpu.memory_space<vmem>>) dst(%dma_wait3A_318 : memref<80x64xf32, #tpu.memory_space<hbm>>)
    %dma_wait3A_323 = arith.constant 3 : i32
    %dma_wait3A_324 = arith.constant 0 : i32
    %dma_wait3A_325 = arith.constant 0 : i32
    %dma_wait3A_326 = tpu.memref_slice %arg12[%dma_wait3A_323, %dma_wait3A_324, %dma_wait3A_325] : memref<4x80x64xf32, #tpu.memory_space<vmem>> -> memref<1x80x64xf32, #tpu.memory_space<vmem>>
    %dma_wait3A_327 = tpu.memref_squeeze %dma_wait3A_326 : memref<1x80x64xf32, #tpu.memory_space<vmem>> -> memref<80x64xf32, #tpu.memory_space<vmem>>
    %dma_wait3A_328 = arith.constant 0 : i32
    %dma_wait3A_329 = tpu.memref_slice %arg6[%mul3A_2, %dma_wait3A_328] : memref<163840x64xf32, #tpu.memory_space<hbm>> -> memref<80x64xf32, #tpu.memory_space<hbm>>
    %dma_wait3A_330 = arith.constant 0 : i32
    %dma_wait3A_331 = tpu.memref_slice %arg6[%mul3A_2, %dma_wait3A_330] : memref<163840x64xf32, #tpu.memory_space<hbm>> -> memref<80x64xf32, #tpu.memory_space<hbm>>
    %dma_wait3A_332 = arith.constant 0 : i32
    %dma_wait3A_333 = arith.constant 0 : i32
    %dma_wait3A_334 = tpu.memref_slice %arg12[%dma_wait3A_323, %dma_wait3A_332, %dma_wait3A_333] : memref<4x80x64xf32, #tpu.memory_space<vmem>> -> memref<1x80x64xf32, #tpu.memory_space<vmem>>
    %dma_wait3A_335 = tpu.memref_squeeze %dma_wait3A_334 : memref<1x80x64xf32, #tpu.memory_space<vmem>> -> memref<80x64xf32, #tpu.memory_space<vmem>>
    tpu.wait_dma2 semaphore(%arg19 : memref<!tpu.dma_semaphore, #tpu.memory_space<semaphore_mem>>) src(%dma_wait3A_335 : memref<80x64xf32, #tpu.memory_space<vmem>>) dst(%dma_wait3A_331 : memref<80x64xf32, #tpu.memory_space<hbm>>)
    %dma_wait3A_336 = arith.constant 3 : i32
    %dma_wait3A_337 = arith.constant 0 : i32
    %dma_wait3A_338 = arith.constant 0 : i32
    %dma_wait3A_339 = tpu.memref_slice %arg12[%dma_wait3A_336, %dma_wait3A_337, %dma_wait3A_338] : memref<4x80x64xf32, #tpu.memory_space<vmem>> -> memref<1x80x64xf32, #tpu.memory_space<vmem>>
    %dma_wait3A_340 = tpu.memref_squeeze %dma_wait3A_339 : memref<1x80x64xf32, #tpu.memory_space<vmem>> -> memref<80x64xf32, #tpu.memory_space<vmem>>
    %dma_wait3A_341 = arith.constant 0 : i32
    %dma_wait3A_342 = tpu.memref_slice %arg6[%mul3A_2, %dma_wait3A_341] : memref<163840x64xf32, #tpu.memory_space<hbm>> -> memref<80x64xf32, #tpu.memory_space<hbm>>
    %dma_wait3A_343 = arith.constant 0 : i32
    %dma_wait3A_344 = tpu.memref_slice %arg6[%mul3A_2, %dma_wait3A_343] : memref<163840x64xf32, #tpu.memory_space<hbm>> -> memref<80x64xf32, #tpu.memory_space<hbm>>
    %dma_wait3A_345 = arith.constant 0 : i32
    %dma_wait3A_346 = arith.constant 0 : i32
    %dma_wait3A_347 = tpu.memref_slice %arg12[%dma_wait3A_336, %dma_wait3A_345, %dma_wait3A_346] : memref<4x80x64xf32, #tpu.memory_space<vmem>> -> memref<1x80x64xf32, #tpu.memory_space<vmem>>
    %dma_wait3A_348 = tpu.memref_squeeze %dma_wait3A_347 : memref<1x80x64xf32, #tpu.memory_space<vmem>> -> memref<80x64xf32, #tpu.memory_space<vmem>>
    tpu.wait_dma2 semaphore(%arg19 : memref<!tpu.dma_semaphore, #tpu.memory_space<semaphore_mem>>) src(%dma_wait3A_348 : memref<80x64xf32, #tpu.memory_space<vmem>>) dst(%dma_wait3A_344 : memref<80x64xf32, #tpu.memory_space<hbm>>)
    %dma_wait3A_349 = arith.constant 3 : i32
    %dma_wait3A_350 = arith.constant 0 : i32
    %dma_wait3A_351 = arith.constant 0 : i32
    %dma_wait3A_352 = tpu.memref_slice %arg12[%dma_wait3A_349, %dma_wait3A_350, %dma_wait3A_351] : memref<4x80x64xf32, #tpu.memory_space<vmem>> -> memref<1x80x64xf32, #tpu.memory_space<vmem>>
    %dma_wait3A_353 = tpu.memref_squeeze %dma_wait3A_352 : memref<1x80x64xf32, #tpu.memory_space<vmem>> -> memref<80x64xf32, #tpu.memory_space<vmem>>
    %dma_wait3A_354 = arith.constant 0 : i32
    %dma_wait3A_355 = tpu.memref_slice %arg6[%mul3A_2, %dma_wait3A_354] : memref<163840x64xf32, #tpu.memory_space<hbm>> -> memref<80x64xf32, #tpu.memory_space<hbm>>
    %dma_wait3A_356 = arith.constant 0 : i32
    %dma_wait3A_357 = tpu.memref_slice %arg6[%mul3A_2, %dma_wait3A_356] : memref<163840x64xf32, #tpu.memory_space<hbm>> -> memref<80x64xf32, #tpu.memory_space<hbm>>
    %dma_wait3A_358 = arith.constant 0 : i32
    %dma_wait3A_359 = arith.constant 0 : i32
    %dma_wait3A_360 = tpu.memref_slice %arg12[%dma_wait3A_349, %dma_wait3A_358, %dma_wait3A_359] : memref<4x80x64xf32, #tpu.memory_space<vmem>> -> memref<1x80x64xf32, #tpu.memory_space<vmem>>
    %dma_wait3A_361 = tpu.memref_squeeze %dma_wait3A_360 : memref<1x80x64xf32, #tpu.memory_space<vmem>> -> memref<80x64xf32, #tpu.memory_space<vmem>>
    tpu.wait_dma2 semaphore(%arg19 : memref<!tpu.dma_semaphore, #tpu.memory_space<semaphore_mem>>) src(%dma_wait3A_361 : memref<80x64xf32, #tpu.memory_space<vmem>>) dst(%dma_wait3A_357 : memref<80x64xf32, #tpu.memory_space<hbm>>)
    %dma_wait3A_362 = arith.constant 3 : i32
    %dma_wait3A_363 = arith.constant 0 : i32
    %dma_wait3A_364 = arith.constant 0 : i32
    %dma_wait3A_365 = tpu.memref_slice %arg12[%dma_wait3A_362, %dma_wait3A_363, %dma_wait3A_364] : memref<4x80x64xf32, #tpu.memory_space<vmem>> -> memref<1x80x64xf32, #tpu.memory_space<vmem>>
    %dma_wait3A_366 = tpu.memref_squeeze %dma_wait3A_365 : memref<1x80x64xf32, #tpu.memory_space<vmem>> -> memref<80x64xf32, #tpu.memory_space<vmem>>
    %dma_wait3A_367 = arith.constant 0 : i32
    %dma_wait3A_368 = tpu.memref_slice %arg6[%mul3A_2, %dma_wait3A_367] : memref<163840x64xf32, #tpu.memory_space<hbm>> -> memref<80x64xf32, #tpu.memory_space<hbm>>
    %dma_wait3A_369 = arith.constant 0 : i32
    %dma_wait3A_370 = tpu.memref_slice %arg6[%mul3A_2, %dma_wait3A_369] : memref<163840x64xf32, #tpu.memory_space<hbm>> -> memref<80x64xf32, #tpu.memory_space<hbm>>
    %dma_wait3A_371 = arith.constant 0 : i32
    %dma_wait3A_372 = arith.constant 0 : i32
    %dma_wait3A_373 = tpu.memref_slice %arg12[%dma_wait3A_362, %dma_wait3A_371, %dma_wait3A_372] : memref<4x80x64xf32, #tpu.memory_space<vmem>> -> memref<1x80x64xf32, #tpu.memory_space<vmem>>
    %dma_wait3A_374 = tpu.memref_squeeze %dma_wait3A_373 : memref<1x80x64xf32, #tpu.memory_space<vmem>> -> memref<80x64xf32, #tpu.memory_space<vmem>>
    tpu.wait_dma2 semaphore(%arg19 : memref<!tpu.dma_semaphore, #tpu.memory_space<semaphore_mem>>) src(%dma_wait3A_374 : memref<80x64xf32, #tpu.memory_space<vmem>>) dst(%dma_wait3A_370 : memref<80x64xf32, #tpu.memory_space<hbm>>)
    return
  }
}

module attributes {stable_mosaic.version = 14 : i64} {
  func.func @_tc_emb_body(%arg0: i32, %arg1: memref<2000x128xf32, #tpu.memory_space<vmem>>, %arg2: memref<128x64xf32, #tpu.memory_space<vmem>>, %arg3: memref<1x64xf32, #tpu.memory_space<vmem>>, %arg4: memref<2000x64xf32, #tpu.memory_space<vmem>>) attributes {dimension_semantics = [#tpu.dimension_semantics<arbitrary>], iteration_bounds = array<i64: 5>, scalar_prefetch = 0 : i64, scratch_operands = 0 : i64, tpu.core_type = #tpu.core_type<tc>, window_params = [{transform_indices = @transform_0, window_bounds = array<i64: 2000, 128>}, {pipeline_mode = #tpu.pipeline_mode<synchronous>, transform_indices = @transform_1, window_bounds = array<i64: 128, 64>}, {pipeline_mode = #tpu.pipeline_mode<synchronous>, transform_indices = @transform_2, window_bounds = array<i64: 1, 64>}, {transform_indices = @transform_3, window_bounds = array<i64: 2000, 64>}]} {
    %get3A = arith.constant 0 : index
    %get3A_0 = arith.constant 0 : index
    %get3A_1 = vector.load %arg1[%get3A, %get3A_0] : memref<2000x128xf32, #tpu.memory_space<vmem>>, vector<2000x128xf32>
    %get3A_2 = arith.constant 0 : index
    %get3A_3 = arith.constant 0 : index
    %get3A_4 = vector.load %arg2[%get3A_2, %get3A_3] : memref<128x64xf32, #tpu.memory_space<vmem>>, vector<128x64xf32>
    %dot_general3A = arith.constant dense<0.000000e+00> : vector<2000x64xf32>
    %dot_general3A_5 = tpu.matmul %get3A_1, %get3A_4, %dot_general3A {dimension_numbers = #tpu.dot_dimension_numbers<[1], [0], [0], [1], [0, 0, 1, 1], [], []>, precision = #tpu.contract_precision<fp32>, transpose_lhs_hint = false} : vector<2000x128xf32>, vector<128x64xf32>, vector<2000x64xf32> -> vector<2000x64xf32>
    %get3A_6 = arith.constant 0 : index
    %get3A_7 = arith.constant 0 : index
    %get3A_8 = vector.load %arg3[%get3A_6, %get3A_7] : memref<1x64xf32, #tpu.memory_space<vmem>>, vector<1x64xf32>
    %add3A = vector.broadcast %get3A_8 : vector<1x64xf32> to vector<2000x64xf32>
    %add3A_9 = arith.addf %dot_general3A_5, %add3A : vector<2000x64xf32>
    %mul3A = arith.mulf %add3A_9, %add3A_9 : vector<2000x64xf32>
    %reduce_sum3A = arith.constant dense<0.000000e+00> : vector<2000xf32>
    %reduce_sum3A_10 = vector.multi_reduction <add>, %mul3A, %reduce_sum3A [1] : vector<2000x64xf32> to vector<2000xf32>
    %broadcast_in_dim3A = vector.shape_cast %reduce_sum3A_10 : vector<2000xf32> to vector<2000x1xf32>
    %add3A_11 = arith.constant 1.000000e-15 : f32
    %add3A_12 = vector.broadcast %add3A_11 : f32 to vector<2000x1xf32>
    %add3A_13 = arith.addf %broadcast_in_dim3A, %add3A_12 : vector<2000x1xf32>
    %sqrt3A = math.sqrt %add3A_13 : vector<2000x1xf32>
    %tanh3A = math.tanh %sqrt3A : vector<2000x1xf32>
    %mul3A_14 = vector.broadcast %tanh3A : vector<2000x1xf32> to vector<2000x64xf32>
    %mul3A_15 = arith.mulf %mul3A_14, %add3A_9 : vector<2000x64xf32>
    %max3A = arith.constant 1.000000e-10 : f32
    %max3A_16 = vector.broadcast %max3A : f32 to vector<2000x1xf32>
    %max3A_17 = arith.maximumf %sqrt3A, %max3A_16 : vector<2000x1xf32>
    %div3A = vector.broadcast %max3A_17 : vector<2000x1xf32> to vector<2000x64xf32>
    %div3A_18 = arith.divf %mul3A_15, %div3A : vector<2000x64xf32>
    %swap3A = arith.constant 0 : index
    %swap3A_19 = arith.constant 0 : index
    %swap3A_20 = vector.load %arg4[%swap3A, %swap3A_19] : memref<2000x64xf32, #tpu.memory_space<vmem>>, vector<2000x64xf32>
    tpu.vector_store %arg4[%swap3A, %swap3A_19], %div3A_18 {strides = array<i32>} : memref<2000x64xf32, #tpu.memory_space<vmem>>, vector<2000x64xf32>,
    return
  }
  func.func @transform_0(%arg0: i32) -> (i32, i32) {
    %c0_i32 = arith.constant 0 : i32
    %c0_i32_0 = arith.constant 0 : i32
    return %arg0, %c0_i32 : i32, i32
  }
  func.func @transform_1(%arg0: i32) -> (i32, i32) {
    %c0_i32 = arith.constant 0 : i32
    %c0_i32_0 = arith.constant 0 : i32
    %c0_i32_1 = arith.constant 0 : i32
    return %c0_i32, %c0_i32_0 : i32, i32
  }
  func.func @transform_2(%arg0: i32) -> (i32, i32) {
    %c0_i32 = arith.constant 0 : i32
    %c0_i32_0 = arith.constant 0 : i32
    %c0_i32_1 = arith.constant 0 : i32
    return %c0_i32, %c0_i32_0 : i32, i32
  }
  func.func @transform_3(%arg0: i32) -> (i32, i32) {
    %c0_i32 = arith.constant 0 : i32
    %c0_i32_0 = arith.constant 0 : i32
    return %arg0, %c0_i32 : i32, i32
  }
}

module attributes {stable_mosaic.version = 14 : i64} {
  func.func @_tc_main_body(%arg0: i32, %arg1: memref<4096x64xf32, #tpu.memory_space<vmem>>, %arg2: memref<4096x64xf32, #tpu.memory_space<vmem>>, %arg3: memref<256x64xf32, #tpu.memory_space<vmem>>, %arg4: memref<64x32xf32, #tpu.memory_space<vmem>>, %arg5: memref<1x32xf32, #tpu.memory_space<vmem>>, %arg6: memref<1x32xf32, #tpu.memory_space<vmem>>, %arg7: memref<64x64xf32, #tpu.memory_space<vmem>>, %arg8: memref<1x64xf32, #tpu.memory_space<vmem>>, %arg9: memref<256x64xf32, #tpu.memory_space<vmem>>) attributes {dimension_semantics = [#tpu.dimension_semantics<arbitrary>], iteration_bounds = array<i64: 40>, scalar_prefetch = 0 : i64, scratch_operands = 0 : i64, tpu.core_type = #tpu.core_type<tc>, window_params = [{transform_indices = @transform_0, window_bounds = array<i64: 4096, 64>}, {transform_indices = @transform_1, window_bounds = array<i64: 4096, 64>}, {transform_indices = @transform_2, window_bounds = array<i64: 256, 64>}, {pipeline_mode = #tpu.pipeline_mode<synchronous>, transform_indices = @transform_3, window_bounds = array<i64: 64, 32>}, {pipeline_mode = #tpu.pipeline_mode<synchronous>, transform_indices = @transform_4, window_bounds = array<i64: 1, 32>}, {pipeline_mode = #tpu.pipeline_mode<synchronous>, transform_indices = @transform_5, window_bounds = array<i64: 1, 32>}, {pipeline_mode = #tpu.pipeline_mode<synchronous>, transform_indices = @transform_6, window_bounds = array<i64: 64, 64>}, {pipeline_mode = #tpu.pipeline_mode<synchronous>, transform_indices = @transform_7, window_bounds = array<i64: 1, 64>}, {transform_indices = @transform_8, window_bounds = array<i64: 256, 64>}]} {
    %get3A = arith.constant 0 : index
    %get3A_0 = arith.constant 0 : index
    %get3A_1 = vector.load %arg1[%get3A, %get3A_0] : memref<4096x64xf32, #tpu.memory_space<vmem>>, vector<4096x64xf32>
    %get3A_2 = arith.constant 0 : index
    %get3A_3 = arith.constant 0 : index
    %get3A_4 = vector.load %arg2[%get3A_2, %get3A_3] : memref<4096x64xf32, #tpu.memory_space<vmem>>, vector<4096x64xf32>
    %get3A_5 = arith.constant 0 : index
    %get3A_6 = arith.constant 0 : index
    %get3A_7 = vector.load %arg3[%get3A_5, %get3A_6] : memref<256x64xf32, #tpu.memory_space<vmem>>, vector<256x64xf32>
    %mul3A = arith.mulf %get3A_1, %get3A_1 : vector<4096x64xf32>
    %reduce_sum3A = arith.constant dense<0.000000e+00> : vector<4096xf32>
    %reduce_sum3A_8 = vector.multi_reduction <add>, %mul3A, %reduce_sum3A [1] : vector<4096x64xf32> to vector<4096xf32>
    %broadcast_in_dim3A = vector.shape_cast %reduce_sum3A_8 : vector<4096xf32> to vector<4096x1xf32>
    %mul3A_9 = arith.mulf %get3A_4, %get3A_4 : vector<4096x64xf32>
    %reduce_sum3A_10 = arith.constant dense<0.000000e+00> : vector<4096xf32>
    %reduce_sum3A_11 = vector.multi_reduction <add>, %mul3A_9, %reduce_sum3A_10 [1] : vector<4096x64xf32> to vector<4096xf32>
    %broadcast_in_dim3A_12 = vector.shape_cast %reduce_sum3A_11 : vector<4096xf32> to vector<4096x1xf32>
    %add3A = arith.constant 1.000000e-15 : f32
    %add3A_13 = vector.broadcast %add3A : f32 to vector<4096x1xf32>
    %add3A_14 = arith.addf %broadcast_in_dim3A_12, %add3A_13 : vector<4096x1xf32>
    %sqrt3A = math.sqrt %add3A_14 : vector<4096x1xf32>
    %jit3A = arith.constant -0.999989986 : f32
    %jit3A_15 = arith.constant 0.999989986 : f32
    %max3A = vector.broadcast %jit3A : f32 to vector<4096x1xf32>
    %max3A_16 = arith.maximumf %max3A, %sqrt3A : vector<4096x1xf32>
    %min3A = vector.broadcast %jit3A_15 : f32 to vector<4096x1xf32>
    %min3A_17 = arith.minimumf %min3A, %max3A_16 : vector<4096x1xf32>
    %log1p3A = math.log1p %min3A_17 : vector<4096x1xf32>
    %neg3A = arith.constant 0.000000e+00 : f32
    %neg3A_18 = vector.broadcast %neg3A : f32 to vector<4096x1xf32>
    %neg3A_19 = arith.subf %neg3A_18, %min3A_17 : vector<4096x1xf32>
    %log1p3A_20 = math.log1p %neg3A_19 : vector<4096x1xf32>
    %sub3A = arith.subf %log1p3A, %log1p3A_20 : vector<4096x1xf32>
    %mul3A_21 = arith.constant 5.000000e-01 : f32
    %mul3A_22 = vector.broadcast %mul3A_21 : f32 to vector<4096x1xf32>
    %mul3A_23 = arith.mulf %mul3A_22, %sub3A : vector<4096x1xf32>
    %max3A_24 = arith.constant 1.000000e-10 : f32
    %max3A_25 = vector.broadcast %max3A_24 : f32 to vector<4096x1xf32>
    %max3A_26 = arith.maximumf %sqrt3A, %max3A_25 : vector<4096x1xf32>
    %div3A = vector.broadcast %max3A_26 : vector<4096x1xf32> to vector<4096x64xf32>
    %div3A_27 = arith.divf %get3A_4, %div3A : vector<4096x64xf32>
    %slice3A = vector.extract_strided_slice %get3A_1 {offsets = [0, 0], sizes = [256, 64], strides = [1, 1]} : vector<4096x64xf32> to vector<256x64xf32>
    %slice3A_28 = vector.extract_strided_slice %get3A_4 {offsets = [0, 0], sizes = [256, 64], strides = [1, 1]} : vector<4096x64xf32> to vector<256x64xf32>
    %dot_general3A = arith.constant dense<0.000000e+00> : vector<256x256xf32>
    %dot_general3A_29 = tpu.matmul %slice3A, %slice3A_28, %dot_general3A {dimension_numbers = #tpu.dot_dimension_numbers<[1], [1], [0], [0], [0, 0, 1, 0], [], []>, precision = #tpu.contract_precision<fp32>, transpose_lhs_hint = false} : vector<256x64xf32>, vector<256x64xf32>, vector<256x256xf32> -> vector<256x256xf32>
    %slice3A_30 = vector.extract_strided_slice %dot_general3A_29 {offsets = [0, 0], sizes = [16, 16], strides = [1, 1]} : vector<256x256xf32> to vector<16x16xf32>
    %slice3A_31 = vector.extract_strided_slice %dot_general3A_29 {offsets = [16, 16], sizes = [16, 16], strides = [1, 1]} : vector<256x256xf32> to vector<16x16xf32>
    %slice3A_32 = vector.extract_strided_slice %dot_general3A_29 {offsets = [32, 32], sizes = [16, 16], strides = [1, 1]} : vector<256x256xf32> to vector<16x16xf32>
    %slice3A_33 = vector.extract_strided_slice %dot_general3A_29 {offsets = [48, 48], sizes = [16, 16], strides = [1, 1]} : vector<256x256xf32> to vector<16x16xf32>
    %slice3A_34 = vector.extract_strided_slice %dot_general3A_29 {offsets = [64, 64], sizes = [16, 16], strides = [1, 1]} : vector<256x256xf32> to vector<16x16xf32>
    %slice3A_35 = vector.extract_strided_slice %dot_general3A_29 {offsets = [80, 80], sizes = [16, 16], strides = [1, 1]} : vector<256x256xf32> to vector<16x16xf32>
    %slice3A_36 = vector.extract_strided_slice %dot_general3A_29 {offsets = [96, 96], sizes = [16, 16], strides = [1, 1]} : vector<256x256xf32> to vector<16x16xf32>
    %slice3A_37 = vector.extract_strided_slice %dot_general3A_29 {offsets = [112, 112], sizes = [16, 16], strides = [1, 1]} : vector<256x256xf32> to vector<16x16xf32>
    %slice3A_38 = vector.extract_strided_slice %dot_general3A_29 {offsets = [128, 128], sizes = [16, 16], strides = [1, 1]} : vector<256x256xf32> to vector<16x16xf32>
    %slice3A_39 = vector.extract_strided_slice %dot_general3A_29 {offsets = [144, 144], sizes = [16, 16], strides = [1, 1]} : vector<256x256xf32> to vector<16x16xf32>
    %slice3A_40 = vector.extract_strided_slice %dot_general3A_29 {offsets = [160, 160], sizes = [16, 16], strides = [1, 1]} : vector<256x256xf32> to vector<16x16xf32>
    %slice3A_41 = vector.extract_strided_slice %dot_general3A_29 {offsets = [176, 176], sizes = [16, 16], strides = [1, 1]} : vector<256x256xf32> to vector<16x16xf32>
    %slice3A_42 = vector.extract_strided_slice %dot_general3A_29 {offsets = [192, 192], sizes = [16, 16], strides = [1, 1]} : vector<256x256xf32> to vector<16x16xf32>
    %slice3A_43 = vector.extract_strided_slice %dot_general3A_29 {offsets = [208, 208], sizes = [16, 16], strides = [1, 1]} : vector<256x256xf32> to vector<16x16xf32>
    %slice3A_44 = vector.extract_strided_slice %dot_general3A_29 {offsets = [224, 224], sizes = [16, 16], strides = [1, 1]} : vector<256x256xf32> to vector<16x16xf32>
    %slice3A_45 = vector.extract_strided_slice %dot_general3A_29 {offsets = [240, 240], sizes = [16, 16], strides = [1, 1]} : vector<256x256xf32> to vector<16x16xf32>
    %slice3A_46 = vector.extract_strided_slice %get3A_1 {offsets = [256, 0], sizes = [256, 64], strides = [1, 1]} : vector<4096x64xf32> to vector<256x64xf32>
    %slice3A_47 = vector.extract_strided_slice %get3A_4 {offsets = [256, 0], sizes = [256, 64], strides = [1, 1]} : vector<4096x64xf32> to vector<256x64xf32>
    %dot_general3A_48 = arith.constant dense<0.000000e+00> : vector<256x256xf32>
    %dot_general3A_49 = tpu.matmul %slice3A_46, %slice3A_47, %dot_general3A_48 {dimension_numbers = #tpu.dot_dimension_numbers<[1], [1], [0], [0], [0, 0, 1, 0], [], []>, precision = #tpu.contract_precision<fp32>, transpose_lhs_hint = false} : vector<256x64xf32>, vector<256x64xf32>, vector<256x256xf32> -> vector<256x256xf32>
    %slice3A_50 = vector.extract_strided_slice %dot_general3A_49 {offsets = [0, 0], sizes = [16, 16], strides = [1, 1]} : vector<256x256xf32> to vector<16x16xf32>
    %slice3A_51 = vector.extract_strided_slice %dot_general3A_49 {offsets = [16, 16], sizes = [16, 16], strides = [1, 1]} : vector<256x256xf32> to vector<16x16xf32>
    %slice3A_52 = vector.extract_strided_slice %dot_general3A_49 {offsets = [32, 32], sizes = [16, 16], strides = [1, 1]} : vector<256x256xf32> to vector<16x16xf32>
    %slice3A_53 = vector.extract_strided_slice %dot_general3A_49 {offsets = [48, 48], sizes = [16, 16], strides = [1, 1]} : vector<256x256xf32> to vector<16x16xf32>
    %slice3A_54 = vector.extract_strided_slice %dot_general3A_49 {offsets = [64, 64], sizes = [16, 16], strides = [1, 1]} : vector<256x256xf32> to vector<16x16xf32>
    %slice3A_55 = vector.extract_strided_slice %dot_general3A_49 {offsets = [80, 80], sizes = [16, 16], strides = [1, 1]} : vector<256x256xf32> to vector<16x16xf32>
    %slice3A_56 = vector.extract_strided_slice %dot_general3A_49 {offsets = [96, 96], sizes = [16, 16], strides = [1, 1]} : vector<256x256xf32> to vector<16x16xf32>
    %slice3A_57 = vector.extract_strided_slice %dot_general3A_49 {offsets = [112, 112], sizes = [16, 16], strides = [1, 1]} : vector<256x256xf32> to vector<16x16xf32>
    %slice3A_58 = vector.extract_strided_slice %dot_general3A_49 {offsets = [128, 128], sizes = [16, 16], strides = [1, 1]} : vector<256x256xf32> to vector<16x16xf32>
    %slice3A_59 = vector.extract_strided_slice %dot_general3A_49 {offsets = [144, 144], sizes = [16, 16], strides = [1, 1]} : vector<256x256xf32> to vector<16x16xf32>
    %slice3A_60 = vector.extract_strided_slice %dot_general3A_49 {offsets = [160, 160], sizes = [16, 16], strides = [1, 1]} : vector<256x256xf32> to vector<16x16xf32>
    %slice3A_61 = vector.extract_strided_slice %dot_general3A_49 {offsets = [176, 176], sizes = [16, 16], strides = [1, 1]} : vector<256x256xf32> to vector<16x16xf32>
    %slice3A_62 = vector.extract_strided_slice %dot_general3A_49 {offsets = [192, 192], sizes = [16, 16], strides = [1, 1]} : vector<256x256xf32> to vector<16x16xf32>
    %slice3A_63 = vector.extract_strided_slice %dot_general3A_49 {offsets = [208, 208], sizes = [16, 16], strides = [1, 1]} : vector<256x256xf32> to vector<16x16xf32>
    %slice3A_64 = vector.extract_strided_slice %dot_general3A_49 {offsets = [224, 224], sizes = [16, 16], strides = [1, 1]} : vector<256x256xf32> to vector<16x16xf32>
    %slice3A_65 = vector.extract_strided_slice %dot_general3A_49 {offsets = [240, 240], sizes = [16, 16], strides = [1, 1]} : vector<256x256xf32> to vector<16x16xf32>
    %slice3A_66 = vector.extract_strided_slice %get3A_1 {offsets = [512, 0], sizes = [256, 64], strides = [1, 1]} : vector<4096x64xf32> to vector<256x64xf32>
    %slice3A_67 = vector.extract_strided_slice %get3A_4 {offsets = [512, 0], sizes = [256, 64], strides = [1, 1]} : vector<4096x64xf32> to vector<256x64xf32>
    %dot_general3A_68 = arith.constant dense<0.000000e+00> : vector<256x256xf32>
    %dot_general3A_69 = tpu.matmul %slice3A_66, %slice3A_67, %dot_general3A_68 {dimension_numbers = #tpu.dot_dimension_numbers<[1], [1], [0], [0], [0, 0, 1, 0], [], []>, precision = #tpu.contract_precision<fp32>, transpose_lhs_hint = false} : vector<256x64xf32>, vector<256x64xf32>, vector<256x256xf32> -> vector<256x256xf32>
    %slice3A_70 = vector.extract_strided_slice %dot_general3A_69 {offsets = [0, 0], sizes = [16, 16], strides = [1, 1]} : vector<256x256xf32> to vector<16x16xf32>
    %slice3A_71 = vector.extract_strided_slice %dot_general3A_69 {offsets = [16, 16], sizes = [16, 16], strides = [1, 1]} : vector<256x256xf32> to vector<16x16xf32>
    %slice3A_72 = vector.extract_strided_slice %dot_general3A_69 {offsets = [32, 32], sizes = [16, 16], strides = [1, 1]} : vector<256x256xf32> to vector<16x16xf32>
    %slice3A_73 = vector.extract_strided_slice %dot_general3A_69 {offsets = [48, 48], sizes = [16, 16], strides = [1, 1]} : vector<256x256xf32> to vector<16x16xf32>
    %slice3A_74 = vector.extract_strided_slice %dot_general3A_69 {offsets = [64, 64], sizes = [16, 16], strides = [1, 1]} : vector<256x256xf32> to vector<16x16xf32>
    %slice3A_75 = vector.extract_strided_slice %dot_general3A_69 {offsets = [80, 80], sizes = [16, 16], strides = [1, 1]} : vector<256x256xf32> to vector<16x16xf32>
    %slice3A_76 = vector.extract_strided_slice %dot_general3A_69 {offsets = [96, 96], sizes = [16, 16], strides = [1, 1]} : vector<256x256xf32> to vector<16x16xf32>
    %slice3A_77 = vector.extract_strided_slice %dot_general3A_69 {offsets = [112, 112], sizes = [16, 16], strides = [1, 1]} : vector<256x256xf32> to vector<16x16xf32>
    %slice3A_78 = vector.extract_strided_slice %dot_general3A_69 {offsets = [128, 128], sizes = [16, 16], strides = [1, 1]} : vector<256x256xf32> to vector<16x16xf32>
    %slice3A_79 = vector.extract_strided_slice %dot_general3A_69 {offsets = [144, 144], sizes = [16, 16], strides = [1, 1]} : vector<256x256xf32> to vector<16x16xf32>
    %slice3A_80 = vector.extract_strided_slice %dot_general3A_69 {offsets = [160, 160], sizes = [16, 16], strides = [1, 1]} : vector<256x256xf32> to vector<16x16xf32>
    %slice3A_81 = vector.extract_strided_slice %dot_general3A_69 {offsets = [176, 176], sizes = [16, 16], strides = [1, 1]} : vector<256x256xf32> to vector<16x16xf32>
    %slice3A_82 = vector.extract_strided_slice %dot_general3A_69 {offsets = [192, 192], sizes = [16, 16], strides = [1, 1]} : vector<256x256xf32> to vector<16x16xf32>
    %slice3A_83 = vector.extract_strided_slice %dot_general3A_69 {offsets = [208, 208], sizes = [16, 16], strides = [1, 1]} : vector<256x256xf32> to vector<16x16xf32>
    %slice3A_84 = vector.extract_strided_slice %dot_general3A_69 {offsets = [224, 224], sizes = [16, 16], strides = [1, 1]} : vector<256x256xf32> to vector<16x16xf32>
    %slice3A_85 = vector.extract_strided_slice %dot_general3A_69 {offsets = [240, 240], sizes = [16, 16], strides = [1, 1]} : vector<256x256xf32> to vector<16x16xf32>
    %slice3A_86 = vector.extract_strided_slice %get3A_1 {offsets = [768, 0], sizes = [256, 64], strides = [1, 1]} : vector<4096x64xf32> to vector<256x64xf32>
    %slice3A_87 = vector.extract_strided_slice %get3A_4 {offsets = [768, 0], sizes = [256, 64], strides = [1, 1]} : vector<4096x64xf32> to vector<256x64xf32>
    %dot_general3A_88 = arith.constant dense<0.000000e+00> : vector<256x256xf32>
    %dot_general3A_89 = tpu.matmul %slice3A_86, %slice3A_87, %dot_general3A_88 {dimension_numbers = #tpu.dot_dimension_numbers<[1], [1], [0], [0], [0, 0, 1, 0], [], []>, precision = #tpu.contract_precision<fp32>, transpose_lhs_hint = false} : vector<256x64xf32>, vector<256x64xf32>, vector<256x256xf32> -> vector<256x256xf32>
    %slice3A_90 = vector.extract_strided_slice %dot_general3A_89 {offsets = [0, 0], sizes = [16, 16], strides = [1, 1]} : vector<256x256xf32> to vector<16x16xf32>
    %slice3A_91 = vector.extract_strided_slice %dot_general3A_89 {offsets = [16, 16], sizes = [16, 16], strides = [1, 1]} : vector<256x256xf32> to vector<16x16xf32>
    %slice3A_92 = vector.extract_strided_slice %dot_general3A_89 {offsets = [32, 32], sizes = [16, 16], strides = [1, 1]} : vector<256x256xf32> to vector<16x16xf32>
    %slice3A_93 = vector.extract_strided_slice %dot_general3A_89 {offsets = [48, 48], sizes = [16, 16], strides = [1, 1]} : vector<256x256xf32> to vector<16x16xf32>
    %slice3A_94 = vector.extract_strided_slice %dot_general3A_89 {offsets = [64, 64], sizes = [16, 16], strides = [1, 1]} : vector<256x256xf32> to vector<16x16xf32>
    %slice3A_95 = vector.extract_strided_slice %dot_general3A_89 {offsets = [80, 80], sizes = [16, 16], strides = [1, 1]} : vector<256x256xf32> to vector<16x16xf32>
    %slice3A_96 = vector.extract_strided_slice %dot_general3A_89 {offsets = [96, 96], sizes = [16, 16], strides = [1, 1]} : vector<256x256xf32> to vector<16x16xf32>
    %slice3A_97 = vector.extract_strided_slice %dot_general3A_89 {offsets = [112, 112], sizes = [16, 16], strides = [1, 1]} : vector<256x256xf32> to vector<16x16xf32>
    %slice3A_98 = vector.extract_strided_slice %dot_general3A_89 {offsets = [128, 128], sizes = [16, 16], strides = [1, 1]} : vector<256x256xf32> to vector<16x16xf32>
    %slice3A_99 = vector.extract_strided_slice %dot_general3A_89 {offsets = [144, 144], sizes = [16, 16], strides = [1, 1]} : vector<256x256xf32> to vector<16x16xf32>
    %slice3A_100 = vector.extract_strided_slice %dot_general3A_89 {offsets = [160, 160], sizes = [16, 16], strides = [1, 1]} : vector<256x256xf32> to vector<16x16xf32>
    %slice3A_101 = vector.extract_strided_slice %dot_general3A_89 {offsets = [176, 176], sizes = [16, 16], strides = [1, 1]} : vector<256x256xf32> to vector<16x16xf32>
    %slice3A_102 = vector.extract_strided_slice %dot_general3A_89 {offsets = [192, 192], sizes = [16, 16], strides = [1, 1]} : vector<256x256xf32> to vector<16x16xf32>
    %slice3A_103 = vector.extract_strided_slice %dot_general3A_89 {offsets = [208, 208], sizes = [16, 16], strides = [1, 1]} : vector<256x256xf32> to vector<16x16xf32>
    %slice3A_104 = vector.extract_strided_slice %dot_general3A_89 {offsets = [224, 224], sizes = [16, 16], strides = [1, 1]} : vector<256x256xf32> to vector<16x16xf32>
    %slice3A_105 = vector.extract_strided_slice %dot_general3A_89 {offsets = [240, 240], sizes = [16, 16], strides = [1, 1]} : vector<256x256xf32> to vector<16x16xf32>
    %slice3A_106 = vector.extract_strided_slice %get3A_1 {offsets = [1024, 0], sizes = [256, 64], strides = [1, 1]} : vector<4096x64xf32> to vector<256x64xf32>
    %slice3A_107 = vector.extract_strided_slice %get3A_4 {offsets = [1024, 0], sizes = [256, 64], strides = [1, 1]} : vector<4096x64xf32> to vector<256x64xf32>
    %dot_general3A_108 = arith.constant dense<0.000000e+00> : vector<256x256xf32>
    %dot_general3A_109 = tpu.matmul %slice3A_106, %slice3A_107, %dot_general3A_108 {dimension_numbers = #tpu.dot_dimension_numbers<[1], [1], [0], [0], [0, 0, 1, 0], [], []>, precision = #tpu.contract_precision<fp32>, transpose_lhs_hint = false} : vector<256x64xf32>, vector<256x64xf32>, vector<256x256xf32> -> vector<256x256xf32>
    %slice3A_110 = vector.extract_strided_slice %dot_general3A_109 {offsets = [0, 0], sizes = [16, 16], strides = [1, 1]} : vector<256x256xf32> to vector<16x16xf32>
    %slice3A_111 = vector.extract_strided_slice %dot_general3A_109 {offsets = [16, 16], sizes = [16, 16], strides = [1, 1]} : vector<256x256xf32> to vector<16x16xf32>
    %slice3A_112 = vector.extract_strided_slice %dot_general3A_109 {offsets = [32, 32], sizes = [16, 16], strides = [1, 1]} : vector<256x256xf32> to vector<16x16xf32>
    %slice3A_113 = vector.extract_strided_slice %dot_general3A_109 {offsets = [48, 48], sizes = [16, 16], strides = [1, 1]} : vector<256x256xf32> to vector<16x16xf32>
    %slice3A_114 = vector.extract_strided_slice %dot_general3A_109 {offsets = [64, 64], sizes = [16, 16], strides = [1, 1]} : vector<256x256xf32> to vector<16x16xf32>
    %slice3A_115 = vector.extract_strided_slice %dot_general3A_109 {offsets = [80, 80], sizes = [16, 16], strides = [1, 1]} : vector<256x256xf32> to vector<16x16xf32>
    %slice3A_116 = vector.extract_strided_slice %dot_general3A_109 {offsets = [96, 96], sizes = [16, 16], strides = [1, 1]} : vector<256x256xf32> to vector<16x16xf32>
    %slice3A_117 = vector.extract_strided_slice %dot_general3A_109 {offsets = [112, 112], sizes = [16, 16], strides = [1, 1]} : vector<256x256xf32> to vector<16x16xf32>
    %slice3A_118 = vector.extract_strided_slice %dot_general3A_109 {offsets = [128, 128], sizes = [16, 16], strides = [1, 1]} : vector<256x256xf32> to vector<16x16xf32>
    %slice3A_119 = vector.extract_strided_slice %dot_general3A_109 {offsets = [144, 144], sizes = [16, 16], strides = [1, 1]} : vector<256x256xf32> to vector<16x16xf32>
    %slice3A_120 = vector.extract_strided_slice %dot_general3A_109 {offsets = [160, 160], sizes = [16, 16], strides = [1, 1]} : vector<256x256xf32> to vector<16x16xf32>
    %slice3A_121 = vector.extract_strided_slice %dot_general3A_109 {offsets = [176, 176], sizes = [16, 16], strides = [1, 1]} : vector<256x256xf32> to vector<16x16xf32>
    %slice3A_122 = vector.extract_strided_slice %dot_general3A_109 {offsets = [192, 192], sizes = [16, 16], strides = [1, 1]} : vector<256x256xf32> to vector<16x16xf32>
    %slice3A_123 = vector.extract_strided_slice %dot_general3A_109 {offsets = [208, 208], sizes = [16, 16], strides = [1, 1]} : vector<256x256xf32> to vector<16x16xf32>
    %slice3A_124 = vector.extract_strided_slice %dot_general3A_109 {offsets = [224, 224], sizes = [16, 16], strides = [1, 1]} : vector<256x256xf32> to vector<16x16xf32>
    %slice3A_125 = vector.extract_strided_slice %dot_general3A_109 {offsets = [240, 240], sizes = [16, 16], strides = [1, 1]} : vector<256x256xf32> to vector<16x16xf32>
    %slice3A_126 = vector.extract_strided_slice %get3A_1 {offsets = [1280, 0], sizes = [256, 64], strides = [1, 1]} : vector<4096x64xf32> to vector<256x64xf32>
    %slice3A_127 = vector.extract_strided_slice %get3A_4 {offsets = [1280, 0], sizes = [256, 64], strides = [1, 1]} : vector<4096x64xf32> to vector<256x64xf32>
    %dot_general3A_128 = arith.constant dense<0.000000e+00> : vector<256x256xf32>
    %dot_general3A_129 = tpu.matmul %slice3A_126, %slice3A_127, %dot_general3A_128 {dimension_numbers = #tpu.dot_dimension_numbers<[1], [1], [0], [0], [0, 0, 1, 0], [], []>, precision = #tpu.contract_precision<fp32>, transpose_lhs_hint = false} : vector<256x64xf32>, vector<256x64xf32>, vector<256x256xf32> -> vector<256x256xf32>
    %slice3A_130 = vector.extract_strided_slice %dot_general3A_129 {offsets = [0, 0], sizes = [16, 16], strides = [1, 1]} : vector<256x256xf32> to vector<16x16xf32>
    %slice3A_131 = vector.extract_strided_slice %dot_general3A_129 {offsets = [16, 16], sizes = [16, 16], strides = [1, 1]} : vector<256x256xf32> to vector<16x16xf32>
    %slice3A_132 = vector.extract_strided_slice %dot_general3A_129 {offsets = [32, 32], sizes = [16, 16], strides = [1, 1]} : vector<256x256xf32> to vector<16x16xf32>
    %slice3A_133 = vector.extract_strided_slice %dot_general3A_129 {offsets = [48, 48], sizes = [16, 16], strides = [1, 1]} : vector<256x256xf32> to vector<16x16xf32>
    %slice3A_134 = vector.extract_strided_slice %dot_general3A_129 {offsets = [64, 64], sizes = [16, 16], strides = [1, 1]} : vector<256x256xf32> to vector<16x16xf32>
    %slice3A_135 = vector.extract_strided_slice %dot_general3A_129 {offsets = [80, 80], sizes = [16, 16], strides = [1, 1]} : vector<256x256xf32> to vector<16x16xf32>
    %slice3A_136 = vector.extract_strided_slice %dot_general3A_129 {offsets = [96, 96], sizes = [16, 16], strides = [1, 1]} : vector<256x256xf32> to vector<16x16xf32>
    %slice3A_137 = vector.extract_strided_slice %dot_general3A_129 {offsets = [112, 112], sizes = [16, 16], strides = [1, 1]} : vector<256x256xf32> to vector<16x16xf32>
    %slice3A_138 = vector.extract_strided_slice %dot_general3A_129 {offsets = [128, 128], sizes = [16, 16], strides = [1, 1]} : vector<256x256xf32> to vector<16x16xf32>
    %slice3A_139 = vector.extract_strided_slice %dot_general3A_129 {offsets = [144, 144], sizes = [16, 16], strides = [1, 1]} : vector<256x256xf32> to vector<16x16xf32>
    %slice3A_140 = vector.extract_strided_slice %dot_general3A_129 {offsets = [160, 160], sizes = [16, 16], strides = [1, 1]} : vector<256x256xf32> to vector<16x16xf32>
    %slice3A_141 = vector.extract_strided_slice %dot_general3A_129 {offsets = [176, 176], sizes = [16, 16], strides = [1, 1]} : vector<256x256xf32> to vector<16x16xf32>
    %slice3A_142 = vector.extract_strided_slice %dot_general3A_129 {offsets = [192, 192], sizes = [16, 16], strides = [1, 1]} : vector<256x256xf32> to vector<16x16xf32>
    %slice3A_143 = vector.extract_strided_slice %dot_general3A_129 {offsets = [208, 208], sizes = [16, 16], strides = [1, 1]} : vector<256x256xf32> to vector<16x16xf32>
    %slice3A_144 = vector.extract_strided_slice %dot_general3A_129 {offsets = [224, 224], sizes = [16, 16], strides = [1, 1]} : vector<256x256xf32> to vector<16x16xf32>
    %slice3A_145 = vector.extract_strided_slice %dot_general3A_129 {offsets = [240, 240], sizes = [16, 16], strides = [1, 1]} : vector<256x256xf32> to vector<16x16xf32>
    %slice3A_146 = vector.extract_strided_slice %get3A_1 {offsets = [1536, 0], sizes = [256, 64], strides = [1, 1]} : vector<4096x64xf32> to vector<256x64xf32>
    %slice3A_147 = vector.extract_strided_slice %get3A_4 {offsets = [1536, 0], sizes = [256, 64], strides = [1, 1]} : vector<4096x64xf32> to vector<256x64xf32>
    %dot_general3A_148 = arith.constant dense<0.000000e+00> : vector<256x256xf32>
    %dot_general3A_149 = tpu.matmul %slice3A_146, %slice3A_147, %dot_general3A_148 {dimension_numbers = #tpu.dot_dimension_numbers<[1], [1], [0], [0], [0, 0, 1, 0], [], []>, precision = #tpu.contract_precision<fp32>, transpose_lhs_hint = false} : vector<256x64xf32>, vector<256x64xf32>, vector<256x256xf32> -> vector<256x256xf32>
    %slice3A_150 = vector.extract_strided_slice %dot_general3A_149 {offsets = [0, 0], sizes = [16, 16], strides = [1, 1]} : vector<256x256xf32> to vector<16x16xf32>
    %slice3A_151 = vector.extract_strided_slice %dot_general3A_149 {offsets = [16, 16], sizes = [16, 16], strides = [1, 1]} : vector<256x256xf32> to vector<16x16xf32>
    %slice3A_152 = vector.extract_strided_slice %dot_general3A_149 {offsets = [32, 32], sizes = [16, 16], strides = [1, 1]} : vector<256x256xf32> to vector<16x16xf32>
    %slice3A_153 = vector.extract_strided_slice %dot_general3A_149 {offsets = [48, 48], sizes = [16, 16], strides = [1, 1]} : vector<256x256xf32> to vector<16x16xf32>
    %slice3A_154 = vector.extract_strided_slice %dot_general3A_149 {offsets = [64, 64], sizes = [16, 16], strides = [1, 1]} : vector<256x256xf32> to vector<16x16xf32>
    %slice3A_155 = vector.extract_strided_slice %dot_general3A_149 {offsets = [80, 80], sizes = [16, 16], strides = [1, 1]} : vector<256x256xf32> to vector<16x16xf32>
    %slice3A_156 = vector.extract_strided_slice %dot_general3A_149 {offsets = [96, 96], sizes = [16, 16], strides = [1, 1]} : vector<256x256xf32> to vector<16x16xf32>
    %slice3A_157 = vector.extract_strided_slice %dot_general3A_149 {offsets = [112, 112], sizes = [16, 16], strides = [1, 1]} : vector<256x256xf32> to vector<16x16xf32>
    %slice3A_158 = vector.extract_strided_slice %dot_general3A_149 {offsets = [128, 128], sizes = [16, 16], strides = [1, 1]} : vector<256x256xf32> to vector<16x16xf32>
    %slice3A_159 = vector.extract_strided_slice %dot_general3A_149 {offsets = [144, 144], sizes = [16, 16], strides = [1, 1]} : vector<256x256xf32> to vector<16x16xf32>
    %slice3A_160 = vector.extract_strided_slice %dot_general3A_149 {offsets = [160, 160], sizes = [16, 16], strides = [1, 1]} : vector<256x256xf32> to vector<16x16xf32>
    %slice3A_161 = vector.extract_strided_slice %dot_general3A_149 {offsets = [176, 176], sizes = [16, 16], strides = [1, 1]} : vector<256x256xf32> to vector<16x16xf32>
    %slice3A_162 = vector.extract_strided_slice %dot_general3A_149 {offsets = [192, 192], sizes = [16, 16], strides = [1, 1]} : vector<256x256xf32> to vector<16x16xf32>
    %slice3A_163 = vector.extract_strided_slice %dot_general3A_149 {offsets = [208, 208], sizes = [16, 16], strides = [1, 1]} : vector<256x256xf32> to vector<16x16xf32>
    %slice3A_164 = vector.extract_strided_slice %dot_general3A_149 {offsets = [224, 224], sizes = [16, 16], strides = [1, 1]} : vector<256x256xf32> to vector<16x16xf32>
    %slice3A_165 = vector.extract_strided_slice %dot_general3A_149 {offsets = [240, 240], sizes = [16, 16], strides = [1, 1]} : vector<256x256xf32> to vector<16x16xf32>
    %slice3A_166 = vector.extract_strided_slice %get3A_1 {offsets = [1792, 0], sizes = [256, 64], strides = [1, 1]} : vector<4096x64xf32> to vector<256x64xf32>
    %slice3A_167 = vector.extract_strided_slice %get3A_4 {offsets = [1792, 0], sizes = [256, 64], strides = [1, 1]} : vector<4096x64xf32> to vector<256x64xf32>
    %dot_general3A_168 = arith.constant dense<0.000000e+00> : vector<256x256xf32>
    %dot_general3A_169 = tpu.matmul %slice3A_166, %slice3A_167, %dot_general3A_168 {dimension_numbers = #tpu.dot_dimension_numbers<[1], [1], [0], [0], [0, 0, 1, 0], [], []>, precision = #tpu.contract_precision<fp32>, transpose_lhs_hint = false} : vector<256x64xf32>, vector<256x64xf32>, vector<256x256xf32> -> vector<256x256xf32>
    %slice3A_170 = vector.extract_strided_slice %dot_general3A_169 {offsets = [0, 0], sizes = [16, 16], strides = [1, 1]} : vector<256x256xf32> to vector<16x16xf32>
    %slice3A_171 = vector.extract_strided_slice %dot_general3A_169 {offsets = [16, 16], sizes = [16, 16], strides = [1, 1]} : vector<256x256xf32> to vector<16x16xf32>
    %slice3A_172 = vector.extract_strided_slice %dot_general3A_169 {offsets = [32, 32], sizes = [16, 16], strides = [1, 1]} : vector<256x256xf32> to vector<16x16xf32>
    %slice3A_173 = vector.extract_strided_slice %dot_general3A_169 {offsets = [48, 48], sizes = [16, 16], strides = [1, 1]} : vector<256x256xf32> to vector<16x16xf32>
    %slice3A_174 = vector.extract_strided_slice %dot_general3A_169 {offsets = [64, 64], sizes = [16, 16], strides = [1, 1]} : vector<256x256xf32> to vector<16x16xf32>
    %slice3A_175 = vector.extract_strided_slice %dot_general3A_169 {offsets = [80, 80], sizes = [16, 16], strides = [1, 1]} : vector<256x256xf32> to vector<16x16xf32>
    %slice3A_176 = vector.extract_strided_slice %dot_general3A_169 {offsets = [96, 96], sizes = [16, 16], strides = [1, 1]} : vector<256x256xf32> to vector<16x16xf32>
    %slice3A_177 = vector.extract_strided_slice %dot_general3A_169 {offsets = [112, 112], sizes = [16, 16], strides = [1, 1]} : vector<256x256xf32> to vector<16x16xf32>
    %slice3A_178 = vector.extract_strided_slice %dot_general3A_169 {offsets = [128, 128], sizes = [16, 16], strides = [1, 1]} : vector<256x256xf32> to vector<16x16xf32>
    %slice3A_179 = vector.extract_strided_slice %dot_general3A_169 {offsets = [144, 144], sizes = [16, 16], strides = [1, 1]} : vector<256x256xf32> to vector<16x16xf32>
    %slice3A_180 = vector.extract_strided_slice %dot_general3A_169 {offsets = [160, 160], sizes = [16, 16], strides = [1, 1]} : vector<256x256xf32> to vector<16x16xf32>
    %slice3A_181 = vector.extract_strided_slice %dot_general3A_169 {offsets = [176, 176], sizes = [16, 16], strides = [1, 1]} : vector<256x256xf32> to vector<16x16xf32>
    %slice3A_182 = vector.extract_strided_slice %dot_general3A_169 {offsets = [192, 192], sizes = [16, 16], strides = [1, 1]} : vector<256x256xf32> to vector<16x16xf32>
    %slice3A_183 = vector.extract_strided_slice %dot_general3A_169 {offsets = [208, 208], sizes = [16, 16], strides = [1, 1]} : vector<256x256xf32> to vector<16x16xf32>
    %slice3A_184 = vector.extract_strided_slice %dot_general3A_169 {offsets = [224, 224], sizes = [16, 16], strides = [1, 1]} : vector<256x256xf32> to vector<16x16xf32>
    %slice3A_185 = vector.extract_strided_slice %dot_general3A_169 {offsets = [240, 240], sizes = [16, 16], strides = [1, 1]} : vector<256x256xf32> to vector<16x16xf32>
    %slice3A_186 = vector.extract_strided_slice %get3A_1 {offsets = [2048, 0], sizes = [256, 64], strides = [1, 1]} : vector<4096x64xf32> to vector<256x64xf32>
    %slice3A_187 = vector.extract_strided_slice %get3A_4 {offsets = [2048, 0], sizes = [256, 64], strides = [1, 1]} : vector<4096x64xf32> to vector<256x64xf32>
    %dot_general3A_188 = arith.constant dense<0.000000e+00> : vector<256x256xf32>
    %dot_general3A_189 = tpu.matmul %slice3A_186, %slice3A_187, %dot_general3A_188 {dimension_numbers = #tpu.dot_dimension_numbers<[1], [1], [0], [0], [0, 0, 1, 0], [], []>, precision = #tpu.contract_precision<fp32>, transpose_lhs_hint = false} : vector<256x64xf32>, vector<256x64xf32>, vector<256x256xf32> -> vector<256x256xf32>
    %slice3A_190 = vector.extract_strided_slice %dot_general3A_189 {offsets = [0, 0], sizes = [16, 16], strides = [1, 1]} : vector<256x256xf32> to vector<16x16xf32>
    %slice3A_191 = vector.extract_strided_slice %dot_general3A_189 {offsets = [16, 16], sizes = [16, 16], strides = [1, 1]} : vector<256x256xf32> to vector<16x16xf32>
    %slice3A_192 = vector.extract_strided_slice %dot_general3A_189 {offsets = [32, 32], sizes = [16, 16], strides = [1, 1]} : vector<256x256xf32> to vector<16x16xf32>
    %slice3A_193 = vector.extract_strided_slice %dot_general3A_189 {offsets = [48, 48], sizes = [16, 16], strides = [1, 1]} : vector<256x256xf32> to vector<16x16xf32>
    %slice3A_194 = vector.extract_strided_slice %dot_general3A_189 {offsets = [64, 64], sizes = [16, 16], strides = [1, 1]} : vector<256x256xf32> to vector<16x16xf32>
    %slice3A_195 = vector.extract_strided_slice %dot_general3A_189 {offsets = [80, 80], sizes = [16, 16], strides = [1, 1]} : vector<256x256xf32> to vector<16x16xf32>
    %slice3A_196 = vector.extract_strided_slice %dot_general3A_189 {offsets = [96, 96], sizes = [16, 16], strides = [1, 1]} : vector<256x256xf32> to vector<16x16xf32>
    %slice3A_197 = vector.extract_strided_slice %dot_general3A_189 {offsets = [112, 112], sizes = [16, 16], strides = [1, 1]} : vector<256x256xf32> to vector<16x16xf32>
    %slice3A_198 = vector.extract_strided_slice %dot_general3A_189 {offsets = [128, 128], sizes = [16, 16], strides = [1, 1]} : vector<256x256xf32> to vector<16x16xf32>
    %slice3A_199 = vector.extract_strided_slice %dot_general3A_189 {offsets = [144, 144], sizes = [16, 16], strides = [1, 1]} : vector<256x256xf32> to vector<16x16xf32>
    %slice3A_200 = vector.extract_strided_slice %dot_general3A_189 {offsets = [160, 160], sizes = [16, 16], strides = [1, 1]} : vector<256x256xf32> to vector<16x16xf32>
    %slice3A_201 = vector.extract_strided_slice %dot_general3A_189 {offsets = [176, 176], sizes = [16, 16], strides = [1, 1]} : vector<256x256xf32> to vector<16x16xf32>
    %slice3A_202 = vector.extract_strided_slice %dot_general3A_189 {offsets = [192, 192], sizes = [16, 16], strides = [1, 1]} : vector<256x256xf32> to vector<16x16xf32>
    %slice3A_203 = vector.extract_strided_slice %dot_general3A_189 {offsets = [208, 208], sizes = [16, 16], strides = [1, 1]} : vector<256x256xf32> to vector<16x16xf32>
    %slice3A_204 = vector.extract_strided_slice %dot_general3A_189 {offsets = [224, 224], sizes = [16, 16], strides = [1, 1]} : vector<256x256xf32> to vector<16x16xf32>
    %slice3A_205 = vector.extract_strided_slice %dot_general3A_189 {offsets = [240, 240], sizes = [16, 16], strides = [1, 1]} : vector<256x256xf32> to vector<16x16xf32>
    %slice3A_206 = vector.extract_strided_slice %get3A_1 {offsets = [2304, 0], sizes = [256, 64], strides = [1, 1]} : vector<4096x64xf32> to vector<256x64xf32>
    %slice3A_207 = vector.extract_strided_slice %get3A_4 {offsets = [2304, 0], sizes = [256, 64], strides = [1, 1]} : vector<4096x64xf32> to vector<256x64xf32>
    %dot_general3A_208 = arith.constant dense<0.000000e+00> : vector<256x256xf32>
    %dot_general3A_209 = tpu.matmul %slice3A_206, %slice3A_207, %dot_general3A_208 {dimension_numbers = #tpu.dot_dimension_numbers<[1], [1], [0], [0], [0, 0, 1, 0], [], []>, precision = #tpu.contract_precision<fp32>, transpose_lhs_hint = false} : vector<256x64xf32>, vector<256x64xf32>, vector<256x256xf32> -> vector<256x256xf32>
    %slice3A_210 = vector.extract_strided_slice %dot_general3A_209 {offsets = [0, 0], sizes = [16, 16], strides = [1, 1]} : vector<256x256xf32> to vector<16x16xf32>
    %slice3A_211 = vector.extract_strided_slice %dot_general3A_209 {offsets = [16, 16], sizes = [16, 16], strides = [1, 1]} : vector<256x256xf32> to vector<16x16xf32>
    %slice3A_212 = vector.extract_strided_slice %dot_general3A_209 {offsets = [32, 32], sizes = [16, 16], strides = [1, 1]} : vector<256x256xf32> to vector<16x16xf32>
    %slice3A_213 = vector.extract_strided_slice %dot_general3A_209 {offsets = [48, 48], sizes = [16, 16], strides = [1, 1]} : vector<256x256xf32> to vector<16x16xf32>
    %slice3A_214 = vector.extract_strided_slice %dot_general3A_209 {offsets = [64, 64], sizes = [16, 16], strides = [1, 1]} : vector<256x256xf32> to vector<16x16xf32>
    %slice3A_215 = vector.extract_strided_slice %dot_general3A_209 {offsets = [80, 80], sizes = [16, 16], strides = [1, 1]} : vector<256x256xf32> to vector<16x16xf32>
    %slice3A_216 = vector.extract_strided_slice %dot_general3A_209 {offsets = [96, 96], sizes = [16, 16], strides = [1, 1]} : vector<256x256xf32> to vector<16x16xf32>
    %slice3A_217 = vector.extract_strided_slice %dot_general3A_209 {offsets = [112, 112], sizes = [16, 16], strides = [1, 1]} : vector<256x256xf32> to vector<16x16xf32>
    %slice3A_218 = vector.extract_strided_slice %dot_general3A_209 {offsets = [128, 128], sizes = [16, 16], strides = [1, 1]} : vector<256x256xf32> to vector<16x16xf32>
    %slice3A_219 = vector.extract_strided_slice %dot_general3A_209 {offsets = [144, 144], sizes = [16, 16], strides = [1, 1]} : vector<256x256xf32> to vector<16x16xf32>
    %slice3A_220 = vector.extract_strided_slice %dot_general3A_209 {offsets = [160, 160], sizes = [16, 16], strides = [1, 1]} : vector<256x256xf32> to vector<16x16xf32>
    %slice3A_221 = vector.extract_strided_slice %dot_general3A_209 {offsets = [176, 176], sizes = [16, 16], strides = [1, 1]} : vector<256x256xf32> to vector<16x16xf32>
    %slice3A_222 = vector.extract_strided_slice %dot_general3A_209 {offsets = [192, 192], sizes = [16, 16], strides = [1, 1]} : vector<256x256xf32> to vector<16x16xf32>
    %slice3A_223 = vector.extract_strided_slice %dot_general3A_209 {offsets = [208, 208], sizes = [16, 16], strides = [1, 1]} : vector<256x256xf32> to vector<16x16xf32>
    %slice3A_224 = vector.extract_strided_slice %dot_general3A_209 {offsets = [224, 224], sizes = [16, 16], strides = [1, 1]} : vector<256x256xf32> to vector<16x16xf32>
    %slice3A_225 = vector.extract_strided_slice %dot_general3A_209 {offsets = [240, 240], sizes = [16, 16], strides = [1, 1]} : vector<256x256xf32> to vector<16x16xf32>
    %slice3A_226 = vector.extract_strided_slice %get3A_1 {offsets = [2560, 0], sizes = [256, 64], strides = [1, 1]} : vector<4096x64xf32> to vector<256x64xf32>
    %slice3A_227 = vector.extract_strided_slice %get3A_4 {offsets = [2560, 0], sizes = [256, 64], strides = [1, 1]} : vector<4096x64xf32> to vector<256x64xf32>
    %dot_general3A_228 = arith.constant dense<0.000000e+00> : vector<256x256xf32>
    %dot_general3A_229 = tpu.matmul %slice3A_226, %slice3A_227, %dot_general3A_228 {dimension_numbers = #tpu.dot_dimension_numbers<[1], [1], [0], [0], [0, 0, 1, 0], [], []>, precision = #tpu.contract_precision<fp32>, transpose_lhs_hint = false} : vector<256x64xf32>, vector<256x64xf32>, vector<256x256xf32> -> vector<256x256xf32>
    %slice3A_230 = vector.extract_strided_slice %dot_general3A_229 {offsets = [0, 0], sizes = [16, 16], strides = [1, 1]} : vector<256x256xf32> to vector<16x16xf32>
    %slice3A_231 = vector.extract_strided_slice %dot_general3A_229 {offsets = [16, 16], sizes = [16, 16], strides = [1, 1]} : vector<256x256xf32> to vector<16x16xf32>
    %slice3A_232 = vector.extract_strided_slice %dot_general3A_229 {offsets = [32, 32], sizes = [16, 16], strides = [1, 1]} : vector<256x256xf32> to vector<16x16xf32>
    %slice3A_233 = vector.extract_strided_slice %dot_general3A_229 {offsets = [48, 48], sizes = [16, 16], strides = [1, 1]} : vector<256x256xf32> to vector<16x16xf32>
    %slice3A_234 = vector.extract_strided_slice %dot_general3A_229 {offsets = [64, 64], sizes = [16, 16], strides = [1, 1]} : vector<256x256xf32> to vector<16x16xf32>
    %slice3A_235 = vector.extract_strided_slice %dot_general3A_229 {offsets = [80, 80], sizes = [16, 16], strides = [1, 1]} : vector<256x256xf32> to vector<16x16xf32>
    %slice3A_236 = vector.extract_strided_slice %dot_general3A_229 {offsets = [96, 96], sizes = [16, 16], strides = [1, 1]} : vector<256x256xf32> to vector<16x16xf32>
    %slice3A_237 = vector.extract_strided_slice %dot_general3A_229 {offsets = [112, 112], sizes = [16, 16], strides = [1, 1]} : vector<256x256xf32> to vector<16x16xf32>
    %slice3A_238 = vector.extract_strided_slice %dot_general3A_229 {offsets = [128, 128], sizes = [16, 16], strides = [1, 1]} : vector<256x256xf32> to vector<16x16xf32>
    %slice3A_239 = vector.extract_strided_slice %dot_general3A_229 {offsets = [144, 144], sizes = [16, 16], strides = [1, 1]} : vector<256x256xf32> to vector<16x16xf32>
    %slice3A_240 = vector.extract_strided_slice %dot_general3A_229 {offsets = [160, 160], sizes = [16, 16], strides = [1, 1]} : vector<256x256xf32> to vector<16x16xf32>
    %slice3A_241 = vector.extract_strided_slice %dot_general3A_229 {offsets = [176, 176], sizes = [16, 16], strides = [1, 1]} : vector<256x256xf32> to vector<16x16xf32>
    %slice3A_242 = vector.extract_strided_slice %dot_general3A_229 {offsets = [192, 192], sizes = [16, 16], strides = [1, 1]} : vector<256x256xf32> to vector<16x16xf32>
    %slice3A_243 = vector.extract_strided_slice %dot_general3A_229 {offsets = [208, 208], sizes = [16, 16], strides = [1, 1]} : vector<256x256xf32> to vector<16x16xf32>
    %slice3A_244 = vector.extract_strided_slice %dot_general3A_229 {offsets = [224, 224], sizes = [16, 16], strides = [1, 1]} : vector<256x256xf32> to vector<16x16xf32>
    %slice3A_245 = vector.extract_strided_slice %dot_general3A_229 {offsets = [240, 240], sizes = [16, 16], strides = [1, 1]} : vector<256x256xf32> to vector<16x16xf32>
    %slice3A_246 = vector.extract_strided_slice %get3A_1 {offsets = [2816, 0], sizes = [256, 64], strides = [1, 1]} : vector<4096x64xf32> to vector<256x64xf32>
    %slice3A_247 = vector.extract_strided_slice %get3A_4 {offsets = [2816, 0], sizes = [256, 64], strides = [1, 1]} : vector<4096x64xf32> to vector<256x64xf32>
    %dot_general3A_248 = arith.constant dense<0.000000e+00> : vector<256x256xf32>
    %dot_general3A_249 = tpu.matmul %slice3A_246, %slice3A_247, %dot_general3A_248 {dimension_numbers = #tpu.dot_dimension_numbers<[1], [1], [0], [0], [0, 0, 1, 0], [], []>, precision = #tpu.contract_precision<fp32>, transpose_lhs_hint = false} : vector<256x64xf32>, vector<256x64xf32>, vector<256x256xf32> -> vector<256x256xf32>
    %slice3A_250 = vector.extract_strided_slice %dot_general3A_249 {offsets = [0, 0], sizes = [16, 16], strides = [1, 1]} : vector<256x256xf32> to vector<16x16xf32>
    %slice3A_251 = vector.extract_strided_slice %dot_general3A_249 {offsets = [16, 16], sizes = [16, 16], strides = [1, 1]} : vector<256x256xf32> to vector<16x16xf32>
    %slice3A_252 = vector.extract_strided_slice %dot_general3A_249 {offsets = [32, 32], sizes = [16, 16], strides = [1, 1]} : vector<256x256xf32> to vector<16x16xf32>
    %slice3A_253 = vector.extract_strided_slice %dot_general3A_249 {offsets = [48, 48], sizes = [16, 16], strides = [1, 1]} : vector<256x256xf32> to vector<16x16xf32>
    %slice3A_254 = vector.extract_strided_slice %dot_general3A_249 {offsets = [64, 64], sizes = [16, 16], strides = [1, 1]} : vector<256x256xf32> to vector<16x16xf32>
    %slice3A_255 = vector.extract_strided_slice %dot_general3A_249 {offsets = [80, 80], sizes = [16, 16], strides = [1, 1]} : vector<256x256xf32> to vector<16x16xf32>
    %slice3A_256 = vector.extract_strided_slice %dot_general3A_249 {offsets = [96, 96], sizes = [16, 16], strides = [1, 1]} : vector<256x256xf32> to vector<16x16xf32>
    %slice3A_257 = vector.extract_strided_slice %dot_general3A_249 {offsets = [112, 112], sizes = [16, 16], strides = [1, 1]} : vector<256x256xf32> to vector<16x16xf32>
    %slice3A_258 = vector.extract_strided_slice %dot_general3A_249 {offsets = [128, 128], sizes = [16, 16], strides = [1, 1]} : vector<256x256xf32> to vector<16x16xf32>
    %slice3A_259 = vector.extract_strided_slice %dot_general3A_249 {offsets = [144, 144], sizes = [16, 16], strides = [1, 1]} : vector<256x256xf32> to vector<16x16xf32>
    %slice3A_260 = vector.extract_strided_slice %dot_general3A_249 {offsets = [160, 160], sizes = [16, 16], strides = [1, 1]} : vector<256x256xf32> to vector<16x16xf32>
    %slice3A_261 = vector.extract_strided_slice %dot_general3A_249 {offsets = [176, 176], sizes = [16, 16], strides = [1, 1]} : vector<256x256xf32> to vector<16x16xf32>
    %slice3A_262 = vector.extract_strided_slice %dot_general3A_249 {offsets = [192, 192], sizes = [16, 16], strides = [1, 1]} : vector<256x256xf32> to vector<16x16xf32>
    %slice3A_263 = vector.extract_strided_slice %dot_general3A_249 {offsets = [208, 208], sizes = [16, 16], strides = [1, 1]} : vector<256x256xf32> to vector<16x16xf32>
    %slice3A_264 = vector.extract_strided_slice %dot_general3A_249 {offsets = [224, 224], sizes = [16, 16], strides = [1, 1]} : vector<256x256xf32> to vector<16x16xf32>
    %slice3A_265 = vector.extract_strided_slice %dot_general3A_249 {offsets = [240, 240], sizes = [16, 16], strides = [1, 1]} : vector<256x256xf32> to vector<16x16xf32>
    %slice3A_266 = vector.extract_strided_slice %get3A_1 {offsets = [3072, 0], sizes = [256, 64], strides = [1, 1]} : vector<4096x64xf32> to vector<256x64xf32>
    %slice3A_267 = vector.extract_strided_slice %get3A_4 {offsets = [3072, 0], sizes = [256, 64], strides = [1, 1]} : vector<4096x64xf32> to vector<256x64xf32>
    %dot_general3A_268 = arith.constant dense<0.000000e+00> : vector<256x256xf32>
    %dot_general3A_269 = tpu.matmul %slice3A_266, %slice3A_267, %dot_general3A_268 {dimension_numbers = #tpu.dot_dimension_numbers<[1], [1], [0], [0], [0, 0, 1, 0], [], []>, precision = #tpu.contract_precision<fp32>, transpose_lhs_hint = false} : vector<256x64xf32>, vector<256x64xf32>, vector<256x256xf32> -> vector<256x256xf32>
    %slice3A_270 = vector.extract_strided_slice %dot_general3A_269 {offsets = [0, 0], sizes = [16, 16], strides = [1, 1]} : vector<256x256xf32> to vector<16x16xf32>
    %slice3A_271 = vector.extract_strided_slice %dot_general3A_269 {offsets = [16, 16], sizes = [16, 16], strides = [1, 1]} : vector<256x256xf32> to vector<16x16xf32>
    %slice3A_272 = vector.extract_strided_slice %dot_general3A_269 {offsets = [32, 32], sizes = [16, 16], strides = [1, 1]} : vector<256x256xf32> to vector<16x16xf32>
    %slice3A_273 = vector.extract_strided_slice %dot_general3A_269 {offsets = [48, 48], sizes = [16, 16], strides = [1, 1]} : vector<256x256xf32> to vector<16x16xf32>
    %slice3A_274 = vector.extract_strided_slice %dot_general3A_269 {offsets = [64, 64], sizes = [16, 16], strides = [1, 1]} : vector<256x256xf32> to vector<16x16xf32>
    %slice3A_275 = vector.extract_strided_slice %dot_general3A_269 {offsets = [80, 80], sizes = [16, 16], strides = [1, 1]} : vector<256x256xf32> to vector<16x16xf32>
    %slice3A_276 = vector.extract_strided_slice %dot_general3A_269 {offsets = [96, 96], sizes = [16, 16], strides = [1, 1]} : vector<256x256xf32> to vector<16x16xf32>
    %slice3A_277 = vector.extract_strided_slice %dot_general3A_269 {offsets = [112, 112], sizes = [16, 16], strides = [1, 1]} : vector<256x256xf32> to vector<16x16xf32>
    %slice3A_278 = vector.extract_strided_slice %dot_general3A_269 {offsets = [128, 128], sizes = [16, 16], strides = [1, 1]} : vector<256x256xf32> to vector<16x16xf32>
    %slice3A_279 = vector.extract_strided_slice %dot_general3A_269 {offsets = [144, 144], sizes = [16, 16], strides = [1, 1]} : vector<256x256xf32> to vector<16x16xf32>
    %slice3A_280 = vector.extract_strided_slice %dot_general3A_269 {offsets = [160, 160], sizes = [16, 16], strides = [1, 1]} : vector<256x256xf32> to vector<16x16xf32>
    %slice3A_281 = vector.extract_strided_slice %dot_general3A_269 {offsets = [176, 176], sizes = [16, 16], strides = [1, 1]} : vector<256x256xf32> to vector<16x16xf32>
    %slice3A_282 = vector.extract_strided_slice %dot_general3A_269 {offsets = [192, 192], sizes = [16, 16], strides = [1, 1]} : vector<256x256xf32> to vector<16x16xf32>
    %slice3A_283 = vector.extract_strided_slice %dot_general3A_269 {offsets = [208, 208], sizes = [16, 16], strides = [1, 1]} : vector<256x256xf32> to vector<16x16xf32>
    %slice3A_284 = vector.extract_strided_slice %dot_general3A_269 {offsets = [224, 224], sizes = [16, 16], strides = [1, 1]} : vector<256x256xf32> to vector<16x16xf32>
    %slice3A_285 = vector.extract_strided_slice %dot_general3A_269 {offsets = [240, 240], sizes = [16, 16], strides = [1, 1]} : vector<256x256xf32> to vector<16x16xf32>
    %slice3A_286 = vector.extract_strided_slice %get3A_1 {offsets = [3328, 0], sizes = [256, 64], strides = [1, 1]} : vector<4096x64xf32> to vector<256x64xf32>
    %slice3A_287 = vector.extract_strided_slice %get3A_4 {offsets = [3328, 0], sizes = [256, 64], strides = [1, 1]} : vector<4096x64xf32> to vector<256x64xf32>
    %dot_general3A_288 = arith.constant dense<0.000000e+00> : vector<256x256xf32>
    %dot_general3A_289 = tpu.matmul %slice3A_286, %slice3A_287, %dot_general3A_288 {dimension_numbers = #tpu.dot_dimension_numbers<[1], [1], [0], [0], [0, 0, 1, 0], [], []>, precision = #tpu.contract_precision<fp32>, transpose_lhs_hint = false} : vector<256x64xf32>, vector<256x64xf32>, vector<256x256xf32> -> vector<256x256xf32>
    %slice3A_290 = vector.extract_strided_slice %dot_general3A_289 {offsets = [0, 0], sizes = [16, 16], strides = [1, 1]} : vector<256x256xf32> to vector<16x16xf32>
    %slice3A_291 = vector.extract_strided_slice %dot_general3A_289 {offsets = [16, 16], sizes = [16, 16], strides = [1, 1]} : vector<256x256xf32> to vector<16x16xf32>
    %slice3A_292 = vector.extract_strided_slice %dot_general3A_289 {offsets = [32, 32], sizes = [16, 16], strides = [1, 1]} : vector<256x256xf32> to vector<16x16xf32>
    %slice3A_293 = vector.extract_strided_slice %dot_general3A_289 {offsets = [48, 48], sizes = [16, 16], strides = [1, 1]} : vector<256x256xf32> to vector<16x16xf32>
    %slice3A_294 = vector.extract_strided_slice %dot_general3A_289 {offsets = [64, 64], sizes = [16, 16], strides = [1, 1]} : vector<256x256xf32> to vector<16x16xf32>
    %slice3A_295 = vector.extract_strided_slice %dot_general3A_289 {offsets = [80, 80], sizes = [16, 16], strides = [1, 1]} : vector<256x256xf32> to vector<16x16xf32>
    %slice3A_296 = vector.extract_strided_slice %dot_general3A_289 {offsets = [96, 96], sizes = [16, 16], strides = [1, 1]} : vector<256x256xf32> to vector<16x16xf32>
    %slice3A_297 = vector.extract_strided_slice %dot_general3A_289 {offsets = [112, 112], sizes = [16, 16], strides = [1, 1]} : vector<256x256xf32> to vector<16x16xf32>
    %slice3A_298 = vector.extract_strided_slice %dot_general3A_289 {offsets = [128, 128], sizes = [16, 16], strides = [1, 1]} : vector<256x256xf32> to vector<16x16xf32>
    %slice3A_299 = vector.extract_strided_slice %dot_general3A_289 {offsets = [144, 144], sizes = [16, 16], strides = [1, 1]} : vector<256x256xf32> to vector<16x16xf32>
    %slice3A_300 = vector.extract_strided_slice %dot_general3A_289 {offsets = [160, 160], sizes = [16, 16], strides = [1, 1]} : vector<256x256xf32> to vector<16x16xf32>
    %slice3A_301 = vector.extract_strided_slice %dot_general3A_289 {offsets = [176, 176], sizes = [16, 16], strides = [1, 1]} : vector<256x256xf32> to vector<16x16xf32>
    %slice3A_302 = vector.extract_strided_slice %dot_general3A_289 {offsets = [192, 192], sizes = [16, 16], strides = [1, 1]} : vector<256x256xf32> to vector<16x16xf32>
    %slice3A_303 = vector.extract_strided_slice %dot_general3A_289 {offsets = [208, 208], sizes = [16, 16], strides = [1, 1]} : vector<256x256xf32> to vector<16x16xf32>
    %slice3A_304 = vector.extract_strided_slice %dot_general3A_289 {offsets = [224, 224], sizes = [16, 16], strides = [1, 1]} : vector<256x256xf32> to vector<16x16xf32>
    %slice3A_305 = vector.extract_strided_slice %dot_general3A_289 {offsets = [240, 240], sizes = [16, 16], strides = [1, 1]} : vector<256x256xf32> to vector<16x16xf32>
    %slice3A_306 = vector.extract_strided_slice %get3A_1 {offsets = [3584, 0], sizes = [256, 64], strides = [1, 1]} : vector<4096x64xf32> to vector<256x64xf32>
    %slice3A_307 = vector.extract_strided_slice %get3A_4 {offsets = [3584, 0], sizes = [256, 64], strides = [1, 1]} : vector<4096x64xf32> to vector<256x64xf32>
    %dot_general3A_308 = arith.constant dense<0.000000e+00> : vector<256x256xf32>
    %dot_general3A_309 = tpu.matmul %slice3A_306, %slice3A_307, %dot_general3A_308 {dimension_numbers = #tpu.dot_dimension_numbers<[1], [1], [0], [0], [0, 0, 1, 0], [], []>, precision = #tpu.contract_precision<fp32>, transpose_lhs_hint = false} : vector<256x64xf32>, vector<256x64xf32>, vector<256x256xf32> -> vector<256x256xf32>
    %slice3A_310 = vector.extract_strided_slice %dot_general3A_309 {offsets = [0, 0], sizes = [16, 16], strides = [1, 1]} : vector<256x256xf32> to vector<16x16xf32>
    %slice3A_311 = vector.extract_strided_slice %dot_general3A_309 {offsets = [16, 16], sizes = [16, 16], strides = [1, 1]} : vector<256x256xf32> to vector<16x16xf32>
    %slice3A_312 = vector.extract_strided_slice %dot_general3A_309 {offsets = [32, 32], sizes = [16, 16], strides = [1, 1]} : vector<256x256xf32> to vector<16x16xf32>
    %slice3A_313 = vector.extract_strided_slice %dot_general3A_309 {offsets = [48, 48], sizes = [16, 16], strides = [1, 1]} : vector<256x256xf32> to vector<16x16xf32>
    %slice3A_314 = vector.extract_strided_slice %dot_general3A_309 {offsets = [64, 64], sizes = [16, 16], strides = [1, 1]} : vector<256x256xf32> to vector<16x16xf32>
    %slice3A_315 = vector.extract_strided_slice %dot_general3A_309 {offsets = [80, 80], sizes = [16, 16], strides = [1, 1]} : vector<256x256xf32> to vector<16x16xf32>
    %slice3A_316 = vector.extract_strided_slice %dot_general3A_309 {offsets = [96, 96], sizes = [16, 16], strides = [1, 1]} : vector<256x256xf32> to vector<16x16xf32>
    %slice3A_317 = vector.extract_strided_slice %dot_general3A_309 {offsets = [112, 112], sizes = [16, 16], strides = [1, 1]} : vector<256x256xf32> to vector<16x16xf32>
    %slice3A_318 = vector.extract_strided_slice %dot_general3A_309 {offsets = [128, 128], sizes = [16, 16], strides = [1, 1]} : vector<256x256xf32> to vector<16x16xf32>
    %slice3A_319 = vector.extract_strided_slice %dot_general3A_309 {offsets = [144, 144], sizes = [16, 16], strides = [1, 1]} : vector<256x256xf32> to vector<16x16xf32>
    %slice3A_320 = vector.extract_strided_slice %dot_general3A_309 {offsets = [160, 160], sizes = [16, 16], strides = [1, 1]} : vector<256x256xf32> to vector<16x16xf32>
    %slice3A_321 = vector.extract_strided_slice %dot_general3A_309 {offsets = [176, 176], sizes = [16, 16], strides = [1, 1]} : vector<256x256xf32> to vector<16x16xf32>
    %slice3A_322 = vector.extract_strided_slice %dot_general3A_309 {offsets = [192, 192], sizes = [16, 16], strides = [1, 1]} : vector<256x256xf32> to vector<16x16xf32>
    %slice3A_323 = vector.extract_strided_slice %dot_general3A_309 {offsets = [208, 208], sizes = [16, 16], strides = [1, 1]} : vector<256x256xf32> to vector<16x16xf32>
    %slice3A_324 = vector.extract_strided_slice %dot_general3A_309 {offsets = [224, 224], sizes = [16, 16], strides = [1, 1]} : vector<256x256xf32> to vector<16x16xf32>
    %slice3A_325 = vector.extract_strided_slice %dot_general3A_309 {offsets = [240, 240], sizes = [16, 16], strides = [1, 1]} : vector<256x256xf32> to vector<16x16xf32>
    %slice3A_326 = vector.extract_strided_slice %get3A_1 {offsets = [3840, 0], sizes = [256, 64], strides = [1, 1]} : vector<4096x64xf32> to vector<256x64xf32>
    %slice3A_327 = vector.extract_strided_slice %get3A_4 {offsets = [3840, 0], sizes = [256, 64], strides = [1, 1]} : vector<4096x64xf32> to vector<256x64xf32>
    %dot_general3A_328 = arith.constant dense<0.000000e+00> : vector<256x256xf32>
    %dot_general3A_329 = tpu.matmul %slice3A_326, %slice3A_327, %dot_general3A_328 {dimension_numbers = #tpu.dot_dimension_numbers<[1], [1], [0], [0], [0, 0, 1, 0], [], []>, precision = #tpu.contract_precision<fp32>, transpose_lhs_hint = false} : vector<256x64xf32>, vector<256x64xf32>, vector<256x256xf32> -> vector<256x256xf32>
    %slice3A_330 = vector.extract_strided_slice %dot_general3A_329 {offsets = [0, 0], sizes = [16, 16], strides = [1, 1]} : vector<256x256xf32> to vector<16x16xf32>
    %slice3A_331 = vector.extract_strided_slice %dot_general3A_329 {offsets = [16, 16], sizes = [16, 16], strides = [1, 1]} : vector<256x256xf32> to vector<16x16xf32>
    %slice3A_332 = vector.extract_strided_slice %dot_general3A_329 {offsets = [32, 32], sizes = [16, 16], strides = [1, 1]} : vector<256x256xf32> to vector<16x16xf32>
    %slice3A_333 = vector.extract_strided_slice %dot_general3A_329 {offsets = [48, 48], sizes = [16, 16], strides = [1, 1]} : vector<256x256xf32> to vector<16x16xf32>
    %slice3A_334 = vector.extract_strided_slice %dot_general3A_329 {offsets = [64, 64], sizes = [16, 16], strides = [1, 1]} : vector<256x256xf32> to vector<16x16xf32>
    %slice3A_335 = vector.extract_strided_slice %dot_general3A_329 {offsets = [80, 80], sizes = [16, 16], strides = [1, 1]} : vector<256x256xf32> to vector<16x16xf32>
    %slice3A_336 = vector.extract_strided_slice %dot_general3A_329 {offsets = [96, 96], sizes = [16, 16], strides = [1, 1]} : vector<256x256xf32> to vector<16x16xf32>
    %slice3A_337 = vector.extract_strided_slice %dot_general3A_329 {offsets = [112, 112], sizes = [16, 16], strides = [1, 1]} : vector<256x256xf32> to vector<16x16xf32>
    %slice3A_338 = vector.extract_strided_slice %dot_general3A_329 {offsets = [128, 128], sizes = [16, 16], strides = [1, 1]} : vector<256x256xf32> to vector<16x16xf32>
    %slice3A_339 = vector.extract_strided_slice %dot_general3A_329 {offsets = [144, 144], sizes = [16, 16], strides = [1, 1]} : vector<256x256xf32> to vector<16x16xf32>
    %slice3A_340 = vector.extract_strided_slice %dot_general3A_329 {offsets = [160, 160], sizes = [16, 16], strides = [1, 1]} : vector<256x256xf32> to vector<16x16xf32>
    %slice3A_341 = vector.extract_strided_slice %dot_general3A_329 {offsets = [176, 176], sizes = [16, 16], strides = [1, 1]} : vector<256x256xf32> to vector<16x16xf32>
    %slice3A_342 = vector.extract_strided_slice %dot_general3A_329 {offsets = [192, 192], sizes = [16, 16], strides = [1, 1]} : vector<256x256xf32> to vector<16x16xf32>
    %slice3A_343 = vector.extract_strided_slice %dot_general3A_329 {offsets = [208, 208], sizes = [16, 16], strides = [1, 1]} : vector<256x256xf32> to vector<16x16xf32>
    %slice3A_344 = vector.extract_strided_slice %dot_general3A_329 {offsets = [224, 224], sizes = [16, 16], strides = [1, 1]} : vector<256x256xf32> to vector<16x16xf32>
    %slice3A_345 = vector.extract_strided_slice %dot_general3A_329 {offsets = [240, 240], sizes = [16, 16], strides = [1, 1]} : vector<256x256xf32> to vector<16x16xf32>
    %concatenate3A = tpu.concatenate %slice3A_30, %slice3A_31, %slice3A_32, %slice3A_33, %slice3A_34, %slice3A_35, %slice3A_36, %slice3A_37, %slice3A_38, %slice3A_39, %slice3A_40, %slice3A_41, %slice3A_42, %slice3A_43, %slice3A_44, %slice3A_45, %slice3A_50, %slice3A_51, %slice3A_52, %slice3A_53, %slice3A_54, %slice3A_55, %slice3A_56, %slice3A_57, %slice3A_58, %slice3A_59, %slice3A_60, %slice3A_61, %slice3A_62, %slice3A_63, %slice3A_64, %slice3A_65, %slice3A_70, %slice3A_71, %slice3A_72, %slice3A_73, %slice3A_74, %slice3A_75, %slice3A_76, %slice3A_77, %slice3A_78, %slice3A_79, %slice3A_80, %slice3A_81, %slice3A_82, %slice3A_83, %slice3A_84, %slice3A_85, %slice3A_90, %slice3A_91, %slice3A_92, %slice3A_93, %slice3A_94, %slice3A_95, %slice3A_96, %slice3A_97, %slice3A_98, %slice3A_99, %slice3A_100, %slice3A_101, %slice3A_102, %slice3A_103, %slice3A_104, %slice3A_105, %slice3A_110, %slice3A_111, %slice3A_112, %slice3A_113, %slice3A_114, %slice3A_115, %slice3A_116, %slice3A_117, %slice3A_118, %slice3A_119, %slice3A_120, %slice3A_121, %slice3A_122, %slice3A_123, %slice3A_124, %slice3A_125, %slice3A_130, %slice3A_131, %slice3A_132, %slice3A_133, %slice3A_134, %slice3A_135, %slice3A_136, %slice3A_137, %slice3A_138, %slice3A_139, %slice3A_140, %slice3A_141, %slice3A_142, %slice3A_143, %slice3A_144, %slice3A_145, %slice3A_150, %slice3A_151, %slice3A_152, %slice3A_153, %slice3A_154, %slice3A_155, %slice3A_156, %slice3A_157, %slice3A_158, %slice3A_159, %slice3A_160, %slice3A_161, %slice3A_162, %slice3A_163, %slice3A_164, %slice3A_165, %slice3A_170, %slice3A_171, %slice3A_172, %slice3A_173, %slice3A_174, %slice3A_175, %slice3A_176, %slice3A_177, %slice3A_178, %slice3A_179, %slice3A_180, %slice3A_181, %slice3A_182, %slice3A_183, %slice3A_184, %slice3A_185, %slice3A_190, %slice3A_191, %slice3A_192, %slice3A_193, %slice3A_194, %slice3A_195, %slice3A_196, %slice3A_197, %slice3A_198, %slice3A_199, %slice3A_200, %slice3A_201, %slice3A_202, %slice3A_203, %slice3A_204, %slice3A_205, %slice3A_210, %slice3A_211, %slice3A_212, %slice3A_213, %slice3A_214, %slice3A_215, %slice3A_216, %slice3A_217, %slice3A_218, %slice3A_219, %slice3A_220, %slice3A_221, %slice3A_222, %slice3A_223, %slice3A_224, %slice3A_225, %slice3A_230, %slice3A_231, %slice3A_232, %slice3A_233, %slice3A_234, %slice3A_235, %slice3A_236, %slice3A_237, %slice3A_238, %slice3A_239, %slice3A_240, %slice3A_241, %slice3A_242, %slice3A_243, %slice3A_244, %slice3A_245, %slice3A_250, %slice3A_251, %slice3A_252, %slice3A_253, %slice3A_254, %slice3A_255, %slice3A_256, %slice3A_257, %slice3A_258, %slice3A_259, %slice3A_260, %slice3A_261, %slice3A_262, %slice3A_263, %slice3A_264, %slice3A_265, %slice3A_270, %slice3A_271, %slice3A_272, %slice3A_273, %slice3A_274, %slice3A_275, %slice3A_276, %slice3A_277, %slice3A_278, %slice3A_279, %slice3A_280, %slice3A_281, %slice3A_282, %slice3A_283, %slice3A_284, %slice3A_285, %slice3A_290, %slice3A_291, %slice3A_292, %slice3A_293, %slice3A_294, %slice3A_295, %slice3A_296, %slice3A_297, %slice3A_298, %slice3A_299, %slice3A_300, %slice3A_301, %slice3A_302, %slice3A_303, %slice3A_304, %slice3A_305, %slice3A_310, %slice3A_311, %slice3A_312, %slice3A_313, %slice3A_314, %slice3A_315, %slice3A_316, %slice3A_317, %slice3A_318, %slice3A_319, %slice3A_320, %slice3A_321, %slice3A_322, %slice3A_323, %slice3A_324, %slice3A_325, %slice3A_330, %slice3A_331, %slice3A_332, %slice3A_333, %slice3A_334, %slice3A_335, %slice3A_336, %slice3A_337, %slice3A_338, %slice3A_339, %slice3A_340, %slice3A_341, %slice3A_342, %slice3A_343, %slice3A_344, %slice3A_345 in 0 : vector<16x16xf32>, vector<16x16xf32>, vector<16x16xf32>, vector<16x16xf32>, vector<16x16xf32>, vector<16x16xf32>, vector<16x16xf32>, vector<16x16xf32>, vector<16x16xf32>, vector<16x16xf32>, vector<16x16xf32>, vector<16x16xf32>, vector<16x16xf32>, vector<16x16xf32>, vector<16x16xf32>, vector<16x16xf32>, vector<16x16xf32>, vector<16x16xf32>, vector<16x16xf32>, vector<16x16xf32>, vector<16x16xf32>, vector<16x16xf32>, vector<16x16xf32>, vector<16x16xf32>, vector<16x16xf32>, vector<16x16xf32>, vector<16x16xf32>, vector<16x16xf32>, vector<16x16xf32>, vector<16x16xf32>, vector<16x16xf32>, vector<16x16xf32>, vector<16x16xf32>, vector<16x16xf32>, vector<16x16xf32>, vector<16x16xf32>, vector<16x16xf32>, vector<16x16xf32>, vector<16x16xf32>, vector<16x16xf32>, vector<16x16xf32>, vector<16x16xf32>, vector<16x16xf32>, vector<16x16xf32>, vector<16x16xf32>, vector<16x16xf32>, vector<16x16xf32>, vector<16x16xf32>, vector<16x16xf32>, vector<16x16xf32>, vector<16x16xf32>, vector<16x16xf32>, vector<16x16xf32>, vector<16x16xf32>, vector<16x16xf32>, vector<16x16xf32>, vector<16x16xf32>, vector<16x16xf32>, vector<16x16xf32>, vector<16x16xf32>, vector<16x16xf32>, vector<16x16xf32>, vector<16x16xf32>, vector<16x16xf32>, vector<16x16xf32>, vector<16x16xf32>, vector<16x16xf32>, vector<16x16xf32>, vector<16x16xf32>, vector<16x16xf32>, vector<16x16xf32>, vector<16x16xf32>, vector<16x16xf32>, vector<16x16xf32>, vector<16x16xf32>, vector<16x16xf32>, vector<16x16xf32>, vector<16x16xf32>, vector<16x16xf32>, vector<16x16xf32>, vector<16x16xf32>, vector<16x16xf32>, vector<16x16xf32>, vector<16x16xf32>, vector<16x16xf32>, vector<16x16xf32>, vector<16x16xf32>, vector<16x16xf32>, vector<16x16xf32>, vector<16x16xf32>, vector<16x16xf32>, vector<16x16xf32>, vector<16x16xf32>, vector<16x16xf32>, vector<16x16xf32>, vector<16x16xf32>, vector<16x16xf32>, vector<16x16xf32>, vector<16x16xf32>, vector<16x16xf32>, vector<16x16xf32>, vector<16x16xf32>, vector<16x16xf32>, vector<16x16xf32>, vector<16x16xf32>, vector<16x16xf32>, vector<16x16xf32>, vector<16x16xf32>, vector<16x16xf32>, vector<16x16xf32>, vector<16x16xf32>, vector<16x16xf32>, vector<16x16xf32>, vector<16x16xf32>, vector<16x16xf32>, vector<16x16xf32>, vector<16x16xf32>, vector<16x16xf32>, vector<16x16xf32>, vector<16x16xf32>, vector<16x16xf32>, vector<16x16xf32>, vector<16x16xf32>, vector<16x16xf32>, vector<16x16xf32>, vector<16x16xf32>, vector<16x16xf32>, vector<16x16xf32>, vector<16x16xf32>, vector<16x16xf32>, vector<16x16xf32>, vector<16x16xf32>, vector<16x16xf32>, vector<16x16xf32>, vector<16x16xf32>, vector<16x16xf32>, vector<16x16xf32>, vector<16x16xf32>, vector<16x16xf32>, vector<16x16xf32>, vector<16x16xf32>, vector<16x16xf32>, vector<16x16xf32>, vector<16x16xf32>, vector<16x16xf32>, vector<16x16xf32>, vector<16x16xf32>, vector<16x16xf32>, vector<16x16xf32>, vector<16x16xf32>, vector<16x16xf32>, vector<16x16xf32>, vector<16x16xf32>, vector<16x16xf32>, vector<16x16xf32>, vector<16x16xf32>, vector<16x16xf32>, vector<16x16xf32>, vector<16x16xf32>, vector<16x16xf32>, vector<16x16xf32>, vector<16x16xf32>, vector<16x16xf32>, vector<16x16xf32>, vector<16x16xf32>, vector<16x16xf32>, vector<16x16xf32>, vector<16x16xf32>, vector<16x16xf32>, vector<16x16xf32>, vector<16x16xf32>, vector<16x16xf32>, vector<16x16xf32>, vector<16x16xf32>, vector<16x16xf32>, vector<16x16xf32>, vector<16x16xf32>, vector<16x16xf32>, vector<16x16xf32>, vector<16x16xf32>, vector<16x16xf32>, vector<16x16xf32>, vector<16x16xf32>, vector<16x16xf32>, vector<16x16xf32>, vector<16x16xf32>, vector<16x16xf32>, vector<16x16xf32>, vector<16x16xf32>, vector<16x16xf32>, vector<16x16xf32>, vector<16x16xf32>, vector<16x16xf32>, vector<16x16xf32>, vector<16x16xf32>, vector<16x16xf32>, vector<16x16xf32>, vector<16x16xf32>, vector<16x16xf32>, vector<16x16xf32>, vector<16x16xf32>, vector<16x16xf32>, vector<16x16xf32>, vector<16x16xf32>, vector<16x16xf32>, vector<16x16xf32>, vector<16x16xf32>, vector<16x16xf32>, vector<16x16xf32>, vector<16x16xf32>, vector<16x16xf32>, vector<16x16xf32>, vector<16x16xf32>, vector<16x16xf32>, vector<16x16xf32>, vector<16x16xf32>, vector<16x16xf32>, vector<16x16xf32>, vector<16x16xf32>, vector<16x16xf32>, vector<16x16xf32>, vector<16x16xf32>, vector<16x16xf32>, vector<16x16xf32>, vector<16x16xf32>, vector<16x16xf32>, vector<16x16xf32>, vector<16x16xf32>, vector<16x16xf32>, vector<16x16xf32>, vector<16x16xf32>, vector<16x16xf32>, vector<16x16xf32>, vector<16x16xf32>, vector<16x16xf32>, vector<16x16xf32>, vector<16x16xf32>, vector<16x16xf32>, vector<16x16xf32>, vector<16x16xf32>, vector<16x16xf32>, vector<16x16xf32>, vector<16x16xf32>, vector<16x16xf32>, vector<16x16xf32>, vector<16x16xf32>, vector<16x16xf32>, vector<16x16xf32>, vector<16x16xf32>, vector<16x16xf32>, vector<16x16xf32>, vector<16x16xf32>, vector<16x16xf32>, vector<16x16xf32>, vector<16x16xf32>, vector<16x16xf32> -> vector<4096x16xf32>
    %reshape3A = vector.shape_cast %broadcast_in_dim3A_12 : vector<4096x1xf32> to vector<256x16xf32>
    %reshape3A_346 = vector.shape_cast %mul3A_23 : vector<4096x1xf32> to vector<256x16xf32>
    %reshape3A_347 = vector.shape_cast %sqrt3A : vector<4096x1xf32> to vector<256x16xf32>
    %broadcast_in_dim3A_348 = vector.shape_cast %reshape3A : vector<256x16xf32> to vector<256x1x16xf32>
    %broadcast_in_dim3A_349 = vector.shape_cast %broadcast_in_dim3A_348 : vector<256x1x16xf32> to vector<256x1x16xf32>
    %broadcast_in_dim3A_350 = vector.broadcast %broadcast_in_dim3A_349 : vector<256x1x16xf32> to vector<256x16x16xf32>
    %reshape3A_351 = vector.shape_cast %broadcast_in_dim3A_350 : vector<256x16x16xf32> to vector<4096x16xf32>
    %broadcast_in_dim3A_352 = vector.shape_cast %reshape3A_346 : vector<256x16xf32> to vector<256x1x16xf32>
    %broadcast_in_dim3A_353 = vector.shape_cast %broadcast_in_dim3A_352 : vector<256x1x16xf32> to vector<256x1x16xf32>
    %broadcast_in_dim3A_354 = vector.broadcast %broadcast_in_dim3A_353 : vector<256x1x16xf32> to vector<256x16x16xf32>
    %reshape3A_355 = vector.shape_cast %broadcast_in_dim3A_354 : vector<256x16x16xf32> to vector<4096x16xf32>
    %mul3A_356 = arith.constant 2.000000e+00 : f32
    %mul3A_357 = vector.broadcast %mul3A_356 : f32 to vector<4096x16xf32>
    %mul3A_358 = arith.mulf %mul3A_357, %concatenate3A : vector<4096x16xf32>
    %sub3A_359 = arith.constant 1.000000e+00 : f32
    %sub3A_360 = vector.broadcast %sub3A_359 : f32 to vector<4096x16xf32>
    %sub3A_361 = arith.subf %sub3A_360, %mul3A_358 : vector<4096x16xf32>
    %add3A_362 = arith.addf %sub3A_361, %reshape3A_351 : vector<4096x16xf32>
    %sub3A_363 = arith.constant 1.000000e+00 : f32
    %sub3A_364 = vector.broadcast %sub3A_363 : f32 to vector<4096x1xf32>
    %sub3A_365 = arith.subf %sub3A_364, %broadcast_in_dim3A : vector<4096x1xf32>
    %mul3A_366 = arith.mulf %add3A_362, %add3A_362 : vector<4096x16xf32>
    %mul3A_367 = vector.broadcast %broadcast_in_dim3A : vector<4096x1xf32> to vector<4096x16xf32>
    %mul3A_368 = arith.mulf %mul3A_366, %mul3A_367 : vector<4096x16xf32>
    %mul3A_369 = arith.mulf %sub3A_365, %sub3A_365 : vector<4096x1xf32>
    %mul3A_370 = vector.broadcast %mul3A_369 : vector<4096x1xf32> to vector<4096x16xf32>
    %mul3A_371 = arith.mulf %mul3A_370, %reshape3A_351 : vector<4096x16xf32>
    %add3A_372 = arith.addf %mul3A_368, %mul3A_371 : vector<4096x16xf32>
    %mul3A_373 = arith.constant 2.000000e+00 : f32
    %mul3A_374 = vector.broadcast %mul3A_373 : f32 to vector<4096x16xf32>
    %mul3A_375 = arith.mulf %mul3A_374, %add3A_362 : vector<4096x16xf32>
    %mul3A_376 = vector.broadcast %sub3A_365 : vector<4096x1xf32> to vector<4096x16xf32>
    %mul3A_377 = arith.mulf %mul3A_375, %mul3A_376 : vector<4096x16xf32>
    %mul3A_378 = arith.mulf %mul3A_377, %concatenate3A : vector<4096x16xf32>
    %sub3A_379 = arith.subf %add3A_372, %mul3A_378 : vector<4096x16xf32>
    %mul3A_380 = arith.constant 2.000000e+00 : f32
    %mul3A_381 = vector.broadcast %mul3A_380 : f32 to vector<4096x16xf32>
    %mul3A_382 = arith.mulf %mul3A_381, %concatenate3A : vector<4096x16xf32>
    %sub3A_383 = arith.constant 1.000000e+00 : f32
    %sub3A_384 = vector.broadcast %sub3A_383 : f32 to vector<4096x16xf32>
    %sub3A_385 = arith.subf %sub3A_384, %mul3A_382 : vector<4096x16xf32>
    %mul3A_386 = vector.broadcast %broadcast_in_dim3A : vector<4096x1xf32> to vector<4096x16xf32>
    %mul3A_387 = arith.mulf %mul3A_386, %reshape3A_351 : vector<4096x16xf32>
    %add3A_388 = arith.addf %sub3A_385, %mul3A_387 : vector<4096x16xf32>
    %max3A_389 = arith.constant 9.99999974E-6 : f32
    %max3A_390 = vector.broadcast %max3A_389 : f32 to vector<4096x16xf32>
    %max3A_391 = arith.maximumf %add3A_388, %max3A_390 : vector<4096x16xf32>
    %max3A_392 = arith.constant 0.000000e+00 : f32
    %max3A_393 = vector.broadcast %max3A_392 : f32 to vector<4096x16xf32>
    %max3A_394 = arith.maximumf %sub3A_379, %max3A_393 : vector<4096x16xf32>
    %mul3A_395 = arith.mulf %max3A_391, %max3A_391 : vector<4096x16xf32>
    %div3A_396 = arith.divf %max3A_394, %mul3A_395 : vector<4096x16xf32>
    %add3A_397 = arith.constant 1.000000e-15 : f32
    %add3A_398 = vector.broadcast %add3A_397 : f32 to vector<4096x16xf32>
    %add3A_399 = arith.addf %div3A_396, %add3A_398 : vector<4096x16xf32>
    %sqrt3A_400 = math.sqrt %add3A_399 : vector<4096x16xf32>
    %jit3A_401 = arith.constant -0.999989986 : f32
    %jit3A_402 = arith.constant 0.999989986 : f32
    %max3A_403 = vector.broadcast %jit3A_401 : f32 to vector<4096x16xf32>
    %max3A_404 = arith.maximumf %max3A_403, %sqrt3A_400 : vector<4096x16xf32>
    %min3A_405 = vector.broadcast %jit3A_402 : f32 to vector<4096x16xf32>
    %min3A_406 = arith.minimumf %min3A_405, %max3A_404 : vector<4096x16xf32>
    %log1p3A_407 = math.log1p %min3A_406 : vector<4096x16xf32>
    %neg3A_408 = arith.constant 0.000000e+00 : f32
    %neg3A_409 = vector.broadcast %neg3A_408 : f32 to vector<4096x16xf32>
    %neg3A_410 = arith.subf %neg3A_409, %min3A_406 : vector<4096x16xf32>
    %log1p3A_411 = math.log1p %neg3A_410 : vector<4096x16xf32>
    %sub3A_412 = arith.subf %log1p3A_407, %log1p3A_411 : vector<4096x16xf32>
    %mul3A_413 = arith.constant 5.000000e-01 : f32
    %mul3A_414 = vector.broadcast %mul3A_413 : f32 to vector<4096x16xf32>
    %mul3A_415 = arith.mulf %mul3A_414, %sub3A_412 : vector<4096x16xf32>
    %mul3A_416 = arith.constant -2.000000e+00 : f32
    %mul3A_417 = vector.broadcast %mul3A_416 : f32 to vector<4096x16xf32>
    %mul3A_418 = arith.mulf %mul3A_417, %mul3A_415 : vector<4096x16xf32>
    %reduce_max3A = arith.constant dense<0xFF800000> : vector<4096xf32>
    %reduce_max3A_419 = vector.multi_reduction <maximumf>, %mul3A_418, %reduce_max3A [1] : vector<4096x16xf32> to vector<4096xf32>
    %broadcast_in_dim3A_420 = vector.shape_cast %reduce_max3A_419 : vector<4096xf32> to vector<4096x1xf32>
    %sub3A_421 = vector.broadcast %broadcast_in_dim3A_420 : vector<4096x1xf32> to vector<4096x16xf32>
    %sub3A_422 = arith.subf %mul3A_418, %sub3A_421 : vector<4096x16xf32>
    %exp3A = math.exp %sub3A_422 : vector<4096x16xf32>
    %reduce_sum3A_423 = arith.constant dense<0.000000e+00> : vector<4096xf32>
    %reduce_sum3A_424 = vector.multi_reduction <add>, %exp3A, %reduce_sum3A_423 [1] : vector<4096x16xf32> to vector<4096xf32>
    %broadcast_in_dim3A_425 = vector.shape_cast %reduce_sum3A_424 : vector<4096xf32> to vector<4096x1xf32>
    %div3A_426 = vector.broadcast %broadcast_in_dim3A_425 : vector<4096x1xf32> to vector<4096x16xf32>
    %div3A_427 = arith.divf %exp3A, %div3A_426 : vector<4096x16xf32>
    %mul3A_428 = arith.mulf %div3A_427, %reshape3A_355 : vector<4096x16xf32>
    %tanh3A = math.tanh %mul3A_428 : vector<4096x16xf32>
    %jit3A_429 = arith.constant -0.999989986 : f32
    %jit3A_430 = arith.constant 0.999989986 : f32
    %max3A_431 = vector.broadcast %jit3A_429 : f32 to vector<4096x16xf32>
    %max3A_432 = arith.maximumf %max3A_431, %tanh3A : vector<4096x16xf32>
    %min3A_433 = vector.broadcast %jit3A_430 : f32 to vector<4096x16xf32>
    %min3A_434 = arith.minimumf %min3A_433, %max3A_432 : vector<4096x16xf32>
    %log1p3A_435 = math.log1p %min3A_434 : vector<4096x16xf32>
    %neg3A_436 = arith.constant 0.000000e+00 : f32
    %neg3A_437 = vector.broadcast %neg3A_436 : f32 to vector<4096x16xf32>
    %neg3A_438 = arith.subf %neg3A_437, %min3A_434 : vector<4096x16xf32>
    %log1p3A_439 = math.log1p %neg3A_438 : vector<4096x16xf32>
    %sub3A_440 = arith.subf %log1p3A_435, %log1p3A_439 : vector<4096x16xf32>
    %mul3A_441 = arith.constant 5.000000e-01 : f32
    %mul3A_442 = vector.broadcast %mul3A_441 : f32 to vector<4096x16xf32>
    %mul3A_443 = arith.mulf %mul3A_442, %sub3A_440 : vector<4096x16xf32>
    %slice3A_444 = vector.extract_strided_slice %div3A_27 {offsets = [0, 0], sizes = [256, 64], strides = [1, 1]} : vector<4096x64xf32> to vector<256x64xf32>
    %slice3A_445 = vector.extract_strided_slice %mul3A_443 {offsets = [0, 0], sizes = [16, 16], strides = [1, 1]} : vector<4096x16xf32> to vector<16x16xf32>
    %broadcast_in_dim3A_446 = arith.constant 0.000000e+00 : f32
    %broadcast_in_dim3A_447 = vector.broadcast %broadcast_in_dim3A_446 : f32 to vector<16x240xf32>
    %concatenate3A_448 = tpu.concatenate %slice3A_445, %broadcast_in_dim3A_447 in 1 : vector<16x16xf32>, vector<16x240xf32> -> vector<16x256xf32>
    %slice3A_449 = vector.extract_strided_slice %mul3A_443 {offsets = [16, 0], sizes = [16, 16], strides = [1, 1]} : vector<4096x16xf32> to vector<16x16xf32>
    %broadcast_in_dim3A_450 = arith.constant 0.000000e+00 : f32
    %broadcast_in_dim3A_451 = vector.broadcast %broadcast_in_dim3A_450 : f32 to vector<16x16xf32>
    %broadcast_in_dim3A_452 = arith.constant 0.000000e+00 : f32
    %broadcast_in_dim3A_453 = vector.broadcast %broadcast_in_dim3A_452 : f32 to vector<16x224xf32>
    %concatenate3A_454 = tpu.concatenate %broadcast_in_dim3A_451, %slice3A_449, %broadcast_in_dim3A_453 in 1 : vector<16x16xf32>, vector<16x16xf32>, vector<16x224xf32> -> vector<16x256xf32>
    %slice3A_455 = vector.extract_strided_slice %mul3A_443 {offsets = [32, 0], sizes = [16, 16], strides = [1, 1]} : vector<4096x16xf32> to vector<16x16xf32>
    %broadcast_in_dim3A_456 = arith.constant 0.000000e+00 : f32
    %broadcast_in_dim3A_457 = vector.broadcast %broadcast_in_dim3A_456 : f32 to vector<16x32xf32>
    %broadcast_in_dim3A_458 = arith.constant 0.000000e+00 : f32
    %broadcast_in_dim3A_459 = vector.broadcast %broadcast_in_dim3A_458 : f32 to vector<16x208xf32>
    %concatenate3A_460 = tpu.concatenate %broadcast_in_dim3A_457, %slice3A_455, %broadcast_in_dim3A_459 in 1 : vector<16x32xf32>, vector<16x16xf32>, vector<16x208xf32> -> vector<16x256xf32>
    %slice3A_461 = vector.extract_strided_slice %mul3A_443 {offsets = [48, 0], sizes = [16, 16], strides = [1, 1]} : vector<4096x16xf32> to vector<16x16xf32>
    %broadcast_in_dim3A_462 = arith.constant 0.000000e+00 : f32
    %broadcast_in_dim3A_463 = vector.broadcast %broadcast_in_dim3A_462 : f32 to vector<16x48xf32>
    %broadcast_in_dim3A_464 = arith.constant 0.000000e+00 : f32
    %broadcast_in_dim3A_465 = vector.broadcast %broadcast_in_dim3A_464 : f32 to vector<16x192xf32>
    %concatenate3A_466 = tpu.concatenate %broadcast_in_dim3A_463, %slice3A_461, %broadcast_in_dim3A_465 in 1 : vector<16x48xf32>, vector<16x16xf32>, vector<16x192xf32> -> vector<16x256xf32>
    %slice3A_467 = vector.extract_strided_slice %mul3A_443 {offsets = [64, 0], sizes = [16, 16], strides = [1, 1]} : vector<4096x16xf32> to vector<16x16xf32>
    %broadcast_in_dim3A_468 = arith.constant 0.000000e+00 : f32
    %broadcast_in_dim3A_469 = vector.broadcast %broadcast_in_dim3A_468 : f32 to vector<16x64xf32>
    %broadcast_in_dim3A_470 = arith.constant 0.000000e+00 : f32
    %broadcast_in_dim3A_471 = vector.broadcast %broadcast_in_dim3A_470 : f32 to vector<16x176xf32>
    %concatenate3A_472 = tpu.concatenate %broadcast_in_dim3A_469, %slice3A_467, %broadcast_in_dim3A_471 in 1 : vector<16x64xf32>, vector<16x16xf32>, vector<16x176xf32> -> vector<16x256xf32>
    %slice3A_473 = vector.extract_strided_slice %mul3A_443 {offsets = [80, 0], sizes = [16, 16], strides = [1, 1]} : vector<4096x16xf32> to vector<16x16xf32>
    %broadcast_in_dim3A_474 = arith.constant 0.000000e+00 : f32
    %broadcast_in_dim3A_475 = vector.broadcast %broadcast_in_dim3A_474 : f32 to vector<16x80xf32>
    %broadcast_in_dim3A_476 = arith.constant 0.000000e+00 : f32
    %broadcast_in_dim3A_477 = vector.broadcast %broadcast_in_dim3A_476 : f32 to vector<16x160xf32>
    %concatenate3A_478 = tpu.concatenate %broadcast_in_dim3A_475, %slice3A_473, %broadcast_in_dim3A_477 in 1 : vector<16x80xf32>, vector<16x16xf32>, vector<16x160xf32> -> vector<16x256xf32>
    %slice3A_479 = vector.extract_strided_slice %mul3A_443 {offsets = [96, 0], sizes = [16, 16], strides = [1, 1]} : vector<4096x16xf32> to vector<16x16xf32>
    %broadcast_in_dim3A_480 = arith.constant 0.000000e+00 : f32
    %broadcast_in_dim3A_481 = vector.broadcast %broadcast_in_dim3A_480 : f32 to vector<16x96xf32>
    %broadcast_in_dim3A_482 = arith.constant 0.000000e+00 : f32
    %broadcast_in_dim3A_483 = vector.broadcast %broadcast_in_dim3A_482 : f32 to vector<16x144xf32>
    %concatenate3A_484 = tpu.concatenate %broadcast_in_dim3A_481, %slice3A_479, %broadcast_in_dim3A_483 in 1 : vector<16x96xf32>, vector<16x16xf32>, vector<16x144xf32> -> vector<16x256xf32>
    %slice3A_485 = vector.extract_strided_slice %mul3A_443 {offsets = [112, 0], sizes = [16, 16], strides = [1, 1]} : vector<4096x16xf32> to vector<16x16xf32>
    %broadcast_in_dim3A_486 = arith.constant 0.000000e+00 : f32
    %broadcast_in_dim3A_487 = vector.broadcast %broadcast_in_dim3A_486 : f32 to vector<16x112xf32>
    %broadcast_in_dim3A_488 = arith.constant 0.000000e+00 : f32
    %broadcast_in_dim3A_489 = vector.broadcast %broadcast_in_dim3A_488 : f32 to vector<16x128xf32>
    %concatenate3A_490 = tpu.concatenate %broadcast_in_dim3A_487, %slice3A_485, %broadcast_in_dim3A_489 in 1 : vector<16x112xf32>, vector<16x16xf32>, vector<16x128xf32> -> vector<16x256xf32>
    %slice3A_491 = vector.extract_strided_slice %mul3A_443 {offsets = [128, 0], sizes = [16, 16], strides = [1, 1]} : vector<4096x16xf32> to vector<16x16xf32>
    %broadcast_in_dim3A_492 = arith.constant 0.000000e+00 : f32
    %broadcast_in_dim3A_493 = vector.broadcast %broadcast_in_dim3A_492 : f32 to vector<16x128xf32>
    %broadcast_in_dim3A_494 = arith.constant 0.000000e+00 : f32
    %broadcast_in_dim3A_495 = vector.broadcast %broadcast_in_dim3A_494 : f32 to vector<16x112xf32>
    %concatenate3A_496 = tpu.concatenate %broadcast_in_dim3A_493, %slice3A_491, %broadcast_in_dim3A_495 in 1 : vector<16x128xf32>, vector<16x16xf32>, vector<16x112xf32> -> vector<16x256xf32>
    %slice3A_497 = vector.extract_strided_slice %mul3A_443 {offsets = [144, 0], sizes = [16, 16], strides = [1, 1]} : vector<4096x16xf32> to vector<16x16xf32>
    %broadcast_in_dim3A_498 = arith.constant 0.000000e+00 : f32
    %broadcast_in_dim3A_499 = vector.broadcast %broadcast_in_dim3A_498 : f32 to vector<16x144xf32>
    %broadcast_in_dim3A_500 = arith.constant 0.000000e+00 : f32
    %broadcast_in_dim3A_501 = vector.broadcast %broadcast_in_dim3A_500 : f32 to vector<16x96xf32>
    %concatenate3A_502 = tpu.concatenate %broadcast_in_dim3A_499, %slice3A_497, %broadcast_in_dim3A_501 in 1 : vector<16x144xf32>, vector<16x16xf32>, vector<16x96xf32> -> vector<16x256xf32>
    %slice3A_503 = vector.extract_strided_slice %mul3A_443 {offsets = [160, 0], sizes = [16, 16], strides = [1, 1]} : vector<4096x16xf32> to vector<16x16xf32>
    %broadcast_in_dim3A_504 = arith.constant 0.000000e+00 : f32
    %broadcast_in_dim3A_505 = vector.broadcast %broadcast_in_dim3A_504 : f32 to vector<16x160xf32>
    %broadcast_in_dim3A_506 = arith.constant 0.000000e+00 : f32
    %broadcast_in_dim3A_507 = vector.broadcast %broadcast_in_dim3A_506 : f32 to vector<16x80xf32>
    %concatenate3A_508 = tpu.concatenate %broadcast_in_dim3A_505, %slice3A_503, %broadcast_in_dim3A_507 in 1 : vector<16x160xf32>, vector<16x16xf32>, vector<16x80xf32> -> vector<16x256xf32>
    %slice3A_509 = vector.extract_strided_slice %mul3A_443 {offsets = [176, 0], sizes = [16, 16], strides = [1, 1]} : vector<4096x16xf32> to vector<16x16xf32>
    %broadcast_in_dim3A_510 = arith.constant 0.000000e+00 : f32
    %broadcast_in_dim3A_511 = vector.broadcast %broadcast_in_dim3A_510 : f32 to vector<16x176xf32>
    %broadcast_in_dim3A_512 = arith.constant 0.000000e+00 : f32
    %broadcast_in_dim3A_513 = vector.broadcast %broadcast_in_dim3A_512 : f32 to vector<16x64xf32>
    %concatenate3A_514 = tpu.concatenate %broadcast_in_dim3A_511, %slice3A_509, %broadcast_in_dim3A_513 in 1 : vector<16x176xf32>, vector<16x16xf32>, vector<16x64xf32> -> vector<16x256xf32>
    %slice3A_515 = vector.extract_strided_slice %mul3A_443 {offsets = [192, 0], sizes = [16, 16], strides = [1, 1]} : vector<4096x16xf32> to vector<16x16xf32>
    %broadcast_in_dim3A_516 = arith.constant 0.000000e+00 : f32
    %broadcast_in_dim3A_517 = vector.broadcast %broadcast_in_dim3A_516 : f32 to vector<16x192xf32>
    %broadcast_in_dim3A_518 = arith.constant 0.000000e+00 : f32
    %broadcast_in_dim3A_519 = vector.broadcast %broadcast_in_dim3A_518 : f32 to vector<16x48xf32>
    %concatenate3A_520 = tpu.concatenate %broadcast_in_dim3A_517, %slice3A_515, %broadcast_in_dim3A_519 in 1 : vector<16x192xf32>, vector<16x16xf32>, vector<16x48xf32> -> vector<16x256xf32>
    %slice3A_521 = vector.extract_strided_slice %mul3A_443 {offsets = [208, 0], sizes = [16, 16], strides = [1, 1]} : vector<4096x16xf32> to vector<16x16xf32>
    %broadcast_in_dim3A_522 = arith.constant 0.000000e+00 : f32
    %broadcast_in_dim3A_523 = vector.broadcast %broadcast_in_dim3A_522 : f32 to vector<16x208xf32>
    %broadcast_in_dim3A_524 = arith.constant 0.000000e+00 : f32
    %broadcast_in_dim3A_525 = vector.broadcast %broadcast_in_dim3A_524 : f32 to vector<16x32xf32>
    %concatenate3A_526 = tpu.concatenate %broadcast_in_dim3A_523, %slice3A_521, %broadcast_in_dim3A_525 in 1 : vector<16x208xf32>, vector<16x16xf32>, vector<16x32xf32> -> vector<16x256xf32>
    %slice3A_527 = vector.extract_strided_slice %mul3A_443 {offsets = [224, 0], sizes = [16, 16], strides = [1, 1]} : vector<4096x16xf32> to vector<16x16xf32>
    %broadcast_in_dim3A_528 = arith.constant 0.000000e+00 : f32
    %broadcast_in_dim3A_529 = vector.broadcast %broadcast_in_dim3A_528 : f32 to vector<16x224xf32>
    %broadcast_in_dim3A_530 = arith.constant 0.000000e+00 : f32
    %broadcast_in_dim3A_531 = vector.broadcast %broadcast_in_dim3A_530 : f32 to vector<16x16xf32>
    %concatenate3A_532 = tpu.concatenate %broadcast_in_dim3A_529, %slice3A_527, %broadcast_in_dim3A_531 in 1 : vector<16x224xf32>, vector<16x16xf32>, vector<16x16xf32> -> vector<16x256xf32>
    %slice3A_533 = vector.extract_strided_slice %mul3A_443 {offsets = [240, 0], sizes = [16, 16], strides = [1, 1]} : vector<4096x16xf32> to vector<16x16xf32>
    %broadcast_in_dim3A_534 = arith.constant 0.000000e+00 : f32
    %broadcast_in_dim3A_535 = vector.broadcast %broadcast_in_dim3A_534 : f32 to vector<16x240xf32>
    %concatenate3A_536 = tpu.concatenate %broadcast_in_dim3A_535, %slice3A_533 in 1 : vector<16x240xf32>, vector<16x16xf32> -> vector<16x256xf32>
    %concatenate3A_537 = tpu.concatenate %concatenate3A_448, %concatenate3A_454, %concatenate3A_460, %concatenate3A_466, %concatenate3A_472, %concatenate3A_478, %concatenate3A_484, %concatenate3A_490, %concatenate3A_496, %concatenate3A_502, %concatenate3A_508, %concatenate3A_514, %concatenate3A_520, %concatenate3A_526, %concatenate3A_532, %concatenate3A_536 in 0 : vector<16x256xf32>, vector<16x256xf32>, vector<16x256xf32>, vector<16x256xf32>, vector<16x256xf32>, vector<16x256xf32>, vector<16x256xf32>, vector<16x256xf32>, vector<16x256xf32>, vector<16x256xf32>, vector<16x256xf32>, vector<16x256xf32>, vector<16x256xf32>, vector<16x256xf32>, vector<16x256xf32>, vector<16x256xf32> -> vector<256x256xf32>
    %dot_general3A_538 = arith.constant dense<0.000000e+00> : vector<256x64xf32>
    %dot_general3A_539 = tpu.matmul %concatenate3A_537, %slice3A_444, %dot_general3A_538 {dimension_numbers = #tpu.dot_dimension_numbers<[1], [0], [0], [1], [0, 0, 1, 1], [], []>, precision = #tpu.contract_precision<fp32>, transpose_lhs_hint = false} : vector<256x256xf32>, vector<256x64xf32>, vector<256x64xf32> -> vector<256x64xf32>
    %slice3A_540 = vector.extract_strided_slice %div3A_27 {offsets = [256, 0], sizes = [256, 64], strides = [1, 1]} : vector<4096x64xf32> to vector<256x64xf32>
    %slice3A_541 = vector.extract_strided_slice %mul3A_443 {offsets = [256, 0], sizes = [16, 16], strides = [1, 1]} : vector<4096x16xf32> to vector<16x16xf32>
    %broadcast_in_dim3A_542 = arith.constant 0.000000e+00 : f32
    %broadcast_in_dim3A_543 = vector.broadcast %broadcast_in_dim3A_542 : f32 to vector<16x240xf32>
    %concatenate3A_544 = tpu.concatenate %slice3A_541, %broadcast_in_dim3A_543 in 1 : vector<16x16xf32>, vector<16x240xf32> -> vector<16x256xf32>
    %slice3A_545 = vector.extract_strided_slice %mul3A_443 {offsets = [272, 0], sizes = [16, 16], strides = [1, 1]} : vector<4096x16xf32> to vector<16x16xf32>
    %broadcast_in_dim3A_546 = arith.constant 0.000000e+00 : f32
    %broadcast_in_dim3A_547 = vector.broadcast %broadcast_in_dim3A_546 : f32 to vector<16x16xf32>
    %broadcast_in_dim3A_548 = arith.constant 0.000000e+00 : f32
    %broadcast_in_dim3A_549 = vector.broadcast %broadcast_in_dim3A_548 : f32 to vector<16x224xf32>
    %concatenate3A_550 = tpu.concatenate %broadcast_in_dim3A_547, %slice3A_545, %broadcast_in_dim3A_549 in 1 : vector<16x16xf32>, vector<16x16xf32>, vector<16x224xf32> -> vector<16x256xf32>
    %slice3A_551 = vector.extract_strided_slice %mul3A_443 {offsets = [288, 0], sizes = [16, 16], strides = [1, 1]} : vector<4096x16xf32> to vector<16x16xf32>
    %broadcast_in_dim3A_552 = arith.constant 0.000000e+00 : f32
    %broadcast_in_dim3A_553 = vector.broadcast %broadcast_in_dim3A_552 : f32 to vector<16x32xf32>
    %broadcast_in_dim3A_554 = arith.constant 0.000000e+00 : f32
    %broadcast_in_dim3A_555 = vector.broadcast %broadcast_in_dim3A_554 : f32 to vector<16x208xf32>
    %concatenate3A_556 = tpu.concatenate %broadcast_in_dim3A_553, %slice3A_551, %broadcast_in_dim3A_555 in 1 : vector<16x32xf32>, vector<16x16xf32>, vector<16x208xf32> -> vector<16x256xf32>
    %slice3A_557 = vector.extract_strided_slice %mul3A_443 {offsets = [304, 0], sizes = [16, 16], strides = [1, 1]} : vector<4096x16xf32> to vector<16x16xf32>
    %broadcast_in_dim3A_558 = arith.constant 0.000000e+00 : f32
    %broadcast_in_dim3A_559 = vector.broadcast %broadcast_in_dim3A_558 : f32 to vector<16x48xf32>
    %broadcast_in_dim3A_560 = arith.constant 0.000000e+00 : f32
    %broadcast_in_dim3A_561 = vector.broadcast %broadcast_in_dim3A_560 : f32 to vector<16x192xf32>
    %concatenate3A_562 = tpu.concatenate %broadcast_in_dim3A_559, %slice3A_557, %broadcast_in_dim3A_561 in 1 : vector<16x48xf32>, vector<16x16xf32>, vector<16x192xf32> -> vector<16x256xf32>
    %slice3A_563 = vector.extract_strided_slice %mul3A_443 {offsets = [320, 0], sizes = [16, 16], strides = [1, 1]} : vector<4096x16xf32> to vector<16x16xf32>
    %broadcast_in_dim3A_564 = arith.constant 0.000000e+00 : f32
    %broadcast_in_dim3A_565 = vector.broadcast %broadcast_in_dim3A_564 : f32 to vector<16x64xf32>
    %broadcast_in_dim3A_566 = arith.constant 0.000000e+00 : f32
    %broadcast_in_dim3A_567 = vector.broadcast %broadcast_in_dim3A_566 : f32 to vector<16x176xf32>
    %concatenate3A_568 = tpu.concatenate %broadcast_in_dim3A_565, %slice3A_563, %broadcast_in_dim3A_567 in 1 : vector<16x64xf32>, vector<16x16xf32>, vector<16x176xf32> -> vector<16x256xf32>
    %slice3A_569 = vector.extract_strided_slice %mul3A_443 {offsets = [336, 0], sizes = [16, 16], strides = [1, 1]} : vector<4096x16xf32> to vector<16x16xf32>
    %broadcast_in_dim3A_570 = arith.constant 0.000000e+00 : f32
    %broadcast_in_dim3A_571 = vector.broadcast %broadcast_in_dim3A_570 : f32 to vector<16x80xf32>
    %broadcast_in_dim3A_572 = arith.constant 0.000000e+00 : f32
    %broadcast_in_dim3A_573 = vector.broadcast %broadcast_in_dim3A_572 : f32 to vector<16x160xf32>
    %concatenate3A_574 = tpu.concatenate %broadcast_in_dim3A_571, %slice3A_569, %broadcast_in_dim3A_573 in 1 : vector<16x80xf32>, vector<16x16xf32>, vector<16x160xf32> -> vector<16x256xf32>
    %slice3A_575 = vector.extract_strided_slice %mul3A_443 {offsets = [352, 0], sizes = [16, 16], strides = [1, 1]} : vector<4096x16xf32> to vector<16x16xf32>
    %broadcast_in_dim3A_576 = arith.constant 0.000000e+00 : f32
    %broadcast_in_dim3A_577 = vector.broadcast %broadcast_in_dim3A_576 : f32 to vector<16x96xf32>
    %broadcast_in_dim3A_578 = arith.constant 0.000000e+00 : f32
    %broadcast_in_dim3A_579 = vector.broadcast %broadcast_in_dim3A_578 : f32 to vector<16x144xf32>
    %concatenate3A_580 = tpu.concatenate %broadcast_in_dim3A_577, %slice3A_575, %broadcast_in_dim3A_579 in 1 : vector<16x96xf32>, vector<16x16xf32>, vector<16x144xf32> -> vector<16x256xf32>
    %slice3A_581 = vector.extract_strided_slice %mul3A_443 {offsets = [368, 0], sizes = [16, 16], strides = [1, 1]} : vector<4096x16xf32> to vector<16x16xf32>
    %broadcast_in_dim3A_582 = arith.constant 0.000000e+00 : f32
    %broadcast_in_dim3A_583 = vector.broadcast %broadcast_in_dim3A_582 : f32 to vector<16x112xf32>
    %broadcast_in_dim3A_584 = arith.constant 0.000000e+00 : f32
    %broadcast_in_dim3A_585 = vector.broadcast %broadcast_in_dim3A_584 : f32 to vector<16x128xf32>
    %concatenate3A_586 = tpu.concatenate %broadcast_in_dim3A_583, %slice3A_581, %broadcast_in_dim3A_585 in 1 : vector<16x112xf32>, vector<16x16xf32>, vector<16x128xf32> -> vector<16x256xf32>
    %slice3A_587 = vector.extract_strided_slice %mul3A_443 {offsets = [384, 0], sizes = [16, 16], strides = [1, 1]} : vector<4096x16xf32> to vector<16x16xf32>
    %broadcast_in_dim3A_588 = arith.constant 0.000000e+00 : f32
    %broadcast_in_dim3A_589 = vector.broadcast %broadcast_in_dim3A_588 : f32 to vector<16x128xf32>
    %broadcast_in_dim3A_590 = arith.constant 0.000000e+00 : f32
    %broadcast_in_dim3A_591 = vector.broadcast %broadcast_in_dim3A_590 : f32 to vector<16x112xf32>
    %concatenate3A_592 = tpu.concatenate %broadcast_in_dim3A_589, %slice3A_587, %broadcast_in_dim3A_591 in 1 : vector<16x128xf32>, vector<16x16xf32>, vector<16x112xf32> -> vector<16x256xf32>
    %slice3A_593 = vector.extract_strided_slice %mul3A_443 {offsets = [400, 0], sizes = [16, 16], strides = [1, 1]} : vector<4096x16xf32> to vector<16x16xf32>
    %broadcast_in_dim3A_594 = arith.constant 0.000000e+00 : f32
    %broadcast_in_dim3A_595 = vector.broadcast %broadcast_in_dim3A_594 : f32 to vector<16x144xf32>
    %broadcast_in_dim3A_596 = arith.constant 0.000000e+00 : f32
    %broadcast_in_dim3A_597 = vector.broadcast %broadcast_in_dim3A_596 : f32 to vector<16x96xf32>
    %concatenate3A_598 = tpu.concatenate %broadcast_in_dim3A_595, %slice3A_593, %broadcast_in_dim3A_597 in 1 : vector<16x144xf32>, vector<16x16xf32>, vector<16x96xf32> -> vector<16x256xf32>
    %slice3A_599 = vector.extract_strided_slice %mul3A_443 {offsets = [416, 0], sizes = [16, 16], strides = [1, 1]} : vector<4096x16xf32> to vector<16x16xf32>
    %broadcast_in_dim3A_600 = arith.constant 0.000000e+00 : f32
    %broadcast_in_dim3A_601 = vector.broadcast %broadcast_in_dim3A_600 : f32 to vector<16x160xf32>
    %broadcast_in_dim3A_602 = arith.constant 0.000000e+00 : f32
    %broadcast_in_dim3A_603 = vector.broadcast %broadcast_in_dim3A_602 : f32 to vector<16x80xf32>
    %concatenate3A_604 = tpu.concatenate %broadcast_in_dim3A_601, %slice3A_599, %broadcast_in_dim3A_603 in 1 : vector<16x160xf32>, vector<16x16xf32>, vector<16x80xf32> -> vector<16x256xf32>
    %slice3A_605 = vector.extract_strided_slice %mul3A_443 {offsets = [432, 0], sizes = [16, 16], strides = [1, 1]} : vector<4096x16xf32> to vector<16x16xf32>
    %broadcast_in_dim3A_606 = arith.constant 0.000000e+00 : f32
    %broadcast_in_dim3A_607 = vector.broadcast %broadcast_in_dim3A_606 : f32 to vector<16x176xf32>
    %broadcast_in_dim3A_608 = arith.constant 0.000000e+00 : f32
    %broadcast_in_dim3A_609 = vector.broadcast %broadcast_in_dim3A_608 : f32 to vector<16x64xf32>
    %concatenate3A_610 = tpu.concatenate %broadcast_in_dim3A_607, %slice3A_605, %broadcast_in_dim3A_609 in 1 : vector<16x176xf32>, vector<16x16xf32>, vector<16x64xf32> -> vector<16x256xf32>
    %slice3A_611 = vector.extract_strided_slice %mul3A_443 {offsets = [448, 0], sizes = [16, 16], strides = [1, 1]} : vector<4096x16xf32> to vector<16x16xf32>
    %broadcast_in_dim3A_612 = arith.constant 0.000000e+00 : f32
    %broadcast_in_dim3A_613 = vector.broadcast %broadcast_in_dim3A_612 : f32 to vector<16x192xf32>
    %broadcast_in_dim3A_614 = arith.constant 0.000000e+00 : f32
    %broadcast_in_dim3A_615 = vector.broadcast %broadcast_in_dim3A_614 : f32 to vector<16x48xf32>
    %concatenate3A_616 = tpu.concatenate %broadcast_in_dim3A_613, %slice3A_611, %broadcast_in_dim3A_615 in 1 : vector<16x192xf32>, vector<16x16xf32>, vector<16x48xf32> -> vector<16x256xf32>
    %slice3A_617 = vector.extract_strided_slice %mul3A_443 {offsets = [464, 0], sizes = [16, 16], strides = [1, 1]} : vector<4096x16xf32> to vector<16x16xf32>
    %broadcast_in_dim3A_618 = arith.constant 0.000000e+00 : f32
    %broadcast_in_dim3A_619 = vector.broadcast %broadcast_in_dim3A_618 : f32 to vector<16x208xf32>
    %broadcast_in_dim3A_620 = arith.constant 0.000000e+00 : f32
    %broadcast_in_dim3A_621 = vector.broadcast %broadcast_in_dim3A_620 : f32 to vector<16x32xf32>
    %concatenate3A_622 = tpu.concatenate %broadcast_in_dim3A_619, %slice3A_617, %broadcast_in_dim3A_621 in 1 : vector<16x208xf32>, vector<16x16xf32>, vector<16x32xf32> -> vector<16x256xf32>
    %slice3A_623 = vector.extract_strided_slice %mul3A_443 {offsets = [480, 0], sizes = [16, 16], strides = [1, 1]} : vector<4096x16xf32> to vector<16x16xf32>
    %broadcast_in_dim3A_624 = arith.constant 0.000000e+00 : f32
    %broadcast_in_dim3A_625 = vector.broadcast %broadcast_in_dim3A_624 : f32 to vector<16x224xf32>
    %broadcast_in_dim3A_626 = arith.constant 0.000000e+00 : f32
    %broadcast_in_dim3A_627 = vector.broadcast %broadcast_in_dim3A_626 : f32 to vector<16x16xf32>
    %concatenate3A_628 = tpu.concatenate %broadcast_in_dim3A_625, %slice3A_623, %broadcast_in_dim3A_627 in 1 : vector<16x224xf32>, vector<16x16xf32>, vector<16x16xf32> -> vector<16x256xf32>
    %slice3A_629 = vector.extract_strided_slice %mul3A_443 {offsets = [496, 0], sizes = [16, 16], strides = [1, 1]} : vector<4096x16xf32> to vector<16x16xf32>
    %broadcast_in_dim3A_630 = arith.constant 0.000000e+00 : f32
    %broadcast_in_dim3A_631 = vector.broadcast %broadcast_in_dim3A_630 : f32 to vector<16x240xf32>
    %concatenate3A_632 = tpu.concatenate %broadcast_in_dim3A_631, %slice3A_629 in 1 : vector<16x240xf32>, vector<16x16xf32> -> vector<16x256xf32>
    %concatenate3A_633 = tpu.concatenate %concatenate3A_544, %concatenate3A_550, %concatenate3A_556, %concatenate3A_562, %concatenate3A_568, %concatenate3A_574, %concatenate3A_580, %concatenate3A_586, %concatenate3A_592, %concatenate3A_598, %concatenate3A_604, %concatenate3A_610, %concatenate3A_616, %concatenate3A_622, %concatenate3A_628, %concatenate3A_632 in 0 : vector<16x256xf32>, vector<16x256xf32>, vector<16x256xf32>, vector<16x256xf32>, vector<16x256xf32>, vector<16x256xf32>, vector<16x256xf32>, vector<16x256xf32>, vector<16x256xf32>, vector<16x256xf32>, vector<16x256xf32>, vector<16x256xf32>, vector<16x256xf32>, vector<16x256xf32>, vector<16x256xf32>, vector<16x256xf32> -> vector<256x256xf32>
    %dot_general3A_634 = arith.constant dense<0.000000e+00> : vector<256x64xf32>
    %dot_general3A_635 = tpu.matmul %concatenate3A_633, %slice3A_540, %dot_general3A_634 {dimension_numbers = #tpu.dot_dimension_numbers<[1], [0], [0], [1], [0, 0, 1, 1], [], []>, precision = #tpu.contract_precision<fp32>, transpose_lhs_hint = false} : vector<256x256xf32>, vector<256x64xf32>, vector<256x64xf32> -> vector<256x64xf32>
    %slice3A_636 = vector.extract_strided_slice %div3A_27 {offsets = [512, 0], sizes = [256, 64], strides = [1, 1]} : vector<4096x64xf32> to vector<256x64xf32>
    %slice3A_637 = vector.extract_strided_slice %mul3A_443 {offsets = [512, 0], sizes = [16, 16], strides = [1, 1]} : vector<4096x16xf32> to vector<16x16xf32>
    %broadcast_in_dim3A_638 = arith.constant 0.000000e+00 : f32
    %broadcast_in_dim3A_639 = vector.broadcast %broadcast_in_dim3A_638 : f32 to vector<16x240xf32>
    %concatenate3A_640 = tpu.concatenate %slice3A_637, %broadcast_in_dim3A_639 in 1 : vector<16x16xf32>, vector<16x240xf32> -> vector<16x256xf32>
    %slice3A_641 = vector.extract_strided_slice %mul3A_443 {offsets = [528, 0], sizes = [16, 16], strides = [1, 1]} : vector<4096x16xf32> to vector<16x16xf32>
    %broadcast_in_dim3A_642 = arith.constant 0.000000e+00 : f32
    %broadcast_in_dim3A_643 = vector.broadcast %broadcast_in_dim3A_642 : f32 to vector<16x16xf32>
    %broadcast_in_dim3A_644 = arith.constant 0.000000e+00 : f32
    %broadcast_in_dim3A_645 = vector.broadcast %broadcast_in_dim3A_644 : f32 to vector<16x224xf32>
    %concatenate3A_646 = tpu.concatenate %broadcast_in_dim3A_643, %slice3A_641, %broadcast_in_dim3A_645 in 1 : vector<16x16xf32>, vector<16x16xf32>, vector<16x224xf32> -> vector<16x256xf32>
    %slice3A_647 = vector.extract_strided_slice %mul3A_443 {offsets = [544, 0], sizes = [16, 16], strides = [1, 1]} : vector<4096x16xf32> to vector<16x16xf32>
    %broadcast_in_dim3A_648 = arith.constant 0.000000e+00 : f32
    %broadcast_in_dim3A_649 = vector.broadcast %broadcast_in_dim3A_648 : f32 to vector<16x32xf32>
    %broadcast_in_dim3A_650 = arith.constant 0.000000e+00 : f32
    %broadcast_in_dim3A_651 = vector.broadcast %broadcast_in_dim3A_650 : f32 to vector<16x208xf32>
    %concatenate3A_652 = tpu.concatenate %broadcast_in_dim3A_649, %slice3A_647, %broadcast_in_dim3A_651 in 1 : vector<16x32xf32>, vector<16x16xf32>, vector<16x208xf32> -> vector<16x256xf32>
    %slice3A_653 = vector.extract_strided_slice %mul3A_443 {offsets = [560, 0], sizes = [16, 16], strides = [1, 1]} : vector<4096x16xf32> to vector<16x16xf32>
    %broadcast_in_dim3A_654 = arith.constant 0.000000e+00 : f32
    %broadcast_in_dim3A_655 = vector.broadcast %broadcast_in_dim3A_654 : f32 to vector<16x48xf32>
    %broadcast_in_dim3A_656 = arith.constant 0.000000e+00 : f32
    %broadcast_in_dim3A_657 = vector.broadcast %broadcast_in_dim3A_656 : f32 to vector<16x192xf32>
    %concatenate3A_658 = tpu.concatenate %broadcast_in_dim3A_655, %slice3A_653, %broadcast_in_dim3A_657 in 1 : vector<16x48xf32>, vector<16x16xf32>, vector<16x192xf32> -> vector<16x256xf32>
    %slice3A_659 = vector.extract_strided_slice %mul3A_443 {offsets = [576, 0], sizes = [16, 16], strides = [1, 1]} : vector<4096x16xf32> to vector<16x16xf32>
    %broadcast_in_dim3A_660 = arith.constant 0.000000e+00 : f32
    %broadcast_in_dim3A_661 = vector.broadcast %broadcast_in_dim3A_660 : f32 to vector<16x64xf32>
    %broadcast_in_dim3A_662 = arith.constant 0.000000e+00 : f32
    %broadcast_in_dim3A_663 = vector.broadcast %broadcast_in_dim3A_662 : f32 to vector<16x176xf32>
    %concatenate3A_664 = tpu.concatenate %broadcast_in_dim3A_661, %slice3A_659, %broadcast_in_dim3A_663 in 1 : vector<16x64xf32>, vector<16x16xf32>, vector<16x176xf32> -> vector<16x256xf32>
    %slice3A_665 = vector.extract_strided_slice %mul3A_443 {offsets = [592, 0], sizes = [16, 16], strides = [1, 1]} : vector<4096x16xf32> to vector<16x16xf32>
    %broadcast_in_dim3A_666 = arith.constant 0.000000e+00 : f32
    %broadcast_in_dim3A_667 = vector.broadcast %broadcast_in_dim3A_666 : f32 to vector<16x80xf32>
    %broadcast_in_dim3A_668 = arith.constant 0.000000e+00 : f32
    %broadcast_in_dim3A_669 = vector.broadcast %broadcast_in_dim3A_668 : f32 to vector<16x160xf32>
    %concatenate3A_670 = tpu.concatenate %broadcast_in_dim3A_667, %slice3A_665, %broadcast_in_dim3A_669 in 1 : vector<16x80xf32>, vector<16x16xf32>, vector<16x160xf32> -> vector<16x256xf32>
    %slice3A_671 = vector.extract_strided_slice %mul3A_443 {offsets = [608, 0], sizes = [16, 16], strides = [1, 1]} : vector<4096x16xf32> to vector<16x16xf32>
    %broadcast_in_dim3A_672 = arith.constant 0.000000e+00 : f32
    %broadcast_in_dim3A_673 = vector.broadcast %broadcast_in_dim3A_672 : f32 to vector<16x96xf32>
    %broadcast_in_dim3A_674 = arith.constant 0.000000e+00 : f32
    %broadcast_in_dim3A_675 = vector.broadcast %broadcast_in_dim3A_674 : f32 to vector<16x144xf32>
    %concatenate3A_676 = tpu.concatenate %broadcast_in_dim3A_673, %slice3A_671, %broadcast_in_dim3A_675 in 1 : vector<16x96xf32>, vector<16x16xf32>, vector<16x144xf32> -> vector<16x256xf32>
    %slice3A_677 = vector.extract_strided_slice %mul3A_443 {offsets = [624, 0], sizes = [16, 16], strides = [1, 1]} : vector<4096x16xf32> to vector<16x16xf32>
    %broadcast_in_dim3A_678 = arith.constant 0.000000e+00 : f32
    %broadcast_in_dim3A_679 = vector.broadcast %broadcast_in_dim3A_678 : f32 to vector<16x112xf32>
    %broadcast_in_dim3A_680 = arith.constant 0.000000e+00 : f32
    %broadcast_in_dim3A_681 = vector.broadcast %broadcast_in_dim3A_680 : f32 to vector<16x128xf32>
    %concatenate3A_682 = tpu.concatenate %broadcast_in_dim3A_679, %slice3A_677, %broadcast_in_dim3A_681 in 1 : vector<16x112xf32>, vector<16x16xf32>, vector<16x128xf32> -> vector<16x256xf32>
    %slice3A_683 = vector.extract_strided_slice %mul3A_443 {offsets = [640, 0], sizes = [16, 16], strides = [1, 1]} : vector<4096x16xf32> to vector<16x16xf32>
    %broadcast_in_dim3A_684 = arith.constant 0.000000e+00 : f32
    %broadcast_in_dim3A_685 = vector.broadcast %broadcast_in_dim3A_684 : f32 to vector<16x128xf32>
    %broadcast_in_dim3A_686 = arith.constant 0.000000e+00 : f32
    %broadcast_in_dim3A_687 = vector.broadcast %broadcast_in_dim3A_686 : f32 to vector<16x112xf32>
    %concatenate3A_688 = tpu.concatenate %broadcast_in_dim3A_685, %slice3A_683, %broadcast_in_dim3A_687 in 1 : vector<16x128xf32>, vector<16x16xf32>, vector<16x112xf32> -> vector<16x256xf32>
    %slice3A_689 = vector.extract_strided_slice %mul3A_443 {offsets = [656, 0], sizes = [16, 16], strides = [1, 1]} : vector<4096x16xf32> to vector<16x16xf32>
    %broadcast_in_dim3A_690 = arith.constant 0.000000e+00 : f32
    %broadcast_in_dim3A_691 = vector.broadcast %broadcast_in_dim3A_690 : f32 to vector<16x144xf32>
    %broadcast_in_dim3A_692 = arith.constant 0.000000e+00 : f32
    %broadcast_in_dim3A_693 = vector.broadcast %broadcast_in_dim3A_692 : f32 to vector<16x96xf32>
    %concatenate3A_694 = tpu.concatenate %broadcast_in_dim3A_691, %slice3A_689, %broadcast_in_dim3A_693 in 1 : vector<16x144xf32>, vector<16x16xf32>, vector<16x96xf32> -> vector<16x256xf32>
    %slice3A_695 = vector.extract_strided_slice %mul3A_443 {offsets = [672, 0], sizes = [16, 16], strides = [1, 1]} : vector<4096x16xf32> to vector<16x16xf32>
    %broadcast_in_dim3A_696 = arith.constant 0.000000e+00 : f32
    %broadcast_in_dim3A_697 = vector.broadcast %broadcast_in_dim3A_696 : f32 to vector<16x160xf32>
    %broadcast_in_dim3A_698 = arith.constant 0.000000e+00 : f32
    %broadcast_in_dim3A_699 = vector.broadcast %broadcast_in_dim3A_698 : f32 to vector<16x80xf32>
    %concatenate3A_700 = tpu.concatenate %broadcast_in_dim3A_697, %slice3A_695, %broadcast_in_dim3A_699 in 1 : vector<16x160xf32>, vector<16x16xf32>, vector<16x80xf32> -> vector<16x256xf32>
    %slice3A_701 = vector.extract_strided_slice %mul3A_443 {offsets = [688, 0], sizes = [16, 16], strides = [1, 1]} : vector<4096x16xf32> to vector<16x16xf32>
    %broadcast_in_dim3A_702 = arith.constant 0.000000e+00 : f32
    %broadcast_in_dim3A_703 = vector.broadcast %broadcast_in_dim3A_702 : f32 to vector<16x176xf32>
    %broadcast_in_dim3A_704 = arith.constant 0.000000e+00 : f32
    %broadcast_in_dim3A_705 = vector.broadcast %broadcast_in_dim3A_704 : f32 to vector<16x64xf32>
    %concatenate3A_706 = tpu.concatenate %broadcast_in_dim3A_703, %slice3A_701, %broadcast_in_dim3A_705 in 1 : vector<16x176xf32>, vector<16x16xf32>, vector<16x64xf32> -> vector<16x256xf32>
    %slice3A_707 = vector.extract_strided_slice %mul3A_443 {offsets = [704, 0], sizes = [16, 16], strides = [1, 1]} : vector<4096x16xf32> to vector<16x16xf32>
    %broadcast_in_dim3A_708 = arith.constant 0.000000e+00 : f32
    %broadcast_in_dim3A_709 = vector.broadcast %broadcast_in_dim3A_708 : f32 to vector<16x192xf32>
    %broadcast_in_dim3A_710 = arith.constant 0.000000e+00 : f32
    %broadcast_in_dim3A_711 = vector.broadcast %broadcast_in_dim3A_710 : f32 to vector<16x48xf32>
    %concatenate3A_712 = tpu.concatenate %broadcast_in_dim3A_709, %slice3A_707, %broadcast_in_dim3A_711 in 1 : vector<16x192xf32>, vector<16x16xf32>, vector<16x48xf32> -> vector<16x256xf32>
    %slice3A_713 = vector.extract_strided_slice %mul3A_443 {offsets = [720, 0], sizes = [16, 16], strides = [1, 1]} : vector<4096x16xf32> to vector<16x16xf32>
    %broadcast_in_dim3A_714 = arith.constant 0.000000e+00 : f32
    %broadcast_in_dim3A_715 = vector.broadcast %broadcast_in_dim3A_714 : f32 to vector<16x208xf32>
    %broadcast_in_dim3A_716 = arith.constant 0.000000e+00 : f32
    %broadcast_in_dim3A_717 = vector.broadcast %broadcast_in_dim3A_716 : f32 to vector<16x32xf32>
    %concatenate3A_718 = tpu.concatenate %broadcast_in_dim3A_715, %slice3A_713, %broadcast_in_dim3A_717 in 1 : vector<16x208xf32>, vector<16x16xf32>, vector<16x32xf32> -> vector<16x256xf32>
    %slice3A_719 = vector.extract_strided_slice %mul3A_443 {offsets = [736, 0], sizes = [16, 16], strides = [1, 1]} : vector<4096x16xf32> to vector<16x16xf32>
    %broadcast_in_dim3A_720 = arith.constant 0.000000e+00 : f32
    %broadcast_in_dim3A_721 = vector.broadcast %broadcast_in_dim3A_720 : f32 to vector<16x224xf32>
    %broadcast_in_dim3A_722 = arith.constant 0.000000e+00 : f32
    %broadcast_in_dim3A_723 = vector.broadcast %broadcast_in_dim3A_722 : f32 to vector<16x16xf32>
    %concatenate3A_724 = tpu.concatenate %broadcast_in_dim3A_721, %slice3A_719, %broadcast_in_dim3A_723 in 1 : vector<16x224xf32>, vector<16x16xf32>, vector<16x16xf32> -> vector<16x256xf32>
    %slice3A_725 = vector.extract_strided_slice %mul3A_443 {offsets = [752, 0], sizes = [16, 16], strides = [1, 1]} : vector<4096x16xf32> to vector<16x16xf32>
    %broadcast_in_dim3A_726 = arith.constant 0.000000e+00 : f32
    %broadcast_in_dim3A_727 = vector.broadcast %broadcast_in_dim3A_726 : f32 to vector<16x240xf32>
    %concatenate3A_728 = tpu.concatenate %broadcast_in_dim3A_727, %slice3A_725 in 1 : vector<16x240xf32>, vector<16x16xf32> -> vector<16x256xf32>
    %concatenate3A_729 = tpu.concatenate %concatenate3A_640, %concatenate3A_646, %concatenate3A_652, %concatenate3A_658, %concatenate3A_664, %concatenate3A_670, %concatenate3A_676, %concatenate3A_682, %concatenate3A_688, %concatenate3A_694, %concatenate3A_700, %concatenate3A_706, %concatenate3A_712, %concatenate3A_718, %concatenate3A_724, %concatenate3A_728 in 0 : vector<16x256xf32>, vector<16x256xf32>, vector<16x256xf32>, vector<16x256xf32>, vector<16x256xf32>, vector<16x256xf32>, vector<16x256xf32>, vector<16x256xf32>, vector<16x256xf32>, vector<16x256xf32>, vector<16x256xf32>, vector<16x256xf32>, vector<16x256xf32>, vector<16x256xf32>, vector<16x256xf32>, vector<16x256xf32> -> vector<256x256xf32>
    %dot_general3A_730 = arith.constant dense<0.000000e+00> : vector<256x64xf32>
    %dot_general3A_731 = tpu.matmul %concatenate3A_729, %slice3A_636, %dot_general3A_730 {dimension_numbers = #tpu.dot_dimension_numbers<[1], [0], [0], [1], [0, 0, 1, 1], [], []>, precision = #tpu.contract_precision<fp32>, transpose_lhs_hint = false} : vector<256x256xf32>, vector<256x64xf32>, vector<256x64xf32> -> vector<256x64xf32>
    %slice3A_732 = vector.extract_strided_slice %div3A_27 {offsets = [768, 0], sizes = [256, 64], strides = [1, 1]} : vector<4096x64xf32> to vector<256x64xf32>
    %slice3A_733 = vector.extract_strided_slice %mul3A_443 {offsets = [768, 0], sizes = [16, 16], strides = [1, 1]} : vector<4096x16xf32> to vector<16x16xf32>
    %broadcast_in_dim3A_734 = arith.constant 0.000000e+00 : f32
    %broadcast_in_dim3A_735 = vector.broadcast %broadcast_in_dim3A_734 : f32 to vector<16x240xf32>
    %concatenate3A_736 = tpu.concatenate %slice3A_733, %broadcast_in_dim3A_735 in 1 : vector<16x16xf32>, vector<16x240xf32> -> vector<16x256xf32>
    %slice3A_737 = vector.extract_strided_slice %mul3A_443 {offsets = [784, 0], sizes = [16, 16], strides = [1, 1]} : vector<4096x16xf32> to vector<16x16xf32>
    %broadcast_in_dim3A_738 = arith.constant 0.000000e+00 : f32
    %broadcast_in_dim3A_739 = vector.broadcast %broadcast_in_dim3A_738 : f32 to vector<16x16xf32>
    %broadcast_in_dim3A_740 = arith.constant 0.000000e+00 : f32
    %broadcast_in_dim3A_741 = vector.broadcast %broadcast_in_dim3A_740 : f32 to vector<16x224xf32>
    %concatenate3A_742 = tpu.concatenate %broadcast_in_dim3A_739, %slice3A_737, %broadcast_in_dim3A_741 in 1 : vector<16x16xf32>, vector<16x16xf32>, vector<16x224xf32> -> vector<16x256xf32>
    %slice3A_743 = vector.extract_strided_slice %mul3A_443 {offsets = [800, 0], sizes = [16, 16], strides = [1, 1]} : vector<4096x16xf32> to vector<16x16xf32>
    %broadcast_in_dim3A_744 = arith.constant 0.000000e+00 : f32
    %broadcast_in_dim3A_745 = vector.broadcast %broadcast_in_dim3A_744 : f32 to vector<16x32xf32>
    %broadcast_in_dim3A_746 = arith.constant 0.000000e+00 : f32
    %broadcast_in_dim3A_747 = vector.broadcast %broadcast_in_dim3A_746 : f32 to vector<16x208xf32>
    %concatenate3A_748 = tpu.concatenate %broadcast_in_dim3A_745, %slice3A_743, %broadcast_in_dim3A_747 in 1 : vector<16x32xf32>, vector<16x16xf32>, vector<16x208xf32> -> vector<16x256xf32>
    %slice3A_749 = vector.extract_strided_slice %mul3A_443 {offsets = [816, 0], sizes = [16, 16], strides = [1, 1]} : vector<4096x16xf32> to vector<16x16xf32>
    %broadcast_in_dim3A_750 = arith.constant 0.000000e+00 : f32
    %broadcast_in_dim3A_751 = vector.broadcast %broadcast_in_dim3A_750 : f32 to vector<16x48xf32>
    %broadcast_in_dim3A_752 = arith.constant 0.000000e+00 : f32
    %broadcast_in_dim3A_753 = vector.broadcast %broadcast_in_dim3A_752 : f32 to vector<16x192xf32>
    %concatenate3A_754 = tpu.concatenate %broadcast_in_dim3A_751, %slice3A_749, %broadcast_in_dim3A_753 in 1 : vector<16x48xf32>, vector<16x16xf32>, vector<16x192xf32> -> vector<16x256xf32>
    %slice3A_755 = vector.extract_strided_slice %mul3A_443 {offsets = [832, 0], sizes = [16, 16], strides = [1, 1]} : vector<4096x16xf32> to vector<16x16xf32>
    %broadcast_in_dim3A_756 = arith.constant 0.000000e+00 : f32
    %broadcast_in_dim3A_757 = vector.broadcast %broadcast_in_dim3A_756 : f32 to vector<16x64xf32>
    %broadcast_in_dim3A_758 = arith.constant 0.000000e+00 : f32
    %broadcast_in_dim3A_759 = vector.broadcast %broadcast_in_dim3A_758 : f32 to vector<16x176xf32>
    %concatenate3A_760 = tpu.concatenate %broadcast_in_dim3A_757, %slice3A_755, %broadcast_in_dim3A_759 in 1 : vector<16x64xf32>, vector<16x16xf32>, vector<16x176xf32> -> vector<16x256xf32>
    %slice3A_761 = vector.extract_strided_slice %mul3A_443 {offsets = [848, 0], sizes = [16, 16], strides = [1, 1]} : vector<4096x16xf32> to vector<16x16xf32>
    %broadcast_in_dim3A_762 = arith.constant 0.000000e+00 : f32
    %broadcast_in_dim3A_763 = vector.broadcast %broadcast_in_dim3A_762 : f32 to vector<16x80xf32>
    %broadcast_in_dim3A_764 = arith.constant 0.000000e+00 : f32
    %broadcast_in_dim3A_765 = vector.broadcast %broadcast_in_dim3A_764 : f32 to vector<16x160xf32>
    %concatenate3A_766 = tpu.concatenate %broadcast_in_dim3A_763, %slice3A_761, %broadcast_in_dim3A_765 in 1 : vector<16x80xf32>, vector<16x16xf32>, vector<16x160xf32> -> vector<16x256xf32>
    %slice3A_767 = vector.extract_strided_slice %mul3A_443 {offsets = [864, 0], sizes = [16, 16], strides = [1, 1]} : vector<4096x16xf32> to vector<16x16xf32>
    %broadcast_in_dim3A_768 = arith.constant 0.000000e+00 : f32
    %broadcast_in_dim3A_769 = vector.broadcast %broadcast_in_dim3A_768 : f32 to vector<16x96xf32>
    %broadcast_in_dim3A_770 = arith.constant 0.000000e+00 : f32
    %broadcast_in_dim3A_771 = vector.broadcast %broadcast_in_dim3A_770 : f32 to vector<16x144xf32>
    %concatenate3A_772 = tpu.concatenate %broadcast_in_dim3A_769, %slice3A_767, %broadcast_in_dim3A_771 in 1 : vector<16x96xf32>, vector<16x16xf32>, vector<16x144xf32> -> vector<16x256xf32>
    %slice3A_773 = vector.extract_strided_slice %mul3A_443 {offsets = [880, 0], sizes = [16, 16], strides = [1, 1]} : vector<4096x16xf32> to vector<16x16xf32>
    %broadcast_in_dim3A_774 = arith.constant 0.000000e+00 : f32
    %broadcast_in_dim3A_775 = vector.broadcast %broadcast_in_dim3A_774 : f32 to vector<16x112xf32>
    %broadcast_in_dim3A_776 = arith.constant 0.000000e+00 : f32
    %broadcast_in_dim3A_777 = vector.broadcast %broadcast_in_dim3A_776 : f32 to vector<16x128xf32>
    %concatenate3A_778 = tpu.concatenate %broadcast_in_dim3A_775, %slice3A_773, %broadcast_in_dim3A_777 in 1 : vector<16x112xf32>, vector<16x16xf32>, vector<16x128xf32> -> vector<16x256xf32>
    %slice3A_779 = vector.extract_strided_slice %mul3A_443 {offsets = [896, 0], sizes = [16, 16], strides = [1, 1]} : vector<4096x16xf32> to vector<16x16xf32>
    %broadcast_in_dim3A_780 = arith.constant 0.000000e+00 : f32
    %broadcast_in_dim3A_781 = vector.broadcast %broadcast_in_dim3A_780 : f32 to vector<16x128xf32>
    %broadcast_in_dim3A_782 = arith.constant 0.000000e+00 : f32
    %broadcast_in_dim3A_783 = vector.broadcast %broadcast_in_dim3A_782 : f32 to vector<16x112xf32>
    %concatenate3A_784 = tpu.concatenate %broadcast_in_dim3A_781, %slice3A_779, %broadcast_in_dim3A_783 in 1 : vector<16x128xf32>, vector<16x16xf32>, vector<16x112xf32> -> vector<16x256xf32>
    %slice3A_785 = vector.extract_strided_slice %mul3A_443 {offsets = [912, 0], sizes = [16, 16], strides = [1, 1]} : vector<4096x16xf32> to vector<16x16xf32>
    %broadcast_in_dim3A_786 = arith.constant 0.000000e+00 : f32
    %broadcast_in_dim3A_787 = vector.broadcast %broadcast_in_dim3A_786 : f32 to vector<16x144xf32>
    %broadcast_in_dim3A_788 = arith.constant 0.000000e+00 : f32
    %broadcast_in_dim3A_789 = vector.broadcast %broadcast_in_dim3A_788 : f32 to vector<16x96xf32>
    %concatenate3A_790 = tpu.concatenate %broadcast_in_dim3A_787, %slice3A_785, %broadcast_in_dim3A_789 in 1 : vector<16x144xf32>, vector<16x16xf32>, vector<16x96xf32> -> vector<16x256xf32>
    %slice3A_791 = vector.extract_strided_slice %mul3A_443 {offsets = [928, 0], sizes = [16, 16], strides = [1, 1]} : vector<4096x16xf32> to vector<16x16xf32>
    %broadcast_in_dim3A_792 = arith.constant 0.000000e+00 : f32
    %broadcast_in_dim3A_793 = vector.broadcast %broadcast_in_dim3A_792 : f32 to vector<16x160xf32>
    %broadcast_in_dim3A_794 = arith.constant 0.000000e+00 : f32
    %broadcast_in_dim3A_795 = vector.broadcast %broadcast_in_dim3A_794 : f32 to vector<16x80xf32>
    %concatenate3A_796 = tpu.concatenate %broadcast_in_dim3A_793, %slice3A_791, %broadcast_in_dim3A_795 in 1 : vector<16x160xf32>, vector<16x16xf32>, vector<16x80xf32> -> vector<16x256xf32>
    %slice3A_797 = vector.extract_strided_slice %mul3A_443 {offsets = [944, 0], sizes = [16, 16], strides = [1, 1]} : vector<4096x16xf32> to vector<16x16xf32>
    %broadcast_in_dim3A_798 = arith.constant 0.000000e+00 : f32
    %broadcast_in_dim3A_799 = vector.broadcast %broadcast_in_dim3A_798 : f32 to vector<16x176xf32>
    %broadcast_in_dim3A_800 = arith.constant 0.000000e+00 : f32
    %broadcast_in_dim3A_801 = vector.broadcast %broadcast_in_dim3A_800 : f32 to vector<16x64xf32>
    %concatenate3A_802 = tpu.concatenate %broadcast_in_dim3A_799, %slice3A_797, %broadcast_in_dim3A_801 in 1 : vector<16x176xf32>, vector<16x16xf32>, vector<16x64xf32> -> vector<16x256xf32>
    %slice3A_803 = vector.extract_strided_slice %mul3A_443 {offsets = [960, 0], sizes = [16, 16], strides = [1, 1]} : vector<4096x16xf32> to vector<16x16xf32>
    %broadcast_in_dim3A_804 = arith.constant 0.000000e+00 : f32
    %broadcast_in_dim3A_805 = vector.broadcast %broadcast_in_dim3A_804 : f32 to vector<16x192xf32>
    %broadcast_in_dim3A_806 = arith.constant 0.000000e+00 : f32
    %broadcast_in_dim3A_807 = vector.broadcast %broadcast_in_dim3A_806 : f32 to vector<16x48xf32>
    %concatenate3A_808 = tpu.concatenate %broadcast_in_dim3A_805, %slice3A_803, %broadcast_in_dim3A_807 in 1 : vector<16x192xf32>, vector<16x16xf32>, vector<16x48xf32> -> vector<16x256xf32>
    %slice3A_809 = vector.extract_strided_slice %mul3A_443 {offsets = [976, 0], sizes = [16, 16], strides = [1, 1]} : vector<4096x16xf32> to vector<16x16xf32>
    %broadcast_in_dim3A_810 = arith.constant 0.000000e+00 : f32
    %broadcast_in_dim3A_811 = vector.broadcast %broadcast_in_dim3A_810 : f32 to vector<16x208xf32>
    %broadcast_in_dim3A_812 = arith.constant 0.000000e+00 : f32
    %broadcast_in_dim3A_813 = vector.broadcast %broadcast_in_dim3A_812 : f32 to vector<16x32xf32>
    %concatenate3A_814 = tpu.concatenate %broadcast_in_dim3A_811, %slice3A_809, %broadcast_in_dim3A_813 in 1 : vector<16x208xf32>, vector<16x16xf32>, vector<16x32xf32> -> vector<16x256xf32>
    %slice3A_815 = vector.extract_strided_slice %mul3A_443 {offsets = [992, 0], sizes = [16, 16], strides = [1, 1]} : vector<4096x16xf32> to vector<16x16xf32>
    %broadcast_in_dim3A_816 = arith.constant 0.000000e+00 : f32
    %broadcast_in_dim3A_817 = vector.broadcast %broadcast_in_dim3A_816 : f32 to vector<16x224xf32>
    %broadcast_in_dim3A_818 = arith.constant 0.000000e+00 : f32
    %broadcast_in_dim3A_819 = vector.broadcast %broadcast_in_dim3A_818 : f32 to vector<16x16xf32>
    %concatenate3A_820 = tpu.concatenate %broadcast_in_dim3A_817, %slice3A_815, %broadcast_in_dim3A_819 in 1 : vector<16x224xf32>, vector<16x16xf32>, vector<16x16xf32> -> vector<16x256xf32>
    %slice3A_821 = vector.extract_strided_slice %mul3A_443 {offsets = [1008, 0], sizes = [16, 16], strides = [1, 1]} : vector<4096x16xf32> to vector<16x16xf32>
    %broadcast_in_dim3A_822 = arith.constant 0.000000e+00 : f32
    %broadcast_in_dim3A_823 = vector.broadcast %broadcast_in_dim3A_822 : f32 to vector<16x240xf32>
    %concatenate3A_824 = tpu.concatenate %broadcast_in_dim3A_823, %slice3A_821 in 1 : vector<16x240xf32>, vector<16x16xf32> -> vector<16x256xf32>
    %concatenate3A_825 = tpu.concatenate %concatenate3A_736, %concatenate3A_742, %concatenate3A_748, %concatenate3A_754, %concatenate3A_760, %concatenate3A_766, %concatenate3A_772, %concatenate3A_778, %concatenate3A_784, %concatenate3A_790, %concatenate3A_796, %concatenate3A_802, %concatenate3A_808, %concatenate3A_814, %concatenate3A_820, %concatenate3A_824 in 0 : vector<16x256xf32>, vector<16x256xf32>, vector<16x256xf32>, vector<16x256xf32>, vector<16x256xf32>, vector<16x256xf32>, vector<16x256xf32>, vector<16x256xf32>, vector<16x256xf32>, vector<16x256xf32>, vector<16x256xf32>, vector<16x256xf32>, vector<16x256xf32>, vector<16x256xf32>, vector<16x256xf32>, vector<16x256xf32> -> vector<256x256xf32>
    %dot_general3A_826 = arith.constant dense<0.000000e+00> : vector<256x64xf32>
    %dot_general3A_827 = tpu.matmul %concatenate3A_825, %slice3A_732, %dot_general3A_826 {dimension_numbers = #tpu.dot_dimension_numbers<[1], [0], [0], [1], [0, 0, 1, 1], [], []>, precision = #tpu.contract_precision<fp32>, transpose_lhs_hint = false} : vector<256x256xf32>, vector<256x64xf32>, vector<256x64xf32> -> vector<256x64xf32>
    %slice3A_828 = vector.extract_strided_slice %div3A_27 {offsets = [1024, 0], sizes = [256, 64], strides = [1, 1]} : vector<4096x64xf32> to vector<256x64xf32>
    %slice3A_829 = vector.extract_strided_slice %mul3A_443 {offsets = [1024, 0], sizes = [16, 16], strides = [1, 1]} : vector<4096x16xf32> to vector<16x16xf32>
    %broadcast_in_dim3A_830 = arith.constant 0.000000e+00 : f32
    %broadcast_in_dim3A_831 = vector.broadcast %broadcast_in_dim3A_830 : f32 to vector<16x240xf32>
    %concatenate3A_832 = tpu.concatenate %slice3A_829, %broadcast_in_dim3A_831 in 1 : vector<16x16xf32>, vector<16x240xf32> -> vector<16x256xf32>
    %slice3A_833 = vector.extract_strided_slice %mul3A_443 {offsets = [1040, 0], sizes = [16, 16], strides = [1, 1]} : vector<4096x16xf32> to vector<16x16xf32>
    %broadcast_in_dim3A_834 = arith.constant 0.000000e+00 : f32
    %broadcast_in_dim3A_835 = vector.broadcast %broadcast_in_dim3A_834 : f32 to vector<16x16xf32>
    %broadcast_in_dim3A_836 = arith.constant 0.000000e+00 : f32
    %broadcast_in_dim3A_837 = vector.broadcast %broadcast_in_dim3A_836 : f32 to vector<16x224xf32>
    %concatenate3A_838 = tpu.concatenate %broadcast_in_dim3A_835, %slice3A_833, %broadcast_in_dim3A_837 in 1 : vector<16x16xf32>, vector<16x16xf32>, vector<16x224xf32> -> vector<16x256xf32>
    %slice3A_839 = vector.extract_strided_slice %mul3A_443 {offsets = [1056, 0], sizes = [16, 16], strides = [1, 1]} : vector<4096x16xf32> to vector<16x16xf32>
    %broadcast_in_dim3A_840 = arith.constant 0.000000e+00 : f32
    %broadcast_in_dim3A_841 = vector.broadcast %broadcast_in_dim3A_840 : f32 to vector<16x32xf32>
    %broadcast_in_dim3A_842 = arith.constant 0.000000e+00 : f32
    %broadcast_in_dim3A_843 = vector.broadcast %broadcast_in_dim3A_842 : f32 to vector<16x208xf32>
    %concatenate3A_844 = tpu.concatenate %broadcast_in_dim3A_841, %slice3A_839, %broadcast_in_dim3A_843 in 1 : vector<16x32xf32>, vector<16x16xf32>, vector<16x208xf32> -> vector<16x256xf32>
    %slice3A_845 = vector.extract_strided_slice %mul3A_443 {offsets = [1072, 0], sizes = [16, 16], strides = [1, 1]} : vector<4096x16xf32> to vector<16x16xf32>
    %broadcast_in_dim3A_846 = arith.constant 0.000000e+00 : f32
    %broadcast_in_dim3A_847 = vector.broadcast %broadcast_in_dim3A_846 : f32 to vector<16x48xf32>
    %broadcast_in_dim3A_848 = arith.constant 0.000000e+00 : f32
    %broadcast_in_dim3A_849 = vector.broadcast %broadcast_in_dim3A_848 : f32 to vector<16x192xf32>
    %concatenate3A_850 = tpu.concatenate %broadcast_in_dim3A_847, %slice3A_845, %broadcast_in_dim3A_849 in 1 : vector<16x48xf32>, vector<16x16xf32>, vector<16x192xf32> -> vector<16x256xf32>
    %slice3A_851 = vector.extract_strided_slice %mul3A_443 {offsets = [1088, 0], sizes = [16, 16], strides = [1, 1]} : vector<4096x16xf32> to vector<16x16xf32>
    %broadcast_in_dim3A_852 = arith.constant 0.000000e+00 : f32
    %broadcast_in_dim3A_853 = vector.broadcast %broadcast_in_dim3A_852 : f32 to vector<16x64xf32>
    %broadcast_in_dim3A_854 = arith.constant 0.000000e+00 : f32
    %broadcast_in_dim3A_855 = vector.broadcast %broadcast_in_dim3A_854 : f32 to vector<16x176xf32>
    %concatenate3A_856 = tpu.concatenate %broadcast_in_dim3A_853, %slice3A_851, %broadcast_in_dim3A_855 in 1 : vector<16x64xf32>, vector<16x16xf32>, vector<16x176xf32> -> vector<16x256xf32>
    %slice3A_857 = vector.extract_strided_slice %mul3A_443 {offsets = [1104, 0], sizes = [16, 16], strides = [1, 1]} : vector<4096x16xf32> to vector<16x16xf32>
    %broadcast_in_dim3A_858 = arith.constant 0.000000e+00 : f32
    %broadcast_in_dim3A_859 = vector.broadcast %broadcast_in_dim3A_858 : f32 to vector<16x80xf32>
    %broadcast_in_dim3A_860 = arith.constant 0.000000e+00 : f32
    %broadcast_in_dim3A_861 = vector.broadcast %broadcast_in_dim3A_860 : f32 to vector<16x160xf32>
    %concatenate3A_862 = tpu.concatenate %broadcast_in_dim3A_859, %slice3A_857, %broadcast_in_dim3A_861 in 1 : vector<16x80xf32>, vector<16x16xf32>, vector<16x160xf32> -> vector<16x256xf32>
    %slice3A_863 = vector.extract_strided_slice %mul3A_443 {offsets = [1120, 0], sizes = [16, 16], strides = [1, 1]} : vector<4096x16xf32> to vector<16x16xf32>
    %broadcast_in_dim3A_864 = arith.constant 0.000000e+00 : f32
    %broadcast_in_dim3A_865 = vector.broadcast %broadcast_in_dim3A_864 : f32 to vector<16x96xf32>
    %broadcast_in_dim3A_866 = arith.constant 0.000000e+00 : f32
    %broadcast_in_dim3A_867 = vector.broadcast %broadcast_in_dim3A_866 : f32 to vector<16x144xf32>
    %concatenate3A_868 = tpu.concatenate %broadcast_in_dim3A_865, %slice3A_863, %broadcast_in_dim3A_867 in 1 : vector<16x96xf32>, vector<16x16xf32>, vector<16x144xf32> -> vector<16x256xf32>
    %slice3A_869 = vector.extract_strided_slice %mul3A_443 {offsets = [1136, 0], sizes = [16, 16], strides = [1, 1]} : vector<4096x16xf32> to vector<16x16xf32>
    %broadcast_in_dim3A_870 = arith.constant 0.000000e+00 : f32
    %broadcast_in_dim3A_871 = vector.broadcast %broadcast_in_dim3A_870 : f32 to vector<16x112xf32>
    %broadcast_in_dim3A_872 = arith.constant 0.000000e+00 : f32
    %broadcast_in_dim3A_873 = vector.broadcast %broadcast_in_dim3A_872 : f32 to vector<16x128xf32>
    %concatenate3A_874 = tpu.concatenate %broadcast_in_dim3A_871, %slice3A_869, %broadcast_in_dim3A_873 in 1 : vector<16x112xf32>, vector<16x16xf32>, vector<16x128xf32> -> vector<16x256xf32>
    %slice3A_875 = vector.extract_strided_slice %mul3A_443 {offsets = [1152, 0], sizes = [16, 16], strides = [1, 1]} : vector<4096x16xf32> to vector<16x16xf32>
    %broadcast_in_dim3A_876 = arith.constant 0.000000e+00 : f32
    %broadcast_in_dim3A_877 = vector.broadcast %broadcast_in_dim3A_876 : f32 to vector<16x128xf32>
    %broadcast_in_dim3A_878 = arith.constant 0.000000e+00 : f32
    %broadcast_in_dim3A_879 = vector.broadcast %broadcast_in_dim3A_878 : f32 to vector<16x112xf32>
    %concatenate3A_880 = tpu.concatenate %broadcast_in_dim3A_877, %slice3A_875, %broadcast_in_dim3A_879 in 1 : vector<16x128xf32>, vector<16x16xf32>, vector<16x112xf32> -> vector<16x256xf32>
    %slice3A_881 = vector.extract_strided_slice %mul3A_443 {offsets = [1168, 0], sizes = [16, 16], strides = [1, 1]} : vector<4096x16xf32> to vector<16x16xf32>
    %broadcast_in_dim3A_882 = arith.constant 0.000000e+00 : f32
    %broadcast_in_dim3A_883 = vector.broadcast %broadcast_in_dim3A_882 : f32 to vector<16x144xf32>
    %broadcast_in_dim3A_884 = arith.constant 0.000000e+00 : f32
    %broadcast_in_dim3A_885 = vector.broadcast %broadcast_in_dim3A_884 : f32 to vector<16x96xf32>
    %concatenate3A_886 = tpu.concatenate %broadcast_in_dim3A_883, %slice3A_881, %broadcast_in_dim3A_885 in 1 : vector<16x144xf32>, vector<16x16xf32>, vector<16x96xf32> -> vector<16x256xf32>
    %slice3A_887 = vector.extract_strided_slice %mul3A_443 {offsets = [1184, 0], sizes = [16, 16], strides = [1, 1]} : vector<4096x16xf32> to vector<16x16xf32>
    %broadcast_in_dim3A_888 = arith.constant 0.000000e+00 : f32
    %broadcast_in_dim3A_889 = vector.broadcast %broadcast_in_dim3A_888 : f32 to vector<16x160xf32>
    %broadcast_in_dim3A_890 = arith.constant 0.000000e+00 : f32
    %broadcast_in_dim3A_891 = vector.broadcast %broadcast_in_dim3A_890 : f32 to vector<16x80xf32>
    %concatenate3A_892 = tpu.concatenate %broadcast_in_dim3A_889, %slice3A_887, %broadcast_in_dim3A_891 in 1 : vector<16x160xf32>, vector<16x16xf32>, vector<16x80xf32> -> vector<16x256xf32>
    %slice3A_893 = vector.extract_strided_slice %mul3A_443 {offsets = [1200, 0], sizes = [16, 16], strides = [1, 1]} : vector<4096x16xf32> to vector<16x16xf32>
    %broadcast_in_dim3A_894 = arith.constant 0.000000e+00 : f32
    %broadcast_in_dim3A_895 = vector.broadcast %broadcast_in_dim3A_894 : f32 to vector<16x176xf32>
    %broadcast_in_dim3A_896 = arith.constant 0.000000e+00 : f32
    %broadcast_in_dim3A_897 = vector.broadcast %broadcast_in_dim3A_896 : f32 to vector<16x64xf32>
    %concatenate3A_898 = tpu.concatenate %broadcast_in_dim3A_895, %slice3A_893, %broadcast_in_dim3A_897 in 1 : vector<16x176xf32>, vector<16x16xf32>, vector<16x64xf32> -> vector<16x256xf32>
    %slice3A_899 = vector.extract_strided_slice %mul3A_443 {offsets = [1216, 0], sizes = [16, 16], strides = [1, 1]} : vector<4096x16xf32> to vector<16x16xf32>
    %broadcast_in_dim3A_900 = arith.constant 0.000000e+00 : f32
    %broadcast_in_dim3A_901 = vector.broadcast %broadcast_in_dim3A_900 : f32 to vector<16x192xf32>
    %broadcast_in_dim3A_902 = arith.constant 0.000000e+00 : f32
    %broadcast_in_dim3A_903 = vector.broadcast %broadcast_in_dim3A_902 : f32 to vector<16x48xf32>
    %concatenate3A_904 = tpu.concatenate %broadcast_in_dim3A_901, %slice3A_899, %broadcast_in_dim3A_903 in 1 : vector<16x192xf32>, vector<16x16xf32>, vector<16x48xf32> -> vector<16x256xf32>
    %slice3A_905 = vector.extract_strided_slice %mul3A_443 {offsets = [1232, 0], sizes = [16, 16], strides = [1, 1]} : vector<4096x16xf32> to vector<16x16xf32>
    %broadcast_in_dim3A_906 = arith.constant 0.000000e+00 : f32
    %broadcast_in_dim3A_907 = vector.broadcast %broadcast_in_dim3A_906 : f32 to vector<16x208xf32>
    %broadcast_in_dim3A_908 = arith.constant 0.000000e+00 : f32
    %broadcast_in_dim3A_909 = vector.broadcast %broadcast_in_dim3A_908 : f32 to vector<16x32xf32>
    %concatenate3A_910 = tpu.concatenate %broadcast_in_dim3A_907, %slice3A_905, %broadcast_in_dim3A_909 in 1 : vector<16x208xf32>, vector<16x16xf32>, vector<16x32xf32> -> vector<16x256xf32>
    %slice3A_911 = vector.extract_strided_slice %mul3A_443 {offsets = [1248, 0], sizes = [16, 16], strides = [1, 1]} : vector<4096x16xf32> to vector<16x16xf32>
    %broadcast_in_dim3A_912 = arith.constant 0.000000e+00 : f32
    %broadcast_in_dim3A_913 = vector.broadcast %broadcast_in_dim3A_912 : f32 to vector<16x224xf32>
    %broadcast_in_dim3A_914 = arith.constant 0.000000e+00 : f32
    %broadcast_in_dim3A_915 = vector.broadcast %broadcast_in_dim3A_914 : f32 to vector<16x16xf32>
    %concatenate3A_916 = tpu.concatenate %broadcast_in_dim3A_913, %slice3A_911, %broadcast_in_dim3A_915 in 1 : vector<16x224xf32>, vector<16x16xf32>, vector<16x16xf32> -> vector<16x256xf32>
    %slice3A_917 = vector.extract_strided_slice %mul3A_443 {offsets = [1264, 0], sizes = [16, 16], strides = [1, 1]} : vector<4096x16xf32> to vector<16x16xf32>
    %broadcast_in_dim3A_918 = arith.constant 0.000000e+00 : f32
    %broadcast_in_dim3A_919 = vector.broadcast %broadcast_in_dim3A_918 : f32 to vector<16x240xf32>
    %concatenate3A_920 = tpu.concatenate %broadcast_in_dim3A_919, %slice3A_917 in 1 : vector<16x240xf32>, vector<16x16xf32> -> vector<16x256xf32>
    %concatenate3A_921 = tpu.concatenate %concatenate3A_832, %concatenate3A_838, %concatenate3A_844, %concatenate3A_850, %concatenate3A_856, %concatenate3A_862, %concatenate3A_868, %concatenate3A_874, %concatenate3A_880, %concatenate3A_886, %concatenate3A_892, %concatenate3A_898, %concatenate3A_904, %concatenate3A_910, %concatenate3A_916, %concatenate3A_920 in 0 : vector<16x256xf32>, vector<16x256xf32>, vector<16x256xf32>, vector<16x256xf32>, vector<16x256xf32>, vector<16x256xf32>, vector<16x256xf32>, vector<16x256xf32>, vector<16x256xf32>, vector<16x256xf32>, vector<16x256xf32>, vector<16x256xf32>, vector<16x256xf32>, vector<16x256xf32>, vector<16x256xf32>, vector<16x256xf32> -> vector<256x256xf32>
    %dot_general3A_922 = arith.constant dense<0.000000e+00> : vector<256x64xf32>
    %dot_general3A_923 = tpu.matmul %concatenate3A_921, %slice3A_828, %dot_general3A_922 {dimension_numbers = #tpu.dot_dimension_numbers<[1], [0], [0], [1], [0, 0, 1, 1], [], []>, precision = #tpu.contract_precision<fp32>, transpose_lhs_hint = false} : vector<256x256xf32>, vector<256x64xf32>, vector<256x64xf32> -> vector<256x64xf32>
    %slice3A_924 = vector.extract_strided_slice %div3A_27 {offsets = [1280, 0], sizes = [256, 64], strides = [1, 1]} : vector<4096x64xf32> to vector<256x64xf32>
    %slice3A_925 = vector.extract_strided_slice %mul3A_443 {offsets = [1280, 0], sizes = [16, 16], strides = [1, 1]} : vector<4096x16xf32> to vector<16x16xf32>
    %broadcast_in_dim3A_926 = arith.constant 0.000000e+00 : f32
    %broadcast_in_dim3A_927 = vector.broadcast %broadcast_in_dim3A_926 : f32 to vector<16x240xf32>
    %concatenate3A_928 = tpu.concatenate %slice3A_925, %broadcast_in_dim3A_927 in 1 : vector<16x16xf32>, vector<16x240xf32> -> vector<16x256xf32>
    %slice3A_929 = vector.extract_strided_slice %mul3A_443 {offsets = [1296, 0], sizes = [16, 16], strides = [1, 1]} : vector<4096x16xf32> to vector<16x16xf32>
    %broadcast_in_dim3A_930 = arith.constant 0.000000e+00 : f32
    %broadcast_in_dim3A_931 = vector.broadcast %broadcast_in_dim3A_930 : f32 to vector<16x16xf32>
    %broadcast_in_dim3A_932 = arith.constant 0.000000e+00 : f32
    %broadcast_in_dim3A_933 = vector.broadcast %broadcast_in_dim3A_932 : f32 to vector<16x224xf32>
    %concatenate3A_934 = tpu.concatenate %broadcast_in_dim3A_931, %slice3A_929, %broadcast_in_dim3A_933 in 1 : vector<16x16xf32>, vector<16x16xf32>, vector<16x224xf32> -> vector<16x256xf32>
    %slice3A_935 = vector.extract_strided_slice %mul3A_443 {offsets = [1312, 0], sizes = [16, 16], strides = [1, 1]} : vector<4096x16xf32> to vector<16x16xf32>
    %broadcast_in_dim3A_936 = arith.constant 0.000000e+00 : f32
    %broadcast_in_dim3A_937 = vector.broadcast %broadcast_in_dim3A_936 : f32 to vector<16x32xf32>
    %broadcast_in_dim3A_938 = arith.constant 0.000000e+00 : f32
    %broadcast_in_dim3A_939 = vector.broadcast %broadcast_in_dim3A_938 : f32 to vector<16x208xf32>
    %concatenate3A_940 = tpu.concatenate %broadcast_in_dim3A_937, %slice3A_935, %broadcast_in_dim3A_939 in 1 : vector<16x32xf32>, vector<16x16xf32>, vector<16x208xf32> -> vector<16x256xf32>
    %slice3A_941 = vector.extract_strided_slice %mul3A_443 {offsets = [1328, 0], sizes = [16, 16], strides = [1, 1]} : vector<4096x16xf32> to vector<16x16xf32>
    %broadcast_in_dim3A_942 = arith.constant 0.000000e+00 : f32
    %broadcast_in_dim3A_943 = vector.broadcast %broadcast_in_dim3A_942 : f32 to vector<16x48xf32>
    %broadcast_in_dim3A_944 = arith.constant 0.000000e+00 : f32
    %broadcast_in_dim3A_945 = vector.broadcast %broadcast_in_dim3A_944 : f32 to vector<16x192xf32>
    %concatenate3A_946 = tpu.concatenate %broadcast_in_dim3A_943, %slice3A_941, %broadcast_in_dim3A_945 in 1 : vector<16x48xf32>, vector<16x16xf32>, vector<16x192xf32> -> vector<16x256xf32>
    %slice3A_947 = vector.extract_strided_slice %mul3A_443 {offsets = [1344, 0], sizes = [16, 16], strides = [1, 1]} : vector<4096x16xf32> to vector<16x16xf32>
    %broadcast_in_dim3A_948 = arith.constant 0.000000e+00 : f32
    %broadcast_in_dim3A_949 = vector.broadcast %broadcast_in_dim3A_948 : f32 to vector<16x64xf32>
    %broadcast_in_dim3A_950 = arith.constant 0.000000e+00 : f32
    %broadcast_in_dim3A_951 = vector.broadcast %broadcast_in_dim3A_950 : f32 to vector<16x176xf32>
    %concatenate3A_952 = tpu.concatenate %broadcast_in_dim3A_949, %slice3A_947, %broadcast_in_dim3A_951 in 1 : vector<16x64xf32>, vector<16x16xf32>, vector<16x176xf32> -> vector<16x256xf32>
    %slice3A_953 = vector.extract_strided_slice %mul3A_443 {offsets = [1360, 0], sizes = [16, 16], strides = [1, 1]} : vector<4096x16xf32> to vector<16x16xf32>
    %broadcast_in_dim3A_954 = arith.constant 0.000000e+00 : f32
    %broadcast_in_dim3A_955 = vector.broadcast %broadcast_in_dim3A_954 : f32 to vector<16x80xf32>
    %broadcast_in_dim3A_956 = arith.constant 0.000000e+00 : f32
    %broadcast_in_dim3A_957 = vector.broadcast %broadcast_in_dim3A_956 : f32 to vector<16x160xf32>
    %concatenate3A_958 = tpu.concatenate %broadcast_in_dim3A_955, %slice3A_953, %broadcast_in_dim3A_957 in 1 : vector<16x80xf32>, vector<16x16xf32>, vector<16x160xf32> -> vector<16x256xf32>
    %slice3A_959 = vector.extract_strided_slice %mul3A_443 {offsets = [1376, 0], sizes = [16, 16], strides = [1, 1]} : vector<4096x16xf32> to vector<16x16xf32>
    %broadcast_in_dim3A_960 = arith.constant 0.000000e+00 : f32
    %broadcast_in_dim3A_961 = vector.broadcast %broadcast_in_dim3A_960 : f32 to vector<16x96xf32>
    %broadcast_in_dim3A_962 = arith.constant 0.000000e+00 : f32
    %broadcast_in_dim3A_963 = vector.broadcast %broadcast_in_dim3A_962 : f32 to vector<16x144xf32>
    %concatenate3A_964 = tpu.concatenate %broadcast_in_dim3A_961, %slice3A_959, %broadcast_in_dim3A_963 in 1 : vector<16x96xf32>, vector<16x16xf32>, vector<16x144xf32> -> vector<16x256xf32>
    %slice3A_965 = vector.extract_strided_slice %mul3A_443 {offsets = [1392, 0], sizes = [16, 16], strides = [1, 1]} : vector<4096x16xf32> to vector<16x16xf32>
    %broadcast_in_dim3A_966 = arith.constant 0.000000e+00 : f32
    %broadcast_in_dim3A_967 = vector.broadcast %broadcast_in_dim3A_966 : f32 to vector<16x112xf32>
    %broadcast_in_dim3A_968 = arith.constant 0.000000e+00 : f32
    %broadcast_in_dim3A_969 = vector.broadcast %broadcast_in_dim3A_968 : f32 to vector<16x128xf32>
    %concatenate3A_970 = tpu.concatenate %broadcast_in_dim3A_967, %slice3A_965, %broadcast_in_dim3A_969 in 1 : vector<16x112xf32>, vector<16x16xf32>, vector<16x128xf32> -> vector<16x256xf32>
    %slice3A_971 = vector.extract_strided_slice %mul3A_443 {offsets = [1408, 0], sizes = [16, 16], strides = [1, 1]} : vector<4096x16xf32> to vector<16x16xf32>
    %broadcast_in_dim3A_972 = arith.constant 0.000000e+00 : f32
    %broadcast_in_dim3A_973 = vector.broadcast %broadcast_in_dim3A_972 : f32 to vector<16x128xf32>
    %broadcast_in_dim3A_974 = arith.constant 0.000000e+00 : f32
    %broadcast_in_dim3A_975 = vector.broadcast %broadcast_in_dim3A_974 : f32 to vector<16x112xf32>
    %concatenate3A_976 = tpu.concatenate %broadcast_in_dim3A_973, %slice3A_971, %broadcast_in_dim3A_975 in 1 : vector<16x128xf32>, vector<16x16xf32>, vector<16x112xf32> -> vector<16x256xf32>
    %slice3A_977 = vector.extract_strided_slice %mul3A_443 {offsets = [1424, 0], sizes = [16, 16], strides = [1, 1]} : vector<4096x16xf32> to vector<16x16xf32>
    %broadcast_in_dim3A_978 = arith.constant 0.000000e+00 : f32
    %broadcast_in_dim3A_979 = vector.broadcast %broadcast_in_dim3A_978 : f32 to vector<16x144xf32>
    %broadcast_in_dim3A_980 = arith.constant 0.000000e+00 : f32
    %broadcast_in_dim3A_981 = vector.broadcast %broadcast_in_dim3A_980 : f32 to vector<16x96xf32>
    %concatenate3A_982 = tpu.concatenate %broadcast_in_dim3A_979, %slice3A_977, %broadcast_in_dim3A_981 in 1 : vector<16x144xf32>, vector<16x16xf32>, vector<16x96xf32> -> vector<16x256xf32>
    %slice3A_983 = vector.extract_strided_slice %mul3A_443 {offsets = [1440, 0], sizes = [16, 16], strides = [1, 1]} : vector<4096x16xf32> to vector<16x16xf32>
    %broadcast_in_dim3A_984 = arith.constant 0.000000e+00 : f32
    %broadcast_in_dim3A_985 = vector.broadcast %broadcast_in_dim3A_984 : f32 to vector<16x160xf32>
    %broadcast_in_dim3A_986 = arith.constant 0.000000e+00 : f32
    %broadcast_in_dim3A_987 = vector.broadcast %broadcast_in_dim3A_986 : f32 to vector<16x80xf32>
    %concatenate3A_988 = tpu.concatenate %broadcast_in_dim3A_985, %slice3A_983, %broadcast_in_dim3A_987 in 1 : vector<16x160xf32>, vector<16x16xf32>, vector<16x80xf32> -> vector<16x256xf32>
    %slice3A_989 = vector.extract_strided_slice %mul3A_443 {offsets = [1456, 0], sizes = [16, 16], strides = [1, 1]} : vector<4096x16xf32> to vector<16x16xf32>
    %broadcast_in_dim3A_990 = arith.constant 0.000000e+00 : f32
    %broadcast_in_dim3A_991 = vector.broadcast %broadcast_in_dim3A_990 : f32 to vector<16x176xf32>
    %broadcast_in_dim3A_992 = arith.constant 0.000000e+00 : f32
    %broadcast_in_dim3A_993 = vector.broadcast %broadcast_in_dim3A_992 : f32 to vector<16x64xf32>
    %concatenate3A_994 = tpu.concatenate %broadcast_in_dim3A_991, %slice3A_989, %broadcast_in_dim3A_993 in 1 : vector<16x176xf32>, vector<16x16xf32>, vector<16x64xf32> -> vector<16x256xf32>
    %slice3A_995 = vector.extract_strided_slice %mul3A_443 {offsets = [1472, 0], sizes = [16, 16], strides = [1, 1]} : vector<4096x16xf32> to vector<16x16xf32>
    %broadcast_in_dim3A_996 = arith.constant 0.000000e+00 : f32
    %broadcast_in_dim3A_997 = vector.broadcast %broadcast_in_dim3A_996 : f32 to vector<16x192xf32>
    %broadcast_in_dim3A_998 = arith.constant 0.000000e+00 : f32
    %broadcast_in_dim3A_999 = vector.broadcast %broadcast_in_dim3A_998 : f32 to vector<16x48xf32>
    %concatenate3A_1000 = tpu.concatenate %broadcast_in_dim3A_997, %slice3A_995, %broadcast_in_dim3A_999 in 1 : vector<16x192xf32>, vector<16x16xf32>, vector<16x48xf32> -> vector<16x256xf32>
    %slice3A_1001 = vector.extract_strided_slice %mul3A_443 {offsets = [1488, 0], sizes = [16, 16], strides = [1, 1]} : vector<4096x16xf32> to vector<16x16xf32>
    %broadcast_in_dim3A_1002 = arith.constant 0.000000e+00 : f32
    %broadcast_in_dim3A_1003 = vector.broadcast %broadcast_in_dim3A_1002 : f32 to vector<16x208xf32>
    %broadcast_in_dim3A_1004 = arith.constant 0.000000e+00 : f32
    %broadcast_in_dim3A_1005 = vector.broadcast %broadcast_in_dim3A_1004 : f32 to vector<16x32xf32>
    %concatenate3A_1006 = tpu.concatenate %broadcast_in_dim3A_1003, %slice3A_1001, %broadcast_in_dim3A_1005 in 1 : vector<16x208xf32>, vector<16x16xf32>, vector<16x32xf32> -> vector<16x256xf32>
    %slice3A_1007 = vector.extract_strided_slice %mul3A_443 {offsets = [1504, 0], sizes = [16, 16], strides = [1, 1]} : vector<4096x16xf32> to vector<16x16xf32>
    %broadcast_in_dim3A_1008 = arith.constant 0.000000e+00 : f32
    %broadcast_in_dim3A_1009 = vector.broadcast %broadcast_in_dim3A_1008 : f32 to vector<16x224xf32>
    %broadcast_in_dim3A_1010 = arith.constant 0.000000e+00 : f32
    %broadcast_in_dim3A_1011 = vector.broadcast %broadcast_in_dim3A_1010 : f32 to vector<16x16xf32>
    %concatenate3A_1012 = tpu.concatenate %broadcast_in_dim3A_1009, %slice3A_1007, %broadcast_in_dim3A_1011 in 1 : vector<16x224xf32>, vector<16x16xf32>, vector<16x16xf32> -> vector<16x256xf32>
    %slice3A_1013 = vector.extract_strided_slice %mul3A_443 {offsets = [1520, 0], sizes = [16, 16], strides = [1, 1]} : vector<4096x16xf32> to vector<16x16xf32>
    %broadcast_in_dim3A_1014 = arith.constant 0.000000e+00 : f32
    %broadcast_in_dim3A_1015 = vector.broadcast %broadcast_in_dim3A_1014 : f32 to vector<16x240xf32>
    %concatenate3A_1016 = tpu.concatenate %broadcast_in_dim3A_1015, %slice3A_1013 in 1 : vector<16x240xf32>, vector<16x16xf32> -> vector<16x256xf32>
    %concatenate3A_1017 = tpu.concatenate %concatenate3A_928, %concatenate3A_934, %concatenate3A_940, %concatenate3A_946, %concatenate3A_952, %concatenate3A_958, %concatenate3A_964, %concatenate3A_970, %concatenate3A_976, %concatenate3A_982, %concatenate3A_988, %concatenate3A_994, %concatenate3A_1000, %concatenate3A_1006, %concatenate3A_1012, %concatenate3A_1016 in 0 : vector<16x256xf32>, vector<16x256xf32>, vector<16x256xf32>, vector<16x256xf32>, vector<16x256xf32>, vector<16x256xf32>, vector<16x256xf32>, vector<16x256xf32>, vector<16x256xf32>, vector<16x256xf32>, vector<16x256xf32>, vector<16x256xf32>, vector<16x256xf32>, vector<16x256xf32>, vector<16x256xf32>, vector<16x256xf32> -> vector<256x256xf32>
    %dot_general3A_1018 = arith.constant dense<0.000000e+00> : vector<256x64xf32>
    %dot_general3A_1019 = tpu.matmul %concatenate3A_1017, %slice3A_924, %dot_general3A_1018 {dimension_numbers = #tpu.dot_dimension_numbers<[1], [0], [0], [1], [0, 0, 1, 1], [], []>, precision = #tpu.contract_precision<fp32>, transpose_lhs_hint = false} : vector<256x256xf32>, vector<256x64xf32>, vector<256x64xf32> -> vector<256x64xf32>
    %slice3A_1020 = vector.extract_strided_slice %div3A_27 {offsets = [1536, 0], sizes = [256, 64], strides = [1, 1]} : vector<4096x64xf32> to vector<256x64xf32>
    %slice3A_1021 = vector.extract_strided_slice %mul3A_443 {offsets = [1536, 0], sizes = [16, 16], strides = [1, 1]} : vector<4096x16xf32> to vector<16x16xf32>
    %broadcast_in_dim3A_1022 = arith.constant 0.000000e+00 : f32
    %broadcast_in_dim3A_1023 = vector.broadcast %broadcast_in_dim3A_1022 : f32 to vector<16x240xf32>
    %concatenate3A_1024 = tpu.concatenate %slice3A_1021, %broadcast_in_dim3A_1023 in 1 : vector<16x16xf32>, vector<16x240xf32> -> vector<16x256xf32>
    %slice3A_1025 = vector.extract_strided_slice %mul3A_443 {offsets = [1552, 0], sizes = [16, 16], strides = [1, 1]} : vector<4096x16xf32> to vector<16x16xf32>
    %broadcast_in_dim3A_1026 = arith.constant 0.000000e+00 : f32
    %broadcast_in_dim3A_1027 = vector.broadcast %broadcast_in_dim3A_1026 : f32 to vector<16x16xf32>
    %broadcast_in_dim3A_1028 = arith.constant 0.000000e+00 : f32
    %broadcast_in_dim3A_1029 = vector.broadcast %broadcast_in_dim3A_1028 : f32 to vector<16x224xf32>
    %concatenate3A_1030 = tpu.concatenate %broadcast_in_dim3A_1027, %slice3A_1025, %broadcast_in_dim3A_1029 in 1 : vector<16x16xf32>, vector<16x16xf32>, vector<16x224xf32> -> vector<16x256xf32>
    %slice3A_1031 = vector.extract_strided_slice %mul3A_443 {offsets = [1568, 0], sizes = [16, 16], strides = [1, 1]} : vector<4096x16xf32> to vector<16x16xf32>
    %broadcast_in_dim3A_1032 = arith.constant 0.000000e+00 : f32
    %broadcast_in_dim3A_1033 = vector.broadcast %broadcast_in_dim3A_1032 : f32 to vector<16x32xf32>
    %broadcast_in_dim3A_1034 = arith.constant 0.000000e+00 : f32
    %broadcast_in_dim3A_1035 = vector.broadcast %broadcast_in_dim3A_1034 : f32 to vector<16x208xf32>
    %concatenate3A_1036 = tpu.concatenate %broadcast_in_dim3A_1033, %slice3A_1031, %broadcast_in_dim3A_1035 in 1 : vector<16x32xf32>, vector<16x16xf32>, vector<16x208xf32> -> vector<16x256xf32>
    %slice3A_1037 = vector.extract_strided_slice %mul3A_443 {offsets = [1584, 0], sizes = [16, 16], strides = [1, 1]} : vector<4096x16xf32> to vector<16x16xf32>
    %broadcast_in_dim3A_1038 = arith.constant 0.000000e+00 : f32
    %broadcast_in_dim3A_1039 = vector.broadcast %broadcast_in_dim3A_1038 : f32 to vector<16x48xf32>
    %broadcast_in_dim3A_1040 = arith.constant 0.000000e+00 : f32
    %broadcast_in_dim3A_1041 = vector.broadcast %broadcast_in_dim3A_1040 : f32 to vector<16x192xf32>
    %concatenate3A_1042 = tpu.concatenate %broadcast_in_dim3A_1039, %slice3A_1037, %broadcast_in_dim3A_1041 in 1 : vector<16x48xf32>, vector<16x16xf32>, vector<16x192xf32> -> vector<16x256xf32>
    %slice3A_1043 = vector.extract_strided_slice %mul3A_443 {offsets = [1600, 0], sizes = [16, 16], strides = [1, 1]} : vector<4096x16xf32> to vector<16x16xf32>
    %broadcast_in_dim3A_1044 = arith.constant 0.000000e+00 : f32
    %broadcast_in_dim3A_1045 = vector.broadcast %broadcast_in_dim3A_1044 : f32 to vector<16x64xf32>
    %broadcast_in_dim3A_1046 = arith.constant 0.000000e+00 : f32
    %broadcast_in_dim3A_1047 = vector.broadcast %broadcast_in_dim3A_1046 : f32 to vector<16x176xf32>
    %concatenate3A_1048 = tpu.concatenate %broadcast_in_dim3A_1045, %slice3A_1043, %broadcast_in_dim3A_1047 in 1 : vector<16x64xf32>, vector<16x16xf32>, vector<16x176xf32> -> vector<16x256xf32>
    %slice3A_1049 = vector.extract_strided_slice %mul3A_443 {offsets = [1616, 0], sizes = [16, 16], strides = [1, 1]} : vector<4096x16xf32> to vector<16x16xf32>
    %broadcast_in_dim3A_1050 = arith.constant 0.000000e+00 : f32
    %broadcast_in_dim3A_1051 = vector.broadcast %broadcast_in_dim3A_1050 : f32 to vector<16x80xf32>
    %broadcast_in_dim3A_1052 = arith.constant 0.000000e+00 : f32
    %broadcast_in_dim3A_1053 = vector.broadcast %broadcast_in_dim3A_1052 : f32 to vector<16x160xf32>
    %concatenate3A_1054 = tpu.concatenate %broadcast_in_dim3A_1051, %slice3A_1049, %broadcast_in_dim3A_1053 in 1 : vector<16x80xf32>, vector<16x16xf32>, vector<16x160xf32> -> vector<16x256xf32>
    %slice3A_1055 = vector.extract_strided_slice %mul3A_443 {offsets = [1632, 0], sizes = [16, 16], strides = [1, 1]} : vector<4096x16xf32> to vector<16x16xf32>
    %broadcast_in_dim3A_1056 = arith.constant 0.000000e+00 : f32
    %broadcast_in_dim3A_1057 = vector.broadcast %broadcast_in_dim3A_1056 : f32 to vector<16x96xf32>
    %broadcast_in_dim3A_1058 = arith.constant 0.000000e+00 : f32
    %broadcast_in_dim3A_1059 = vector.broadcast %broadcast_in_dim3A_1058 : f32 to vector<16x144xf32>
    %concatenate3A_1060 = tpu.concatenate %broadcast_in_dim3A_1057, %slice3A_1055, %broadcast_in_dim3A_1059 in 1 : vector<16x96xf32>, vector<16x16xf32>, vector<16x144xf32> -> vector<16x256xf32>
    %slice3A_1061 = vector.extract_strided_slice %mul3A_443 {offsets = [1648, 0], sizes = [16, 16], strides = [1, 1]} : vector<4096x16xf32> to vector<16x16xf32>
    %broadcast_in_dim3A_1062 = arith.constant 0.000000e+00 : f32
    %broadcast_in_dim3A_1063 = vector.broadcast %broadcast_in_dim3A_1062 : f32 to vector<16x112xf32>
    %broadcast_in_dim3A_1064 = arith.constant 0.000000e+00 : f32
    %broadcast_in_dim3A_1065 = vector.broadcast %broadcast_in_dim3A_1064 : f32 to vector<16x128xf32>
    %concatenate3A_1066 = tpu.concatenate %broadcast_in_dim3A_1063, %slice3A_1061, %broadcast_in_dim3A_1065 in 1 : vector<16x112xf32>, vector<16x16xf32>, vector<16x128xf32> -> vector<16x256xf32>
    %slice3A_1067 = vector.extract_strided_slice %mul3A_443 {offsets = [1664, 0], sizes = [16, 16], strides = [1, 1]} : vector<4096x16xf32> to vector<16x16xf32>
    %broadcast_in_dim3A_1068 = arith.constant 0.000000e+00 : f32
    %broadcast_in_dim3A_1069 = vector.broadcast %broadcast_in_dim3A_1068 : f32 to vector<16x128xf32>
    %broadcast_in_dim3A_1070 = arith.constant 0.000000e+00 : f32
    %broadcast_in_dim3A_1071 = vector.broadcast %broadcast_in_dim3A_1070 : f32 to vector<16x112xf32>
    %concatenate3A_1072 = tpu.concatenate %broadcast_in_dim3A_1069, %slice3A_1067, %broadcast_in_dim3A_1071 in 1 : vector<16x128xf32>, vector<16x16xf32>, vector<16x112xf32> -> vector<16x256xf32>
    %slice3A_1073 = vector.extract_strided_slice %mul3A_443 {offsets = [1680, 0], sizes = [16, 16], strides = [1, 1]} : vector<4096x16xf32> to vector<16x16xf32>
    %broadcast_in_dim3A_1074 = arith.constant 0.000000e+00 : f32
    %broadcast_in_dim3A_1075 = vector.broadcast %broadcast_in_dim3A_1074 : f32 to vector<16x144xf32>
    %broadcast_in_dim3A_1076 = arith.constant 0.000000e+00 : f32
    %broadcast_in_dim3A_1077 = vector.broadcast %broadcast_in_dim3A_1076 : f32 to vector<16x96xf32>
    %concatenate3A_1078 = tpu.concatenate %broadcast_in_dim3A_1075, %slice3A_1073, %broadcast_in_dim3A_1077 in 1 : vector<16x144xf32>, vector<16x16xf32>, vector<16x96xf32> -> vector<16x256xf32>
    %slice3A_1079 = vector.extract_strided_slice %mul3A_443 {offsets = [1696, 0], sizes = [16, 16], strides = [1, 1]} : vector<4096x16xf32> to vector<16x16xf32>
    %broadcast_in_dim3A_1080 = arith.constant 0.000000e+00 : f32
    %broadcast_in_dim3A_1081 = vector.broadcast %broadcast_in_dim3A_1080 : f32 to vector<16x160xf32>
    %broadcast_in_dim3A_1082 = arith.constant 0.000000e+00 : f32
    %broadcast_in_dim3A_1083 = vector.broadcast %broadcast_in_dim3A_1082 : f32 to vector<16x80xf32>
    %concatenate3A_1084 = tpu.concatenate %broadcast_in_dim3A_1081, %slice3A_1079, %broadcast_in_dim3A_1083 in 1 : vector<16x160xf32>, vector<16x16xf32>, vector<16x80xf32> -> vector<16x256xf32>
    %slice3A_1085 = vector.extract_strided_slice %mul3A_443 {offsets = [1712, 0], sizes = [16, 16], strides = [1, 1]} : vector<4096x16xf32> to vector<16x16xf32>
    %broadcast_in_dim3A_1086 = arith.constant 0.000000e+00 : f32
    %broadcast_in_dim3A_1087 = vector.broadcast %broadcast_in_dim3A_1086 : f32 to vector<16x176xf32>
    %broadcast_in_dim3A_1088 = arith.constant 0.000000e+00 : f32
    %broadcast_in_dim3A_1089 = vector.broadcast %broadcast_in_dim3A_1088 : f32 to vector<16x64xf32>
    %concatenate3A_1090 = tpu.concatenate %broadcast_in_dim3A_1087, %slice3A_1085, %broadcast_in_dim3A_1089 in 1 : vector<16x176xf32>, vector<16x16xf32>, vector<16x64xf32> -> vector<16x256xf32>
    %slice3A_1091 = vector.extract_strided_slice %mul3A_443 {offsets = [1728, 0], sizes = [16, 16], strides = [1, 1]} : vector<4096x16xf32> to vector<16x16xf32>
    %broadcast_in_dim3A_1092 = arith.constant 0.000000e+00 : f32
    %broadcast_in_dim3A_1093 = vector.broadcast %broadcast_in_dim3A_1092 : f32 to vector<16x192xf32>
    %broadcast_in_dim3A_1094 = arith.constant 0.000000e+00 : f32
    %broadcast_in_dim3A_1095 = vector.broadcast %broadcast_in_dim3A_1094 : f32 to vector<16x48xf32>
    %concatenate3A_1096 = tpu.concatenate %broadcast_in_dim3A_1093, %slice3A_1091, %broadcast_in_dim3A_1095 in 1 : vector<16x192xf32>, vector<16x16xf32>, vector<16x48xf32> -> vector<16x256xf32>
    %slice3A_1097 = vector.extract_strided_slice %mul3A_443 {offsets = [1744, 0], sizes = [16, 16], strides = [1, 1]} : vector<4096x16xf32> to vector<16x16xf32>
    %broadcast_in_dim3A_1098 = arith.constant 0.000000e+00 : f32
    %broadcast_in_dim3A_1099 = vector.broadcast %broadcast_in_dim3A_1098 : f32 to vector<16x208xf32>
    %broadcast_in_dim3A_1100 = arith.constant 0.000000e+00 : f32
    %broadcast_in_dim3A_1101 = vector.broadcast %broadcast_in_dim3A_1100 : f32 to vector<16x32xf32>
    %concatenate3A_1102 = tpu.concatenate %broadcast_in_dim3A_1099, %slice3A_1097, %broadcast_in_dim3A_1101 in 1 : vector<16x208xf32>, vector<16x16xf32>, vector<16x32xf32> -> vector<16x256xf32>
    %slice3A_1103 = vector.extract_strided_slice %mul3A_443 {offsets = [1760, 0], sizes = [16, 16], strides = [1, 1]} : vector<4096x16xf32> to vector<16x16xf32>
    %broadcast_in_dim3A_1104 = arith.constant 0.000000e+00 : f32
    %broadcast_in_dim3A_1105 = vector.broadcast %broadcast_in_dim3A_1104 : f32 to vector<16x224xf32>
    %broadcast_in_dim3A_1106 = arith.constant 0.000000e+00 : f32
    %broadcast_in_dim3A_1107 = vector.broadcast %broadcast_in_dim3A_1106 : f32 to vector<16x16xf32>
    %concatenate3A_1108 = tpu.concatenate %broadcast_in_dim3A_1105, %slice3A_1103, %broadcast_in_dim3A_1107 in 1 : vector<16x224xf32>, vector<16x16xf32>, vector<16x16xf32> -> vector<16x256xf32>
    %slice3A_1109 = vector.extract_strided_slice %mul3A_443 {offsets = [1776, 0], sizes = [16, 16], strides = [1, 1]} : vector<4096x16xf32> to vector<16x16xf32>
    %broadcast_in_dim3A_1110 = arith.constant 0.000000e+00 : f32
    %broadcast_in_dim3A_1111 = vector.broadcast %broadcast_in_dim3A_1110 : f32 to vector<16x240xf32>
    %concatenate3A_1112 = tpu.concatenate %broadcast_in_dim3A_1111, %slice3A_1109 in 1 : vector<16x240xf32>, vector<16x16xf32> -> vector<16x256xf32>
    %concatenate3A_1113 = tpu.concatenate %concatenate3A_1024, %concatenate3A_1030, %concatenate3A_1036, %concatenate3A_1042, %concatenate3A_1048, %concatenate3A_1054, %concatenate3A_1060, %concatenate3A_1066, %concatenate3A_1072, %concatenate3A_1078, %concatenate3A_1084, %concatenate3A_1090, %concatenate3A_1096, %concatenate3A_1102, %concatenate3A_1108, %concatenate3A_1112 in 0 : vector<16x256xf32>, vector<16x256xf32>, vector<16x256xf32>, vector<16x256xf32>, vector<16x256xf32>, vector<16x256xf32>, vector<16x256xf32>, vector<16x256xf32>, vector<16x256xf32>, vector<16x256xf32>, vector<16x256xf32>, vector<16x256xf32>, vector<16x256xf32>, vector<16x256xf32>, vector<16x256xf32>, vector<16x256xf32> -> vector<256x256xf32>
    %dot_general3A_1114 = arith.constant dense<0.000000e+00> : vector<256x64xf32>
    %dot_general3A_1115 = tpu.matmul %concatenate3A_1113, %slice3A_1020, %dot_general3A_1114 {dimension_numbers = #tpu.dot_dimension_numbers<[1], [0], [0], [1], [0, 0, 1, 1], [], []>, precision = #tpu.contract_precision<fp32>, transpose_lhs_hint = false} : vector<256x256xf32>, vector<256x64xf32>, vector<256x64xf32> -> vector<256x64xf32>
    %slice3A_1116 = vector.extract_strided_slice %div3A_27 {offsets = [1792, 0], sizes = [256, 64], strides = [1, 1]} : vector<4096x64xf32> to vector<256x64xf32>
    %slice3A_1117 = vector.extract_strided_slice %mul3A_443 {offsets = [1792, 0], sizes = [16, 16], strides = [1, 1]} : vector<4096x16xf32> to vector<16x16xf32>
    %broadcast_in_dim3A_1118 = arith.constant 0.000000e+00 : f32
    %broadcast_in_dim3A_1119 = vector.broadcast %broadcast_in_dim3A_1118 : f32 to vector<16x240xf32>
    %concatenate3A_1120 = tpu.concatenate %slice3A_1117, %broadcast_in_dim3A_1119 in 1 : vector<16x16xf32>, vector<16x240xf32> -> vector<16x256xf32>
    %slice3A_1121 = vector.extract_strided_slice %mul3A_443 {offsets = [1808, 0], sizes = [16, 16], strides = [1, 1]} : vector<4096x16xf32> to vector<16x16xf32>
    %broadcast_in_dim3A_1122 = arith.constant 0.000000e+00 : f32
    %broadcast_in_dim3A_1123 = vector.broadcast %broadcast_in_dim3A_1122 : f32 to vector<16x16xf32>
    %broadcast_in_dim3A_1124 = arith.constant 0.000000e+00 : f32
    %broadcast_in_dim3A_1125 = vector.broadcast %broadcast_in_dim3A_1124 : f32 to vector<16x224xf32>
    %concatenate3A_1126 = tpu.concatenate %broadcast_in_dim3A_1123, %slice3A_1121, %broadcast_in_dim3A_1125 in 1 : vector<16x16xf32>, vector<16x16xf32>, vector<16x224xf32> -> vector<16x256xf32>
    %slice3A_1127 = vector.extract_strided_slice %mul3A_443 {offsets = [1824, 0], sizes = [16, 16], strides = [1, 1]} : vector<4096x16xf32> to vector<16x16xf32>
    %broadcast_in_dim3A_1128 = arith.constant 0.000000e+00 : f32
    %broadcast_in_dim3A_1129 = vector.broadcast %broadcast_in_dim3A_1128 : f32 to vector<16x32xf32>
    %broadcast_in_dim3A_1130 = arith.constant 0.000000e+00 : f32
    %broadcast_in_dim3A_1131 = vector.broadcast %broadcast_in_dim3A_1130 : f32 to vector<16x208xf32>
    %concatenate3A_1132 = tpu.concatenate %broadcast_in_dim3A_1129, %slice3A_1127, %broadcast_in_dim3A_1131 in 1 : vector<16x32xf32>, vector<16x16xf32>, vector<16x208xf32> -> vector<16x256xf32>
    %slice3A_1133 = vector.extract_strided_slice %mul3A_443 {offsets = [1840, 0], sizes = [16, 16], strides = [1, 1]} : vector<4096x16xf32> to vector<16x16xf32>
    %broadcast_in_dim3A_1134 = arith.constant 0.000000e+00 : f32
    %broadcast_in_dim3A_1135 = vector.broadcast %broadcast_in_dim3A_1134 : f32 to vector<16x48xf32>
    %broadcast_in_dim3A_1136 = arith.constant 0.000000e+00 : f32
    %broadcast_in_dim3A_1137 = vector.broadcast %broadcast_in_dim3A_1136 : f32 to vector<16x192xf32>
    %concatenate3A_1138 = tpu.concatenate %broadcast_in_dim3A_1135, %slice3A_1133, %broadcast_in_dim3A_1137 in 1 : vector<16x48xf32>, vector<16x16xf32>, vector<16x192xf32> -> vector<16x256xf32>
    %slice3A_1139 = vector.extract_strided_slice %mul3A_443 {offsets = [1856, 0], sizes = [16, 16], strides = [1, 1]} : vector<4096x16xf32> to vector<16x16xf32>
    %broadcast_in_dim3A_1140 = arith.constant 0.000000e+00 : f32
    %broadcast_in_dim3A_1141 = vector.broadcast %broadcast_in_dim3A_1140 : f32 to vector<16x64xf32>
    %broadcast_in_dim3A_1142 = arith.constant 0.000000e+00 : f32
    %broadcast_in_dim3A_1143 = vector.broadcast %broadcast_in_dim3A_1142 : f32 to vector<16x176xf32>
    %concatenate3A_1144 = tpu.concatenate %broadcast_in_dim3A_1141, %slice3A_1139, %broadcast_in_dim3A_1143 in 1 : vector<16x64xf32>, vector<16x16xf32>, vector<16x176xf32> -> vector<16x256xf32>
    %slice3A_1145 = vector.extract_strided_slice %mul3A_443 {offsets = [1872, 0], sizes = [16, 16], strides = [1, 1]} : vector<4096x16xf32> to vector<16x16xf32>
    %broadcast_in_dim3A_1146 = arith.constant 0.000000e+00 : f32
    %broadcast_in_dim3A_1147 = vector.broadcast %broadcast_in_dim3A_1146 : f32 to vector<16x80xf32>
    %broadcast_in_dim3A_1148 = arith.constant 0.000000e+00 : f32
    %broadcast_in_dim3A_1149 = vector.broadcast %broadcast_in_dim3A_1148 : f32 to vector<16x160xf32>
    %concatenate3A_1150 = tpu.concatenate %broadcast_in_dim3A_1147, %slice3A_1145, %broadcast_in_dim3A_1149 in 1 : vector<16x80xf32>, vector<16x16xf32>, vector<16x160xf32> -> vector<16x256xf32>
    %slice3A_1151 = vector.extract_strided_slice %mul3A_443 {offsets = [1888, 0], sizes = [16, 16], strides = [1, 1]} : vector<4096x16xf32> to vector<16x16xf32>
    %broadcast_in_dim3A_1152 = arith.constant 0.000000e+00 : f32
    %broadcast_in_dim3A_1153 = vector.broadcast %broadcast_in_dim3A_1152 : f32 to vector<16x96xf32>
    %broadcast_in_dim3A_1154 = arith.constant 0.000000e+00 : f32
    %broadcast_in_dim3A_1155 = vector.broadcast %broadcast_in_dim3A_1154 : f32 to vector<16x144xf32>
    %concatenate3A_1156 = tpu.concatenate %broadcast_in_dim3A_1153, %slice3A_1151, %broadcast_in_dim3A_1155 in 1 : vector<16x96xf32>, vector<16x16xf32>, vector<16x144xf32> -> vector<16x256xf32>
    %slice3A_1157 = vector.extract_strided_slice %mul3A_443 {offsets = [1904, 0], sizes = [16, 16], strides = [1, 1]} : vector<4096x16xf32> to vector<16x16xf32>
    %broadcast_in_dim3A_1158 = arith.constant 0.000000e+00 : f32
    %broadcast_in_dim3A_1159 = vector.broadcast %broadcast_in_dim3A_1158 : f32 to vector<16x112xf32>
    %broadcast_in_dim3A_1160 = arith.constant 0.000000e+00 : f32
    %broadcast_in_dim3A_1161 = vector.broadcast %broadcast_in_dim3A_1160 : f32 to vector<16x128xf32>
    %concatenate3A_1162 = tpu.concatenate %broadcast_in_dim3A_1159, %slice3A_1157, %broadcast_in_dim3A_1161 in 1 : vector<16x112xf32>, vector<16x16xf32>, vector<16x128xf32> -> vector<16x256xf32>
    %slice3A_1163 = vector.extract_strided_slice %mul3A_443 {offsets = [1920, 0], sizes = [16, 16], strides = [1, 1]} : vector<4096x16xf32> to vector<16x16xf32>
    %broadcast_in_dim3A_1164 = arith.constant 0.000000e+00 : f32
    %broadcast_in_dim3A_1165 = vector.broadcast %broadcast_in_dim3A_1164 : f32 to vector<16x128xf32>
    %broadcast_in_dim3A_1166 = arith.constant 0.000000e+00 : f32
    %broadcast_in_dim3A_1167 = vector.broadcast %broadcast_in_dim3A_1166 : f32 to vector<16x112xf32>
    %concatenate3A_1168 = tpu.concatenate %broadcast_in_dim3A_1165, %slice3A_1163, %broadcast_in_dim3A_1167 in 1 : vector<16x128xf32>, vector<16x16xf32>, vector<16x112xf32> -> vector<16x256xf32>
    %slice3A_1169 = vector.extract_strided_slice %mul3A_443 {offsets = [1936, 0], sizes = [16, 16], strides = [1, 1]} : vector<4096x16xf32> to vector<16x16xf32>
    %broadcast_in_dim3A_1170 = arith.constant 0.000000e+00 : f32
    %broadcast_in_dim3A_1171 = vector.broadcast %broadcast_in_dim3A_1170 : f32 to vector<16x144xf32>
    %broadcast_in_dim3A_1172 = arith.constant 0.000000e+00 : f32
    %broadcast_in_dim3A_1173 = vector.broadcast %broadcast_in_dim3A_1172 : f32 to vector<16x96xf32>
    %concatenate3A_1174 = tpu.concatenate %broadcast_in_dim3A_1171, %slice3A_1169, %broadcast_in_dim3A_1173 in 1 : vector<16x144xf32>, vector<16x16xf32>, vector<16x96xf32> -> vector<16x256xf32>
    %slice3A_1175 = vector.extract_strided_slice %mul3A_443 {offsets = [1952, 0], sizes = [16, 16], strides = [1, 1]} : vector<4096x16xf32> to vector<16x16xf32>
    %broadcast_in_dim3A_1176 = arith.constant 0.000000e+00 : f32
    %broadcast_in_dim3A_1177 = vector.broadcast %broadcast_in_dim3A_1176 : f32 to vector<16x160xf32>
    %broadcast_in_dim3A_1178 = arith.constant 0.000000e+00 : f32
    %broadcast_in_dim3A_1179 = vector.broadcast %broadcast_in_dim3A_1178 : f32 to vector<16x80xf32>
    %concatenate3A_1180 = tpu.concatenate %broadcast_in_dim3A_1177, %slice3A_1175, %broadcast_in_dim3A_1179 in 1 : vector<16x160xf32>, vector<16x16xf32>, vector<16x80xf32> -> vector<16x256xf32>
    %slice3A_1181 = vector.extract_strided_slice %mul3A_443 {offsets = [1968, 0], sizes = [16, 16], strides = [1, 1]} : vector<4096x16xf32> to vector<16x16xf32>
    %broadcast_in_dim3A_1182 = arith.constant 0.000000e+00 : f32
    %broadcast_in_dim3A_1183 = vector.broadcast %broadcast_in_dim3A_1182 : f32 to vector<16x176xf32>
    %broadcast_in_dim3A_1184 = arith.constant 0.000000e+00 : f32
    %broadcast_in_dim3A_1185 = vector.broadcast %broadcast_in_dim3A_1184 : f32 to vector<16x64xf32>
    %concatenate3A_1186 = tpu.concatenate %broadcast_in_dim3A_1183, %slice3A_1181, %broadcast_in_dim3A_1185 in 1 : vector<16x176xf32>, vector<16x16xf32>, vector<16x64xf32> -> vector<16x256xf32>
    %slice3A_1187 = vector.extract_strided_slice %mul3A_443 {offsets = [1984, 0], sizes = [16, 16], strides = [1, 1]} : vector<4096x16xf32> to vector<16x16xf32>
    %broadcast_in_dim3A_1188 = arith.constant 0.000000e+00 : f32
    %broadcast_in_dim3A_1189 = vector.broadcast %broadcast_in_dim3A_1188 : f32 to vector<16x192xf32>
    %broadcast_in_dim3A_1190 = arith.constant 0.000000e+00 : f32
    %broadcast_in_dim3A_1191 = vector.broadcast %broadcast_in_dim3A_1190 : f32 to vector<16x48xf32>
    %concatenate3A_1192 = tpu.concatenate %broadcast_in_dim3A_1189, %slice3A_1187, %broadcast_in_dim3A_1191 in 1 : vector<16x192xf32>, vector<16x16xf32>, vector<16x48xf32> -> vector<16x256xf32>
    %slice3A_1193 = vector.extract_strided_slice %mul3A_443 {offsets = [2000, 0], sizes = [16, 16], strides = [1, 1]} : vector<4096x16xf32> to vector<16x16xf32>
    %broadcast_in_dim3A_1194 = arith.constant 0.000000e+00 : f32
    %broadcast_in_dim3A_1195 = vector.broadcast %broadcast_in_dim3A_1194 : f32 to vector<16x208xf32>
    %broadcast_in_dim3A_1196 = arith.constant 0.000000e+00 : f32
    %broadcast_in_dim3A_1197 = vector.broadcast %broadcast_in_dim3A_1196 : f32 to vector<16x32xf32>
    %concatenate3A_1198 = tpu.concatenate %broadcast_in_dim3A_1195, %slice3A_1193, %broadcast_in_dim3A_1197 in 1 : vector<16x208xf32>, vector<16x16xf32>, vector<16x32xf32> -> vector<16x256xf32>
    %slice3A_1199 = vector.extract_strided_slice %mul3A_443 {offsets = [2016, 0], sizes = [16, 16], strides = [1, 1]} : vector<4096x16xf32> to vector<16x16xf32>
    %broadcast_in_dim3A_1200 = arith.constant 0.000000e+00 : f32
    %broadcast_in_dim3A_1201 = vector.broadcast %broadcast_in_dim3A_1200 : f32 to vector<16x224xf32>
    %broadcast_in_dim3A_1202 = arith.constant 0.000000e+00 : f32
    %broadcast_in_dim3A_1203 = vector.broadcast %broadcast_in_dim3A_1202 : f32 to vector<16x16xf32>
    %concatenate3A_1204 = tpu.concatenate %broadcast_in_dim3A_1201, %slice3A_1199, %broadcast_in_dim3A_1203 in 1 : vector<16x224xf32>, vector<16x16xf32>, vector<16x16xf32> -> vector<16x256xf32>
    %slice3A_1205 = vector.extract_strided_slice %mul3A_443 {offsets = [2032, 0], sizes = [16, 16], strides = [1, 1]} : vector<4096x16xf32> to vector<16x16xf32>
    %broadcast_in_dim3A_1206 = arith.constant 0.000000e+00 : f32
    %broadcast_in_dim3A_1207 = vector.broadcast %broadcast_in_dim3A_1206 : f32 to vector<16x240xf32>
    %concatenate3A_1208 = tpu.concatenate %broadcast_in_dim3A_1207, %slice3A_1205 in 1 : vector<16x240xf32>, vector<16x16xf32> -> vector<16x256xf32>
    %concatenate3A_1209 = tpu.concatenate %concatenate3A_1120, %concatenate3A_1126, %concatenate3A_1132, %concatenate3A_1138, %concatenate3A_1144, %concatenate3A_1150, %concatenate3A_1156, %concatenate3A_1162, %concatenate3A_1168, %concatenate3A_1174, %concatenate3A_1180, %concatenate3A_1186, %concatenate3A_1192, %concatenate3A_1198, %concatenate3A_1204, %concatenate3A_1208 in 0 : vector<16x256xf32>, vector<16x256xf32>, vector<16x256xf32>, vector<16x256xf32>, vector<16x256xf32>, vector<16x256xf32>, vector<16x256xf32>, vector<16x256xf32>, vector<16x256xf32>, vector<16x256xf32>, vector<16x256xf32>, vector<16x256xf32>, vector<16x256xf32>, vector<16x256xf32>, vector<16x256xf32>, vector<16x256xf32> -> vector<256x256xf32>
    %dot_general3A_1210 = arith.constant dense<0.000000e+00> : vector<256x64xf32>
    %dot_general3A_1211 = tpu.matmul %concatenate3A_1209, %slice3A_1116, %dot_general3A_1210 {dimension_numbers = #tpu.dot_dimension_numbers<[1], [0], [0], [1], [0, 0, 1, 1], [], []>, precision = #tpu.contract_precision<fp32>, transpose_lhs_hint = false} : vector<256x256xf32>, vector<256x64xf32>, vector<256x64xf32> -> vector<256x64xf32>
    %slice3A_1212 = vector.extract_strided_slice %div3A_27 {offsets = [2048, 0], sizes = [256, 64], strides = [1, 1]} : vector<4096x64xf32> to vector<256x64xf32>
    %slice3A_1213 = vector.extract_strided_slice %mul3A_443 {offsets = [2048, 0], sizes = [16, 16], strides = [1, 1]} : vector<4096x16xf32> to vector<16x16xf32>
    %broadcast_in_dim3A_1214 = arith.constant 0.000000e+00 : f32
    %broadcast_in_dim3A_1215 = vector.broadcast %broadcast_in_dim3A_1214 : f32 to vector<16x240xf32>
    %concatenate3A_1216 = tpu.concatenate %slice3A_1213, %broadcast_in_dim3A_1215 in 1 : vector<16x16xf32>, vector<16x240xf32> -> vector<16x256xf32>
    %slice3A_1217 = vector.extract_strided_slice %mul3A_443 {offsets = [2064, 0], sizes = [16, 16], strides = [1, 1]} : vector<4096x16xf32> to vector<16x16xf32>
    %broadcast_in_dim3A_1218 = arith.constant 0.000000e+00 : f32
    %broadcast_in_dim3A_1219 = vector.broadcast %broadcast_in_dim3A_1218 : f32 to vector<16x16xf32>
    %broadcast_in_dim3A_1220 = arith.constant 0.000000e+00 : f32
    %broadcast_in_dim3A_1221 = vector.broadcast %broadcast_in_dim3A_1220 : f32 to vector<16x224xf32>
    %concatenate3A_1222 = tpu.concatenate %broadcast_in_dim3A_1219, %slice3A_1217, %broadcast_in_dim3A_1221 in 1 : vector<16x16xf32>, vector<16x16xf32>, vector<16x224xf32> -> vector<16x256xf32>
    %slice3A_1223 = vector.extract_strided_slice %mul3A_443 {offsets = [2080, 0], sizes = [16, 16], strides = [1, 1]} : vector<4096x16xf32> to vector<16x16xf32>
    %broadcast_in_dim3A_1224 = arith.constant 0.000000e+00 : f32
    %broadcast_in_dim3A_1225 = vector.broadcast %broadcast_in_dim3A_1224 : f32 to vector<16x32xf32>
    %broadcast_in_dim3A_1226 = arith.constant 0.000000e+00 : f32
    %broadcast_in_dim3A_1227 = vector.broadcast %broadcast_in_dim3A_1226 : f32 to vector<16x208xf32>
    %concatenate3A_1228 = tpu.concatenate %broadcast_in_dim3A_1225, %slice3A_1223, %broadcast_in_dim3A_1227 in 1 : vector<16x32xf32>, vector<16x16xf32>, vector<16x208xf32> -> vector<16x256xf32>
    %slice3A_1229 = vector.extract_strided_slice %mul3A_443 {offsets = [2096, 0], sizes = [16, 16], strides = [1, 1]} : vector<4096x16xf32> to vector<16x16xf32>
    %broadcast_in_dim3A_1230 = arith.constant 0.000000e+00 : f32
    %broadcast_in_dim3A_1231 = vector.broadcast %broadcast_in_dim3A_1230 : f32 to vector<16x48xf32>
    %broadcast_in_dim3A_1232 = arith.constant 0.000000e+00 : f32
    %broadcast_in_dim3A_1233 = vector.broadcast %broadcast_in_dim3A_1232 : f32 to vector<16x192xf32>
    %concatenate3A_1234 = tpu.concatenate %broadcast_in_dim3A_1231, %slice3A_1229, %broadcast_in_dim3A_1233 in 1 : vector<16x48xf32>, vector<16x16xf32>, vector<16x192xf32> -> vector<16x256xf32>
    %slice3A_1235 = vector.extract_strided_slice %mul3A_443 {offsets = [2112, 0], sizes = [16, 16], strides = [1, 1]} : vector<4096x16xf32> to vector<16x16xf32>
    %broadcast_in_dim3A_1236 = arith.constant 0.000000e+00 : f32
    %broadcast_in_dim3A_1237 = vector.broadcast %broadcast_in_dim3A_1236 : f32 to vector<16x64xf32>
    %broadcast_in_dim3A_1238 = arith.constant 0.000000e+00 : f32
    %broadcast_in_dim3A_1239 = vector.broadcast %broadcast_in_dim3A_1238 : f32 to vector<16x176xf32>
    %concatenate3A_1240 = tpu.concatenate %broadcast_in_dim3A_1237, %slice3A_1235, %broadcast_in_dim3A_1239 in 1 : vector<16x64xf32>, vector<16x16xf32>, vector<16x176xf32> -> vector<16x256xf32>
    %slice3A_1241 = vector.extract_strided_slice %mul3A_443 {offsets = [2128, 0], sizes = [16, 16], strides = [1, 1]} : vector<4096x16xf32> to vector<16x16xf32>
    %broadcast_in_dim3A_1242 = arith.constant 0.000000e+00 : f32
    %broadcast_in_dim3A_1243 = vector.broadcast %broadcast_in_dim3A_1242 : f32 to vector<16x80xf32>
    %broadcast_in_dim3A_1244 = arith.constant 0.000000e+00 : f32
    %broadcast_in_dim3A_1245 = vector.broadcast %broadcast_in_dim3A_1244 : f32 to vector<16x160xf32>
    %concatenate3A_1246 = tpu.concatenate %broadcast_in_dim3A_1243, %slice3A_1241, %broadcast_in_dim3A_1245 in 1 : vector<16x80xf32>, vector<16x16xf32>, vector<16x160xf32> -> vector<16x256xf32>
    %slice3A_1247 = vector.extract_strided_slice %mul3A_443 {offsets = [2144, 0], sizes = [16, 16], strides = [1, 1]} : vector<4096x16xf32> to vector<16x16xf32>
    %broadcast_in_dim3A_1248 = arith.constant 0.000000e+00 : f32
    %broadcast_in_dim3A_1249 = vector.broadcast %broadcast_in_dim3A_1248 : f32 to vector<16x96xf32>
    %broadcast_in_dim3A_1250 = arith.constant 0.000000e+00 : f32
    %broadcast_in_dim3A_1251 = vector.broadcast %broadcast_in_dim3A_1250 : f32 to vector<16x144xf32>
    %concatenate3A_1252 = tpu.concatenate %broadcast_in_dim3A_1249, %slice3A_1247, %broadcast_in_dim3A_1251 in 1 : vector<16x96xf32>, vector<16x16xf32>, vector<16x144xf32> -> vector<16x256xf32>
    %slice3A_1253 = vector.extract_strided_slice %mul3A_443 {offsets = [2160, 0], sizes = [16, 16], strides = [1, 1]} : vector<4096x16xf32> to vector<16x16xf32>
    %broadcast_in_dim3A_1254 = arith.constant 0.000000e+00 : f32
    %broadcast_in_dim3A_1255 = vector.broadcast %broadcast_in_dim3A_1254 : f32 to vector<16x112xf32>
    %broadcast_in_dim3A_1256 = arith.constant 0.000000e+00 : f32
    %broadcast_in_dim3A_1257 = vector.broadcast %broadcast_in_dim3A_1256 : f32 to vector<16x128xf32>
    %concatenate3A_1258 = tpu.concatenate %broadcast_in_dim3A_1255, %slice3A_1253, %broadcast_in_dim3A_1257 in 1 : vector<16x112xf32>, vector<16x16xf32>, vector<16x128xf32> -> vector<16x256xf32>
    %slice3A_1259 = vector.extract_strided_slice %mul3A_443 {offsets = [2176, 0], sizes = [16, 16], strides = [1, 1]} : vector<4096x16xf32> to vector<16x16xf32>
    %broadcast_in_dim3A_1260 = arith.constant 0.000000e+00 : f32
    %broadcast_in_dim3A_1261 = vector.broadcast %broadcast_in_dim3A_1260 : f32 to vector<16x128xf32>
    %broadcast_in_dim3A_1262 = arith.constant 0.000000e+00 : f32
    %broadcast_in_dim3A_1263 = vector.broadcast %broadcast_in_dim3A_1262 : f32 to vector<16x112xf32>
    %concatenate3A_1264 = tpu.concatenate %broadcast_in_dim3A_1261, %slice3A_1259, %broadcast_in_dim3A_1263 in 1 : vector<16x128xf32>, vector<16x16xf32>, vector<16x112xf32> -> vector<16x256xf32>
    %slice3A_1265 = vector.extract_strided_slice %mul3A_443 {offsets = [2192, 0], sizes = [16, 16], strides = [1, 1]} : vector<4096x16xf32> to vector<16x16xf32>
    %broadcast_in_dim3A_1266 = arith.constant 0.000000e+00 : f32
    %broadcast_in_dim3A_1267 = vector.broadcast %broadcast_in_dim3A_1266 : f32 to vector<16x144xf32>
    %broadcast_in_dim3A_1268 = arith.constant 0.000000e+00 : f32
    %broadcast_in_dim3A_1269 = vector.broadcast %broadcast_in_dim3A_1268 : f32 to vector<16x96xf32>
    %concatenate3A_1270 = tpu.concatenate %broadcast_in_dim3A_1267, %slice3A_1265, %broadcast_in_dim3A_1269 in 1 : vector<16x144xf32>, vector<16x16xf32>, vector<16x96xf32> -> vector<16x256xf32>
    %slice3A_1271 = vector.extract_strided_slice %mul3A_443 {offsets = [2208, 0], sizes = [16, 16], strides = [1, 1]} : vector<4096x16xf32> to vector<16x16xf32>
    %broadcast_in_dim3A_1272 = arith.constant 0.000000e+00 : f32
    %broadcast_in_dim3A_1273 = vector.broadcast %broadcast_in_dim3A_1272 : f32 to vector<16x160xf32>
    %broadcast_in_dim3A_1274 = arith.constant 0.000000e+00 : f32
    %broadcast_in_dim3A_1275 = vector.broadcast %broadcast_in_dim3A_1274 : f32 to vector<16x80xf32>
    %concatenate3A_1276 = tpu.concatenate %broadcast_in_dim3A_1273, %slice3A_1271, %broadcast_in_dim3A_1275 in 1 : vector<16x160xf32>, vector<16x16xf32>, vector<16x80xf32> -> vector<16x256xf32>
    %slice3A_1277 = vector.extract_strided_slice %mul3A_443 {offsets = [2224, 0], sizes = [16, 16], strides = [1, 1]} : vector<4096x16xf32> to vector<16x16xf32>
    %broadcast_in_dim3A_1278 = arith.constant 0.000000e+00 : f32
    %broadcast_in_dim3A_1279 = vector.broadcast %broadcast_in_dim3A_1278 : f32 to vector<16x176xf32>
    %broadcast_in_dim3A_1280 = arith.constant 0.000000e+00 : f32
    %broadcast_in_dim3A_1281 = vector.broadcast %broadcast_in_dim3A_1280 : f32 to vector<16x64xf32>
    %concatenate3A_1282 = tpu.concatenate %broadcast_in_dim3A_1279, %slice3A_1277, %broadcast_in_dim3A_1281 in 1 : vector<16x176xf32>, vector<16x16xf32>, vector<16x64xf32> -> vector<16x256xf32>
    %slice3A_1283 = vector.extract_strided_slice %mul3A_443 {offsets = [2240, 0], sizes = [16, 16], strides = [1, 1]} : vector<4096x16xf32> to vector<16x16xf32>
    %broadcast_in_dim3A_1284 = arith.constant 0.000000e+00 : f32
    %broadcast_in_dim3A_1285 = vector.broadcast %broadcast_in_dim3A_1284 : f32 to vector<16x192xf32>
    %broadcast_in_dim3A_1286 = arith.constant 0.000000e+00 : f32
    %broadcast_in_dim3A_1287 = vector.broadcast %broadcast_in_dim3A_1286 : f32 to vector<16x48xf32>
    %concatenate3A_1288 = tpu.concatenate %broadcast_in_dim3A_1285, %slice3A_1283, %broadcast_in_dim3A_1287 in 1 : vector<16x192xf32>, vector<16x16xf32>, vector<16x48xf32> -> vector<16x256xf32>
    %slice3A_1289 = vector.extract_strided_slice %mul3A_443 {offsets = [2256, 0], sizes = [16, 16], strides = [1, 1]} : vector<4096x16xf32> to vector<16x16xf32>
    %broadcast_in_dim3A_1290 = arith.constant 0.000000e+00 : f32
    %broadcast_in_dim3A_1291 = vector.broadcast %broadcast_in_dim3A_1290 : f32 to vector<16x208xf32>
    %broadcast_in_dim3A_1292 = arith.constant 0.000000e+00 : f32
    %broadcast_in_dim3A_1293 = vector.broadcast %broadcast_in_dim3A_1292 : f32 to vector<16x32xf32>
    %concatenate3A_1294 = tpu.concatenate %broadcast_in_dim3A_1291, %slice3A_1289, %broadcast_in_dim3A_1293 in 1 : vector<16x208xf32>, vector<16x16xf32>, vector<16x32xf32> -> vector<16x256xf32>
    %slice3A_1295 = vector.extract_strided_slice %mul3A_443 {offsets = [2272, 0], sizes = [16, 16], strides = [1, 1]} : vector<4096x16xf32> to vector<16x16xf32>
    %broadcast_in_dim3A_1296 = arith.constant 0.000000e+00 : f32
    %broadcast_in_dim3A_1297 = vector.broadcast %broadcast_in_dim3A_1296 : f32 to vector<16x224xf32>
    %broadcast_in_dim3A_1298 = arith.constant 0.000000e+00 : f32
    %broadcast_in_dim3A_1299 = vector.broadcast %broadcast_in_dim3A_1298 : f32 to vector<16x16xf32>
    %concatenate3A_1300 = tpu.concatenate %broadcast_in_dim3A_1297, %slice3A_1295, %broadcast_in_dim3A_1299 in 1 : vector<16x224xf32>, vector<16x16xf32>, vector<16x16xf32> -> vector<16x256xf32>
    %slice3A_1301 = vector.extract_strided_slice %mul3A_443 {offsets = [2288, 0], sizes = [16, 16], strides = [1, 1]} : vector<4096x16xf32> to vector<16x16xf32>
    %broadcast_in_dim3A_1302 = arith.constant 0.000000e+00 : f32
    %broadcast_in_dim3A_1303 = vector.broadcast %broadcast_in_dim3A_1302 : f32 to vector<16x240xf32>
    %concatenate3A_1304 = tpu.concatenate %broadcast_in_dim3A_1303, %slice3A_1301 in 1 : vector<16x240xf32>, vector<16x16xf32> -> vector<16x256xf32>
    %concatenate3A_1305 = tpu.concatenate %concatenate3A_1216, %concatenate3A_1222, %concatenate3A_1228, %concatenate3A_1234, %concatenate3A_1240, %concatenate3A_1246, %concatenate3A_1252, %concatenate3A_1258, %concatenate3A_1264, %concatenate3A_1270, %concatenate3A_1276, %concatenate3A_1282, %concatenate3A_1288, %concatenate3A_1294, %concatenate3A_1300, %concatenate3A_1304 in 0 : vector<16x256xf32>, vector<16x256xf32>, vector<16x256xf32>, vector<16x256xf32>, vector<16x256xf32>, vector<16x256xf32>, vector<16x256xf32>, vector<16x256xf32>, vector<16x256xf32>, vector<16x256xf32>, vector<16x256xf32>, vector<16x256xf32>, vector<16x256xf32>, vector<16x256xf32>, vector<16x256xf32>, vector<16x256xf32> -> vector<256x256xf32>
    %dot_general3A_1306 = arith.constant dense<0.000000e+00> : vector<256x64xf32>
    %dot_general3A_1307 = tpu.matmul %concatenate3A_1305, %slice3A_1212, %dot_general3A_1306 {dimension_numbers = #tpu.dot_dimension_numbers<[1], [0], [0], [1], [0, 0, 1, 1], [], []>, precision = #tpu.contract_precision<fp32>, transpose_lhs_hint = false} : vector<256x256xf32>, vector<256x64xf32>, vector<256x64xf32> -> vector<256x64xf32>
    %slice3A_1308 = vector.extract_strided_slice %div3A_27 {offsets = [2304, 0], sizes = [256, 64], strides = [1, 1]} : vector<4096x64xf32> to vector<256x64xf32>
    %slice3A_1309 = vector.extract_strided_slice %mul3A_443 {offsets = [2304, 0], sizes = [16, 16], strides = [1, 1]} : vector<4096x16xf32> to vector<16x16xf32>
    %broadcast_in_dim3A_1310 = arith.constant 0.000000e+00 : f32
    %broadcast_in_dim3A_1311 = vector.broadcast %broadcast_in_dim3A_1310 : f32 to vector<16x240xf32>
    %concatenate3A_1312 = tpu.concatenate %slice3A_1309, %broadcast_in_dim3A_1311 in 1 : vector<16x16xf32>, vector<16x240xf32> -> vector<16x256xf32>
    %slice3A_1313 = vector.extract_strided_slice %mul3A_443 {offsets = [2320, 0], sizes = [16, 16], strides = [1, 1]} : vector<4096x16xf32> to vector<16x16xf32>
    %broadcast_in_dim3A_1314 = arith.constant 0.000000e+00 : f32
    %broadcast_in_dim3A_1315 = vector.broadcast %broadcast_in_dim3A_1314 : f32 to vector<16x16xf32>
    %broadcast_in_dim3A_1316 = arith.constant 0.000000e+00 : f32
    %broadcast_in_dim3A_1317 = vector.broadcast %broadcast_in_dim3A_1316 : f32 to vector<16x224xf32>
    %concatenate3A_1318 = tpu.concatenate %broadcast_in_dim3A_1315, %slice3A_1313, %broadcast_in_dim3A_1317 in 1 : vector<16x16xf32>, vector<16x16xf32>, vector<16x224xf32> -> vector<16x256xf32>
    %slice3A_1319 = vector.extract_strided_slice %mul3A_443 {offsets = [2336, 0], sizes = [16, 16], strides = [1, 1]} : vector<4096x16xf32> to vector<16x16xf32>
    %broadcast_in_dim3A_1320 = arith.constant 0.000000e+00 : f32
    %broadcast_in_dim3A_1321 = vector.broadcast %broadcast_in_dim3A_1320 : f32 to vector<16x32xf32>
    %broadcast_in_dim3A_1322 = arith.constant 0.000000e+00 : f32
    %broadcast_in_dim3A_1323 = vector.broadcast %broadcast_in_dim3A_1322 : f32 to vector<16x208xf32>
    %concatenate3A_1324 = tpu.concatenate %broadcast_in_dim3A_1321, %slice3A_1319, %broadcast_in_dim3A_1323 in 1 : vector<16x32xf32>, vector<16x16xf32>, vector<16x208xf32> -> vector<16x256xf32>
    %slice3A_1325 = vector.extract_strided_slice %mul3A_443 {offsets = [2352, 0], sizes = [16, 16], strides = [1, 1]} : vector<4096x16xf32> to vector<16x16xf32>
    %broadcast_in_dim3A_1326 = arith.constant 0.000000e+00 : f32
    %broadcast_in_dim3A_1327 = vector.broadcast %broadcast_in_dim3A_1326 : f32 to vector<16x48xf32>
    %broadcast_in_dim3A_1328 = arith.constant 0.000000e+00 : f32
    %broadcast_in_dim3A_1329 = vector.broadcast %broadcast_in_dim3A_1328 : f32 to vector<16x192xf32>
    %concatenate3A_1330 = tpu.concatenate %broadcast_in_dim3A_1327, %slice3A_1325, %broadcast_in_dim3A_1329 in 1 : vector<16x48xf32>, vector<16x16xf32>, vector<16x192xf32> -> vector<16x256xf32>
    %slice3A_1331 = vector.extract_strided_slice %mul3A_443 {offsets = [2368, 0], sizes = [16, 16], strides = [1, 1]} : vector<4096x16xf32> to vector<16x16xf32>
    %broadcast_in_dim3A_1332 = arith.constant 0.000000e+00 : f32
    %broadcast_in_dim3A_1333 = vector.broadcast %broadcast_in_dim3A_1332 : f32 to vector<16x64xf32>
    %broadcast_in_dim3A_1334 = arith.constant 0.000000e+00 : f32
    %broadcast_in_dim3A_1335 = vector.broadcast %broadcast_in_dim3A_1334 : f32 to vector<16x176xf32>
    %concatenate3A_1336 = tpu.concatenate %broadcast_in_dim3A_1333, %slice3A_1331, %broadcast_in_dim3A_1335 in 1 : vector<16x64xf32>, vector<16x16xf32>, vector<16x176xf32> -> vector<16x256xf32>
    %slice3A_1337 = vector.extract_strided_slice %mul3A_443 {offsets = [2384, 0], sizes = [16, 16], strides = [1, 1]} : vector<4096x16xf32> to vector<16x16xf32>
    %broadcast_in_dim3A_1338 = arith.constant 0.000000e+00 : f32
    %broadcast_in_dim3A_1339 = vector.broadcast %broadcast_in_dim3A_1338 : f32 to vector<16x80xf32>
    %broadcast_in_dim3A_1340 = arith.constant 0.000000e+00 : f32
    %broadcast_in_dim3A_1341 = vector.broadcast %broadcast_in_dim3A_1340 : f32 to vector<16x160xf32>
    %concatenate3A_1342 = tpu.concatenate %broadcast_in_dim3A_1339, %slice3A_1337, %broadcast_in_dim3A_1341 in 1 : vector<16x80xf32>, vector<16x16xf32>, vector<16x160xf32> -> vector<16x256xf32>
    %slice3A_1343 = vector.extract_strided_slice %mul3A_443 {offsets = [2400, 0], sizes = [16, 16], strides = [1, 1]} : vector<4096x16xf32> to vector<16x16xf32>
    %broadcast_in_dim3A_1344 = arith.constant 0.000000e+00 : f32
    %broadcast_in_dim3A_1345 = vector.broadcast %broadcast_in_dim3A_1344 : f32 to vector<16x96xf32>
    %broadcast_in_dim3A_1346 = arith.constant 0.000000e+00 : f32
    %broadcast_in_dim3A_1347 = vector.broadcast %broadcast_in_dim3A_1346 : f32 to vector<16x144xf32>
    %concatenate3A_1348 = tpu.concatenate %broadcast_in_dim3A_1345, %slice3A_1343, %broadcast_in_dim3A_1347 in 1 : vector<16x96xf32>, vector<16x16xf32>, vector<16x144xf32> -> vector<16x256xf32>
    %slice3A_1349 = vector.extract_strided_slice %mul3A_443 {offsets = [2416, 0], sizes = [16, 16], strides = [1, 1]} : vector<4096x16xf32> to vector<16x16xf32>
    %broadcast_in_dim3A_1350 = arith.constant 0.000000e+00 : f32
    %broadcast_in_dim3A_1351 = vector.broadcast %broadcast_in_dim3A_1350 : f32 to vector<16x112xf32>
    %broadcast_in_dim3A_1352 = arith.constant 0.000000e+00 : f32
    %broadcast_in_dim3A_1353 = vector.broadcast %broadcast_in_dim3A_1352 : f32 to vector<16x128xf32>
    %concatenate3A_1354 = tpu.concatenate %broadcast_in_dim3A_1351, %slice3A_1349, %broadcast_in_dim3A_1353 in 1 : vector<16x112xf32>, vector<16x16xf32>, vector<16x128xf32> -> vector<16x256xf32>
    %slice3A_1355 = vector.extract_strided_slice %mul3A_443 {offsets = [2432, 0], sizes = [16, 16], strides = [1, 1]} : vector<4096x16xf32> to vector<16x16xf32>
    %broadcast_in_dim3A_1356 = arith.constant 0.000000e+00 : f32
    %broadcast_in_dim3A_1357 = vector.broadcast %broadcast_in_dim3A_1356 : f32 to vector<16x128xf32>
    %broadcast_in_dim3A_1358 = arith.constant 0.000000e+00 : f32
    %broadcast_in_dim3A_1359 = vector.broadcast %broadcast_in_dim3A_1358 : f32 to vector<16x112xf32>
    %concatenate3A_1360 = tpu.concatenate %broadcast_in_dim3A_1357, %slice3A_1355, %broadcast_in_dim3A_1359 in 1 : vector<16x128xf32>, vector<16x16xf32>, vector<16x112xf32> -> vector<16x256xf32>
    %slice3A_1361 = vector.extract_strided_slice %mul3A_443 {offsets = [2448, 0], sizes = [16, 16], strides = [1, 1]} : vector<4096x16xf32> to vector<16x16xf32>
    %broadcast_in_dim3A_1362 = arith.constant 0.000000e+00 : f32
    %broadcast_in_dim3A_1363 = vector.broadcast %broadcast_in_dim3A_1362 : f32 to vector<16x144xf32>
    %broadcast_in_dim3A_1364 = arith.constant 0.000000e+00 : f32
    %broadcast_in_dim3A_1365 = vector.broadcast %broadcast_in_dim3A_1364 : f32 to vector<16x96xf32>
    %concatenate3A_1366 = tpu.concatenate %broadcast_in_dim3A_1363, %slice3A_1361, %broadcast_in_dim3A_1365 in 1 : vector<16x144xf32>, vector<16x16xf32>, vector<16x96xf32> -> vector<16x256xf32>
    %slice3A_1367 = vector.extract_strided_slice %mul3A_443 {offsets = [2464, 0], sizes = [16, 16], strides = [1, 1]} : vector<4096x16xf32> to vector<16x16xf32>
    %broadcast_in_dim3A_1368 = arith.constant 0.000000e+00 : f32
    %broadcast_in_dim3A_1369 = vector.broadcast %broadcast_in_dim3A_1368 : f32 to vector<16x160xf32>
    %broadcast_in_dim3A_1370 = arith.constant 0.000000e+00 : f32
    %broadcast_in_dim3A_1371 = vector.broadcast %broadcast_in_dim3A_1370 : f32 to vector<16x80xf32>
    %concatenate3A_1372 = tpu.concatenate %broadcast_in_dim3A_1369, %slice3A_1367, %broadcast_in_dim3A_1371 in 1 : vector<16x160xf32>, vector<16x16xf32>, vector<16x80xf32> -> vector<16x256xf32>
    %slice3A_1373 = vector.extract_strided_slice %mul3A_443 {offsets = [2480, 0], sizes = [16, 16], strides = [1, 1]} : vector<4096x16xf32> to vector<16x16xf32>
    %broadcast_in_dim3A_1374 = arith.constant 0.000000e+00 : f32
    %broadcast_in_dim3A_1375 = vector.broadcast %broadcast_in_dim3A_1374 : f32 to vector<16x176xf32>
    %broadcast_in_dim3A_1376 = arith.constant 0.000000e+00 : f32
    %broadcast_in_dim3A_1377 = vector.broadcast %broadcast_in_dim3A_1376 : f32 to vector<16x64xf32>
    %concatenate3A_1378 = tpu.concatenate %broadcast_in_dim3A_1375, %slice3A_1373, %broadcast_in_dim3A_1377 in 1 : vector<16x176xf32>, vector<16x16xf32>, vector<16x64xf32> -> vector<16x256xf32>
    %slice3A_1379 = vector.extract_strided_slice %mul3A_443 {offsets = [2496, 0], sizes = [16, 16], strides = [1, 1]} : vector<4096x16xf32> to vector<16x16xf32>
    %broadcast_in_dim3A_1380 = arith.constant 0.000000e+00 : f32
    %broadcast_in_dim3A_1381 = vector.broadcast %broadcast_in_dim3A_1380 : f32 to vector<16x192xf32>
    %broadcast_in_dim3A_1382 = arith.constant 0.000000e+00 : f32
    %broadcast_in_dim3A_1383 = vector.broadcast %broadcast_in_dim3A_1382 : f32 to vector<16x48xf32>
    %concatenate3A_1384 = tpu.concatenate %broadcast_in_dim3A_1381, %slice3A_1379, %broadcast_in_dim3A_1383 in 1 : vector<16x192xf32>, vector<16x16xf32>, vector<16x48xf32> -> vector<16x256xf32>
    %slice3A_1385 = vector.extract_strided_slice %mul3A_443 {offsets = [2512, 0], sizes = [16, 16], strides = [1, 1]} : vector<4096x16xf32> to vector<16x16xf32>
    %broadcast_in_dim3A_1386 = arith.constant 0.000000e+00 : f32
    %broadcast_in_dim3A_1387 = vector.broadcast %broadcast_in_dim3A_1386 : f32 to vector<16x208xf32>
    %broadcast_in_dim3A_1388 = arith.constant 0.000000e+00 : f32
    %broadcast_in_dim3A_1389 = vector.broadcast %broadcast_in_dim3A_1388 : f32 to vector<16x32xf32>
    %concatenate3A_1390 = tpu.concatenate %broadcast_in_dim3A_1387, %slice3A_1385, %broadcast_in_dim3A_1389 in 1 : vector<16x208xf32>, vector<16x16xf32>, vector<16x32xf32> -> vector<16x256xf32>
    %slice3A_1391 = vector.extract_strided_slice %mul3A_443 {offsets = [2528, 0], sizes = [16, 16], strides = [1, 1]} : vector<4096x16xf32> to vector<16x16xf32>
    %broadcast_in_dim3A_1392 = arith.constant 0.000000e+00 : f32
    %broadcast_in_dim3A_1393 = vector.broadcast %broadcast_in_dim3A_1392 : f32 to vector<16x224xf32>
    %broadcast_in_dim3A_1394 = arith.constant 0.000000e+00 : f32
    %broadcast_in_dim3A_1395 = vector.broadcast %broadcast_in_dim3A_1394 : f32 to vector<16x16xf32>
    %concatenate3A_1396 = tpu.concatenate %broadcast_in_dim3A_1393, %slice3A_1391, %broadcast_in_dim3A_1395 in 1 : vector<16x224xf32>, vector<16x16xf32>, vector<16x16xf32> -> vector<16x256xf32>
    %slice3A_1397 = vector.extract_strided_slice %mul3A_443 {offsets = [2544, 0], sizes = [16, 16], strides = [1, 1]} : vector<4096x16xf32> to vector<16x16xf32>
    %broadcast_in_dim3A_1398 = arith.constant 0.000000e+00 : f32
    %broadcast_in_dim3A_1399 = vector.broadcast %broadcast_in_dim3A_1398 : f32 to vector<16x240xf32>
    %concatenate3A_1400 = tpu.concatenate %broadcast_in_dim3A_1399, %slice3A_1397 in 1 : vector<16x240xf32>, vector<16x16xf32> -> vector<16x256xf32>
    %concatenate3A_1401 = tpu.concatenate %concatenate3A_1312, %concatenate3A_1318, %concatenate3A_1324, %concatenate3A_1330, %concatenate3A_1336, %concatenate3A_1342, %concatenate3A_1348, %concatenate3A_1354, %concatenate3A_1360, %concatenate3A_1366, %concatenate3A_1372, %concatenate3A_1378, %concatenate3A_1384, %concatenate3A_1390, %concatenate3A_1396, %concatenate3A_1400 in 0 : vector<16x256xf32>, vector<16x256xf32>, vector<16x256xf32>, vector<16x256xf32>, vector<16x256xf32>, vector<16x256xf32>, vector<16x256xf32>, vector<16x256xf32>, vector<16x256xf32>, vector<16x256xf32>, vector<16x256xf32>, vector<16x256xf32>, vector<16x256xf32>, vector<16x256xf32>, vector<16x256xf32>, vector<16x256xf32> -> vector<256x256xf32>
    %dot_general3A_1402 = arith.constant dense<0.000000e+00> : vector<256x64xf32>
    %dot_general3A_1403 = tpu.matmul %concatenate3A_1401, %slice3A_1308, %dot_general3A_1402 {dimension_numbers = #tpu.dot_dimension_numbers<[1], [0], [0], [1], [0, 0, 1, 1], [], []>, precision = #tpu.contract_precision<fp32>, transpose_lhs_hint = false} : vector<256x256xf32>, vector<256x64xf32>, vector<256x64xf32> -> vector<256x64xf32>
    %slice3A_1404 = vector.extract_strided_slice %div3A_27 {offsets = [2560, 0], sizes = [256, 64], strides = [1, 1]} : vector<4096x64xf32> to vector<256x64xf32>
    %slice3A_1405 = vector.extract_strided_slice %mul3A_443 {offsets = [2560, 0], sizes = [16, 16], strides = [1, 1]} : vector<4096x16xf32> to vector<16x16xf32>
    %broadcast_in_dim3A_1406 = arith.constant 0.000000e+00 : f32
    %broadcast_in_dim3A_1407 = vector.broadcast %broadcast_in_dim3A_1406 : f32 to vector<16x240xf32>
    %concatenate3A_1408 = tpu.concatenate %slice3A_1405, %broadcast_in_dim3A_1407 in 1 : vector<16x16xf32>, vector<16x240xf32> -> vector<16x256xf32>
    %slice3A_1409 = vector.extract_strided_slice %mul3A_443 {offsets = [2576, 0], sizes = [16, 16], strides = [1, 1]} : vector<4096x16xf32> to vector<16x16xf32>
    %broadcast_in_dim3A_1410 = arith.constant 0.000000e+00 : f32
    %broadcast_in_dim3A_1411 = vector.broadcast %broadcast_in_dim3A_1410 : f32 to vector<16x16xf32>
    %broadcast_in_dim3A_1412 = arith.constant 0.000000e+00 : f32
    %broadcast_in_dim3A_1413 = vector.broadcast %broadcast_in_dim3A_1412 : f32 to vector<16x224xf32>
    %concatenate3A_1414 = tpu.concatenate %broadcast_in_dim3A_1411, %slice3A_1409, %broadcast_in_dim3A_1413 in 1 : vector<16x16xf32>, vector<16x16xf32>, vector<16x224xf32> -> vector<16x256xf32>
    %slice3A_1415 = vector.extract_strided_slice %mul3A_443 {offsets = [2592, 0], sizes = [16, 16], strides = [1, 1]} : vector<4096x16xf32> to vector<16x16xf32>
    %broadcast_in_dim3A_1416 = arith.constant 0.000000e+00 : f32
    %broadcast_in_dim3A_1417 = vector.broadcast %broadcast_in_dim3A_1416 : f32 to vector<16x32xf32>
    %broadcast_in_dim3A_1418 = arith.constant 0.000000e+00 : f32
    %broadcast_in_dim3A_1419 = vector.broadcast %broadcast_in_dim3A_1418 : f32 to vector<16x208xf32>
    %concatenate3A_1420 = tpu.concatenate %broadcast_in_dim3A_1417, %slice3A_1415, %broadcast_in_dim3A_1419 in 1 : vector<16x32xf32>, vector<16x16xf32>, vector<16x208xf32> -> vector<16x256xf32>
    %slice3A_1421 = vector.extract_strided_slice %mul3A_443 {offsets = [2608, 0], sizes = [16, 16], strides = [1, 1]} : vector<4096x16xf32> to vector<16x16xf32>
    %broadcast_in_dim3A_1422 = arith.constant 0.000000e+00 : f32
    %broadcast_in_dim3A_1423 = vector.broadcast %broadcast_in_dim3A_1422 : f32 to vector<16x48xf32>
    %broadcast_in_dim3A_1424 = arith.constant 0.000000e+00 : f32
    %broadcast_in_dim3A_1425 = vector.broadcast %broadcast_in_dim3A_1424 : f32 to vector<16x192xf32>
    %concatenate3A_1426 = tpu.concatenate %broadcast_in_dim3A_1423, %slice3A_1421, %broadcast_in_dim3A_1425 in 1 : vector<16x48xf32>, vector<16x16xf32>, vector<16x192xf32> -> vector<16x256xf32>
    %slice3A_1427 = vector.extract_strided_slice %mul3A_443 {offsets = [2624, 0], sizes = [16, 16], strides = [1, 1]} : vector<4096x16xf32> to vector<16x16xf32>
    %broadcast_in_dim3A_1428 = arith.constant 0.000000e+00 : f32
    %broadcast_in_dim3A_1429 = vector.broadcast %broadcast_in_dim3A_1428 : f32 to vector<16x64xf32>
    %broadcast_in_dim3A_1430 = arith.constant 0.000000e+00 : f32
    %broadcast_in_dim3A_1431 = vector.broadcast %broadcast_in_dim3A_1430 : f32 to vector<16x176xf32>
    %concatenate3A_1432 = tpu.concatenate %broadcast_in_dim3A_1429, %slice3A_1427, %broadcast_in_dim3A_1431 in 1 : vector<16x64xf32>, vector<16x16xf32>, vector<16x176xf32> -> vector<16x256xf32>
    %slice3A_1433 = vector.extract_strided_slice %mul3A_443 {offsets = [2640, 0], sizes = [16, 16], strides = [1, 1]} : vector<4096x16xf32> to vector<16x16xf32>
    %broadcast_in_dim3A_1434 = arith.constant 0.000000e+00 : f32
    %broadcast_in_dim3A_1435 = vector.broadcast %broadcast_in_dim3A_1434 : f32 to vector<16x80xf32>
    %broadcast_in_dim3A_1436 = arith.constant 0.000000e+00 : f32
    %broadcast_in_dim3A_1437 = vector.broadcast %broadcast_in_dim3A_1436 : f32 to vector<16x160xf32>
    %concatenate3A_1438 = tpu.concatenate %broadcast_in_dim3A_1435, %slice3A_1433, %broadcast_in_dim3A_1437 in 1 : vector<16x80xf32>, vector<16x16xf32>, vector<16x160xf32> -> vector<16x256xf32>
    %slice3A_1439 = vector.extract_strided_slice %mul3A_443 {offsets = [2656, 0], sizes = [16, 16], strides = [1, 1]} : vector<4096x16xf32> to vector<16x16xf32>
    %broadcast_in_dim3A_1440 = arith.constant 0.000000e+00 : f32
    %broadcast_in_dim3A_1441 = vector.broadcast %broadcast_in_dim3A_1440 : f32 to vector<16x96xf32>
    %broadcast_in_dim3A_1442 = arith.constant 0.000000e+00 : f32
    %broadcast_in_dim3A_1443 = vector.broadcast %broadcast_in_dim3A_1442 : f32 to vector<16x144xf32>
    %concatenate3A_1444 = tpu.concatenate %broadcast_in_dim3A_1441, %slice3A_1439, %broadcast_in_dim3A_1443 in 1 : vector<16x96xf32>, vector<16x16xf32>, vector<16x144xf32> -> vector<16x256xf32>
    %slice3A_1445 = vector.extract_strided_slice %mul3A_443 {offsets = [2672, 0], sizes = [16, 16], strides = [1, 1]} : vector<4096x16xf32> to vector<16x16xf32>
    %broadcast_in_dim3A_1446 = arith.constant 0.000000e+00 : f32
    %broadcast_in_dim3A_1447 = vector.broadcast %broadcast_in_dim3A_1446 : f32 to vector<16x112xf32>
    %broadcast_in_dim3A_1448 = arith.constant 0.000000e+00 : f32
    %broadcast_in_dim3A_1449 = vector.broadcast %broadcast_in_dim3A_1448 : f32 to vector<16x128xf32>
    %concatenate3A_1450 = tpu.concatenate %broadcast_in_dim3A_1447, %slice3A_1445, %broadcast_in_dim3A_1449 in 1 : vector<16x112xf32>, vector<16x16xf32>, vector<16x128xf32> -> vector<16x256xf32>
    %slice3A_1451 = vector.extract_strided_slice %mul3A_443 {offsets = [2688, 0], sizes = [16, 16], strides = [1, 1]} : vector<4096x16xf32> to vector<16x16xf32>
    %broadcast_in_dim3A_1452 = arith.constant 0.000000e+00 : f32
    %broadcast_in_dim3A_1453 = vector.broadcast %broadcast_in_dim3A_1452 : f32 to vector<16x128xf32>
    %broadcast_in_dim3A_1454 = arith.constant 0.000000e+00 : f32
    %broadcast_in_dim3A_1455 = vector.broadcast %broadcast_in_dim3A_1454 : f32 to vector<16x112xf32>
    %concatenate3A_1456 = tpu.concatenate %broadcast_in_dim3A_1453, %slice3A_1451, %broadcast_in_dim3A_1455 in 1 : vector<16x128xf32>, vector<16x16xf32>, vector<16x112xf32> -> vector<16x256xf32>
    %slice3A_1457 = vector.extract_strided_slice %mul3A_443 {offsets = [2704, 0], sizes = [16, 16], strides = [1, 1]} : vector<4096x16xf32> to vector<16x16xf32>
    %broadcast_in_dim3A_1458 = arith.constant 0.000000e+00 : f32
    %broadcast_in_dim3A_1459 = vector.broadcast %broadcast_in_dim3A_1458 : f32 to vector<16x144xf32>
    %broadcast_in_dim3A_1460 = arith.constant 0.000000e+00 : f32
    %broadcast_in_dim3A_1461 = vector.broadcast %broadcast_in_dim3A_1460 : f32 to vector<16x96xf32>
    %concatenate3A_1462 = tpu.concatenate %broadcast_in_dim3A_1459, %slice3A_1457, %broadcast_in_dim3A_1461 in 1 : vector<16x144xf32>, vector<16x16xf32>, vector<16x96xf32> -> vector<16x256xf32>
    %slice3A_1463 = vector.extract_strided_slice %mul3A_443 {offsets = [2720, 0], sizes = [16, 16], strides = [1, 1]} : vector<4096x16xf32> to vector<16x16xf32>
    %broadcast_in_dim3A_1464 = arith.constant 0.000000e+00 : f32
    %broadcast_in_dim3A_1465 = vector.broadcast %broadcast_in_dim3A_1464 : f32 to vector<16x160xf32>
    %broadcast_in_dim3A_1466 = arith.constant 0.000000e+00 : f32
    %broadcast_in_dim3A_1467 = vector.broadcast %broadcast_in_dim3A_1466 : f32 to vector<16x80xf32>
    %concatenate3A_1468 = tpu.concatenate %broadcast_in_dim3A_1465, %slice3A_1463, %broadcast_in_dim3A_1467 in 1 : vector<16x160xf32>, vector<16x16xf32>, vector<16x80xf32> -> vector<16x256xf32>
    %slice3A_1469 = vector.extract_strided_slice %mul3A_443 {offsets = [2736, 0], sizes = [16, 16], strides = [1, 1]} : vector<4096x16xf32> to vector<16x16xf32>
    %broadcast_in_dim3A_1470 = arith.constant 0.000000e+00 : f32
    %broadcast_in_dim3A_1471 = vector.broadcast %broadcast_in_dim3A_1470 : f32 to vector<16x176xf32>
    %broadcast_in_dim3A_1472 = arith.constant 0.000000e+00 : f32
    %broadcast_in_dim3A_1473 = vector.broadcast %broadcast_in_dim3A_1472 : f32 to vector<16x64xf32>
    %concatenate3A_1474 = tpu.concatenate %broadcast_in_dim3A_1471, %slice3A_1469, %broadcast_in_dim3A_1473 in 1 : vector<16x176xf32>, vector<16x16xf32>, vector<16x64xf32> -> vector<16x256xf32>
    %slice3A_1475 = vector.extract_strided_slice %mul3A_443 {offsets = [2752, 0], sizes = [16, 16], strides = [1, 1]} : vector<4096x16xf32> to vector<16x16xf32>
    %broadcast_in_dim3A_1476 = arith.constant 0.000000e+00 : f32
    %broadcast_in_dim3A_1477 = vector.broadcast %broadcast_in_dim3A_1476 : f32 to vector<16x192xf32>
    %broadcast_in_dim3A_1478 = arith.constant 0.000000e+00 : f32
    %broadcast_in_dim3A_1479 = vector.broadcast %broadcast_in_dim3A_1478 : f32 to vector<16x48xf32>
    %concatenate3A_1480 = tpu.concatenate %broadcast_in_dim3A_1477, %slice3A_1475, %broadcast_in_dim3A_1479 in 1 : vector<16x192xf32>, vector<16x16xf32>, vector<16x48xf32> -> vector<16x256xf32>
    %slice3A_1481 = vector.extract_strided_slice %mul3A_443 {offsets = [2768, 0], sizes = [16, 16], strides = [1, 1]} : vector<4096x16xf32> to vector<16x16xf32>
    %broadcast_in_dim3A_1482 = arith.constant 0.000000e+00 : f32
    %broadcast_in_dim3A_1483 = vector.broadcast %broadcast_in_dim3A_1482 : f32 to vector<16x208xf32>
    %broadcast_in_dim3A_1484 = arith.constant 0.000000e+00 : f32
    %broadcast_in_dim3A_1485 = vector.broadcast %broadcast_in_dim3A_1484 : f32 to vector<16x32xf32>
    %concatenate3A_1486 = tpu.concatenate %broadcast_in_dim3A_1483, %slice3A_1481, %broadcast_in_dim3A_1485 in 1 : vector<16x208xf32>, vector<16x16xf32>, vector<16x32xf32> -> vector<16x256xf32>
    %slice3A_1487 = vector.extract_strided_slice %mul3A_443 {offsets = [2784, 0], sizes = [16, 16], strides = [1, 1]} : vector<4096x16xf32> to vector<16x16xf32>
    %broadcast_in_dim3A_1488 = arith.constant 0.000000e+00 : f32
    %broadcast_in_dim3A_1489 = vector.broadcast %broadcast_in_dim3A_1488 : f32 to vector<16x224xf32>
    %broadcast_in_dim3A_1490 = arith.constant 0.000000e+00 : f32
    %broadcast_in_dim3A_1491 = vector.broadcast %broadcast_in_dim3A_1490 : f32 to vector<16x16xf32>
    %concatenate3A_1492 = tpu.concatenate %broadcast_in_dim3A_1489, %slice3A_1487, %broadcast_in_dim3A_1491 in 1 : vector<16x224xf32>, vector<16x16xf32>, vector<16x16xf32> -> vector<16x256xf32>
    %slice3A_1493 = vector.extract_strided_slice %mul3A_443 {offsets = [2800, 0], sizes = [16, 16], strides = [1, 1]} : vector<4096x16xf32> to vector<16x16xf32>
    %broadcast_in_dim3A_1494 = arith.constant 0.000000e+00 : f32
    %broadcast_in_dim3A_1495 = vector.broadcast %broadcast_in_dim3A_1494 : f32 to vector<16x240xf32>
    %concatenate3A_1496 = tpu.concatenate %broadcast_in_dim3A_1495, %slice3A_1493 in 1 : vector<16x240xf32>, vector<16x16xf32> -> vector<16x256xf32>
    %concatenate3A_1497 = tpu.concatenate %concatenate3A_1408, %concatenate3A_1414, %concatenate3A_1420, %concatenate3A_1426, %concatenate3A_1432, %concatenate3A_1438, %concatenate3A_1444, %concatenate3A_1450, %concatenate3A_1456, %concatenate3A_1462, %concatenate3A_1468, %concatenate3A_1474, %concatenate3A_1480, %concatenate3A_1486, %concatenate3A_1492, %concatenate3A_1496 in 0 : vector<16x256xf32>, vector<16x256xf32>, vector<16x256xf32>, vector<16x256xf32>, vector<16x256xf32>, vector<16x256xf32>, vector<16x256xf32>, vector<16x256xf32>, vector<16x256xf32>, vector<16x256xf32>, vector<16x256xf32>, vector<16x256xf32>, vector<16x256xf32>, vector<16x256xf32>, vector<16x256xf32>, vector<16x256xf32> -> vector<256x256xf32>
    %dot_general3A_1498 = arith.constant dense<0.000000e+00> : vector<256x64xf32>
    %dot_general3A_1499 = tpu.matmul %concatenate3A_1497, %slice3A_1404, %dot_general3A_1498 {dimension_numbers = #tpu.dot_dimension_numbers<[1], [0], [0], [1], [0, 0, 1, 1], [], []>, precision = #tpu.contract_precision<fp32>, transpose_lhs_hint = false} : vector<256x256xf32>, vector<256x64xf32>, vector<256x64xf32> -> vector<256x64xf32>
    %slice3A_1500 = vector.extract_strided_slice %div3A_27 {offsets = [2816, 0], sizes = [256, 64], strides = [1, 1]} : vector<4096x64xf32> to vector<256x64xf32>
    %slice3A_1501 = vector.extract_strided_slice %mul3A_443 {offsets = [2816, 0], sizes = [16, 16], strides = [1, 1]} : vector<4096x16xf32> to vector<16x16xf32>
    %broadcast_in_dim3A_1502 = arith.constant 0.000000e+00 : f32
    %broadcast_in_dim3A_1503 = vector.broadcast %broadcast_in_dim3A_1502 : f32 to vector<16x240xf32>
    %concatenate3A_1504 = tpu.concatenate %slice3A_1501, %broadcast_in_dim3A_1503 in 1 : vector<16x16xf32>, vector<16x240xf32> -> vector<16x256xf32>
    %slice3A_1505 = vector.extract_strided_slice %mul3A_443 {offsets = [2832, 0], sizes = [16, 16], strides = [1, 1]} : vector<4096x16xf32> to vector<16x16xf32>
    %broadcast_in_dim3A_1506 = arith.constant 0.000000e+00 : f32
    %broadcast_in_dim3A_1507 = vector.broadcast %broadcast_in_dim3A_1506 : f32 to vector<16x16xf32>
    %broadcast_in_dim3A_1508 = arith.constant 0.000000e+00 : f32
    %broadcast_in_dim3A_1509 = vector.broadcast %broadcast_in_dim3A_1508 : f32 to vector<16x224xf32>
    %concatenate3A_1510 = tpu.concatenate %broadcast_in_dim3A_1507, %slice3A_1505, %broadcast_in_dim3A_1509 in 1 : vector<16x16xf32>, vector<16x16xf32>, vector<16x224xf32> -> vector<16x256xf32>
    %slice3A_1511 = vector.extract_strided_slice %mul3A_443 {offsets = [2848, 0], sizes = [16, 16], strides = [1, 1]} : vector<4096x16xf32> to vector<16x16xf32>
    %broadcast_in_dim3A_1512 = arith.constant 0.000000e+00 : f32
    %broadcast_in_dim3A_1513 = vector.broadcast %broadcast_in_dim3A_1512 : f32 to vector<16x32xf32>
    %broadcast_in_dim3A_1514 = arith.constant 0.000000e+00 : f32
    %broadcast_in_dim3A_1515 = vector.broadcast %broadcast_in_dim3A_1514 : f32 to vector<16x208xf32>
    %concatenate3A_1516 = tpu.concatenate %broadcast_in_dim3A_1513, %slice3A_1511, %broadcast_in_dim3A_1515 in 1 : vector<16x32xf32>, vector<16x16xf32>, vector<16x208xf32> -> vector<16x256xf32>
    %slice3A_1517 = vector.extract_strided_slice %mul3A_443 {offsets = [2864, 0], sizes = [16, 16], strides = [1, 1]} : vector<4096x16xf32> to vector<16x16xf32>
    %broadcast_in_dim3A_1518 = arith.constant 0.000000e+00 : f32
    %broadcast_in_dim3A_1519 = vector.broadcast %broadcast_in_dim3A_1518 : f32 to vector<16x48xf32>
    %broadcast_in_dim3A_1520 = arith.constant 0.000000e+00 : f32
    %broadcast_in_dim3A_1521 = vector.broadcast %broadcast_in_dim3A_1520 : f32 to vector<16x192xf32>
    %concatenate3A_1522 = tpu.concatenate %broadcast_in_dim3A_1519, %slice3A_1517, %broadcast_in_dim3A_1521 in 1 : vector<16x48xf32>, vector<16x16xf32>, vector<16x192xf32> -> vector<16x256xf32>
    %slice3A_1523 = vector.extract_strided_slice %mul3A_443 {offsets = [2880, 0], sizes = [16, 16], strides = [1, 1]} : vector<4096x16xf32> to vector<16x16xf32>
    %broadcast_in_dim3A_1524 = arith.constant 0.000000e+00 : f32
    %broadcast_in_dim3A_1525 = vector.broadcast %broadcast_in_dim3A_1524 : f32 to vector<16x64xf32>
    %broadcast_in_dim3A_1526 = arith.constant 0.000000e+00 : f32
    %broadcast_in_dim3A_1527 = vector.broadcast %broadcast_in_dim3A_1526 : f32 to vector<16x176xf32>
    %concatenate3A_1528 = tpu.concatenate %broadcast_in_dim3A_1525, %slice3A_1523, %broadcast_in_dim3A_1527 in 1 : vector<16x64xf32>, vector<16x16xf32>, vector<16x176xf32> -> vector<16x256xf32>
    %slice3A_1529 = vector.extract_strided_slice %mul3A_443 {offsets = [2896, 0], sizes = [16, 16], strides = [1, 1]} : vector<4096x16xf32> to vector<16x16xf32>
    %broadcast_in_dim3A_1530 = arith.constant 0.000000e+00 : f32
    %broadcast_in_dim3A_1531 = vector.broadcast %broadcast_in_dim3A_1530 : f32 to vector<16x80xf32>
    %broadcast_in_dim3A_1532 = arith.constant 0.000000e+00 : f32
    %broadcast_in_dim3A_1533 = vector.broadcast %broadcast_in_dim3A_1532 : f32 to vector<16x160xf32>
    %concatenate3A_1534 = tpu.concatenate %broadcast_in_dim3A_1531, %slice3A_1529, %broadcast_in_dim3A_1533 in 1 : vector<16x80xf32>, vector<16x16xf32>, vector<16x160xf32> -> vector<16x256xf32>
    %slice3A_1535 = vector.extract_strided_slice %mul3A_443 {offsets = [2912, 0], sizes = [16, 16], strides = [1, 1]} : vector<4096x16xf32> to vector<16x16xf32>
    %broadcast_in_dim3A_1536 = arith.constant 0.000000e+00 : f32
    %broadcast_in_dim3A_1537 = vector.broadcast %broadcast_in_dim3A_1536 : f32 to vector<16x96xf32>
    %broadcast_in_dim3A_1538 = arith.constant 0.000000e+00 : f32
    %broadcast_in_dim3A_1539 = vector.broadcast %broadcast_in_dim3A_1538 : f32 to vector<16x144xf32>
    %concatenate3A_1540 = tpu.concatenate %broadcast_in_dim3A_1537, %slice3A_1535, %broadcast_in_dim3A_1539 in 1 : vector<16x96xf32>, vector<16x16xf32>, vector<16x144xf32> -> vector<16x256xf32>
    %slice3A_1541 = vector.extract_strided_slice %mul3A_443 {offsets = [2928, 0], sizes = [16, 16], strides = [1, 1]} : vector<4096x16xf32> to vector<16x16xf32>
    %broadcast_in_dim3A_1542 = arith.constant 0.000000e+00 : f32
    %broadcast_in_dim3A_1543 = vector.broadcast %broadcast_in_dim3A_1542 : f32 to vector<16x112xf32>
    %broadcast_in_dim3A_1544 = arith.constant 0.000000e+00 : f32
    %broadcast_in_dim3A_1545 = vector.broadcast %broadcast_in_dim3A_1544 : f32 to vector<16x128xf32>
    %concatenate3A_1546 = tpu.concatenate %broadcast_in_dim3A_1543, %slice3A_1541, %broadcast_in_dim3A_1545 in 1 : vector<16x112xf32>, vector<16x16xf32>, vector<16x128xf32> -> vector<16x256xf32>
    %slice3A_1547 = vector.extract_strided_slice %mul3A_443 {offsets = [2944, 0], sizes = [16, 16], strides = [1, 1]} : vector<4096x16xf32> to vector<16x16xf32>
    %broadcast_in_dim3A_1548 = arith.constant 0.000000e+00 : f32
    %broadcast_in_dim3A_1549 = vector.broadcast %broadcast_in_dim3A_1548 : f32 to vector<16x128xf32>
    %broadcast_in_dim3A_1550 = arith.constant 0.000000e+00 : f32
    %broadcast_in_dim3A_1551 = vector.broadcast %broadcast_in_dim3A_1550 : f32 to vector<16x112xf32>
    %concatenate3A_1552 = tpu.concatenate %broadcast_in_dim3A_1549, %slice3A_1547, %broadcast_in_dim3A_1551 in 1 : vector<16x128xf32>, vector<16x16xf32>, vector<16x112xf32> -> vector<16x256xf32>
    %slice3A_1553 = vector.extract_strided_slice %mul3A_443 {offsets = [2960, 0], sizes = [16, 16], strides = [1, 1]} : vector<4096x16xf32> to vector<16x16xf32>
    %broadcast_in_dim3A_1554 = arith.constant 0.000000e+00 : f32
    %broadcast_in_dim3A_1555 = vector.broadcast %broadcast_in_dim3A_1554 : f32 to vector<16x144xf32>
    %broadcast_in_dim3A_1556 = arith.constant 0.000000e+00 : f32
    %broadcast_in_dim3A_1557 = vector.broadcast %broadcast_in_dim3A_1556 : f32 to vector<16x96xf32>
    %concatenate3A_1558 = tpu.concatenate %broadcast_in_dim3A_1555, %slice3A_1553, %broadcast_in_dim3A_1557 in 1 : vector<16x144xf32>, vector<16x16xf32>, vector<16x96xf32> -> vector<16x256xf32>
    %slice3A_1559 = vector.extract_strided_slice %mul3A_443 {offsets = [2976, 0], sizes = [16, 16], strides = [1, 1]} : vector<4096x16xf32> to vector<16x16xf32>
    %broadcast_in_dim3A_1560 = arith.constant 0.000000e+00 : f32
    %broadcast_in_dim3A_1561 = vector.broadcast %broadcast_in_dim3A_1560 : f32 to vector<16x160xf32>
    %broadcast_in_dim3A_1562 = arith.constant 0.000000e+00 : f32
    %broadcast_in_dim3A_1563 = vector.broadcast %broadcast_in_dim3A_1562 : f32 to vector<16x80xf32>
    %concatenate3A_1564 = tpu.concatenate %broadcast_in_dim3A_1561, %slice3A_1559, %broadcast_in_dim3A_1563 in 1 : vector<16x160xf32>, vector<16x16xf32>, vector<16x80xf32> -> vector<16x256xf32>
    %slice3A_1565 = vector.extract_strided_slice %mul3A_443 {offsets = [2992, 0], sizes = [16, 16], strides = [1, 1]} : vector<4096x16xf32> to vector<16x16xf32>
    %broadcast_in_dim3A_1566 = arith.constant 0.000000e+00 : f32
    %broadcast_in_dim3A_1567 = vector.broadcast %broadcast_in_dim3A_1566 : f32 to vector<16x176xf32>
    %broadcast_in_dim3A_1568 = arith.constant 0.000000e+00 : f32
    %broadcast_in_dim3A_1569 = vector.broadcast %broadcast_in_dim3A_1568 : f32 to vector<16x64xf32>
    %concatenate3A_1570 = tpu.concatenate %broadcast_in_dim3A_1567, %slice3A_1565, %broadcast_in_dim3A_1569 in 1 : vector<16x176xf32>, vector<16x16xf32>, vector<16x64xf32> -> vector<16x256xf32>
    %slice3A_1571 = vector.extract_strided_slice %mul3A_443 {offsets = [3008, 0], sizes = [16, 16], strides = [1, 1]} : vector<4096x16xf32> to vector<16x16xf32>
    %broadcast_in_dim3A_1572 = arith.constant 0.000000e+00 : f32
    %broadcast_in_dim3A_1573 = vector.broadcast %broadcast_in_dim3A_1572 : f32 to vector<16x192xf32>
    %broadcast_in_dim3A_1574 = arith.constant 0.000000e+00 : f32
    %broadcast_in_dim3A_1575 = vector.broadcast %broadcast_in_dim3A_1574 : f32 to vector<16x48xf32>
    %concatenate3A_1576 = tpu.concatenate %broadcast_in_dim3A_1573, %slice3A_1571, %broadcast_in_dim3A_1575 in 1 : vector<16x192xf32>, vector<16x16xf32>, vector<16x48xf32> -> vector<16x256xf32>
    %slice3A_1577 = vector.extract_strided_slice %mul3A_443 {offsets = [3024, 0], sizes = [16, 16], strides = [1, 1]} : vector<4096x16xf32> to vector<16x16xf32>
    %broadcast_in_dim3A_1578 = arith.constant 0.000000e+00 : f32
    %broadcast_in_dim3A_1579 = vector.broadcast %broadcast_in_dim3A_1578 : f32 to vector<16x208xf32>
    %broadcast_in_dim3A_1580 = arith.constant 0.000000e+00 : f32
    %broadcast_in_dim3A_1581 = vector.broadcast %broadcast_in_dim3A_1580 : f32 to vector<16x32xf32>
    %concatenate3A_1582 = tpu.concatenate %broadcast_in_dim3A_1579, %slice3A_1577, %broadcast_in_dim3A_1581 in 1 : vector<16x208xf32>, vector<16x16xf32>, vector<16x32xf32> -> vector<16x256xf32>
    %slice3A_1583 = vector.extract_strided_slice %mul3A_443 {offsets = [3040, 0], sizes = [16, 16], strides = [1, 1]} : vector<4096x16xf32> to vector<16x16xf32>
    %broadcast_in_dim3A_1584 = arith.constant 0.000000e+00 : f32
    %broadcast_in_dim3A_1585 = vector.broadcast %broadcast_in_dim3A_1584 : f32 to vector<16x224xf32>
    %broadcast_in_dim3A_1586 = arith.constant 0.000000e+00 : f32
    %broadcast_in_dim3A_1587 = vector.broadcast %broadcast_in_dim3A_1586 : f32 to vector<16x16xf32>
    %concatenate3A_1588 = tpu.concatenate %broadcast_in_dim3A_1585, %slice3A_1583, %broadcast_in_dim3A_1587 in 1 : vector<16x224xf32>, vector<16x16xf32>, vector<16x16xf32> -> vector<16x256xf32>
    %slice3A_1589 = vector.extract_strided_slice %mul3A_443 {offsets = [3056, 0], sizes = [16, 16], strides = [1, 1]} : vector<4096x16xf32> to vector<16x16xf32>
    %broadcast_in_dim3A_1590 = arith.constant 0.000000e+00 : f32
    %broadcast_in_dim3A_1591 = vector.broadcast %broadcast_in_dim3A_1590 : f32 to vector<16x240xf32>
    %concatenate3A_1592 = tpu.concatenate %broadcast_in_dim3A_1591, %slice3A_1589 in 1 : vector<16x240xf32>, vector<16x16xf32> -> vector<16x256xf32>
    %concatenate3A_1593 = tpu.concatenate %concatenate3A_1504, %concatenate3A_1510, %concatenate3A_1516, %concatenate3A_1522, %concatenate3A_1528, %concatenate3A_1534, %concatenate3A_1540, %concatenate3A_1546, %concatenate3A_1552, %concatenate3A_1558, %concatenate3A_1564, %concatenate3A_1570, %concatenate3A_1576, %concatenate3A_1582, %concatenate3A_1588, %concatenate3A_1592 in 0 : vector<16x256xf32>, vector<16x256xf32>, vector<16x256xf32>, vector<16x256xf32>, vector<16x256xf32>, vector<16x256xf32>, vector<16x256xf32>, vector<16x256xf32>, vector<16x256xf32>, vector<16x256xf32>, vector<16x256xf32>, vector<16x256xf32>, vector<16x256xf32>, vector<16x256xf32>, vector<16x256xf32>, vector<16x256xf32> -> vector<256x256xf32>
    %dot_general3A_1594 = arith.constant dense<0.000000e+00> : vector<256x64xf32>
    %dot_general3A_1595 = tpu.matmul %concatenate3A_1593, %slice3A_1500, %dot_general3A_1594 {dimension_numbers = #tpu.dot_dimension_numbers<[1], [0], [0], [1], [0, 0, 1, 1], [], []>, precision = #tpu.contract_precision<fp32>, transpose_lhs_hint = false} : vector<256x256xf32>, vector<256x64xf32>, vector<256x64xf32> -> vector<256x64xf32>
    %slice3A_1596 = vector.extract_strided_slice %div3A_27 {offsets = [3072, 0], sizes = [256, 64], strides = [1, 1]} : vector<4096x64xf32> to vector<256x64xf32>
    %slice3A_1597 = vector.extract_strided_slice %mul3A_443 {offsets = [3072, 0], sizes = [16, 16], strides = [1, 1]} : vector<4096x16xf32> to vector<16x16xf32>
    %broadcast_in_dim3A_1598 = arith.constant 0.000000e+00 : f32
    %broadcast_in_dim3A_1599 = vector.broadcast %broadcast_in_dim3A_1598 : f32 to vector<16x240xf32>
    %concatenate3A_1600 = tpu.concatenate %slice3A_1597, %broadcast_in_dim3A_1599 in 1 : vector<16x16xf32>, vector<16x240xf32> -> vector<16x256xf32>
    %slice3A_1601 = vector.extract_strided_slice %mul3A_443 {offsets = [3088, 0], sizes = [16, 16], strides = [1, 1]} : vector<4096x16xf32> to vector<16x16xf32>
    %broadcast_in_dim3A_1602 = arith.constant 0.000000e+00 : f32
    %broadcast_in_dim3A_1603 = vector.broadcast %broadcast_in_dim3A_1602 : f32 to vector<16x16xf32>
    %broadcast_in_dim3A_1604 = arith.constant 0.000000e+00 : f32
    %broadcast_in_dim3A_1605 = vector.broadcast %broadcast_in_dim3A_1604 : f32 to vector<16x224xf32>
    %concatenate3A_1606 = tpu.concatenate %broadcast_in_dim3A_1603, %slice3A_1601, %broadcast_in_dim3A_1605 in 1 : vector<16x16xf32>, vector<16x16xf32>, vector<16x224xf32> -> vector<16x256xf32>
    %slice3A_1607 = vector.extract_strided_slice %mul3A_443 {offsets = [3104, 0], sizes = [16, 16], strides = [1, 1]} : vector<4096x16xf32> to vector<16x16xf32>
    %broadcast_in_dim3A_1608 = arith.constant 0.000000e+00 : f32
    %broadcast_in_dim3A_1609 = vector.broadcast %broadcast_in_dim3A_1608 : f32 to vector<16x32xf32>
    %broadcast_in_dim3A_1610 = arith.constant 0.000000e+00 : f32
    %broadcast_in_dim3A_1611 = vector.broadcast %broadcast_in_dim3A_1610 : f32 to vector<16x208xf32>
    %concatenate3A_1612 = tpu.concatenate %broadcast_in_dim3A_1609, %slice3A_1607, %broadcast_in_dim3A_1611 in 1 : vector<16x32xf32>, vector<16x16xf32>, vector<16x208xf32> -> vector<16x256xf32>
    %slice3A_1613 = vector.extract_strided_slice %mul3A_443 {offsets = [3120, 0], sizes = [16, 16], strides = [1, 1]} : vector<4096x16xf32> to vector<16x16xf32>
    %broadcast_in_dim3A_1614 = arith.constant 0.000000e+00 : f32
    %broadcast_in_dim3A_1615 = vector.broadcast %broadcast_in_dim3A_1614 : f32 to vector<16x48xf32>
    %broadcast_in_dim3A_1616 = arith.constant 0.000000e+00 : f32
    %broadcast_in_dim3A_1617 = vector.broadcast %broadcast_in_dim3A_1616 : f32 to vector<16x192xf32>
    %concatenate3A_1618 = tpu.concatenate %broadcast_in_dim3A_1615, %slice3A_1613, %broadcast_in_dim3A_1617 in 1 : vector<16x48xf32>, vector<16x16xf32>, vector<16x192xf32> -> vector<16x256xf32>
    %slice3A_1619 = vector.extract_strided_slice %mul3A_443 {offsets = [3136, 0], sizes = [16, 16], strides = [1, 1]} : vector<4096x16xf32> to vector<16x16xf32>
    %broadcast_in_dim3A_1620 = arith.constant 0.000000e+00 : f32
    %broadcast_in_dim3A_1621 = vector.broadcast %broadcast_in_dim3A_1620 : f32 to vector<16x64xf32>
    %broadcast_in_dim3A_1622 = arith.constant 0.000000e+00 : f32
    %broadcast_in_dim3A_1623 = vector.broadcast %broadcast_in_dim3A_1622 : f32 to vector<16x176xf32>
    %concatenate3A_1624 = tpu.concatenate %broadcast_in_dim3A_1621, %slice3A_1619, %broadcast_in_dim3A_1623 in 1 : vector<16x64xf32>, vector<16x16xf32>, vector<16x176xf32> -> vector<16x256xf32>
    %slice3A_1625 = vector.extract_strided_slice %mul3A_443 {offsets = [3152, 0], sizes = [16, 16], strides = [1, 1]} : vector<4096x16xf32> to vector<16x16xf32>
    %broadcast_in_dim3A_1626 = arith.constant 0.000000e+00 : f32
    %broadcast_in_dim3A_1627 = vector.broadcast %broadcast_in_dim3A_1626 : f32 to vector<16x80xf32>
    %broadcast_in_dim3A_1628 = arith.constant 0.000000e+00 : f32
    %broadcast_in_dim3A_1629 = vector.broadcast %broadcast_in_dim3A_1628 : f32 to vector<16x160xf32>
    %concatenate3A_1630 = tpu.concatenate %broadcast_in_dim3A_1627, %slice3A_1625, %broadcast_in_dim3A_1629 in 1 : vector<16x80xf32>, vector<16x16xf32>, vector<16x160xf32> -> vector<16x256xf32>
    %slice3A_1631 = vector.extract_strided_slice %mul3A_443 {offsets = [3168, 0], sizes = [16, 16], strides = [1, 1]} : vector<4096x16xf32> to vector<16x16xf32>
    %broadcast_in_dim3A_1632 = arith.constant 0.000000e+00 : f32
    %broadcast_in_dim3A_1633 = vector.broadcast %broadcast_in_dim3A_1632 : f32 to vector<16x96xf32>
    %broadcast_in_dim3A_1634 = arith.constant 0.000000e+00 : f32
    %broadcast_in_dim3A_1635 = vector.broadcast %broadcast_in_dim3A_1634 : f32 to vector<16x144xf32>
    %concatenate3A_1636 = tpu.concatenate %broadcast_in_dim3A_1633, %slice3A_1631, %broadcast_in_dim3A_1635 in 1 : vector<16x96xf32>, vector<16x16xf32>, vector<16x144xf32> -> vector<16x256xf32>
    %slice3A_1637 = vector.extract_strided_slice %mul3A_443 {offsets = [3184, 0], sizes = [16, 16], strides = [1, 1]} : vector<4096x16xf32> to vector<16x16xf32>
    %broadcast_in_dim3A_1638 = arith.constant 0.000000e+00 : f32
    %broadcast_in_dim3A_1639 = vector.broadcast %broadcast_in_dim3A_1638 : f32 to vector<16x112xf32>
    %broadcast_in_dim3A_1640 = arith.constant 0.000000e+00 : f32
    %broadcast_in_dim3A_1641 = vector.broadcast %broadcast_in_dim3A_1640 : f32 to vector<16x128xf32>
    %concatenate3A_1642 = tpu.concatenate %broadcast_in_dim3A_1639, %slice3A_1637, %broadcast_in_dim3A_1641 in 1 : vector<16x112xf32>, vector<16x16xf32>, vector<16x128xf32> -> vector<16x256xf32>
    %slice3A_1643 = vector.extract_strided_slice %mul3A_443 {offsets = [3200, 0], sizes = [16, 16], strides = [1, 1]} : vector<4096x16xf32> to vector<16x16xf32>
    %broadcast_in_dim3A_1644 = arith.constant 0.000000e+00 : f32
    %broadcast_in_dim3A_1645 = vector.broadcast %broadcast_in_dim3A_1644 : f32 to vector<16x128xf32>
    %broadcast_in_dim3A_1646 = arith.constant 0.000000e+00 : f32
    %broadcast_in_dim3A_1647 = vector.broadcast %broadcast_in_dim3A_1646 : f32 to vector<16x112xf32>
    %concatenate3A_1648 = tpu.concatenate %broadcast_in_dim3A_1645, %slice3A_1643, %broadcast_in_dim3A_1647 in 1 : vector<16x128xf32>, vector<16x16xf32>, vector<16x112xf32> -> vector<16x256xf32>
    %slice3A_1649 = vector.extract_strided_slice %mul3A_443 {offsets = [3216, 0], sizes = [16, 16], strides = [1, 1]} : vector<4096x16xf32> to vector<16x16xf32>
    %broadcast_in_dim3A_1650 = arith.constant 0.000000e+00 : f32
    %broadcast_in_dim3A_1651 = vector.broadcast %broadcast_in_dim3A_1650 : f32 to vector<16x144xf32>
    %broadcast_in_dim3A_1652 = arith.constant 0.000000e+00 : f32
    %broadcast_in_dim3A_1653 = vector.broadcast %broadcast_in_dim3A_1652 : f32 to vector<16x96xf32>
    %concatenate3A_1654 = tpu.concatenate %broadcast_in_dim3A_1651, %slice3A_1649, %broadcast_in_dim3A_1653 in 1 : vector<16x144xf32>, vector<16x16xf32>, vector<16x96xf32> -> vector<16x256xf32>
    %slice3A_1655 = vector.extract_strided_slice %mul3A_443 {offsets = [3232, 0], sizes = [16, 16], strides = [1, 1]} : vector<4096x16xf32> to vector<16x16xf32>
    %broadcast_in_dim3A_1656 = arith.constant 0.000000e+00 : f32
    %broadcast_in_dim3A_1657 = vector.broadcast %broadcast_in_dim3A_1656 : f32 to vector<16x160xf32>
    %broadcast_in_dim3A_1658 = arith.constant 0.000000e+00 : f32
    %broadcast_in_dim3A_1659 = vector.broadcast %broadcast_in_dim3A_1658 : f32 to vector<16x80xf32>
    %concatenate3A_1660 = tpu.concatenate %broadcast_in_dim3A_1657, %slice3A_1655, %broadcast_in_dim3A_1659 in 1 : vector<16x160xf32>, vector<16x16xf32>, vector<16x80xf32> -> vector<16x256xf32>
    %slice3A_1661 = vector.extract_strided_slice %mul3A_443 {offsets = [3248, 0], sizes = [16, 16], strides = [1, 1]} : vector<4096x16xf32> to vector<16x16xf32>
    %broadcast_in_dim3A_1662 = arith.constant 0.000000e+00 : f32
    %broadcast_in_dim3A_1663 = vector.broadcast %broadcast_in_dim3A_1662 : f32 to vector<16x176xf32>
    %broadcast_in_dim3A_1664 = arith.constant 0.000000e+00 : f32
    %broadcast_in_dim3A_1665 = vector.broadcast %broadcast_in_dim3A_1664 : f32 to vector<16x64xf32>
    %concatenate3A_1666 = tpu.concatenate %broadcast_in_dim3A_1663, %slice3A_1661, %broadcast_in_dim3A_1665 in 1 : vector<16x176xf32>, vector<16x16xf32>, vector<16x64xf32> -> vector<16x256xf32>
    %slice3A_1667 = vector.extract_strided_slice %mul3A_443 {offsets = [3264, 0], sizes = [16, 16], strides = [1, 1]} : vector<4096x16xf32> to vector<16x16xf32>
    %broadcast_in_dim3A_1668 = arith.constant 0.000000e+00 : f32
    %broadcast_in_dim3A_1669 = vector.broadcast %broadcast_in_dim3A_1668 : f32 to vector<16x192xf32>
    %broadcast_in_dim3A_1670 = arith.constant 0.000000e+00 : f32
    %broadcast_in_dim3A_1671 = vector.broadcast %broadcast_in_dim3A_1670 : f32 to vector<16x48xf32>
    %concatenate3A_1672 = tpu.concatenate %broadcast_in_dim3A_1669, %slice3A_1667, %broadcast_in_dim3A_1671 in 1 : vector<16x192xf32>, vector<16x16xf32>, vector<16x48xf32> -> vector<16x256xf32>
    %slice3A_1673 = vector.extract_strided_slice %mul3A_443 {offsets = [3280, 0], sizes = [16, 16], strides = [1, 1]} : vector<4096x16xf32> to vector<16x16xf32>
    %broadcast_in_dim3A_1674 = arith.constant 0.000000e+00 : f32
    %broadcast_in_dim3A_1675 = vector.broadcast %broadcast_in_dim3A_1674 : f32 to vector<16x208xf32>
    %broadcast_in_dim3A_1676 = arith.constant 0.000000e+00 : f32
    %broadcast_in_dim3A_1677 = vector.broadcast %broadcast_in_dim3A_1676 : f32 to vector<16x32xf32>
    %concatenate3A_1678 = tpu.concatenate %broadcast_in_dim3A_1675, %slice3A_1673, %broadcast_in_dim3A_1677 in 1 : vector<16x208xf32>, vector<16x16xf32>, vector<16x32xf32> -> vector<16x256xf32>
    %slice3A_1679 = vector.extract_strided_slice %mul3A_443 {offsets = [3296, 0], sizes = [16, 16], strides = [1, 1]} : vector<4096x16xf32> to vector<16x16xf32>
    %broadcast_in_dim3A_1680 = arith.constant 0.000000e+00 : f32
    %broadcast_in_dim3A_1681 = vector.broadcast %broadcast_in_dim3A_1680 : f32 to vector<16x224xf32>
    %broadcast_in_dim3A_1682 = arith.constant 0.000000e+00 : f32
    %broadcast_in_dim3A_1683 = vector.broadcast %broadcast_in_dim3A_1682 : f32 to vector<16x16xf32>
    %concatenate3A_1684 = tpu.concatenate %broadcast_in_dim3A_1681, %slice3A_1679, %broadcast_in_dim3A_1683 in 1 : vector<16x224xf32>, vector<16x16xf32>, vector<16x16xf32> -> vector<16x256xf32>
    %slice3A_1685 = vector.extract_strided_slice %mul3A_443 {offsets = [3312, 0], sizes = [16, 16], strides = [1, 1]} : vector<4096x16xf32> to vector<16x16xf32>
    %broadcast_in_dim3A_1686 = arith.constant 0.000000e+00 : f32
    %broadcast_in_dim3A_1687 = vector.broadcast %broadcast_in_dim3A_1686 : f32 to vector<16x240xf32>
    %concatenate3A_1688 = tpu.concatenate %broadcast_in_dim3A_1687, %slice3A_1685 in 1 : vector<16x240xf32>, vector<16x16xf32> -> vector<16x256xf32>
    %concatenate3A_1689 = tpu.concatenate %concatenate3A_1600, %concatenate3A_1606, %concatenate3A_1612, %concatenate3A_1618, %concatenate3A_1624, %concatenate3A_1630, %concatenate3A_1636, %concatenate3A_1642, %concatenate3A_1648, %concatenate3A_1654, %concatenate3A_1660, %concatenate3A_1666, %concatenate3A_1672, %concatenate3A_1678, %concatenate3A_1684, %concatenate3A_1688 in 0 : vector<16x256xf32>, vector<16x256xf32>, vector<16x256xf32>, vector<16x256xf32>, vector<16x256xf32>, vector<16x256xf32>, vector<16x256xf32>, vector<16x256xf32>, vector<16x256xf32>, vector<16x256xf32>, vector<16x256xf32>, vector<16x256xf32>, vector<16x256xf32>, vector<16x256xf32>, vector<16x256xf32>, vector<16x256xf32> -> vector<256x256xf32>
    %dot_general3A_1690 = arith.constant dense<0.000000e+00> : vector<256x64xf32>
    %dot_general3A_1691 = tpu.matmul %concatenate3A_1689, %slice3A_1596, %dot_general3A_1690 {dimension_numbers = #tpu.dot_dimension_numbers<[1], [0], [0], [1], [0, 0, 1, 1], [], []>, precision = #tpu.contract_precision<fp32>, transpose_lhs_hint = false} : vector<256x256xf32>, vector<256x64xf32>, vector<256x64xf32> -> vector<256x64xf32>
    %slice3A_1692 = vector.extract_strided_slice %div3A_27 {offsets = [3328, 0], sizes = [256, 64], strides = [1, 1]} : vector<4096x64xf32> to vector<256x64xf32>
    %slice3A_1693 = vector.extract_strided_slice %mul3A_443 {offsets = [3328, 0], sizes = [16, 16], strides = [1, 1]} : vector<4096x16xf32> to vector<16x16xf32>
    %broadcast_in_dim3A_1694 = arith.constant 0.000000e+00 : f32
    %broadcast_in_dim3A_1695 = vector.broadcast %broadcast_in_dim3A_1694 : f32 to vector<16x240xf32>
    %concatenate3A_1696 = tpu.concatenate %slice3A_1693, %broadcast_in_dim3A_1695 in 1 : vector<16x16xf32>, vector<16x240xf32> -> vector<16x256xf32>
    %slice3A_1697 = vector.extract_strided_slice %mul3A_443 {offsets = [3344, 0], sizes = [16, 16], strides = [1, 1]} : vector<4096x16xf32> to vector<16x16xf32>
    %broadcast_in_dim3A_1698 = arith.constant 0.000000e+00 : f32
    %broadcast_in_dim3A_1699 = vector.broadcast %broadcast_in_dim3A_1698 : f32 to vector<16x16xf32>
    %broadcast_in_dim3A_1700 = arith.constant 0.000000e+00 : f32
    %broadcast_in_dim3A_1701 = vector.broadcast %broadcast_in_dim3A_1700 : f32 to vector<16x224xf32>
    %concatenate3A_1702 = tpu.concatenate %broadcast_in_dim3A_1699, %slice3A_1697, %broadcast_in_dim3A_1701 in 1 : vector<16x16xf32>, vector<16x16xf32>, vector<16x224xf32> -> vector<16x256xf32>
    %slice3A_1703 = vector.extract_strided_slice %mul3A_443 {offsets = [3360, 0], sizes = [16, 16], strides = [1, 1]} : vector<4096x16xf32> to vector<16x16xf32>
    %broadcast_in_dim3A_1704 = arith.constant 0.000000e+00 : f32
    %broadcast_in_dim3A_1705 = vector.broadcast %broadcast_in_dim3A_1704 : f32 to vector<16x32xf32>
    %broadcast_in_dim3A_1706 = arith.constant 0.000000e+00 : f32
    %broadcast_in_dim3A_1707 = vector.broadcast %broadcast_in_dim3A_1706 : f32 to vector<16x208xf32>
    %concatenate3A_1708 = tpu.concatenate %broadcast_in_dim3A_1705, %slice3A_1703, %broadcast_in_dim3A_1707 in 1 : vector<16x32xf32>, vector<16x16xf32>, vector<16x208xf32> -> vector<16x256xf32>
    %slice3A_1709 = vector.extract_strided_slice %mul3A_443 {offsets = [3376, 0], sizes = [16, 16], strides = [1, 1]} : vector<4096x16xf32> to vector<16x16xf32>
    %broadcast_in_dim3A_1710 = arith.constant 0.000000e+00 : f32
    %broadcast_in_dim3A_1711 = vector.broadcast %broadcast_in_dim3A_1710 : f32 to vector<16x48xf32>
    %broadcast_in_dim3A_1712 = arith.constant 0.000000e+00 : f32
    %broadcast_in_dim3A_1713 = vector.broadcast %broadcast_in_dim3A_1712 : f32 to vector<16x192xf32>
    %concatenate3A_1714 = tpu.concatenate %broadcast_in_dim3A_1711, %slice3A_1709, %broadcast_in_dim3A_1713 in 1 : vector<16x48xf32>, vector<16x16xf32>, vector<16x192xf32> -> vector<16x256xf32>
    %slice3A_1715 = vector.extract_strided_slice %mul3A_443 {offsets = [3392, 0], sizes = [16, 16], strides = [1, 1]} : vector<4096x16xf32> to vector<16x16xf32>
    %broadcast_in_dim3A_1716 = arith.constant 0.000000e+00 : f32
    %broadcast_in_dim3A_1717 = vector.broadcast %broadcast_in_dim3A_1716 : f32 to vector<16x64xf32>
    %broadcast_in_dim3A_1718 = arith.constant 0.000000e+00 : f32
    %broadcast_in_dim3A_1719 = vector.broadcast %broadcast_in_dim3A_1718 : f32 to vector<16x176xf32>
    %concatenate3A_1720 = tpu.concatenate %broadcast_in_dim3A_1717, %slice3A_1715, %broadcast_in_dim3A_1719 in 1 : vector<16x64xf32>, vector<16x16xf32>, vector<16x176xf32> -> vector<16x256xf32>
    %slice3A_1721 = vector.extract_strided_slice %mul3A_443 {offsets = [3408, 0], sizes = [16, 16], strides = [1, 1]} : vector<4096x16xf32> to vector<16x16xf32>
    %broadcast_in_dim3A_1722 = arith.constant 0.000000e+00 : f32
    %broadcast_in_dim3A_1723 = vector.broadcast %broadcast_in_dim3A_1722 : f32 to vector<16x80xf32>
    %broadcast_in_dim3A_1724 = arith.constant 0.000000e+00 : f32
    %broadcast_in_dim3A_1725 = vector.broadcast %broadcast_in_dim3A_1724 : f32 to vector<16x160xf32>
    %concatenate3A_1726 = tpu.concatenate %broadcast_in_dim3A_1723, %slice3A_1721, %broadcast_in_dim3A_1725 in 1 : vector<16x80xf32>, vector<16x16xf32>, vector<16x160xf32> -> vector<16x256xf32>
    %slice3A_1727 = vector.extract_strided_slice %mul3A_443 {offsets = [3424, 0], sizes = [16, 16], strides = [1, 1]} : vector<4096x16xf32> to vector<16x16xf32>
    %broadcast_in_dim3A_1728 = arith.constant 0.000000e+00 : f32
    %broadcast_in_dim3A_1729 = vector.broadcast %broadcast_in_dim3A_1728 : f32 to vector<16x96xf32>
    %broadcast_in_dim3A_1730 = arith.constant 0.000000e+00 : f32
    %broadcast_in_dim3A_1731 = vector.broadcast %broadcast_in_dim3A_1730 : f32 to vector<16x144xf32>
    %concatenate3A_1732 = tpu.concatenate %broadcast_in_dim3A_1729, %slice3A_1727, %broadcast_in_dim3A_1731 in 1 : vector<16x96xf32>, vector<16x16xf32>, vector<16x144xf32> -> vector<16x256xf32>
    %slice3A_1733 = vector.extract_strided_slice %mul3A_443 {offsets = [3440, 0], sizes = [16, 16], strides = [1, 1]} : vector<4096x16xf32> to vector<16x16xf32>
    %broadcast_in_dim3A_1734 = arith.constant 0.000000e+00 : f32
    %broadcast_in_dim3A_1735 = vector.broadcast %broadcast_in_dim3A_1734 : f32 to vector<16x112xf32>
    %broadcast_in_dim3A_1736 = arith.constant 0.000000e+00 : f32
    %broadcast_in_dim3A_1737 = vector.broadcast %broadcast_in_dim3A_1736 : f32 to vector<16x128xf32>
    %concatenate3A_1738 = tpu.concatenate %broadcast_in_dim3A_1735, %slice3A_1733, %broadcast_in_dim3A_1737 in 1 : vector<16x112xf32>, vector<16x16xf32>, vector<16x128xf32> -> vector<16x256xf32>
    %slice3A_1739 = vector.extract_strided_slice %mul3A_443 {offsets = [3456, 0], sizes = [16, 16], strides = [1, 1]} : vector<4096x16xf32> to vector<16x16xf32>
    %broadcast_in_dim3A_1740 = arith.constant 0.000000e+00 : f32
    %broadcast_in_dim3A_1741 = vector.broadcast %broadcast_in_dim3A_1740 : f32 to vector<16x128xf32>
    %broadcast_in_dim3A_1742 = arith.constant 0.000000e+00 : f32
    %broadcast_in_dim3A_1743 = vector.broadcast %broadcast_in_dim3A_1742 : f32 to vector<16x112xf32>
    %concatenate3A_1744 = tpu.concatenate %broadcast_in_dim3A_1741, %slice3A_1739, %broadcast_in_dim3A_1743 in 1 : vector<16x128xf32>, vector<16x16xf32>, vector<16x112xf32> -> vector<16x256xf32>
    %slice3A_1745 = vector.extract_strided_slice %mul3A_443 {offsets = [3472, 0], sizes = [16, 16], strides = [1, 1]} : vector<4096x16xf32> to vector<16x16xf32>
    %broadcast_in_dim3A_1746 = arith.constant 0.000000e+00 : f32
    %broadcast_in_dim3A_1747 = vector.broadcast %broadcast_in_dim3A_1746 : f32 to vector<16x144xf32>
    %broadcast_in_dim3A_1748 = arith.constant 0.000000e+00 : f32
    %broadcast_in_dim3A_1749 = vector.broadcast %broadcast_in_dim3A_1748 : f32 to vector<16x96xf32>
    %concatenate3A_1750 = tpu.concatenate %broadcast_in_dim3A_1747, %slice3A_1745, %broadcast_in_dim3A_1749 in 1 : vector<16x144xf32>, vector<16x16xf32>, vector<16x96xf32> -> vector<16x256xf32>
    %slice3A_1751 = vector.extract_strided_slice %mul3A_443 {offsets = [3488, 0], sizes = [16, 16], strides = [1, 1]} : vector<4096x16xf32> to vector<16x16xf32>
    %broadcast_in_dim3A_1752 = arith.constant 0.000000e+00 : f32
    %broadcast_in_dim3A_1753 = vector.broadcast %broadcast_in_dim3A_1752 : f32 to vector<16x160xf32>
    %broadcast_in_dim3A_1754 = arith.constant 0.000000e+00 : f32
    %broadcast_in_dim3A_1755 = vector.broadcast %broadcast_in_dim3A_1754 : f32 to vector<16x80xf32>
    %concatenate3A_1756 = tpu.concatenate %broadcast_in_dim3A_1753, %slice3A_1751, %broadcast_in_dim3A_1755 in 1 : vector<16x160xf32>, vector<16x16xf32>, vector<16x80xf32> -> vector<16x256xf32>
    %slice3A_1757 = vector.extract_strided_slice %mul3A_443 {offsets = [3504, 0], sizes = [16, 16], strides = [1, 1]} : vector<4096x16xf32> to vector<16x16xf32>
    %broadcast_in_dim3A_1758 = arith.constant 0.000000e+00 : f32
    %broadcast_in_dim3A_1759 = vector.broadcast %broadcast_in_dim3A_1758 : f32 to vector<16x176xf32>
    %broadcast_in_dim3A_1760 = arith.constant 0.000000e+00 : f32
    %broadcast_in_dim3A_1761 = vector.broadcast %broadcast_in_dim3A_1760 : f32 to vector<16x64xf32>
    %concatenate3A_1762 = tpu.concatenate %broadcast_in_dim3A_1759, %slice3A_1757, %broadcast_in_dim3A_1761 in 1 : vector<16x176xf32>, vector<16x16xf32>, vector<16x64xf32> -> vector<16x256xf32>
    %slice3A_1763 = vector.extract_strided_slice %mul3A_443 {offsets = [3520, 0], sizes = [16, 16], strides = [1, 1]} : vector<4096x16xf32> to vector<16x16xf32>
    %broadcast_in_dim3A_1764 = arith.constant 0.000000e+00 : f32
    %broadcast_in_dim3A_1765 = vector.broadcast %broadcast_in_dim3A_1764 : f32 to vector<16x192xf32>
    %broadcast_in_dim3A_1766 = arith.constant 0.000000e+00 : f32
    %broadcast_in_dim3A_1767 = vector.broadcast %broadcast_in_dim3A_1766 : f32 to vector<16x48xf32>
    %concatenate3A_1768 = tpu.concatenate %broadcast_in_dim3A_1765, %slice3A_1763, %broadcast_in_dim3A_1767 in 1 : vector<16x192xf32>, vector<16x16xf32>, vector<16x48xf32> -> vector<16x256xf32>
    %slice3A_1769 = vector.extract_strided_slice %mul3A_443 {offsets = [3536, 0], sizes = [16, 16], strides = [1, 1]} : vector<4096x16xf32> to vector<16x16xf32>
    %broadcast_in_dim3A_1770 = arith.constant 0.000000e+00 : f32
    %broadcast_in_dim3A_1771 = vector.broadcast %broadcast_in_dim3A_1770 : f32 to vector<16x208xf32>
    %broadcast_in_dim3A_1772 = arith.constant 0.000000e+00 : f32
    %broadcast_in_dim3A_1773 = vector.broadcast %broadcast_in_dim3A_1772 : f32 to vector<16x32xf32>
    %concatenate3A_1774 = tpu.concatenate %broadcast_in_dim3A_1771, %slice3A_1769, %broadcast_in_dim3A_1773 in 1 : vector<16x208xf32>, vector<16x16xf32>, vector<16x32xf32> -> vector<16x256xf32>
    %slice3A_1775 = vector.extract_strided_slice %mul3A_443 {offsets = [3552, 0], sizes = [16, 16], strides = [1, 1]} : vector<4096x16xf32> to vector<16x16xf32>
    %broadcast_in_dim3A_1776 = arith.constant 0.000000e+00 : f32
    %broadcast_in_dim3A_1777 = vector.broadcast %broadcast_in_dim3A_1776 : f32 to vector<16x224xf32>
    %broadcast_in_dim3A_1778 = arith.constant 0.000000e+00 : f32
    %broadcast_in_dim3A_1779 = vector.broadcast %broadcast_in_dim3A_1778 : f32 to vector<16x16xf32>
    %concatenate3A_1780 = tpu.concatenate %broadcast_in_dim3A_1777, %slice3A_1775, %broadcast_in_dim3A_1779 in 1 : vector<16x224xf32>, vector<16x16xf32>, vector<16x16xf32> -> vector<16x256xf32>
    %slice3A_1781 = vector.extract_strided_slice %mul3A_443 {offsets = [3568, 0], sizes = [16, 16], strides = [1, 1]} : vector<4096x16xf32> to vector<16x16xf32>
    %broadcast_in_dim3A_1782 = arith.constant 0.000000e+00 : f32
    %broadcast_in_dim3A_1783 = vector.broadcast %broadcast_in_dim3A_1782 : f32 to vector<16x240xf32>
    %concatenate3A_1784 = tpu.concatenate %broadcast_in_dim3A_1783, %slice3A_1781 in 1 : vector<16x240xf32>, vector<16x16xf32> -> vector<16x256xf32>
    %concatenate3A_1785 = tpu.concatenate %concatenate3A_1696, %concatenate3A_1702, %concatenate3A_1708, %concatenate3A_1714, %concatenate3A_1720, %concatenate3A_1726, %concatenate3A_1732, %concatenate3A_1738, %concatenate3A_1744, %concatenate3A_1750, %concatenate3A_1756, %concatenate3A_1762, %concatenate3A_1768, %concatenate3A_1774, %concatenate3A_1780, %concatenate3A_1784 in 0 : vector<16x256xf32>, vector<16x256xf32>, vector<16x256xf32>, vector<16x256xf32>, vector<16x256xf32>, vector<16x256xf32>, vector<16x256xf32>, vector<16x256xf32>, vector<16x256xf32>, vector<16x256xf32>, vector<16x256xf32>, vector<16x256xf32>, vector<16x256xf32>, vector<16x256xf32>, vector<16x256xf32>, vector<16x256xf32> -> vector<256x256xf32>
    %dot_general3A_1786 = arith.constant dense<0.000000e+00> : vector<256x64xf32>
    %dot_general3A_1787 = tpu.matmul %concatenate3A_1785, %slice3A_1692, %dot_general3A_1786 {dimension_numbers = #tpu.dot_dimension_numbers<[1], [0], [0], [1], [0, 0, 1, 1], [], []>, precision = #tpu.contract_precision<fp32>, transpose_lhs_hint = false} : vector<256x256xf32>, vector<256x64xf32>, vector<256x64xf32> -> vector<256x64xf32>
    %slice3A_1788 = vector.extract_strided_slice %div3A_27 {offsets = [3584, 0], sizes = [256, 64], strides = [1, 1]} : vector<4096x64xf32> to vector<256x64xf32>
    %slice3A_1789 = vector.extract_strided_slice %mul3A_443 {offsets = [3584, 0], sizes = [16, 16], strides = [1, 1]} : vector<4096x16xf32> to vector<16x16xf32>
    %broadcast_in_dim3A_1790 = arith.constant 0.000000e+00 : f32
    %broadcast_in_dim3A_1791 = vector.broadcast %broadcast_in_dim3A_1790 : f32 to vector<16x240xf32>
    %concatenate3A_1792 = tpu.concatenate %slice3A_1789, %broadcast_in_dim3A_1791 in 1 : vector<16x16xf32>, vector<16x240xf32> -> vector<16x256xf32>
    %slice3A_1793 = vector.extract_strided_slice %mul3A_443 {offsets = [3600, 0], sizes = [16, 16], strides = [1, 1]} : vector<4096x16xf32> to vector<16x16xf32>
    %broadcast_in_dim3A_1794 = arith.constant 0.000000e+00 : f32
    %broadcast_in_dim3A_1795 = vector.broadcast %broadcast_in_dim3A_1794 : f32 to vector<16x16xf32>
    %broadcast_in_dim3A_1796 = arith.constant 0.000000e+00 : f32
    %broadcast_in_dim3A_1797 = vector.broadcast %broadcast_in_dim3A_1796 : f32 to vector<16x224xf32>
    %concatenate3A_1798 = tpu.concatenate %broadcast_in_dim3A_1795, %slice3A_1793, %broadcast_in_dim3A_1797 in 1 : vector<16x16xf32>, vector<16x16xf32>, vector<16x224xf32> -> vector<16x256xf32>
    %slice3A_1799 = vector.extract_strided_slice %mul3A_443 {offsets = [3616, 0], sizes = [16, 16], strides = [1, 1]} : vector<4096x16xf32> to vector<16x16xf32>
    %broadcast_in_dim3A_1800 = arith.constant 0.000000e+00 : f32
    %broadcast_in_dim3A_1801 = vector.broadcast %broadcast_in_dim3A_1800 : f32 to vector<16x32xf32>
    %broadcast_in_dim3A_1802 = arith.constant 0.000000e+00 : f32
    %broadcast_in_dim3A_1803 = vector.broadcast %broadcast_in_dim3A_1802 : f32 to vector<16x208xf32>
    %concatenate3A_1804 = tpu.concatenate %broadcast_in_dim3A_1801, %slice3A_1799, %broadcast_in_dim3A_1803 in 1 : vector<16x32xf32>, vector<16x16xf32>, vector<16x208xf32> -> vector<16x256xf32>
    %slice3A_1805 = vector.extract_strided_slice %mul3A_443 {offsets = [3632, 0], sizes = [16, 16], strides = [1, 1]} : vector<4096x16xf32> to vector<16x16xf32>
    %broadcast_in_dim3A_1806 = arith.constant 0.000000e+00 : f32
    %broadcast_in_dim3A_1807 = vector.broadcast %broadcast_in_dim3A_1806 : f32 to vector<16x48xf32>
    %broadcast_in_dim3A_1808 = arith.constant 0.000000e+00 : f32
    %broadcast_in_dim3A_1809 = vector.broadcast %broadcast_in_dim3A_1808 : f32 to vector<16x192xf32>
    %concatenate3A_1810 = tpu.concatenate %broadcast_in_dim3A_1807, %slice3A_1805, %broadcast_in_dim3A_1809 in 1 : vector<16x48xf32>, vector<16x16xf32>, vector<16x192xf32> -> vector<16x256xf32>
    %slice3A_1811 = vector.extract_strided_slice %mul3A_443 {offsets = [3648, 0], sizes = [16, 16], strides = [1, 1]} : vector<4096x16xf32> to vector<16x16xf32>
    %broadcast_in_dim3A_1812 = arith.constant 0.000000e+00 : f32
    %broadcast_in_dim3A_1813 = vector.broadcast %broadcast_in_dim3A_1812 : f32 to vector<16x64xf32>
    %broadcast_in_dim3A_1814 = arith.constant 0.000000e+00 : f32
    %broadcast_in_dim3A_1815 = vector.broadcast %broadcast_in_dim3A_1814 : f32 to vector<16x176xf32>
    %concatenate3A_1816 = tpu.concatenate %broadcast_in_dim3A_1813, %slice3A_1811, %broadcast_in_dim3A_1815 in 1 : vector<16x64xf32>, vector<16x16xf32>, vector<16x176xf32> -> vector<16x256xf32>
    %slice3A_1817 = vector.extract_strided_slice %mul3A_443 {offsets = [3664, 0], sizes = [16, 16], strides = [1, 1]} : vector<4096x16xf32> to vector<16x16xf32>
    %broadcast_in_dim3A_1818 = arith.constant 0.000000e+00 : f32
    %broadcast_in_dim3A_1819 = vector.broadcast %broadcast_in_dim3A_1818 : f32 to vector<16x80xf32>
    %broadcast_in_dim3A_1820 = arith.constant 0.000000e+00 : f32
    %broadcast_in_dim3A_1821 = vector.broadcast %broadcast_in_dim3A_1820 : f32 to vector<16x160xf32>
    %concatenate3A_1822 = tpu.concatenate %broadcast_in_dim3A_1819, %slice3A_1817, %broadcast_in_dim3A_1821 in 1 : vector<16x80xf32>, vector<16x16xf32>, vector<16x160xf32> -> vector<16x256xf32>
    %slice3A_1823 = vector.extract_strided_slice %mul3A_443 {offsets = [3680, 0], sizes = [16, 16], strides = [1, 1]} : vector<4096x16xf32> to vector<16x16xf32>
    %broadcast_in_dim3A_1824 = arith.constant 0.000000e+00 : f32
    %broadcast_in_dim3A_1825 = vector.broadcast %broadcast_in_dim3A_1824 : f32 to vector<16x96xf32>
    %broadcast_in_dim3A_1826 = arith.constant 0.000000e+00 : f32
    %broadcast_in_dim3A_1827 = vector.broadcast %broadcast_in_dim3A_1826 : f32 to vector<16x144xf32>
    %concatenate3A_1828 = tpu.concatenate %broadcast_in_dim3A_1825, %slice3A_1823, %broadcast_in_dim3A_1827 in 1 : vector<16x96xf32>, vector<16x16xf32>, vector<16x144xf32> -> vector<16x256xf32>
    %slice3A_1829 = vector.extract_strided_slice %mul3A_443 {offsets = [3696, 0], sizes = [16, 16], strides = [1, 1]} : vector<4096x16xf32> to vector<16x16xf32>
    %broadcast_in_dim3A_1830 = arith.constant 0.000000e+00 : f32
    %broadcast_in_dim3A_1831 = vector.broadcast %broadcast_in_dim3A_1830 : f32 to vector<16x112xf32>
    %broadcast_in_dim3A_1832 = arith.constant 0.000000e+00 : f32
    %broadcast_in_dim3A_1833 = vector.broadcast %broadcast_in_dim3A_1832 : f32 to vector<16x128xf32>
    %concatenate3A_1834 = tpu.concatenate %broadcast_in_dim3A_1831, %slice3A_1829, %broadcast_in_dim3A_1833 in 1 : vector<16x112xf32>, vector<16x16xf32>, vector<16x128xf32> -> vector<16x256xf32>
    %slice3A_1835 = vector.extract_strided_slice %mul3A_443 {offsets = [3712, 0], sizes = [16, 16], strides = [1, 1]} : vector<4096x16xf32> to vector<16x16xf32>
    %broadcast_in_dim3A_1836 = arith.constant 0.000000e+00 : f32
    %broadcast_in_dim3A_1837 = vector.broadcast %broadcast_in_dim3A_1836 : f32 to vector<16x128xf32>
    %broadcast_in_dim3A_1838 = arith.constant 0.000000e+00 : f32
    %broadcast_in_dim3A_1839 = vector.broadcast %broadcast_in_dim3A_1838 : f32 to vector<16x112xf32>
    %concatenate3A_1840 = tpu.concatenate %broadcast_in_dim3A_1837, %slice3A_1835, %broadcast_in_dim3A_1839 in 1 : vector<16x128xf32>, vector<16x16xf32>, vector<16x112xf32> -> vector<16x256xf32>
    %slice3A_1841 = vector.extract_strided_slice %mul3A_443 {offsets = [3728, 0], sizes = [16, 16], strides = [1, 1]} : vector<4096x16xf32> to vector<16x16xf32>
    %broadcast_in_dim3A_1842 = arith.constant 0.000000e+00 : f32
    %broadcast_in_dim3A_1843 = vector.broadcast %broadcast_in_dim3A_1842 : f32 to vector<16x144xf32>
    %broadcast_in_dim3A_1844 = arith.constant 0.000000e+00 : f32
    %broadcast_in_dim3A_1845 = vector.broadcast %broadcast_in_dim3A_1844 : f32 to vector<16x96xf32>
    %concatenate3A_1846 = tpu.concatenate %broadcast_in_dim3A_1843, %slice3A_1841, %broadcast_in_dim3A_1845 in 1 : vector<16x144xf32>, vector<16x16xf32>, vector<16x96xf32> -> vector<16x256xf32>
    %slice3A_1847 = vector.extract_strided_slice %mul3A_443 {offsets = [3744, 0], sizes = [16, 16], strides = [1, 1]} : vector<4096x16xf32> to vector<16x16xf32>
    %broadcast_in_dim3A_1848 = arith.constant 0.000000e+00 : f32
    %broadcast_in_dim3A_1849 = vector.broadcast %broadcast_in_dim3A_1848 : f32 to vector<16x160xf32>
    %broadcast_in_dim3A_1850 = arith.constant 0.000000e+00 : f32
    %broadcast_in_dim3A_1851 = vector.broadcast %broadcast_in_dim3A_1850 : f32 to vector<16x80xf32>
    %concatenate3A_1852 = tpu.concatenate %broadcast_in_dim3A_1849, %slice3A_1847, %broadcast_in_dim3A_1851 in 1 : vector<16x160xf32>, vector<16x16xf32>, vector<16x80xf32> -> vector<16x256xf32>
    %slice3A_1853 = vector.extract_strided_slice %mul3A_443 {offsets = [3760, 0], sizes = [16, 16], strides = [1, 1]} : vector<4096x16xf32> to vector<16x16xf32>
    %broadcast_in_dim3A_1854 = arith.constant 0.000000e+00 : f32
    %broadcast_in_dim3A_1855 = vector.broadcast %broadcast_in_dim3A_1854 : f32 to vector<16x176xf32>
    %broadcast_in_dim3A_1856 = arith.constant 0.000000e+00 : f32
    %broadcast_in_dim3A_1857 = vector.broadcast %broadcast_in_dim3A_1856 : f32 to vector<16x64xf32>
    %concatenate3A_1858 = tpu.concatenate %broadcast_in_dim3A_1855, %slice3A_1853, %broadcast_in_dim3A_1857 in 1 : vector<16x176xf32>, vector<16x16xf32>, vector<16x64xf32> -> vector<16x256xf32>
    %slice3A_1859 = vector.extract_strided_slice %mul3A_443 {offsets = [3776, 0], sizes = [16, 16], strides = [1, 1]} : vector<4096x16xf32> to vector<16x16xf32>
    %broadcast_in_dim3A_1860 = arith.constant 0.000000e+00 : f32
    %broadcast_in_dim3A_1861 = vector.broadcast %broadcast_in_dim3A_1860 : f32 to vector<16x192xf32>
    %broadcast_in_dim3A_1862 = arith.constant 0.000000e+00 : f32
    %broadcast_in_dim3A_1863 = vector.broadcast %broadcast_in_dim3A_1862 : f32 to vector<16x48xf32>
    %concatenate3A_1864 = tpu.concatenate %broadcast_in_dim3A_1861, %slice3A_1859, %broadcast_in_dim3A_1863 in 1 : vector<16x192xf32>, vector<16x16xf32>, vector<16x48xf32> -> vector<16x256xf32>
    %slice3A_1865 = vector.extract_strided_slice %mul3A_443 {offsets = [3792, 0], sizes = [16, 16], strides = [1, 1]} : vector<4096x16xf32> to vector<16x16xf32>
    %broadcast_in_dim3A_1866 = arith.constant 0.000000e+00 : f32
    %broadcast_in_dim3A_1867 = vector.broadcast %broadcast_in_dim3A_1866 : f32 to vector<16x208xf32>
    %broadcast_in_dim3A_1868 = arith.constant 0.000000e+00 : f32
    %broadcast_in_dim3A_1869 = vector.broadcast %broadcast_in_dim3A_1868 : f32 to vector<16x32xf32>
    %concatenate3A_1870 = tpu.concatenate %broadcast_in_dim3A_1867, %slice3A_1865, %broadcast_in_dim3A_1869 in 1 : vector<16x208xf32>, vector<16x16xf32>, vector<16x32xf32> -> vector<16x256xf32>
    %slice3A_1871 = vector.extract_strided_slice %mul3A_443 {offsets = [3808, 0], sizes = [16, 16], strides = [1, 1]} : vector<4096x16xf32> to vector<16x16xf32>
    %broadcast_in_dim3A_1872 = arith.constant 0.000000e+00 : f32
    %broadcast_in_dim3A_1873 = vector.broadcast %broadcast_in_dim3A_1872 : f32 to vector<16x224xf32>
    %broadcast_in_dim3A_1874 = arith.constant 0.000000e+00 : f32
    %broadcast_in_dim3A_1875 = vector.broadcast %broadcast_in_dim3A_1874 : f32 to vector<16x16xf32>
    %concatenate3A_1876 = tpu.concatenate %broadcast_in_dim3A_1873, %slice3A_1871, %broadcast_in_dim3A_1875 in 1 : vector<16x224xf32>, vector<16x16xf32>, vector<16x16xf32> -> vector<16x256xf32>
    %slice3A_1877 = vector.extract_strided_slice %mul3A_443 {offsets = [3824, 0], sizes = [16, 16], strides = [1, 1]} : vector<4096x16xf32> to vector<16x16xf32>
    %broadcast_in_dim3A_1878 = arith.constant 0.000000e+00 : f32
    %broadcast_in_dim3A_1879 = vector.broadcast %broadcast_in_dim3A_1878 : f32 to vector<16x240xf32>
    %concatenate3A_1880 = tpu.concatenate %broadcast_in_dim3A_1879, %slice3A_1877 in 1 : vector<16x240xf32>, vector<16x16xf32> -> vector<16x256xf32>
    %concatenate3A_1881 = tpu.concatenate %concatenate3A_1792, %concatenate3A_1798, %concatenate3A_1804, %concatenate3A_1810, %concatenate3A_1816, %concatenate3A_1822, %concatenate3A_1828, %concatenate3A_1834, %concatenate3A_1840, %concatenate3A_1846, %concatenate3A_1852, %concatenate3A_1858, %concatenate3A_1864, %concatenate3A_1870, %concatenate3A_1876, %concatenate3A_1880 in 0 : vector<16x256xf32>, vector<16x256xf32>, vector<16x256xf32>, vector<16x256xf32>, vector<16x256xf32>, vector<16x256xf32>, vector<16x256xf32>, vector<16x256xf32>, vector<16x256xf32>, vector<16x256xf32>, vector<16x256xf32>, vector<16x256xf32>, vector<16x256xf32>, vector<16x256xf32>, vector<16x256xf32>, vector<16x256xf32> -> vector<256x256xf32>
    %dot_general3A_1882 = arith.constant dense<0.000000e+00> : vector<256x64xf32>
    %dot_general3A_1883 = tpu.matmul %concatenate3A_1881, %slice3A_1788, %dot_general3A_1882 {dimension_numbers = #tpu.dot_dimension_numbers<[1], [0], [0], [1], [0, 0, 1, 1], [], []>, precision = #tpu.contract_precision<fp32>, transpose_lhs_hint = false} : vector<256x256xf32>, vector<256x64xf32>, vector<256x64xf32> -> vector<256x64xf32>
    %slice3A_1884 = vector.extract_strided_slice %div3A_27 {offsets = [3840, 0], sizes = [256, 64], strides = [1, 1]} : vector<4096x64xf32> to vector<256x64xf32>
    %slice3A_1885 = vector.extract_strided_slice %mul3A_443 {offsets = [3840, 0], sizes = [16, 16], strides = [1, 1]} : vector<4096x16xf32> to vector<16x16xf32>
    %broadcast_in_dim3A_1886 = arith.constant 0.000000e+00 : f32
    %broadcast_in_dim3A_1887 = vector.broadcast %broadcast_in_dim3A_1886 : f32 to vector<16x240xf32>
    %concatenate3A_1888 = tpu.concatenate %slice3A_1885, %broadcast_in_dim3A_1887 in 1 : vector<16x16xf32>, vector<16x240xf32> -> vector<16x256xf32>
    %slice3A_1889 = vector.extract_strided_slice %mul3A_443 {offsets = [3856, 0], sizes = [16, 16], strides = [1, 1]} : vector<4096x16xf32> to vector<16x16xf32>
    %broadcast_in_dim3A_1890 = arith.constant 0.000000e+00 : f32
    %broadcast_in_dim3A_1891 = vector.broadcast %broadcast_in_dim3A_1890 : f32 to vector<16x16xf32>
    %broadcast_in_dim3A_1892 = arith.constant 0.000000e+00 : f32
    %broadcast_in_dim3A_1893 = vector.broadcast %broadcast_in_dim3A_1892 : f32 to vector<16x224xf32>
    %concatenate3A_1894 = tpu.concatenate %broadcast_in_dim3A_1891, %slice3A_1889, %broadcast_in_dim3A_1893 in 1 : vector<16x16xf32>, vector<16x16xf32>, vector<16x224xf32> -> vector<16x256xf32>
    %slice3A_1895 = vector.extract_strided_slice %mul3A_443 {offsets = [3872, 0], sizes = [16, 16], strides = [1, 1]} : vector<4096x16xf32> to vector<16x16xf32>
    %broadcast_in_dim3A_1896 = arith.constant 0.000000e+00 : f32
    %broadcast_in_dim3A_1897 = vector.broadcast %broadcast_in_dim3A_1896 : f32 to vector<16x32xf32>
    %broadcast_in_dim3A_1898 = arith.constant 0.000000e+00 : f32
    %broadcast_in_dim3A_1899 = vector.broadcast %broadcast_in_dim3A_1898 : f32 to vector<16x208xf32>
    %concatenate3A_1900 = tpu.concatenate %broadcast_in_dim3A_1897, %slice3A_1895, %broadcast_in_dim3A_1899 in 1 : vector<16x32xf32>, vector<16x16xf32>, vector<16x208xf32> -> vector<16x256xf32>
    %slice3A_1901 = vector.extract_strided_slice %mul3A_443 {offsets = [3888, 0], sizes = [16, 16], strides = [1, 1]} : vector<4096x16xf32> to vector<16x16xf32>
    %broadcast_in_dim3A_1902 = arith.constant 0.000000e+00 : f32
    %broadcast_in_dim3A_1903 = vector.broadcast %broadcast_in_dim3A_1902 : f32 to vector<16x48xf32>
    %broadcast_in_dim3A_1904 = arith.constant 0.000000e+00 : f32
    %broadcast_in_dim3A_1905 = vector.broadcast %broadcast_in_dim3A_1904 : f32 to vector<16x192xf32>
    %concatenate3A_1906 = tpu.concatenate %broadcast_in_dim3A_1903, %slice3A_1901, %broadcast_in_dim3A_1905 in 1 : vector<16x48xf32>, vector<16x16xf32>, vector<16x192xf32> -> vector<16x256xf32>
    %slice3A_1907 = vector.extract_strided_slice %mul3A_443 {offsets = [3904, 0], sizes = [16, 16], strides = [1, 1]} : vector<4096x16xf32> to vector<16x16xf32>
    %broadcast_in_dim3A_1908 = arith.constant 0.000000e+00 : f32
    %broadcast_in_dim3A_1909 = vector.broadcast %broadcast_in_dim3A_1908 : f32 to vector<16x64xf32>
    %broadcast_in_dim3A_1910 = arith.constant 0.000000e+00 : f32
    %broadcast_in_dim3A_1911 = vector.broadcast %broadcast_in_dim3A_1910 : f32 to vector<16x176xf32>
    %concatenate3A_1912 = tpu.concatenate %broadcast_in_dim3A_1909, %slice3A_1907, %broadcast_in_dim3A_1911 in 1 : vector<16x64xf32>, vector<16x16xf32>, vector<16x176xf32> -> vector<16x256xf32>
    %slice3A_1913 = vector.extract_strided_slice %mul3A_443 {offsets = [3920, 0], sizes = [16, 16], strides = [1, 1]} : vector<4096x16xf32> to vector<16x16xf32>
    %broadcast_in_dim3A_1914 = arith.constant 0.000000e+00 : f32
    %broadcast_in_dim3A_1915 = vector.broadcast %broadcast_in_dim3A_1914 : f32 to vector<16x80xf32>
    %broadcast_in_dim3A_1916 = arith.constant 0.000000e+00 : f32
    %broadcast_in_dim3A_1917 = vector.broadcast %broadcast_in_dim3A_1916 : f32 to vector<16x160xf32>
    %concatenate3A_1918 = tpu.concatenate %broadcast_in_dim3A_1915, %slice3A_1913, %broadcast_in_dim3A_1917 in 1 : vector<16x80xf32>, vector<16x16xf32>, vector<16x160xf32> -> vector<16x256xf32>
    %slice3A_1919 = vector.extract_strided_slice %mul3A_443 {offsets = [3936, 0], sizes = [16, 16], strides = [1, 1]} : vector<4096x16xf32> to vector<16x16xf32>
    %broadcast_in_dim3A_1920 = arith.constant 0.000000e+00 : f32
    %broadcast_in_dim3A_1921 = vector.broadcast %broadcast_in_dim3A_1920 : f32 to vector<16x96xf32>
    %broadcast_in_dim3A_1922 = arith.constant 0.000000e+00 : f32
    %broadcast_in_dim3A_1923 = vector.broadcast %broadcast_in_dim3A_1922 : f32 to vector<16x144xf32>
    %concatenate3A_1924 = tpu.concatenate %broadcast_in_dim3A_1921, %slice3A_1919, %broadcast_in_dim3A_1923 in 1 : vector<16x96xf32>, vector<16x16xf32>, vector<16x144xf32> -> vector<16x256xf32>
    %slice3A_1925 = vector.extract_strided_slice %mul3A_443 {offsets = [3952, 0], sizes = [16, 16], strides = [1, 1]} : vector<4096x16xf32> to vector<16x16xf32>
    %broadcast_in_dim3A_1926 = arith.constant 0.000000e+00 : f32
    %broadcast_in_dim3A_1927 = vector.broadcast %broadcast_in_dim3A_1926 : f32 to vector<16x112xf32>
    %broadcast_in_dim3A_1928 = arith.constant 0.000000e+00 : f32
    %broadcast_in_dim3A_1929 = vector.broadcast %broadcast_in_dim3A_1928 : f32 to vector<16x128xf32>
    %concatenate3A_1930 = tpu.concatenate %broadcast_in_dim3A_1927, %slice3A_1925, %broadcast_in_dim3A_1929 in 1 : vector<16x112xf32>, vector<16x16xf32>, vector<16x128xf32> -> vector<16x256xf32>
    %slice3A_1931 = vector.extract_strided_slice %mul3A_443 {offsets = [3968, 0], sizes = [16, 16], strides = [1, 1]} : vector<4096x16xf32> to vector<16x16xf32>
    %broadcast_in_dim3A_1932 = arith.constant 0.000000e+00 : f32
    %broadcast_in_dim3A_1933 = vector.broadcast %broadcast_in_dim3A_1932 : f32 to vector<16x128xf32>
    %broadcast_in_dim3A_1934 = arith.constant 0.000000e+00 : f32
    %broadcast_in_dim3A_1935 = vector.broadcast %broadcast_in_dim3A_1934 : f32 to vector<16x112xf32>
    %concatenate3A_1936 = tpu.concatenate %broadcast_in_dim3A_1933, %slice3A_1931, %broadcast_in_dim3A_1935 in 1 : vector<16x128xf32>, vector<16x16xf32>, vector<16x112xf32> -> vector<16x256xf32>
    %slice3A_1937 = vector.extract_strided_slice %mul3A_443 {offsets = [3984, 0], sizes = [16, 16], strides = [1, 1]} : vector<4096x16xf32> to vector<16x16xf32>
    %broadcast_in_dim3A_1938 = arith.constant 0.000000e+00 : f32
    %broadcast_in_dim3A_1939 = vector.broadcast %broadcast_in_dim3A_1938 : f32 to vector<16x144xf32>
    %broadcast_in_dim3A_1940 = arith.constant 0.000000e+00 : f32
    %broadcast_in_dim3A_1941 = vector.broadcast %broadcast_in_dim3A_1940 : f32 to vector<16x96xf32>
    %concatenate3A_1942 = tpu.concatenate %broadcast_in_dim3A_1939, %slice3A_1937, %broadcast_in_dim3A_1941 in 1 : vector<16x144xf32>, vector<16x16xf32>, vector<16x96xf32> -> vector<16x256xf32>
    %slice3A_1943 = vector.extract_strided_slice %mul3A_443 {offsets = [4000, 0], sizes = [16, 16], strides = [1, 1]} : vector<4096x16xf32> to vector<16x16xf32>
    %broadcast_in_dim3A_1944 = arith.constant 0.000000e+00 : f32
    %broadcast_in_dim3A_1945 = vector.broadcast %broadcast_in_dim3A_1944 : f32 to vector<16x160xf32>
    %broadcast_in_dim3A_1946 = arith.constant 0.000000e+00 : f32
    %broadcast_in_dim3A_1947 = vector.broadcast %broadcast_in_dim3A_1946 : f32 to vector<16x80xf32>
    %concatenate3A_1948 = tpu.concatenate %broadcast_in_dim3A_1945, %slice3A_1943, %broadcast_in_dim3A_1947 in 1 : vector<16x160xf32>, vector<16x16xf32>, vector<16x80xf32> -> vector<16x256xf32>
    %slice3A_1949 = vector.extract_strided_slice %mul3A_443 {offsets = [4016, 0], sizes = [16, 16], strides = [1, 1]} : vector<4096x16xf32> to vector<16x16xf32>
    %broadcast_in_dim3A_1950 = arith.constant 0.000000e+00 : f32
    %broadcast_in_dim3A_1951 = vector.broadcast %broadcast_in_dim3A_1950 : f32 to vector<16x176xf32>
    %broadcast_in_dim3A_1952 = arith.constant 0.000000e+00 : f32
    %broadcast_in_dim3A_1953 = vector.broadcast %broadcast_in_dim3A_1952 : f32 to vector<16x64xf32>
    %concatenate3A_1954 = tpu.concatenate %broadcast_in_dim3A_1951, %slice3A_1949, %broadcast_in_dim3A_1953 in 1 : vector<16x176xf32>, vector<16x16xf32>, vector<16x64xf32> -> vector<16x256xf32>
    %slice3A_1955 = vector.extract_strided_slice %mul3A_443 {offsets = [4032, 0], sizes = [16, 16], strides = [1, 1]} : vector<4096x16xf32> to vector<16x16xf32>
    %broadcast_in_dim3A_1956 = arith.constant 0.000000e+00 : f32
    %broadcast_in_dim3A_1957 = vector.broadcast %broadcast_in_dim3A_1956 : f32 to vector<16x192xf32>
    %broadcast_in_dim3A_1958 = arith.constant 0.000000e+00 : f32
    %broadcast_in_dim3A_1959 = vector.broadcast %broadcast_in_dim3A_1958 : f32 to vector<16x48xf32>
    %concatenate3A_1960 = tpu.concatenate %broadcast_in_dim3A_1957, %slice3A_1955, %broadcast_in_dim3A_1959 in 1 : vector<16x192xf32>, vector<16x16xf32>, vector<16x48xf32> -> vector<16x256xf32>
    %slice3A_1961 = vector.extract_strided_slice %mul3A_443 {offsets = [4048, 0], sizes = [16, 16], strides = [1, 1]} : vector<4096x16xf32> to vector<16x16xf32>
    %broadcast_in_dim3A_1962 = arith.constant 0.000000e+00 : f32
    %broadcast_in_dim3A_1963 = vector.broadcast %broadcast_in_dim3A_1962 : f32 to vector<16x208xf32>
    %broadcast_in_dim3A_1964 = arith.constant 0.000000e+00 : f32
    %broadcast_in_dim3A_1965 = vector.broadcast %broadcast_in_dim3A_1964 : f32 to vector<16x32xf32>
    %concatenate3A_1966 = tpu.concatenate %broadcast_in_dim3A_1963, %slice3A_1961, %broadcast_in_dim3A_1965 in 1 : vector<16x208xf32>, vector<16x16xf32>, vector<16x32xf32> -> vector<16x256xf32>
    %slice3A_1967 = vector.extract_strided_slice %mul3A_443 {offsets = [4064, 0], sizes = [16, 16], strides = [1, 1]} : vector<4096x16xf32> to vector<16x16xf32>
    %broadcast_in_dim3A_1968 = arith.constant 0.000000e+00 : f32
    %broadcast_in_dim3A_1969 = vector.broadcast %broadcast_in_dim3A_1968 : f32 to vector<16x224xf32>
    %broadcast_in_dim3A_1970 = arith.constant 0.000000e+00 : f32
    %broadcast_in_dim3A_1971 = vector.broadcast %broadcast_in_dim3A_1970 : f32 to vector<16x16xf32>
    %concatenate3A_1972 = tpu.concatenate %broadcast_in_dim3A_1969, %slice3A_1967, %broadcast_in_dim3A_1971 in 1 : vector<16x224xf32>, vector<16x16xf32>, vector<16x16xf32> -> vector<16x256xf32>
    %slice3A_1973 = vector.extract_strided_slice %mul3A_443 {offsets = [4080, 0], sizes = [16, 16], strides = [1, 1]} : vector<4096x16xf32> to vector<16x16xf32>
    %broadcast_in_dim3A_1974 = arith.constant 0.000000e+00 : f32
    %broadcast_in_dim3A_1975 = vector.broadcast %broadcast_in_dim3A_1974 : f32 to vector<16x240xf32>
    %concatenate3A_1976 = tpu.concatenate %broadcast_in_dim3A_1975, %slice3A_1973 in 1 : vector<16x240xf32>, vector<16x16xf32> -> vector<16x256xf32>
    %concatenate3A_1977 = tpu.concatenate %concatenate3A_1888, %concatenate3A_1894, %concatenate3A_1900, %concatenate3A_1906, %concatenate3A_1912, %concatenate3A_1918, %concatenate3A_1924, %concatenate3A_1930, %concatenate3A_1936, %concatenate3A_1942, %concatenate3A_1948, %concatenate3A_1954, %concatenate3A_1960, %concatenate3A_1966, %concatenate3A_1972, %concatenate3A_1976 in 0 : vector<16x256xf32>, vector<16x256xf32>, vector<16x256xf32>, vector<16x256xf32>, vector<16x256xf32>, vector<16x256xf32>, vector<16x256xf32>, vector<16x256xf32>, vector<16x256xf32>, vector<16x256xf32>, vector<16x256xf32>, vector<16x256xf32>, vector<16x256xf32>, vector<16x256xf32>, vector<16x256xf32>, vector<16x256xf32> -> vector<256x256xf32>
    %dot_general3A_1978 = arith.constant dense<0.000000e+00> : vector<256x64xf32>
    %dot_general3A_1979 = tpu.matmul %concatenate3A_1977, %slice3A_1884, %dot_general3A_1978 {dimension_numbers = #tpu.dot_dimension_numbers<[1], [0], [0], [1], [0, 0, 1, 1], [], []>, precision = #tpu.contract_precision<fp32>, transpose_lhs_hint = false} : vector<256x256xf32>, vector<256x64xf32>, vector<256x64xf32> -> vector<256x64xf32>
    %concatenate3A_1980 = tpu.concatenate %dot_general3A_539, %dot_general3A_635, %dot_general3A_731, %dot_general3A_827, %dot_general3A_923, %dot_general3A_1019, %dot_general3A_1115, %dot_general3A_1211, %dot_general3A_1307, %dot_general3A_1403, %dot_general3A_1499, %dot_general3A_1595, %dot_general3A_1691, %dot_general3A_1787, %dot_general3A_1883, %dot_general3A_1979 in 0 : vector<256x64xf32>, vector<256x64xf32>, vector<256x64xf32>, vector<256x64xf32>, vector<256x64xf32>, vector<256x64xf32>, vector<256x64xf32>, vector<256x64xf32>, vector<256x64xf32>, vector<256x64xf32>, vector<256x64xf32>, vector<256x64xf32>, vector<256x64xf32>, vector<256x64xf32>, vector<256x64xf32>, vector<256x64xf32> -> vector<4096x64xf32>
    %mul3A_1981 = arith.mulf %concatenate3A_1980, %concatenate3A_1980 : vector<4096x64xf32>
    %reduce_sum3A_1982 = arith.constant dense<0.000000e+00> : vector<4096xf32>
    %reduce_sum3A_1983 = vector.multi_reduction <add>, %mul3A_1981, %reduce_sum3A_1982 [1] : vector<4096x64xf32> to vector<4096xf32>
    %broadcast_in_dim3A_1984 = vector.shape_cast %reduce_sum3A_1983 : vector<4096xf32> to vector<4096x1xf32>
    %add3A_1985 = arith.constant 1.000000e-15 : f32
    %add3A_1986 = vector.broadcast %add3A_1985 : f32 to vector<4096x1xf32>
    %add3A_1987 = arith.addf %broadcast_in_dim3A_1984, %add3A_1986 : vector<4096x1xf32>
    %sqrt3A_1988 = math.sqrt %add3A_1987 : vector<4096x1xf32>
    %tanh3A_1989 = math.tanh %sqrt3A_1988 : vector<4096x1xf32>
    %mul3A_1990 = vector.broadcast %tanh3A_1989 : vector<4096x1xf32> to vector<4096x64xf32>
    %mul3A_1991 = arith.mulf %mul3A_1990, %concatenate3A_1980 : vector<4096x64xf32>
    %max3A_1992 = arith.constant 1.000000e-10 : f32
    %max3A_1993 = vector.broadcast %max3A_1992 : f32 to vector<4096x1xf32>
    %max3A_1994 = arith.maximumf %sqrt3A_1988, %max3A_1993 : vector<4096x1xf32>
    %div3A_1995 = vector.broadcast %max3A_1994 : vector<4096x1xf32> to vector<4096x64xf32>
    %div3A_1996 = arith.divf %mul3A_1991, %div3A_1995 : vector<4096x64xf32>
    %mul3A_1997 = arith.mulf %div3A_1996, %div3A_1996 : vector<4096x64xf32>
    %reduce_sum3A_1998 = arith.constant dense<0.000000e+00> : vector<4096xf32>
    %reduce_sum3A_1999 = vector.multi_reduction <add>, %mul3A_1997, %reduce_sum3A_1998 [1] : vector<4096x64xf32> to vector<4096xf32>
    %broadcast_in_dim3A_2000 = vector.shape_cast %reduce_sum3A_1999 : vector<4096xf32> to vector<4096x1xf32>
    %add3A_2001 = arith.constant 1.000000e-15 : f32
    %add3A_2002 = vector.broadcast %add3A_2001 : f32 to vector<4096x1xf32>
    %add3A_2003 = arith.addf %broadcast_in_dim3A_2000, %add3A_2002 : vector<4096x1xf32>
    %sqrt3A_2004 = math.sqrt %add3A_2003 : vector<4096x1xf32>
    %jit3A_2005 = arith.constant -0.999989986 : f32
    %jit3A_2006 = arith.constant 0.999989986 : f32
    %max3A_2007 = vector.broadcast %jit3A_2005 : f32 to vector<4096x1xf32>
    %max3A_2008 = arith.maximumf %max3A_2007, %sqrt3A_2004 : vector<4096x1xf32>
    %min3A_2009 = vector.broadcast %jit3A_2006 : f32 to vector<4096x1xf32>
    %min3A_2010 = arith.minimumf %min3A_2009, %max3A_2008 : vector<4096x1xf32>
    %log1p3A_2011 = math.log1p %min3A_2010 : vector<4096x1xf32>
    %neg3A_2012 = arith.constant 0.000000e+00 : f32
    %neg3A_2013 = vector.broadcast %neg3A_2012 : f32 to vector<4096x1xf32>
    %neg3A_2014 = arith.subf %neg3A_2013, %min3A_2010 : vector<4096x1xf32>
    %log1p3A_2015 = math.log1p %neg3A_2014 : vector<4096x1xf32>
    %sub3A_2016 = arith.subf %log1p3A_2011, %log1p3A_2015 : vector<4096x1xf32>
    %mul3A_2017 = arith.constant 5.000000e-01 : f32
    %mul3A_2018 = vector.broadcast %mul3A_2017 : f32 to vector<4096x1xf32>
    %mul3A_2019 = arith.mulf %mul3A_2018, %sub3A_2016 : vector<4096x1xf32>
    %mul3A_2020 = arith.mulf %get3A_7, %get3A_7 : vector<256x64xf32>
    %reduce_sum3A_2021 = arith.constant dense<0.000000e+00> : vector<256xf32>
    %reduce_sum3A_2022 = vector.multi_reduction <add>, %mul3A_2020, %reduce_sum3A_2021 [1] : vector<256x64xf32> to vector<256xf32>
    %broadcast_in_dim3A_2023 = vector.shape_cast %reduce_sum3A_2022 : vector<256xf32> to vector<256x1xf32>
    %reshape3A_2024 = vector.shape_cast %broadcast_in_dim3A_2000 : vector<4096x1xf32> to vector<256x16xf32>
    %reshape3A_2025 = vector.shape_cast %sqrt3A_2004 : vector<4096x1xf32> to vector<256x16xf32>
    %reshape3A_2026 = vector.shape_cast %mul3A_2019 : vector<4096x1xf32> to vector<256x16xf32>
    %broadcast_in_dim3A_2027 = vector.shape_cast %get3A_7 : vector<256x64xf32> to vector<256x1x64xf32>
    %broadcast_in_dim3A_2028 = vector.shape_cast %broadcast_in_dim3A_2027 : vector<256x1x64xf32> to vector<256x1x64xf32>
    %broadcast_in_dim3A_2029 = vector.broadcast %broadcast_in_dim3A_2028 : vector<256x1x64xf32> to vector<256x16x64xf32>
    %reshape3A_2030 = vector.shape_cast %broadcast_in_dim3A_2029 : vector<256x16x64xf32> to vector<4096x64xf32>
    %mul3A_2031 = arith.mulf %reshape3A_2030, %div3A_1996 : vector<4096x64xf32>
    %reduce_sum3A_2032 = arith.constant dense<0.000000e+00> : vector<4096xf32>
    %reduce_sum3A_2033 = vector.multi_reduction <add>, %mul3A_2031, %reduce_sum3A_2032 [1] : vector<4096x64xf32> to vector<4096xf32>
    %reshape3A_2034 = vector.shape_cast %reduce_sum3A_2033 : vector<4096xf32> to vector<256x16xf32>
    %mul3A_2035 = arith.constant 2.000000e+00 : f32
    %mul3A_2036 = vector.broadcast %mul3A_2035 : f32 to vector<256x16xf32>
    %mul3A_2037 = arith.mulf %mul3A_2036, %reshape3A_2034 : vector<256x16xf32>
    %sub3A_2038 = arith.constant 1.000000e+00 : f32
    %sub3A_2039 = vector.broadcast %sub3A_2038 : f32 to vector<256x16xf32>
    %sub3A_2040 = arith.subf %sub3A_2039, %mul3A_2037 : vector<256x16xf32>
    %add3A_2041 = arith.addf %sub3A_2040, %reshape3A_2024 : vector<256x16xf32>
    %sub3A_2042 = arith.constant 1.000000e+00 : f32
    %sub3A_2043 = vector.broadcast %sub3A_2042 : f32 to vector<256x1xf32>
    %sub3A_2044 = arith.subf %sub3A_2043, %broadcast_in_dim3A_2023 : vector<256x1xf32>
    %mul3A_2045 = arith.mulf %add3A_2041, %add3A_2041 : vector<256x16xf32>
    %mul3A_2046 = vector.broadcast %broadcast_in_dim3A_2023 : vector<256x1xf32> to vector<256x16xf32>
    %mul3A_2047 = arith.mulf %mul3A_2045, %mul3A_2046 : vector<256x16xf32>
    %mul3A_2048 = arith.mulf %sub3A_2044, %sub3A_2044 : vector<256x1xf32>
    %mul3A_2049 = vector.broadcast %mul3A_2048 : vector<256x1xf32> to vector<256x16xf32>
    %mul3A_2050 = arith.mulf %mul3A_2049, %reshape3A_2024 : vector<256x16xf32>
    %add3A_2051 = arith.addf %mul3A_2047, %mul3A_2050 : vector<256x16xf32>
    %mul3A_2052 = arith.constant 2.000000e+00 : f32
    %mul3A_2053 = vector.broadcast %mul3A_2052 : f32 to vector<256x16xf32>
    %mul3A_2054 = arith.mulf %mul3A_2053, %add3A_2041 : vector<256x16xf32>
    %mul3A_2055 = vector.broadcast %sub3A_2044 : vector<256x1xf32> to vector<256x16xf32>
    %mul3A_2056 = arith.mulf %mul3A_2054, %mul3A_2055 : vector<256x16xf32>
    %mul3A_2057 = arith.mulf %mul3A_2056, %reshape3A_2034 : vector<256x16xf32>
    %sub3A_2058 = arith.subf %add3A_2051, %mul3A_2057 : vector<256x16xf32>
    %mul3A_2059 = arith.constant 2.000000e+00 : f32
    %mul3A_2060 = vector.broadcast %mul3A_2059 : f32 to vector<256x16xf32>
    %mul3A_2061 = arith.mulf %mul3A_2060, %reshape3A_2034 : vector<256x16xf32>
    %sub3A_2062 = arith.constant 1.000000e+00 : f32
    %sub3A_2063 = vector.broadcast %sub3A_2062 : f32 to vector<256x16xf32>
    %sub3A_2064 = arith.subf %sub3A_2063, %mul3A_2061 : vector<256x16xf32>
    %mul3A_2065 = vector.broadcast %broadcast_in_dim3A_2023 : vector<256x1xf32> to vector<256x16xf32>
    %mul3A_2066 = arith.mulf %mul3A_2065, %reshape3A_2024 : vector<256x16xf32>
    %add3A_2067 = arith.addf %sub3A_2064, %mul3A_2066 : vector<256x16xf32>
    %max3A_2068 = arith.constant 9.99999974E-6 : f32
    %max3A_2069 = vector.broadcast %max3A_2068 : f32 to vector<256x16xf32>
    %max3A_2070 = arith.maximumf %add3A_2067, %max3A_2069 : vector<256x16xf32>
    %max3A_2071 = arith.constant 0.000000e+00 : f32
    %max3A_2072 = vector.broadcast %max3A_2071 : f32 to vector<256x16xf32>
    %max3A_2073 = arith.maximumf %sub3A_2058, %max3A_2072 : vector<256x16xf32>
    %mul3A_2074 = arith.mulf %max3A_2070, %max3A_2070 : vector<256x16xf32>
    %div3A_2075 = arith.divf %max3A_2073, %mul3A_2074 : vector<256x16xf32>
    %add3A_2076 = arith.constant 1.000000e-15 : f32
    %add3A_2077 = vector.broadcast %add3A_2076 : f32 to vector<256x16xf32>
    %add3A_2078 = arith.addf %div3A_2075, %add3A_2077 : vector<256x16xf32>
    %sqrt3A_2079 = math.sqrt %add3A_2078 : vector<256x16xf32>
    %jit3A_2080 = arith.constant -0.999989986 : f32
    %jit3A_2081 = arith.constant 0.999989986 : f32
    %max3A_2082 = vector.broadcast %jit3A_2080 : f32 to vector<256x16xf32>
    %max3A_2083 = arith.maximumf %max3A_2082, %sqrt3A_2079 : vector<256x16xf32>
    %min3A_2084 = vector.broadcast %jit3A_2081 : f32 to vector<256x16xf32>
    %min3A_2085 = arith.minimumf %min3A_2084, %max3A_2083 : vector<256x16xf32>
    %log1p3A_2086 = math.log1p %min3A_2085 : vector<256x16xf32>
    %neg3A_2087 = arith.constant 0.000000e+00 : f32
    %neg3A_2088 = vector.broadcast %neg3A_2087 : f32 to vector<256x16xf32>
    %neg3A_2089 = arith.subf %neg3A_2088, %min3A_2085 : vector<256x16xf32>
    %log1p3A_2090 = math.log1p %neg3A_2089 : vector<256x16xf32>
    %sub3A_2091 = arith.subf %log1p3A_2086, %log1p3A_2090 : vector<256x16xf32>
    %mul3A_2092 = arith.constant 5.000000e-01 : f32
    %mul3A_2093 = vector.broadcast %mul3A_2092 : f32 to vector<256x16xf32>
    %mul3A_2094 = arith.mulf %mul3A_2093, %sub3A_2091 : vector<256x16xf32>
    %mul3A_2095 = arith.constant -2.000000e+00 : f32
    %mul3A_2096 = vector.broadcast %mul3A_2095 : f32 to vector<256x16xf32>
    %mul3A_2097 = arith.mulf %mul3A_2096, %mul3A_2094 : vector<256x16xf32>
    %reduce_max3A_2098 = arith.constant dense<0xFF800000> : vector<256xf32>
    %reduce_max3A_2099 = vector.multi_reduction <maximumf>, %mul3A_2097, %reduce_max3A_2098 [1] : vector<256x16xf32> to vector<256xf32>
    %broadcast_in_dim3A_2100 = vector.shape_cast %reduce_max3A_2099 : vector<256xf32> to vector<256x1xf32>
    %sub3A_2101 = vector.broadcast %broadcast_in_dim3A_2100 : vector<256x1xf32> to vector<256x16xf32>
    %sub3A_2102 = arith.subf %mul3A_2097, %sub3A_2101 : vector<256x16xf32>
    %exp3A_2103 = math.exp %sub3A_2102 : vector<256x16xf32>
    %reduce_sum3A_2104 = arith.constant dense<0.000000e+00> : vector<256xf32>
    %reduce_sum3A_2105 = vector.multi_reduction <add>, %exp3A_2103, %reduce_sum3A_2104 [1] : vector<256x16xf32> to vector<256xf32>
    %broadcast_in_dim3A_2106 = vector.shape_cast %reduce_sum3A_2105 : vector<256xf32> to vector<256x1xf32>
    %div3A_2107 = vector.broadcast %broadcast_in_dim3A_2106 : vector<256x1xf32> to vector<256x16xf32>
    %div3A_2108 = arith.divf %exp3A_2103, %div3A_2107 : vector<256x16xf32>
    %mul3A_2109 = arith.mulf %div3A_2108, %reshape3A_2026 : vector<256x16xf32>
    %tanh3A_2110 = math.tanh %mul3A_2109 : vector<256x16xf32>
    %jit3A_2111 = arith.constant -0.999989986 : f32
    %jit3A_2112 = arith.constant 0.999989986 : f32
    %max3A_2113 = vector.broadcast %jit3A_2111 : f32 to vector<256x16xf32>
    %max3A_2114 = arith.maximumf %max3A_2113, %tanh3A_2110 : vector<256x16xf32>
    %min3A_2115 = vector.broadcast %jit3A_2112 : f32 to vector<256x16xf32>
    %min3A_2116 = arith.minimumf %min3A_2115, %max3A_2114 : vector<256x16xf32>
    %log1p3A_2117 = math.log1p %min3A_2116 : vector<256x16xf32>
    %neg3A_2118 = arith.constant 0.000000e+00 : f32
    %neg3A_2119 = vector.broadcast %neg3A_2118 : f32 to vector<256x16xf32>
    %neg3A_2120 = arith.subf %neg3A_2119, %min3A_2116 : vector<256x16xf32>
    %log1p3A_2121 = math.log1p %neg3A_2120 : vector<256x16xf32>
    %sub3A_2122 = arith.subf %log1p3A_2117, %log1p3A_2121 : vector<256x16xf32>
    %mul3A_2123 = arith.constant 5.000000e-01 : f32
    %mul3A_2124 = vector.broadcast %mul3A_2123 : f32 to vector<256x16xf32>
    %mul3A_2125 = arith.mulf %mul3A_2124, %sub3A_2122 : vector<256x16xf32>
    %max3A_2126 = arith.constant 1.000000e-10 : f32
    %max3A_2127 = vector.broadcast %max3A_2126 : f32 to vector<256x16xf32>
    %max3A_2128 = arith.maximumf %reshape3A_2025, %max3A_2127 : vector<256x16xf32>
    %div3A_2129 = arith.divf %mul3A_2125, %max3A_2128 : vector<256x16xf32>
    %reshape3A_2130 = vector.shape_cast %div3A_2129 : vector<256x16xf32> to vector<4096x1xf32>
    %mul3A_2131 = vector.broadcast %reshape3A_2130 : vector<4096x1xf32> to vector<4096x64xf32>
    %mul3A_2132 = arith.mulf %mul3A_2131, %div3A_1996 : vector<4096x64xf32>
    %reshape3A_2133 = vector.shape_cast %mul3A_2132 : vector<4096x64xf32> to vector<256x16x64xf32>
    %reduce_sum3A_2134 = arith.constant dense<0.000000e+00> : vector<256x64xf32>
    %reduce_sum3A_2135 = vector.multi_reduction <add>, %reshape3A_2133, %reduce_sum3A_2134 [1] : vector<256x16x64xf32> to vector<256x64xf32>
    %mul3A_2136 = arith.mulf %reduce_sum3A_2135, %reduce_sum3A_2135 : vector<256x64xf32>
    %reduce_sum3A_2137 = arith.constant dense<0.000000e+00> : vector<256xf32>
    %reduce_sum3A_2138 = vector.multi_reduction <add>, %mul3A_2136, %reduce_sum3A_2137 [1] : vector<256x64xf32> to vector<256xf32>
    %broadcast_in_dim3A_2139 = vector.shape_cast %reduce_sum3A_2138 : vector<256xf32> to vector<256x1xf32>
    %add3A_2140 = arith.constant 1.000000e-15 : f32
    %add3A_2141 = vector.broadcast %add3A_2140 : f32 to vector<256x1xf32>
    %add3A_2142 = arith.addf %broadcast_in_dim3A_2139, %add3A_2141 : vector<256x1xf32>
    %sqrt3A_2143 = math.sqrt %add3A_2142 : vector<256x1xf32>
    %tanh3A_2144 = math.tanh %sqrt3A_2143 : vector<256x1xf32>
    %mul3A_2145 = vector.broadcast %tanh3A_2144 : vector<256x1xf32> to vector<256x64xf32>
    %mul3A_2146 = arith.mulf %mul3A_2145, %reduce_sum3A_2135 : vector<256x64xf32>
    %max3A_2147 = arith.constant 1.000000e-10 : f32
    %max3A_2148 = vector.broadcast %max3A_2147 : f32 to vector<256x1xf32>
    %max3A_2149 = arith.maximumf %sqrt3A_2143, %max3A_2148 : vector<256x1xf32>
    %div3A_2150 = vector.broadcast %max3A_2149 : vector<256x1xf32> to vector<256x64xf32>
    %div3A_2151 = arith.divf %mul3A_2146, %div3A_2150 : vector<256x64xf32>
    %mul3A_2152 = arith.mulf %div3A_2151, %div3A_2151 : vector<256x64xf32>
    %reduce_sum3A_2153 = arith.constant dense<0.000000e+00> : vector<256xf32>
    %reduce_sum3A_2154 = vector.multi_reduction <add>, %mul3A_2152, %reduce_sum3A_2153 [1] : vector<256x64xf32> to vector<256xf32>
    %broadcast_in_dim3A_2155 = vector.shape_cast %reduce_sum3A_2154 : vector<256xf32> to vector<256x1xf32>
    %add3A_2156 = arith.constant 1.000000e-15 : f32
    %add3A_2157 = vector.broadcast %add3A_2156 : f32 to vector<256x1xf32>
    %add3A_2158 = arith.addf %broadcast_in_dim3A_2155, %add3A_2157 : vector<256x1xf32>
    %sqrt3A_2159 = math.sqrt %add3A_2158 : vector<256x1xf32>
    %jit3A_2160 = arith.constant -0.999989986 : f32
    %jit3A_2161 = arith.constant 0.999989986 : f32
    %max3A_2162 = vector.broadcast %jit3A_2160 : f32 to vector<256x1xf32>
    %max3A_2163 = arith.maximumf %max3A_2162, %sqrt3A_2159 : vector<256x1xf32>
    %min3A_2164 = vector.broadcast %jit3A_2161 : f32 to vector<256x1xf32>
    %min3A_2165 = arith.minimumf %min3A_2164, %max3A_2163 : vector<256x1xf32>
    %log1p3A_2166 = math.log1p %min3A_2165 : vector<256x1xf32>
    %neg3A_2167 = arith.constant 0.000000e+00 : f32
    %neg3A_2168 = vector.broadcast %neg3A_2167 : f32 to vector<256x1xf32>
    %neg3A_2169 = arith.subf %neg3A_2168, %min3A_2165 : vector<256x1xf32>
    %log1p3A_2170 = math.log1p %neg3A_2169 : vector<256x1xf32>
    %sub3A_2171 = arith.subf %log1p3A_2166, %log1p3A_2170 : vector<256x1xf32>
    %mul3A_2172 = arith.constant 5.000000e-01 : f32
    %mul3A_2173 = vector.broadcast %mul3A_2172 : f32 to vector<256x1xf32>
    %mul3A_2174 = arith.mulf %mul3A_2173, %sub3A_2171 : vector<256x1xf32>
    %mul3A_2175 = vector.broadcast %mul3A_2174 : vector<256x1xf32> to vector<256x64xf32>
    %mul3A_2176 = arith.mulf %mul3A_2175, %div3A_2151 : vector<256x64xf32>
    %max3A_2177 = arith.constant 1.000000e-10 : f32
    %max3A_2178 = vector.broadcast %max3A_2177 : f32 to vector<256x1xf32>
    %max3A_2179 = arith.maximumf %sqrt3A_2159, %max3A_2178 : vector<256x1xf32>
    %div3A_2180 = vector.broadcast %max3A_2179 : vector<256x1xf32> to vector<256x64xf32>
    %div3A_2181 = arith.divf %mul3A_2176, %div3A_2180 : vector<256x64xf32>
    %broadcast_in_dim3A_2182 = vector.shape_cast %get3A_7 : vector<256x64xf32> to vector<256x1x64xf32>
    %broadcast_in_dim3A_2183 = vector.shape_cast %broadcast_in_dim3A_2182 : vector<256x1x64xf32> to vector<256x1x64xf32>
    %broadcast_in_dim3A_2184 = vector.broadcast %broadcast_in_dim3A_2183 : vector<256x1x64xf32> to vector<256x16x64xf32>
    %reshape3A_2185 = vector.shape_cast %broadcast_in_dim3A_2184 : vector<256x16x64xf32> to vector<4096x64xf32>
    %mul3A_2186 = arith.mulf %reshape3A_2185, %get3A_4 : vector<4096x64xf32>
    %reduce_sum3A_2187 = arith.constant dense<0.000000e+00> : vector<4096xf32>
    %reduce_sum3A_2188 = vector.multi_reduction <add>, %mul3A_2186, %reduce_sum3A_2187 [1] : vector<4096x64xf32> to vector<4096xf32>
    %reshape3A_2189 = vector.shape_cast %reduce_sum3A_2188 : vector<4096xf32> to vector<256x16xf32>
    %mul3A_2190 = arith.constant 2.000000e+00 : f32
    %mul3A_2191 = vector.broadcast %mul3A_2190 : f32 to vector<256x16xf32>
    %mul3A_2192 = arith.mulf %mul3A_2191, %reshape3A_2189 : vector<256x16xf32>
    %sub3A_2193 = arith.constant 1.000000e+00 : f32
    %sub3A_2194 = vector.broadcast %sub3A_2193 : f32 to vector<256x16xf32>
    %sub3A_2195 = arith.subf %sub3A_2194, %mul3A_2192 : vector<256x16xf32>
    %add3A_2196 = arith.addf %sub3A_2195, %reshape3A : vector<256x16xf32>
    %sub3A_2197 = arith.constant 1.000000e+00 : f32
    %sub3A_2198 = vector.broadcast %sub3A_2197 : f32 to vector<256x1xf32>
    %sub3A_2199 = arith.subf %sub3A_2198, %broadcast_in_dim3A_2023 : vector<256x1xf32>
    %mul3A_2200 = arith.mulf %add3A_2196, %add3A_2196 : vector<256x16xf32>
    %mul3A_2201 = vector.broadcast %broadcast_in_dim3A_2023 : vector<256x1xf32> to vector<256x16xf32>
    %mul3A_2202 = arith.mulf %mul3A_2200, %mul3A_2201 : vector<256x16xf32>
    %mul3A_2203 = arith.mulf %sub3A_2199, %sub3A_2199 : vector<256x1xf32>
    %mul3A_2204 = vector.broadcast %mul3A_2203 : vector<256x1xf32> to vector<256x16xf32>
    %mul3A_2205 = arith.mulf %mul3A_2204, %reshape3A : vector<256x16xf32>
    %add3A_2206 = arith.addf %mul3A_2202, %mul3A_2205 : vector<256x16xf32>
    %mul3A_2207 = arith.constant 2.000000e+00 : f32
    %mul3A_2208 = vector.broadcast %mul3A_2207 : f32 to vector<256x16xf32>
    %mul3A_2209 = arith.mulf %mul3A_2208, %add3A_2196 : vector<256x16xf32>
    %mul3A_2210 = vector.broadcast %sub3A_2199 : vector<256x1xf32> to vector<256x16xf32>
    %mul3A_2211 = arith.mulf %mul3A_2209, %mul3A_2210 : vector<256x16xf32>
    %mul3A_2212 = arith.mulf %mul3A_2211, %reshape3A_2189 : vector<256x16xf32>
    %sub3A_2213 = arith.subf %add3A_2206, %mul3A_2212 : vector<256x16xf32>
    %mul3A_2214 = arith.constant 2.000000e+00 : f32
    %mul3A_2215 = vector.broadcast %mul3A_2214 : f32 to vector<256x16xf32>
    %mul3A_2216 = arith.mulf %mul3A_2215, %reshape3A_2189 : vector<256x16xf32>
    %sub3A_2217 = arith.constant 1.000000e+00 : f32
    %sub3A_2218 = vector.broadcast %sub3A_2217 : f32 to vector<256x16xf32>
    %sub3A_2219 = arith.subf %sub3A_2218, %mul3A_2216 : vector<256x16xf32>
    %mul3A_2220 = vector.broadcast %broadcast_in_dim3A_2023 : vector<256x1xf32> to vector<256x16xf32>
    %mul3A_2221 = arith.mulf %mul3A_2220, %reshape3A : vector<256x16xf32>
    %add3A_2222 = arith.addf %sub3A_2219, %mul3A_2221 : vector<256x16xf32>
    %max3A_2223 = arith.constant 9.99999974E-6 : f32
    %max3A_2224 = vector.broadcast %max3A_2223 : f32 to vector<256x16xf32>
    %max3A_2225 = arith.maximumf %add3A_2222, %max3A_2224 : vector<256x16xf32>
    %max3A_2226 = arith.constant 0.000000e+00 : f32
    %max3A_2227 = vector.broadcast %max3A_2226 : f32 to vector<256x16xf32>
    %max3A_2228 = arith.maximumf %sub3A_2213, %max3A_2227 : vector<256x16xf32>
    %mul3A_2229 = arith.mulf %max3A_2225, %max3A_2225 : vector<256x16xf32>
    %div3A_2230 = arith.divf %max3A_2228, %mul3A_2229 : vector<256x16xf32>
    %add3A_2231 = arith.constant 1.000000e-15 : f32
    %add3A_2232 = vector.broadcast %add3A_2231 : f32 to vector<256x16xf32>
    %add3A_2233 = arith.addf %div3A_2230, %add3A_2232 : vector<256x16xf32>
    %sqrt3A_2234 = math.sqrt %add3A_2233 : vector<256x16xf32>
    %jit3A_2235 = arith.constant -0.999989986 : f32
    %jit3A_2236 = arith.constant 0.999989986 : f32
    %max3A_2237 = vector.broadcast %jit3A_2235 : f32 to vector<256x16xf32>
    %max3A_2238 = arith.maximumf %max3A_2237, %sqrt3A_2234 : vector<256x16xf32>
    %min3A_2239 = vector.broadcast %jit3A_2236 : f32 to vector<256x16xf32>
    %min3A_2240 = arith.minimumf %min3A_2239, %max3A_2238 : vector<256x16xf32>
    %log1p3A_2241 = math.log1p %min3A_2240 : vector<256x16xf32>
    %neg3A_2242 = arith.constant 0.000000e+00 : f32
    %neg3A_2243 = vector.broadcast %neg3A_2242 : f32 to vector<256x16xf32>
    %neg3A_2244 = arith.subf %neg3A_2243, %min3A_2240 : vector<256x16xf32>
    %log1p3A_2245 = math.log1p %neg3A_2244 : vector<256x16xf32>
    %sub3A_2246 = arith.subf %log1p3A_2241, %log1p3A_2245 : vector<256x16xf32>
    %mul3A_2247 = arith.constant 5.000000e-01 : f32
    %mul3A_2248 = vector.broadcast %mul3A_2247 : f32 to vector<256x16xf32>
    %mul3A_2249 = arith.mulf %mul3A_2248, %sub3A_2246 : vector<256x16xf32>
    %mul3A_2250 = arith.constant -2.000000e+00 : f32
    %mul3A_2251 = vector.broadcast %mul3A_2250 : f32 to vector<256x16xf32>
    %mul3A_2252 = arith.mulf %mul3A_2251, %mul3A_2249 : vector<256x16xf32>
    %reduce_max3A_2253 = arith.constant dense<0xFF800000> : vector<256xf32>
    %reduce_max3A_2254 = vector.multi_reduction <maximumf>, %mul3A_2252, %reduce_max3A_2253 [1] : vector<256x16xf32> to vector<256xf32>
    %broadcast_in_dim3A_2255 = vector.shape_cast %reduce_max3A_2254 : vector<256xf32> to vector<256x1xf32>
    %sub3A_2256 = vector.broadcast %broadcast_in_dim3A_2255 : vector<256x1xf32> to vector<256x16xf32>
    %sub3A_2257 = arith.subf %mul3A_2252, %sub3A_2256 : vector<256x16xf32>
    %exp3A_2258 = math.exp %sub3A_2257 : vector<256x16xf32>
    %reduce_sum3A_2259 = arith.constant dense<0.000000e+00> : vector<256xf32>
    %reduce_sum3A_2260 = vector.multi_reduction <add>, %exp3A_2258, %reduce_sum3A_2259 [1] : vector<256x16xf32> to vector<256xf32>
    %broadcast_in_dim3A_2261 = vector.shape_cast %reduce_sum3A_2260 : vector<256xf32> to vector<256x1xf32>
    %div3A_2262 = vector.broadcast %broadcast_in_dim3A_2261 : vector<256x1xf32> to vector<256x16xf32>
    %div3A_2263 = arith.divf %exp3A_2258, %div3A_2262 : vector<256x16xf32>
    %mul3A_2264 = arith.mulf %div3A_2263, %reshape3A_346 : vector<256x16xf32>
    %tanh3A_2265 = math.tanh %mul3A_2264 : vector<256x16xf32>
    %jit3A_2266 = arith.constant -0.999989986 : f32
    %jit3A_2267 = arith.constant 0.999989986 : f32
    %max3A_2268 = vector.broadcast %jit3A_2266 : f32 to vector<256x16xf32>
    %max3A_2269 = arith.maximumf %max3A_2268, %tanh3A_2265 : vector<256x16xf32>
    %min3A_2270 = vector.broadcast %jit3A_2267 : f32 to vector<256x16xf32>
    %min3A_2271 = arith.minimumf %min3A_2270, %max3A_2269 : vector<256x16xf32>
    %log1p3A_2272 = math.log1p %min3A_2271 : vector<256x16xf32>
    %neg3A_2273 = arith.constant 0.000000e+00 : f32
    %neg3A_2274 = vector.broadcast %neg3A_2273 : f32 to vector<256x16xf32>
    %neg3A_2275 = arith.subf %neg3A_2274, %min3A_2271 : vector<256x16xf32>
    %log1p3A_2276 = math.log1p %neg3A_2275 : vector<256x16xf32>
    %sub3A_2277 = arith.subf %log1p3A_2272, %log1p3A_2276 : vector<256x16xf32>
    %mul3A_2278 = arith.constant 5.000000e-01 : f32
    %mul3A_2279 = vector.broadcast %mul3A_2278 : f32 to vector<256x16xf32>
    %mul3A_2280 = arith.mulf %mul3A_2279, %sub3A_2277 : vector<256x16xf32>
    %max3A_2281 = arith.constant 1.000000e-10 : f32
    %max3A_2282 = vector.broadcast %max3A_2281 : f32 to vector<256x16xf32>
    %max3A_2283 = arith.maximumf %reshape3A_347, %max3A_2282 : vector<256x16xf32>
    %div3A_2284 = arith.divf %mul3A_2280, %max3A_2283 : vector<256x16xf32>
    %reshape3A_2285 = vector.shape_cast %div3A_2284 : vector<256x16xf32> to vector<4096x1xf32>
    %mul3A_2286 = vector.broadcast %reshape3A_2285 : vector<4096x1xf32> to vector<4096x64xf32>
    %mul3A_2287 = arith.mulf %mul3A_2286, %get3A_4 : vector<4096x64xf32>
    %reshape3A_2288 = vector.shape_cast %mul3A_2287 : vector<4096x64xf32> to vector<256x16x64xf32>
    %reduce_sum3A_2289 = arith.constant dense<0.000000e+00> : vector<256x64xf32>
    %reduce_sum3A_2290 = vector.multi_reduction <add>, %reshape3A_2288, %reduce_sum3A_2289 [1] : vector<256x16x64xf32> to vector<256x64xf32>
    %mul3A_2291 = arith.mulf %reduce_sum3A_2290, %reduce_sum3A_2290 : vector<256x64xf32>
    %reduce_sum3A_2292 = arith.constant dense<0.000000e+00> : vector<256xf32>
    %reduce_sum3A_2293 = vector.multi_reduction <add>, %mul3A_2291, %reduce_sum3A_2292 [1] : vector<256x64xf32> to vector<256xf32>
    %broadcast_in_dim3A_2294 = vector.shape_cast %reduce_sum3A_2293 : vector<256xf32> to vector<256x1xf32>
    %add3A_2295 = arith.constant 1.000000e-15 : f32
    %add3A_2296 = vector.broadcast %add3A_2295 : f32 to vector<256x1xf32>
    %add3A_2297 = arith.addf %broadcast_in_dim3A_2294, %add3A_2296 : vector<256x1xf32>
    %sqrt3A_2298 = math.sqrt %add3A_2297 : vector<256x1xf32>
    %tanh3A_2299 = math.tanh %sqrt3A_2298 : vector<256x1xf32>
    %mul3A_2300 = vector.broadcast %tanh3A_2299 : vector<256x1xf32> to vector<256x64xf32>
    %mul3A_2301 = arith.mulf %mul3A_2300, %reduce_sum3A_2290 : vector<256x64xf32>
    %max3A_2302 = arith.constant 1.000000e-10 : f32
    %max3A_2303 = vector.broadcast %max3A_2302 : f32 to vector<256x1xf32>
    %max3A_2304 = arith.maximumf %sqrt3A_2298, %max3A_2303 : vector<256x1xf32>
    %div3A_2305 = vector.broadcast %max3A_2304 : vector<256x1xf32> to vector<256x64xf32>
    %div3A_2306 = arith.divf %mul3A_2301, %div3A_2305 : vector<256x64xf32>
    %mul3A_2307 = arith.mulf %div3A_2306, %div3A_2306 : vector<256x64xf32>
    %reduce_sum3A_2308 = arith.constant dense<0.000000e+00> : vector<256xf32>
    %reduce_sum3A_2309 = vector.multi_reduction <add>, %mul3A_2307, %reduce_sum3A_2308 [1] : vector<256x64xf32> to vector<256xf32>
    %broadcast_in_dim3A_2310 = vector.shape_cast %reduce_sum3A_2309 : vector<256xf32> to vector<256x1xf32>
    %add3A_2311 = arith.constant 1.000000e-15 : f32
    %add3A_2312 = vector.broadcast %add3A_2311 : f32 to vector<256x1xf32>
    %add3A_2313 = arith.addf %broadcast_in_dim3A_2310, %add3A_2312 : vector<256x1xf32>
    %sqrt3A_2314 = math.sqrt %add3A_2313 : vector<256x1xf32>
    %jit3A_2315 = arith.constant -0.999989986 : f32
    %jit3A_2316 = arith.constant 0.999989986 : f32
    %max3A_2317 = vector.broadcast %jit3A_2315 : f32 to vector<256x1xf32>
    %max3A_2318 = arith.maximumf %max3A_2317, %sqrt3A_2314 : vector<256x1xf32>
    %min3A_2319 = vector.broadcast %jit3A_2316 : f32 to vector<256x1xf32>
    %min3A_2320 = arith.minimumf %min3A_2319, %max3A_2318 : vector<256x1xf32>
    %log1p3A_2321 = math.log1p %min3A_2320 : vector<256x1xf32>
    %neg3A_2322 = arith.constant 0.000000e+00 : f32
    %neg3A_2323 = vector.broadcast %neg3A_2322 : f32 to vector<256x1xf32>
    %neg3A_2324 = arith.subf %neg3A_2323, %min3A_2320 : vector<256x1xf32>
    %log1p3A_2325 = math.log1p %neg3A_2324 : vector<256x1xf32>
    %sub3A_2326 = arith.subf %log1p3A_2321, %log1p3A_2325 : vector<256x1xf32>
    %mul3A_2327 = arith.constant 5.000000e-01 : f32
    %mul3A_2328 = vector.broadcast %mul3A_2327 : f32 to vector<256x1xf32>
    %mul3A_2329 = arith.mulf %mul3A_2328, %sub3A_2326 : vector<256x1xf32>
    %mul3A_2330 = vector.broadcast %mul3A_2329 : vector<256x1xf32> to vector<256x64xf32>
    %mul3A_2331 = arith.mulf %mul3A_2330, %div3A_2306 : vector<256x64xf32>
    %max3A_2332 = arith.constant 1.000000e-10 : f32
    %max3A_2333 = vector.broadcast %max3A_2332 : f32 to vector<256x1xf32>
    %max3A_2334 = arith.maximumf %sqrt3A_2314, %max3A_2333 : vector<256x1xf32>
    %div3A_2335 = vector.broadcast %max3A_2334 : vector<256x1xf32> to vector<256x64xf32>
    %div3A_2336 = arith.divf %mul3A_2331, %div3A_2335 : vector<256x64xf32>
    %get3A_2337 = arith.constant 0 : index
    %get3A_2338 = arith.constant 0 : index
    %get3A_2339 = vector.load %arg4[%get3A_2337, %get3A_2338] : memref<64x32xf32, #tpu.memory_space<vmem>>, vector<64x32xf32>
    %dot_general3A_2340 = arith.constant dense<0.000000e+00> : vector<256x32xf32>
    %dot_general3A_2341 = tpu.matmul %div3A_2181, %get3A_2339, %dot_general3A_2340 {dimension_numbers = #tpu.dot_dimension_numbers<[1], [0], [0], [1], [0, 0, 1, 1], [], []>, precision = #tpu.contract_precision<fp32>, transpose_lhs_hint = false} : vector<256x64xf32>, vector<64x32xf32>, vector<256x32xf32> -> vector<256x32xf32>
    %get3A_2342 = arith.constant 0 : index
    %get3A_2343 = arith.constant 0 : index
    %get3A_2344 = vector.load %arg5[%get3A_2342, %get3A_2343] : memref<1x32xf32, #tpu.memory_space<vmem>>, vector<1x32xf32>
    %add3A_2345 = vector.broadcast %get3A_2344 : vector<1x32xf32> to vector<256x32xf32>
    %add3A_2346 = arith.addf %dot_general3A_2341, %add3A_2345 : vector<256x32xf32>
    %tanh3A_2347 = math.tanh %add3A_2346 : vector<256x32xf32>
    %get3A_2348 = arith.constant 0 : index
    %get3A_2349 = arith.constant 0 : index
    %get3A_2350 = vector.load %arg6[%get3A_2348, %get3A_2349] : memref<1x32xf32, #tpu.memory_space<vmem>>, vector<1x32xf32>
    %mul3A_2351 = vector.broadcast %get3A_2350 : vector<1x32xf32> to vector<256x32xf32>
    %mul3A_2352 = arith.mulf %tanh3A_2347, %mul3A_2351 : vector<256x32xf32>
    %reduce_sum3A_2353 = arith.constant dense<0.000000e+00> : vector<256xf32>
    %reduce_sum3A_2354 = vector.multi_reduction <add>, %mul3A_2352, %reduce_sum3A_2353 [1] : vector<256x32xf32> to vector<256xf32>
    %broadcast_in_dim3A_2355 = vector.shape_cast %reduce_sum3A_2354 : vector<256xf32> to vector<256x1xf32>
    %get3A_2356 = arith.constant 0 : index
    %get3A_2357 = arith.constant 0 : index
    %get3A_2358 = vector.load %arg4[%get3A_2356, %get3A_2357] : memref<64x32xf32, #tpu.memory_space<vmem>>, vector<64x32xf32>
    %dot_general3A_2359 = arith.constant dense<0.000000e+00> : vector<256x32xf32>
    %dot_general3A_2360 = tpu.matmul %div3A_2336, %get3A_2358, %dot_general3A_2359 {dimension_numbers = #tpu.dot_dimension_numbers<[1], [0], [0], [1], [0, 0, 1, 1], [], []>, precision = #tpu.contract_precision<fp32>, transpose_lhs_hint = false} : vector<256x64xf32>, vector<64x32xf32>, vector<256x32xf32> -> vector<256x32xf32>
    %get3A_2361 = arith.constant 0 : index
    %get3A_2362 = arith.constant 0 : index
    %get3A_2363 = vector.load %arg5[%get3A_2361, %get3A_2362] : memref<1x32xf32, #tpu.memory_space<vmem>>, vector<1x32xf32>
    %add3A_2364 = vector.broadcast %get3A_2363 : vector<1x32xf32> to vector<256x32xf32>
    %add3A_2365 = arith.addf %dot_general3A_2360, %add3A_2364 : vector<256x32xf32>
    %tanh3A_2366 = math.tanh %add3A_2365 : vector<256x32xf32>
    %get3A_2367 = arith.constant 0 : index
    %get3A_2368 = arith.constant 0 : index
    %get3A_2369 = vector.load %arg6[%get3A_2367, %get3A_2368] : memref<1x32xf32, #tpu.memory_space<vmem>>, vector<1x32xf32>
    %mul3A_2370 = vector.broadcast %get3A_2369 : vector<1x32xf32> to vector<256x32xf32>
    %mul3A_2371 = arith.mulf %tanh3A_2366, %mul3A_2370 : vector<256x32xf32>
    %reduce_sum3A_2372 = arith.constant dense<0.000000e+00> : vector<256xf32>
    %reduce_sum3A_2373 = vector.multi_reduction <add>, %mul3A_2371, %reduce_sum3A_2372 [1] : vector<256x32xf32> to vector<256xf32>
    %broadcast_in_dim3A_2374 = vector.shape_cast %reduce_sum3A_2373 : vector<256xf32> to vector<256x1xf32>
    %max3A_2375 = arith.maximumf %broadcast_in_dim3A_2355, %broadcast_in_dim3A_2374 : vector<256x1xf32>
    %sub3A_2376 = arith.subf %broadcast_in_dim3A_2355, %max3A_2375 : vector<256x1xf32>
    %exp3A_2377 = math.exp %sub3A_2376 : vector<256x1xf32>
    %sub3A_2378 = arith.subf %broadcast_in_dim3A_2374, %max3A_2375 : vector<256x1xf32>
    %exp3A_2379 = math.exp %sub3A_2378 : vector<256x1xf32>
    %add3A_2380 = arith.addf %exp3A_2377, %exp3A_2379 : vector<256x1xf32>
    %div3A_2381 = arith.constant 1.000000e+00 : f32
    %div3A_2382 = vector.broadcast %div3A_2381 : f32 to vector<256x1xf32>
    %div3A_2383 = arith.divf %div3A_2382, %add3A_2380 : vector<256x1xf32>
    %mul3A_2384 = arith.mulf %exp3A_2377, %div3A_2383 : vector<256x1xf32>
    %mul3A_2385 = vector.broadcast %mul3A_2384 : vector<256x1xf32> to vector<256x64xf32>
    %mul3A_2386 = arith.mulf %mul3A_2385, %div3A_2181 : vector<256x64xf32>
    %mul3A_2387 = arith.mulf %exp3A_2379, %div3A_2383 : vector<256x1xf32>
    %mul3A_2388 = vector.broadcast %mul3A_2387 : vector<256x1xf32> to vector<256x64xf32>
    %mul3A_2389 = arith.mulf %mul3A_2388, %div3A_2336 : vector<256x64xf32>
    %add3A_2390 = arith.addf %mul3A_2386, %mul3A_2389 : vector<256x64xf32>
    %mul3A_2391 = arith.mulf %add3A_2390, %add3A_2390 : vector<256x64xf32>
    %reduce_sum3A_2392 = arith.constant dense<0.000000e+00> : vector<256xf32>
    %reduce_sum3A_2393 = vector.multi_reduction <add>, %mul3A_2391, %reduce_sum3A_2392 [1] : vector<256x64xf32> to vector<256xf32>
    %broadcast_in_dim3A_2394 = vector.shape_cast %reduce_sum3A_2393 : vector<256xf32> to vector<256x1xf32>
    %add3A_2395 = arith.constant 1.000000e-15 : f32
    %add3A_2396 = vector.broadcast %add3A_2395 : f32 to vector<256x1xf32>
    %add3A_2397 = arith.addf %broadcast_in_dim3A_2394, %add3A_2396 : vector<256x1xf32>
    %sqrt3A_2398 = math.sqrt %add3A_2397 : vector<256x1xf32>
    %tanh3A_2399 = math.tanh %sqrt3A_2398 : vector<256x1xf32>
    %mul3A_2400 = vector.broadcast %tanh3A_2399 : vector<256x1xf32> to vector<256x64xf32>
    %mul3A_2401 = arith.mulf %mul3A_2400, %add3A_2390 : vector<256x64xf32>
    %max3A_2402 = arith.constant 1.000000e-10 : f32
    %max3A_2403 = vector.broadcast %max3A_2402 : f32 to vector<256x1xf32>
    %max3A_2404 = arith.maximumf %sqrt3A_2398, %max3A_2403 : vector<256x1xf32>
    %div3A_2405 = vector.broadcast %max3A_2404 : vector<256x1xf32> to vector<256x64xf32>
    %div3A_2406 = arith.divf %mul3A_2401, %div3A_2405 : vector<256x64xf32>
    %mul3A_2407 = arith.mulf %div3A_2406, %div3A_2406 : vector<256x64xf32>
    %reduce_sum3A_2408 = arith.constant dense<0.000000e+00> : vector<256xf32>
    %reduce_sum3A_2409 = vector.multi_reduction <add>, %mul3A_2407, %reduce_sum3A_2408 [1] : vector<256x64xf32> to vector<256xf32>
    %broadcast_in_dim3A_2410 = vector.shape_cast %reduce_sum3A_2409 : vector<256xf32> to vector<256x1xf32>
    %add3A_2411 = arith.constant 1.000000e-15 : f32
    %add3A_2412 = vector.broadcast %add3A_2411 : f32 to vector<256x1xf32>
    %add3A_2413 = arith.addf %broadcast_in_dim3A_2410, %add3A_2412 : vector<256x1xf32>
    %sqrt3A_2414 = math.sqrt %add3A_2413 : vector<256x1xf32>
    %jit3A_2415 = arith.constant -0.999989986 : f32
    %jit3A_2416 = arith.constant 0.999989986 : f32
    %max3A_2417 = vector.broadcast %jit3A_2415 : f32 to vector<256x1xf32>
    %max3A_2418 = arith.maximumf %max3A_2417, %sqrt3A_2414 : vector<256x1xf32>
    %min3A_2419 = vector.broadcast %jit3A_2416 : f32 to vector<256x1xf32>
    %min3A_2420 = arith.minimumf %min3A_2419, %max3A_2418 : vector<256x1xf32>
    %log1p3A_2421 = math.log1p %min3A_2420 : vector<256x1xf32>
    %neg3A_2422 = arith.constant 0.000000e+00 : f32
    %neg3A_2423 = vector.broadcast %neg3A_2422 : f32 to vector<256x1xf32>
    %neg3A_2424 = arith.subf %neg3A_2423, %min3A_2420 : vector<256x1xf32>
    %log1p3A_2425 = math.log1p %neg3A_2424 : vector<256x1xf32>
    %sub3A_2426 = arith.subf %log1p3A_2421, %log1p3A_2425 : vector<256x1xf32>
    %mul3A_2427 = arith.constant 5.000000e-01 : f32
    %mul3A_2428 = vector.broadcast %mul3A_2427 : f32 to vector<256x1xf32>
    %mul3A_2429 = arith.mulf %mul3A_2428, %sub3A_2426 : vector<256x1xf32>
    %mul3A_2430 = vector.broadcast %mul3A_2429 : vector<256x1xf32> to vector<256x64xf32>
    %mul3A_2431 = arith.mulf %mul3A_2430, %div3A_2406 : vector<256x64xf32>
    %max3A_2432 = arith.constant 1.000000e-10 : f32
    %max3A_2433 = vector.broadcast %max3A_2432 : f32 to vector<256x1xf32>
    %max3A_2434 = arith.maximumf %sqrt3A_2414, %max3A_2433 : vector<256x1xf32>
    %div3A_2435 = vector.broadcast %max3A_2434 : vector<256x1xf32> to vector<256x64xf32>
    %div3A_2436 = arith.divf %mul3A_2431, %div3A_2435 : vector<256x64xf32>
    %get3A_2437 = arith.constant 0 : index
    %get3A_2438 = arith.constant 0 : index
    %get3A_2439 = vector.load %arg7[%get3A_2437, %get3A_2438] : memref<64x64xf32, #tpu.memory_space<vmem>>, vector<64x64xf32>
    %dot_general3A_2440 = arith.constant dense<0.000000e+00> : vector<256x64xf32>
    %dot_general3A_2441 = tpu.matmul %div3A_2436, %get3A_2439, %dot_general3A_2440 {dimension_numbers = #tpu.dot_dimension_numbers<[1], [0], [0], [1], [0, 0, 1, 1], [], []>, precision = #tpu.contract_precision<fp32>, transpose_lhs_hint = false} : vector<256x64xf32>, vector<64x64xf32>, vector<256x64xf32> -> vector<256x64xf32>
    %get3A_2442 = arith.constant 0 : index
    %get3A_2443 = arith.constant 0 : index
    %get3A_2444 = vector.load %arg8[%get3A_2442, %get3A_2443] : memref<1x64xf32, #tpu.memory_space<vmem>>, vector<1x64xf32>
    %add3A_2445 = vector.broadcast %get3A_2444 : vector<1x64xf32> to vector<256x64xf32>
    %add3A_2446 = arith.addf %dot_general3A_2441, %add3A_2445 : vector<256x64xf32>
    %mul3A_2447 = arith.mulf %add3A_2446, %add3A_2446 : vector<256x64xf32>
    %reduce_sum3A_2448 = arith.constant dense<0.000000e+00> : vector<256xf32>
    %reduce_sum3A_2449 = vector.multi_reduction <add>, %mul3A_2447, %reduce_sum3A_2448 [1] : vector<256x64xf32> to vector<256xf32>
    %broadcast_in_dim3A_2450 = vector.shape_cast %reduce_sum3A_2449 : vector<256xf32> to vector<256x1xf32>
    %add3A_2451 = arith.constant 1.000000e-15 : f32
    %add3A_2452 = vector.broadcast %add3A_2451 : f32 to vector<256x1xf32>
    %add3A_2453 = arith.addf %broadcast_in_dim3A_2450, %add3A_2452 : vector<256x1xf32>
    %sqrt3A_2454 = math.sqrt %add3A_2453 : vector<256x1xf32>
    %tanh3A_2455 = math.tanh %sqrt3A_2454 : vector<256x1xf32>
    %mul3A_2456 = vector.broadcast %tanh3A_2455 : vector<256x1xf32> to vector<256x64xf32>
    %mul3A_2457 = arith.mulf %mul3A_2456, %add3A_2446 : vector<256x64xf32>
    %max3A_2458 = arith.constant 1.000000e-10 : f32
    %max3A_2459 = vector.broadcast %max3A_2458 : f32 to vector<256x1xf32>
    %max3A_2460 = arith.maximumf %sqrt3A_2454, %max3A_2459 : vector<256x1xf32>
    %div3A_2461 = vector.broadcast %max3A_2460 : vector<256x1xf32> to vector<256x64xf32>
    %div3A_2462 = arith.divf %mul3A_2457, %div3A_2461 : vector<256x64xf32>
    %swap3A = arith.constant 0 : index
    %swap3A_2463 = arith.constant 0 : index
    %swap3A_2464 = vector.load %arg9[%swap3A, %swap3A_2463] : memref<256x64xf32, #tpu.memory_space<vmem>>, vector<256x64xf32>
    tpu.vector_store %arg9[%swap3A, %swap3A_2463], %div3A_2462 {strides = array<i32>} : memref<256x64xf32, #tpu.memory_space<vmem>>, vector<256x64xf32>,
    return
  }
  func.func @transform_0(%arg0: i32) -> (i32, i32) {
    %c0_i32 = arith.constant 0 : i32
    %c0_i32_0 = arith.constant 0 : i32
    return %arg0, %c0_i32 : i32, i32
  }
  func.func @transform_1(%arg0: i32) -> (i32, i32) {
    %c0_i32 = arith.constant 0 : i32
    %c0_i32_0 = arith.constant 0 : i32
    return %arg0, %c0_i32 : i32, i32
  }
  func.func @transform_2(%arg0: i32) -> (i32, i32) {
    %c0_i32 = arith.constant 0 : i32
    %c0_i32_0 = arith.constant 0 : i32
    return %arg0, %c0_i32 : i32, i32
  }
  func.func @transform_3(%arg0: i32) -> (i32, i32) {
    %c0_i32 = arith.constant 0 : i32
    %c0_i32_0 = arith.constant 0 : i32
    %c0_i32_1 = arith.constant 0 : i32
    return %c0_i32, %c0_i32_0 : i32, i32
  }
  func.func @transform_4(%arg0: i32) -> (i32, i32) {
    %c0_i32 = arith.constant 0 : i32
    %c0_i32_0 = arith.constant 0 : i32
    %c0_i32_1 = arith.constant 0 : i32
    return %c0_i32, %c0_i32_0 : i32, i32
  }
  func.func @transform_5(%arg0: i32) -> (i32, i32) {
    %c0_i32 = arith.constant 0 : i32
    %c0_i32_0 = arith.constant 0 : i32
    %c0_i32_1 = arith.constant 0 : i32
    return %c0_i32, %c0_i32_0 : i32, i32
  }
  func.func @transform_6(%arg0: i32) -> (i32, i32) {
    %c0_i32 = arith.constant 0 : i32
    %c0_i32_0 = arith.constant 0 : i32
    %c0_i32_1 = arith.constant 0 : i32
    return %c0_i32, %c0_i32_0 : i32, i32
  }
  func.func @transform_7(%arg0: i32) -> (i32, i32) {
    %c0_i32 = arith.constant 0 : i32
    %c0_i32_0 = arith.constant 0 : i32
    %c0_i32_1 = arith.constant 0 : i32
    return %c0_i32, %c0_i32_0 : i32, i32
  }
  func.func @transform_8(%arg0: i32) -> (i32, i32) {
    %c0_i32 = arith.constant 0 : i32
    %c0_i32_0 = arith.constant 0 : i32
    return %arg0, %c0_i32 : i32, i32
  }
}

</mosaic_0001>

<sc_bundles>
// kernel: kernel.11.cloned.1.call-start
scs
__scs_entry_jumppad:
0x0: {  	(pc) =	sbr.rel $0x88, $3  }
0x1: {  	(tag) =	ssettag $0x0;
	lr =	simm.s32 $0x1  }
0x2: {  	[smem:$0x3F8E] =	sst lr;
	_ =	strace $0xD0000000  }
0x3: {  	_ = 	snop  }
0x4: {  	_ = 	snop  }
0x5: {  	_ = 	snop  }
0x6: {  	_ = 	snop  }
0x7: {  	_ = 	snop  }
__scs_overlays_trampoline_lowered:
0x8: {  	[smem:$0x3F9D] =	sst s0  }
0x9: {  	[smem:$0x3F9E] =	sst s1  }
0xa: {  	[smem:$0x3F9F] =	sst s2  }
0xb: {  	[smem:$0x3FA0] =	sst s3  }
0xc: {  	[smem:$0x3FA1] =	sst s4  }
0xd: {  	[smem:$0x3FA2] =	sst s5  }
0xe: {  	[smem:$0x3FA3] =	sst s6  }
0xf: {  	[smem:$0x3FA4] =	sst s7  }
0x10: {  	[smem:$0x3FA5] =	sst s8  }
0x11: {  	[smem:$0x3FA6] =	sst s9;
	s0 =	simm.s32 @!p0 $0x0  }
0x12: {  	s1 =	sld [smem:$0x3F8C];
	s0 =	simm.s32 @p0 $0x1  }
0x13: {  	[smem:$0x3FA7] =	sst s0;
	s0 =	simm.s32 @!p1 $0x0  }
0x14: {  	s2 =	sld [smem:$0x3F8B];
	s0 =	simm.s32 @p1 $0x1  }
0x15: {  	[smem:$0x3FA8] =	sst s0;
	s0 =	simm.s32 @!p2 $0x0  }
0x16: {  	s3 =	sld [smem:$0x3FDB];
	s0 =	simm.s32 @p2 $0x1  }
0x17: {  	s4 =	simm.s32 $0x1BF5;
	[smem:$0x3FAA] =	sst s0  }
0x18: {  	s0 =	sld [smem:$0x3F8D];
	_ =	swait.ge [sflag:s4], $0x0  }
0x19: {  	s7 =	sld [smem:$0x3F8E]  }
0x1a: {  	s8 =	sadd.s32 $0xFFFFE003, lr  }
0x1b: {  	s9 =	sadd.s32 $0xFFFFFEF7, lr;
	s5 =	simm.s32 $0xFFFFFFFF;
	p2 =	slt.u32 s8, $0xFFFFF086  }
0x1c: {  	p1 =	slt.u32 s9, $0xF7A;
	s5 =	simm.s32 @!p2 $0x0  }
0x1d: {  	s5 =	simm.s32 @p1 $0x1;
	p0 =	seq.s32 s7, s2  }
0x1e: {  	s7 =	smul.u32 @!p0 $0xF7A, s2;
	p2 =	seq.s32 @!p0 s5, $0x0  }
0x1f: {  	s9 =	smul.u32 $0xF7A, s1;
	s8 =	simm.s32 @!p0 $0x1BF5;
	p2 =	por !p2, p0  }
0x20: {  	[sflag:s8] =	ssyncset.s32 @!p0 $0xFFFFF086;
	s6 =	sadd.s32 @!p0 s3, s7;
	s7 =	simm.s32 @!p0 $0x108  }
0x21: {  	s3 =	sadd.s32 s3, s9;
	s6 =	sadd.s32 @!p0 $0x88, s6;
	s7 =	simm.s32 @p2 $0x1082  }
0x22: {  	[simem:s7], [sflag:s8] =	dma.local @!p0 [hbm:s6], $0xF7A  }
0x23: {  	s9 =	sor.u32 $0xD0000000, s2;
	s6 =	simm.s32 $0x108;
	_ =	swait.ge @!p0 [sflag:s8], $0x0  }
0x24: {  	s3 =	sadd.s32 $0x88, s3;
	s6 =	simm.s32 @!p1 $0x1082;
	[sflag:s4] =	ssyncset.s32 $0xFFFFF086  }
0x25: {  	[simem:s6], [sflag:s4] =	dma.local [hbm:s3], $0xF7A  }
0x26: {  	[smem:$0x3F8E] =	sst s1;
	(tag) =	ssettag s2;
	_ =	strace s9  }
0x27: {  	s1 =	sld [smem:$0x3F9E]  }
0x28: {  	s2 =	sld [smem:$0x3F9F]  }
0x29: {  	s4 =	sld [smem:$0x3FA1]  }
0x2a: {  	p0 =	seq.s32 s5, $0x0;
	s5 =	sld [smem:$0x3FA2]  }
0x2b: {  	s6 =	sld [smem:$0x3FA3]  }
0x2c: {  	s7 =	sld [smem:$0x3FA4]  }
0x2d: {  	s3 =	simm.s32 $0x108;
	s8 =	sld [smem:$0x3FA5]  }
0x2e: {  	s3 =	simm.s32 @!p0 $0x1082;
	s9 =	sld [smem:$0x3FA6]  }
0x2f: {  	lr =	sadd.s32 s0, s3;
	s0 =	sld [smem:$0x3F9D]  }
0x30: {  	s3 =	sld [smem:$0x3FA0]  }
0x31: {  	[smem:$0x3FA9] =	sst s10  }
0x32: {  	s10 =	sld [smem:$0x3FA7];
	_ =	sdelay $0x3  }
0x33: {  	p0 =	seq.s32 s10, $0x1;
	s10 =	sld [smem:$0x3FA9];
	_ =	sdelay $0x3  }
0x34: {  	[smem:$0x3FA9] =	sst s10  }
0x35: {  	s10 =	sld [smem:$0x3FA8];
	_ =	sdelay $0x3  }
0x36: {  	p1 =	seq.s32 s10, $0x1;
	s10 =	sld [smem:$0x3FA9];
	_ =	sdelay $0x3  }
0x37: {  	[smem:$0x3FA9] =	sst s10  }
0x38: {  	s10 =	sld [smem:$0x3FAA]  }
0x39: {  	_ = 	snop;
	(pc) =	sbr.ind lr, $3  }
0x3a: {  	_ = 	snop  }
0x3b: {  	_ = 	snop  }
0x3c: {  	p2 =	seq.s32 s10, $0x1;
	s10 =	sld [smem:$0x3FA9]  }
0x3d: {  	_ =	shalt  }
0x3e: {  	_ =	shalt  }
0x3f: {  	_ =	shalt  }
0x40: {  	_ =	shalt  }
0x41: {  	_ =	shalt  }
0x42: {  	_ =	shalt  }
0x43: {  	_ =	shalt  }
0x44: {  	_ =	shalt  }
0x45: {  	_ =	shalt  }
0x46: {  	_ =	shalt  }
0x47: {  	_ =	shalt  }
0x48: {  	_ =	shalt  }
0x49: {  	_ =	shalt  }
0x4a: {  	_ =	shalt  }
0x4b: {  	_ =	shalt  }
0x4c: {  	_ =	shalt  }
0x4d: {  	_ =	shalt  }
0x4e: {  	_ =	shalt  }
0x4f: {  	_ =	shalt  }
0x50: {  	_ =	shalt  }
0x51: {  	_ =	shalt  }
0x52: {  	_ =	shalt  }
0x53: {  	_ =	shalt  }
0x54: {  	_ =	shalt  }
0x55: {  	_ =	shalt  }
0x56: {  	_ =	shalt  }
0x57: {  	_ =	shalt  }
0x58: {  	_ =	shalt  }
0x59: {  	_ =	shalt  }
0x5a: {  	_ =	shalt  }
0x5b: {  	_ =	shalt  }
0x5c: {  	_ =	shalt  }
0x5d: {  	_ =	shalt  }
0x5e: {  	_ =	shalt  }
0x5f: {  	_ =	shalt  }
0x60: {  	_ =	shalt  }
0x61: {  	_ =	shalt  }
0x62: {  	_ =	shalt  }
0x63: {  	_ =	shalt  }
0x64: {  	_ =	shalt  }
0x65: {  	_ =	shalt  }
0x66: {  	_ =	shalt  }
0x67: {  	_ =	shalt  }
0x68: {  	_ =	shalt  }
0x69: {  	_ =	shalt  }
0x6a: {  	_ =	shalt  }
0x6b: {  	_ =	shalt  }
0x6c: {  	_ =	shalt  }
0x6d: {  	_ =	shalt  }
0x6e: {  	_ =	shalt  }
0x6f: {  	_ =	shalt  }
0x70: {  	_ =	shalt  }
0x71: {  	_ =	shalt  }
0x72: {  	_ =	shalt  }
0x73: {  	_ =	shalt  }
0x74: {  	_ =	shalt  }
0x75: {  	_ =	shalt  }
0x76: {  	_ =	shalt  }
0x77: {  	_ =	shalt  }
0x78: {  	_ =	shalt  }
0x79: {  	_ =	shalt  }
0x7a: {  	_ =	shalt  }
0x7b: {  	_ =	shalt  }
0x7c: {  	_ =	shalt  }
0x7d: {  	_ =	shalt  }
0x7e: {  	_ =	shalt  }
0x7f: {  	_ =	shalt  }
0x80: {  	_ =	shalt  }
0x81: {  	_ =	shalt  }
0x82: {  	_ =	shalt  }
0x83: {  	_ =	shalt  }
0x84: {  	_ =	shalt  }
0x85: {  	_ =	shalt  }
0x86: {  	_ =	shalt  }
0x87: {  	_ =	shalt  }
.Lfunc_end0:
.L_simem_size_0:
called_computation.1_lowered:
.L_overlay_start_0:
0x88: {  	s2 =	sld [smem:$0x3FD9]  }
0x89: {  	s3 =	sld [smem:$0x3FFE];
	_ =	sdelay $0x1  }
0x8a: {  	s1 =	srdreg.scid  }
0x8b: {  	s0 =	sand.u32 $0x1, s1  }
0x8c: {  	s17 =	sshll.u32 s0, $0xA;
	s2 =	sadd.s32 s3, s2  }
0x8d: {  	s2 =	sadd.s32 s2, s17  }
0x8e: {  	[smem:$0x3FB5] =	sst s2  }
0x8f: {  	_ = 	snop  }
0x90: {  	s2 =	sld [smem:$0x3FD0];
	(tm) =	ssettm $0x1  }
0x91: {  	s18 =	sld [smem:$0x3FFB];
	_ =	sdelay $0x3  }
0x92: {  	_ =	strace s18  }
0x93: {  	s3 =	sld [smem:$0x3FFC];
	_ =	sdelay $0x3  }
0x94: {  	_ =	strace s3  }
0x95: {  	s3 =	sld [smem:$0x3FFD];
	_ =	sdelay $0x3  }
0x96: {  	_ =	strace s3  }
0x97: {  	_ =	strace $0x8FFFFFFF  }
0x98: {  	s19 =	sld [smem:$0x3FDB];
	_ =	sdelay $0x1  }
0x99: {  	s4 =	simm.s32 $_scs_section_size  }
0x9a: {  	s5 =	simm.s32 $_size__tile_overlayer_lowered;
	s6 =	simm.s32 $_tile_overlayer_lowered  }
0x9b: {  	s22 =	simm.s32 $0x1BFF;
	s21 =	sshll.u32 s6, $0x1;
	s3 =	sadd.s32 s4, s19  }
0x9c: {  	s7 =	simm.s32 $0x0;
	s20 =	sshll.u32 s5, $0x1;
	s5 =	sadd.s32 s21, s3  }
0x9d: {  	[timem:s7], [sflag:s22] =	dma.local [hbm:s5], s20  }
0x9e: {  	_ =	swait.ge [sflag:s22], s20  }
0x9f: {  	s4 =	ssub.s32 $0x0, s20;
	[sflag:s22] =	ssyncset.done $0x0  }
0xa0: {  	[sflag:s22] =	ssyncadd.s32 s4;
	_ =	sdelay $0x1  }
0xa1: {  	s23 =	simm.s32 $0x1B8B  }
0xa2: {  	_ =	swait.ge [sflag:s23], $0x1  }
0xa3: {  	[sflag:s23] =	ssyncset.done $0x0  }
0xa4: {  	s25 =	simm.s32 $0x1B8E;
	s24 =	sld [smem:$0x3FFE];
	[sflag:s23] =	ssyncadd.s32 $0xFFFFFFFF  }
0xa5: {  	s26 =	simm.s32 $execute0_lowered;
	[smem:$0x3FD2] =	sst s25  }
0xa6: {  	s5 =	sshll.u32 s26, $0x1;
	_ =	strace $0x80000049;
	[dreg:$0x1] =	wrdreg $0xFFFFFFFF  }
0xa7: {  	s28 =	simm.s32 $_size_execute0_lowered;
	s3 =	sadd.s32 s3, s5;
	[dreg:$0x0] =	wrdreg $0x0  }
0xa8: {  	s5 =	sshll.u32 s28, $0x1;
	[dreg:$0x2] =	wrdreg s3  }
0xa9: {  	[dreg:$0x3] =	wrdreg s5  }
0xaa: {  	[dreg:$0x4] =	wrdreg $0xC0  }
0xab: {  	_ =	task [dreg:s7], $0x5FFFF  }
0xac: {  	[dreg:$0x1] =	wrdreg $0xFFFFFFFF  }
0xad: {  	[dreg:$0x0] =	wrdreg $0x60  }
0xae: {  	[dreg:$0x2] =	wrdreg s2  }
0xaf: {  	[dreg:$0x3] =	wrdreg s24  }
0xb0: {  	[dreg:$0x4] =	wrdreg $0x9  }
0xb1: {  	_ =	task.clear_ibuf [dreg:s7], $0x5FFFF;
	_ =	strace $0x90000049  }
0xb2: {  	s29 =	simm.s32 $0x9;
	_ =	strace $0x8000004B  }
0xb3: {  	_ =	swait.ge [sflag:s29], $0x1  }
0xb4: {  	[sflag:s29] =	ssyncadd.s32 $0xFFFFFFFF  }
0xb5: {  	_ =	strace $0x9000004B  }
0xb6: {  	_ =	sfence  }
0xb7: {  	s30 =	sld [smem:$0x0];
	_ =	sdelay $0x2  }
0xb8: {  	s31 =	sshll.u32 s1, $0xD;
	s1 =	sshrl.u32 s1, $0x2  }
0xb9: {  	s3 =	sand.u32 $0x4000, s31;
	s1 =	sadd.s32 s1, s30  }
0xba: {  	s0 =	sor.u32 s3, s0;
	s1 =	sshll.u32 s1, $0x11  }
0xbb: {  	s0 =	sor.u32 s1, s0  }
0xbc: {  	s0 =	sadd.s32 $0x8F2B, s0  }
0xbd: {  	[sflag:s0] =	ssyncadd.remote.s32 $0x1  }
0xbe: {  	_ =	sfence.sel $0xFFFF  }
0xbf: {  	[dreg:$0x0] =	wrdreg $0xFFFFFFFF;
	(pc) =	sbr.abs _section_cstart, $3  }
0xc0: {  	[dreg:$0x1] =	wrdreg $0xFFFFFFFF  }
0xc1: {  	_ =	task.clear_ibuf [dreg:s7], $0x2FFFF;
	_ =	strace $0x9FFFFFFF  }
0xc2: {  	(tm) =	ssettm $0x7FFFFFFF  }
0xc3: {  	_ =	shalt  }
tec
execute0_lowered:
.L_overlay_start_1:
0x0: {  	(tag) =	ssettag $0x1  }
0x1: {  	s0 =	srdreg.scid;
	s2 =	rddreg [dreg:$0x0]  }
0x2: {  	s13 =	stileid.u32;
	s5 =	rddreg [dreg:$0x1];
	s3 =	simm.s32 $0x0  }
0x3: {  	s28 =	simm.s32 $0x2800;
	s29 =	simm.s32 $0x11800;
	s30 =	simm.s32 $0x7800  }
0x4: {  	s31 =	simm.s32 $0xC800;
	s0 =	sand.u32 $0x1, s0;
	s1 =	sshll.u32 s13, $0x1  }
0x5: {  	[smem:$0x7FF] =	sst s3;
	s6 =	smul.u32 $0x2800, s13;
	s4 =	sadd.s32 $0x4000, s5  }
0x6: {  	s8 =	sadd.s32 $0x1A3400, s5;
	s19 =	smul.u32 $0x14000, s13;
	s1 =	sor.u32 s0, s1  }
0x7: {  	s9 =	sadd.s32 $0x63400, s5;
	s10 =	ssub.s32 $0x2, s0;
	s1 =	smul.u32 $0x1400, s1  }
0x8: {  	s11 =	sadd.s32 $0x423400, s5;
	s7 =	smul.u32 $0x1400, s0;
	s12 =	sshrl.u32 s10, $0x1  }
0x9: {  	_ =	strace $0x8000004A;
	s23 =	ssub.s32 s10, s12;
	s1 =	sshrl.u32 s1, $0x3  }
0xa: {  	s6 =	sadd.s32 s7, s6;
	s7 =	smax.u32 s23, $0x1;
	s1 =	sadd.s32 s1, s5  }
0xb: {  	s6 =	sshll.u32 s6, $0x3;
	[dreg:$0x5] =	wrdreg s7;
	s24 =	sadd.s32 $0x5E400, s1  }
0xc: {  	s25 =	sor.u32 $0x780, s6;
	s1 =	sadd.s32 $0x59400, s1;
	[dreg:$0x3] =	wrdreg s24  }
0xd: {  	s13 =	simm.s32 $0x1;
	s26 =	sadd.s32 s25, s8;
	[dreg:$0x4] =	wrdreg s1  }
0xe: {  	s0 =	smul.u32 $0xA000, s0;
	s10 =	sadd.s32 s25, s9;
	[dreg:$0x6] =	wrdreg s26  }
0xf: {  	s14 =	sor.u32 $0x500, s6;
	s12 =	sadd.s32 s25, s11;
	[dreg:$0x7] =	wrdreg s10  }
0x10: {  	s5 =	sadd.s32 $0x2E3400, s5;
	s15 =	sadd.s32 s14, s8;
	[dreg:$0x8] =	wrdreg s12  }
0x11: {  	s18 =	sor.u32 $0x280, s6;
	s16 =	sadd.s32 s14, s9;
	[dreg:$0xa] =	wrdreg s15  }
0x12: {  	s6 =	simm.s32 $0x8C00;
	s17 =	sadd.s32 s14, s11;
	[dreg:$0xb] =	wrdreg s16  }
0x13: {  	s7 =	simm.s32 $0xDC00;
	s20 =	sadd.s32 s18, s8;
	[dreg:$0xc] =	wrdreg s17  }
0x14: {  	s21 =	sadd.s32 s18, s9;
	s22 =	sadd.s32 s18, s11;
	[dreg:$0xe] =	wrdreg s20  }
0x15: {  	s23 =	sadd.s32 s19, s5;
	s1 =	sadd.s32 s25, s5;
	[dreg:$0xf] =	wrdreg s21  }
0x16: {  	[dreg:$0x10] =	wrdreg s22;
	s24 =	sadd.s32 s19, s11;
	s25 =	sadd.s32 s19, s9  }
0x17: {  	s26 =	sadd.s32 s19, s8;
	s8 =	simm.s32 $0xF000;
	s9 =	simm.s32 $0x6400  }
0x18: {  	s10 =	simm.s32 $0x15400;
	s11 =	simm.s32 $0xB400;
	s12 =	simm.s32 $0x10400  }
0x19: {  	s15 =	simm.s32 $0x3;
	s16 =	simm.s32 $0x4;
	[dreg:$0x9] =	wrdreg s1  }
0x1a: {  	s1 =	sadd.s32 s14, s5;
	s21 =	sadd.s32 s0, s24;
	s22 =	sadd.s32 s0, s25  }
.Ltmp0:
0x1b: {  	s25 =	simm.s32 $0x14000;
	s24 =	simm.s32 $0xA000;
	(pc) =	sbr.rel .LBB2_1-.Ltmp0, $4  }
0x1c: {  	s14 =	simm.s32 $0x2;
	[dreg:$0xd] =	wrdreg s1;
	s1 =	sadd.s32 s18, s5  }
0x1d: {  	s5 =	simm.s32 $0x5000;
	s18 =	simm.s32 $0x0;
	[dreg:$0x11] =	wrdreg s1  }
0x1e: {  	s1 =	sadd.s32 s0, s23;
	s23 =	sadd.s32 s0, s26;
	s26 =	simm.s32 $0x50  }
0x1f: {  	s0 =	simm.s32 $0x12C00;
	[dreg:$0x12] =	wrdreg s1;
	s1 =	simm.s32 $0x3C00  }
.LBB2_4:
0x20: {  	_ =	swait.ge [sflag:s14], $0x1400  }
0x21: {  	[sflag:s14] =	ssyncset.done $0x0  }
0x22: {  	[sflag:s14] =	ssyncadd.s32 $0xFFFFEC00  }
0x23: {  	_ =	swait.ge [sflag:s14], $0x1400  }
0x24: {  	[sflag:s14] =	ssyncset.done $0x0  }
0x25: {  	[sflag:s14] =	ssyncadd.s32 $0xFFFFEC00  }
0x26: {  	_ =	swait.ge [sflag:s14], $0x1400  }
0x27: {  	[sflag:s14] =	ssyncset.done $0x0  }
0x28: {  	[sflag:s14] =	ssyncadd.s32 $0xFFFFEC00  }
0x29: {  	_ =	swait.ge [sflag:s14], $0x1400  }
0x2a: {  	[sflag:s14] =	ssyncset.done $0x0  }
0x2b: {  	[sflag:s14] =	ssyncadd.s32 $0xFFFFEC00  }
0x2c: {  	_ =	swait.ge [sflag:s15], $0x1400  }
0x2d: {  	[sflag:s15] =	ssyncset.done $0x0  }
0x2e: {  	[sflag:s15] =	ssyncadd.s32 $0xFFFFEC00  }
0x2f: {  	_ =	swait.ge [sflag:s15], $0x1400  }
0x30: {  	[sflag:s15] =	ssyncset.done $0x0  }
0x31: {  	[sflag:s15] =	ssyncadd.s32 $0xFFFFEC00  }
0x32: {  	_ =	swait.ge [sflag:s15], $0x1400  }
0x33: {  	[sflag:s15] =	ssyncset.done $0x0  }
0x34: {  	[sflag:s15] =	ssyncadd.s32 $0xFFFFEC00  }
0x35: {  	_ =	swait.ge [sflag:s15], $0x1400  }
0x36: {  	[sflag:s15] =	ssyncset.done $0x0  }
0x37: {  	[sflag:s15] =	ssyncadd.s32 $0xFFFFEC00  }
0x38: {  	_ =	swait.ge [sflag:s16], $0x1400  }
0x39: {  	[sflag:s16] =	ssyncset.done $0x0  }
0x3a: {  	[sflag:s16] =	ssyncadd.s32 $0xFFFFEC00  }
0x3b: {  	_ =	swait.ge [sflag:s16], $0x1400  }
0x3c: {  	[sflag:s16] =	ssyncset.done $0x0  }
0x3d: {  	[sflag:s16] =	ssyncadd.s32 $0xFFFFEC00  }
0x3e: {  	_ =	swait.ge [sflag:s16], $0x1400  }
0x3f: {  	[sflag:s16] =	ssyncset.done $0x0  }
0x40: {  	[sflag:s16] =	ssyncadd.s32 $0xFFFFEC00  }
0x41: {  	_ =	swait.ge [sflag:s16], $0x1400  }
0x42: {  	s18 =	rddreg [dreg:$0x13]  }
0x43: {  	s17 =	rddreg [dreg:$0x5];
	s18 =	sadd.s32 $0x1, s18  }
0x44: {  	p0 =	sne.s32 s18, s17  }
.Ltmp1:
0x45: {  	_ = 	snop;
	(pc) =	sbr.rel @!p0 .LBB2_5-.Ltmp1, $3  }
0x46: {  	_ =	sdelay $0x1  }
0x47: {  	[sflag:s16] =	ssyncset.done $0x0  }
0x48: {  	[sflag:s16] =	ssyncadd.s32 $0xFFFFEC00  }
.LBB2_1:
0x49: {  	[dreg:$0x13] =	wrdreg s18  }
0x4a: {  	s17 =	rddreg [dreg:$0x3];
	s18 =	simm.s32 $0x5  }
0x4b: {  	[tilespmem:s3], [sflag:$0x5] =	stream.linear.gather [hbm4b:s17+s3], $0x1400, $0x38;
	[tilespmem:$0x16800] =	vst v63  }
0x4c: {  	_ =	swait.ge [sflag:s18], $0x1400  }
0x4d: {  	[sflag:s18] =	ssyncset.done $0x0  }
0x4e: {  	s19 =	simm.s32 $0x1400;
	s20 =	rddreg [dreg:$0x4];
	[sflag:s18] =	ssyncadd.s32 $0xFFFFEC00  }
0x4f: {  	[tilespmem:s19], [sflag:$0x5] =	stream.linear.gather [hbm4b:s20+s3], $0x1400, $0x38;
	[tilespmem:$0x16800] =	vst v63  }
0x50: {  	_ =	swait.ge [sflag:s18], $0x1400  }
0x51: {  	[sflag:s18] =	ssyncset.done $0x0  }
0x52: {  	[sflag:s18] =	ssyncadd.s32 $0xFFFFEC00  }
0x53: {  	[tilespmem:s28], [sflag:$0x1] =	stream.indirect.gather [hbm4b:s2+s26], $0x40, s3, s26, $0xb8;
	[tilespmem:$0x16800] =	vst v63  }
0x54: {  	_ = 	snop  }
0x55: {  	[tilespmem:s29], [sflag:$0x1] =	stream.indirect.gather [hbm4b:s4+s26], $0x40, s3, s26, $0xb8;
	[tilespmem:$0x16800] =	vst v63  }
0x56: {  	_ = 	snop  }
0x57: {  	[tilespmem:s30], [sflag:$0x1] =	stream.indirect.gather [hbm4b:s2+s26], $0x40, s19, s26, $0xb8;
	[tilespmem:$0x16800] =	vst v63  }
0x58: {  	_ = 	snop  }
0x59: {  	[tilespmem:s31], [sflag:$0x1] =	stream.indirect.gather [hbm4b:s4+s26], $0x40, s19, s26, $0xb8;
	[tilespmem:$0x16800] =	vst v63  }
0x5a: {  	_ = 	snop  }
0x5b: {  	[tilespmem:s1], [sflag:$0x2] =	stream.indirect.gather [hbm4b:s2+s26], $0x40, s26, s26, $0xb8;
	[tilespmem:$0x16800] =	vst v63  }
0x5c: {  	_ = 	snop  }
0x5d: {  	[tilespmem:s0], [sflag:$0x2] =	stream.indirect.gather [hbm4b:s4+s26], $0x40, s26, s26, $0xb8;
	[tilespmem:$0x16800] =	vst v63  }
0x5e: {  	s19 =	simm.s32 $0x1450  }
0x5f: {  	[tilespmem:s6], [sflag:$0x2] =	stream.indirect.gather [hbm4b:s2+s26], $0x40, s19, s26, $0xb8;
	[tilespmem:$0x16800] =	vst v63  }
0x60: {  	_ = 	snop  }
0x61: {  	[tilespmem:s7], [sflag:$0x2] =	stream.indirect.gather [hbm4b:s4+s26], $0x40, s19, s26, $0xb8;
	[tilespmem:$0x16800] =	vst v63  }
0x62: {  	s20 =	simm.s32 $0xA0  }
0x63: {  	[tilespmem:s5], [sflag:$0x3] =	stream.indirect.gather [hbm4b:s2+s26], $0x40, s20, s26, $0xb8;
	[tilespmem:$0x16800] =	vst v63  }
0x64: {  	_ = 	snop  }
0x65: {  	[tilespmem:s25], [sflag:$0x3] =	stream.indirect.gather [hbm4b:s4+s26], $0x40, s20, s26, $0xb8;
	[tilespmem:$0x16800] =	vst v63  }
0x66: {  	s18 =	simm.s32 $0x14A0  }
0x67: {  	[tilespmem:s24], [sflag:$0x3] =	stream.indirect.gather [hbm4b:s2+s26], $0x40, s18, s26, $0xb8;
	[tilespmem:$0x16800] =	vst v63  }
0x68: {  	_ = 	snop  }
0x69: {  	[tilespmem:s8], [sflag:$0x3] =	stream.indirect.gather [hbm4b:s4+s26], $0x40, s18, s26, $0xb8;
	[tilespmem:$0x16800] =	vst v63  }
0x6a: {  	s19 =	simm.s32 $0xF0  }
0x6b: {  	[tilespmem:s9], [sflag:$0x4] =	stream.indirect.gather [hbm4b:s2+s26], $0x40, s19, s26, $0xb8;
	[tilespmem:$0x16800] =	vst v63  }
0x6c: {  	_ = 	snop  }
0x6d: {  	[tilespmem:s10], [sflag:$0x4] =	stream.indirect.gather [hbm4b:s4+s26], $0x40, s19, s26, $0xb8;
	[tilespmem:$0x16800] =	vst v63  }
0x6e: {  	s20 =	simm.s32 $0x14F0  }
0x6f: {  	[tilespmem:s11], [sflag:$0x4] =	stream.indirect.gather [hbm4b:s2+s26], $0x40, s20, s26, $0xb8;
	[tilespmem:$0x16800] =	vst v63  }
0x70: {  	s17 =	simm.s32 $0x0;
	s18 =	simm.s32 $0x0  }
0x71: {  	[tilespmem:s12], [sflag:$0x4] =	stream.indirect.gather [hbm4b:s4+s26], $0x40, s20, s26, $0xb8;
	[tilespmem:$0x16800] =	vst v63  }
.LBB2_2:
0x72: {  	_ =	swait.ge [sflag:s13], $0x1400  }
0x73: {  	[sflag:s13] =	ssyncset.done $0x0  }
0x74: {  	[sflag:s13] =	ssyncadd.s32 $0xFFFFEC00  }
0x75: {  	_ =	swait.ge [sflag:s13], $0x1400  }
0x76: {  	[sflag:s13] =	ssyncset.done $0x0  }
0x77: {  	[sflag:s13] =	ssyncadd.s32 $0xFFFFEC00  }
0x78: {  	_ =	swait.ge [sflag:s13], $0x1400  }
0x79: {  	[sflag:s13] =	ssyncset.done $0x0  }
0x7a: {  	[sflag:s13] =	ssyncadd.s32 $0xFFFFEC00  }
0x7b: {  	_ =	swait.ge [sflag:s13], $0x1400  }
0x7c: {  	[sflag:s13] =	ssyncset.done $0x0  }
0x7d: {  	s19 =	sadd.s32 s18, s23;
	[sflag:s13] =	ssyncadd.s32 $0xFFFFEC00  }
0x7e: {  	[hbm4b:s19+s3] =	stream.linear.scatter [tilespmem:s28], [sflag:$0x1], $0x1400, $0x38;
	[tilespmem:$0x16800] =	vst v63  }
0x7f: {  	s20 =	sadd.s32 s18, s22  }
0x80: {  	[hbm4b:s20+s3] =	stream.linear.scatter [tilespmem:s30], [sflag:$0x1], $0x1400, $0x38;
	[tilespmem:$0x16800] =	vst v63  }
0x81: {  	s20 =	sadd.s32 s18, s21  }
0x82: {  	[hbm4b:s20+s3] =	stream.linear.scatter [tilespmem:s31], [sflag:$0x1], $0x1400, $0x38;
	[tilespmem:$0x16800] =	vst v63  }
0x83: {  	s20 =	rddreg [dreg:$0x12]  }
0x84: {  	s19 =	sadd.s32 s18, s20  }
0x85: {  	[hbm4b:s19+s3] =	stream.linear.scatter [tilespmem:s29], [sflag:$0x1], $0x1400, $0x38;
	[tilespmem:$0x16800] =	vst v63  }
0x86: {  	_ =	swait.ge [sflag:s14], $0x1400  }
0x87: {  	[sflag:s14] =	ssyncset.done $0x0  }
0x88: {  	[sflag:s14] =	ssyncadd.s32 $0xFFFFEC00  }
0x89: {  	_ =	swait.ge [sflag:s14], $0x1400  }
0x8a: {  	[sflag:s14] =	ssyncset.done $0x0  }
0x8b: {  	[sflag:s14] =	ssyncadd.s32 $0xFFFFEC00  }
0x8c: {  	_ =	swait.ge [sflag:s14], $0x1400  }
0x8d: {  	[sflag:s14] =	ssyncset.done $0x0  }
0x8e: {  	[sflag:s14] =	ssyncadd.s32 $0xFFFFEC00  }
0x8f: {  	_ =	swait.ge [sflag:s14], $0x1400  }
0x90: {  	[sflag:s14] =	ssyncset.done $0x0;
	s20 =	rddreg [dreg:$0xe]  }
0x91: {  	[sflag:s14] =	ssyncadd.s32 $0xFFFFEC00;
	s19 =	sadd.s32 s18, s20;
	s20 =	rddreg [dreg:$0xf]  }
0x92: {  	[hbm4b:s19+s3] =	stream.linear.scatter [tilespmem:s1], [sflag:$0x2], $0x1400, $0x38;
	[tilespmem:$0x16800] =	vst v63  }
0x93: {  	s19 =	sadd.s32 s18, s20;
	s20 =	rddreg [dreg:$0x10]  }
0x94: {  	[hbm4b:s19+s3] =	stream.linear.scatter [tilespmem:s6], [sflag:$0x2], $0x1400, $0x38;
	[tilespmem:$0x16800] =	vst v63  }
0x95: {  	s19 =	sadd.s32 s18, s20;
	s20 =	rddreg [dreg:$0x11]  }
0x96: {  	[hbm4b:s19+s3] =	stream.linear.scatter [tilespmem:s7], [sflag:$0x2], $0x1400, $0x38;
	[tilespmem:$0x16800] =	vst v63  }
0x97: {  	s19 =	sadd.s32 s18, s20  }
0x98: {  	[hbm4b:s19+s3] =	stream.linear.scatter [tilespmem:s0], [sflag:$0x2], $0x1400, $0x38;
	[tilespmem:$0x16800] =	vst v63  }
0x99: {  	_ =	swait.ge [sflag:s15], $0x1400  }
0x9a: {  	[sflag:s15] =	ssyncset.done $0x0  }
0x9b: {  	[sflag:s15] =	ssyncadd.s32 $0xFFFFEC00  }
0x9c: {  	_ =	swait.ge [sflag:s15], $0x1400  }
0x9d: {  	[sflag:s15] =	ssyncset.done $0x0  }
0x9e: {  	[sflag:s15] =	ssyncadd.s32 $0xFFFFEC00  }
0x9f: {  	_ =	swait.ge [sflag:s15], $0x1400  }
0xa0: {  	[sflag:s15] =	ssyncset.done $0x0  }
0xa1: {  	[sflag:s15] =	ssyncadd.s32 $0xFFFFEC00  }
0xa2: {  	_ =	swait.ge [sflag:s15], $0x1400  }
0xa3: {  	[sflag:s15] =	ssyncset.done $0x0;
	s20 =	rddreg [dreg:$0xa]  }
0xa4: {  	[sflag:s15] =	ssyncadd.s32 $0xFFFFEC00;
	s19 =	sadd.s32 s18, s20;
	s20 =	rddreg [dreg:$0xb]  }
0xa5: {  	[hbm4b:s19+s3] =	stream.linear.scatter [tilespmem:s5], [sflag:$0x3], $0x1400, $0x38;
	[tilespmem:$0x16800] =	vst v63  }
0xa6: {  	s19 =	sadd.s32 s18, s20;
	s20 =	rddreg [dreg:$0xc]  }
0xa7: {  	[hbm4b:s19+s3] =	stream.linear.scatter [tilespmem:s24], [sflag:$0x3], $0x1400, $0x38;
	[tilespmem:$0x16800] =	vst v63  }
0xa8: {  	s19 =	sadd.s32 s18, s20;
	s20 =	rddreg [dreg:$0xd]  }
0xa9: {  	[hbm4b:s19+s3] =	stream.linear.scatter [tilespmem:s8], [sflag:$0x3], $0x1400, $0x38;
	[tilespmem:$0x16800] =	vst v63  }
0xaa: {  	s19 =	sadd.s32 s18, s20  }
0xab: {  	[hbm4b:s19+s3] =	stream.linear.scatter [tilespmem:s25], [sflag:$0x3], $0x1400, $0x38;
	[tilespmem:$0x16800] =	vst v63  }
0xac: {  	_ =	swait.ge [sflag:s16], $0x1400  }
0xad: {  	[sflag:s16] =	ssyncset.done $0x0  }
0xae: {  	[sflag:s16] =	ssyncadd.s32 $0xFFFFEC00  }
0xaf: {  	_ =	swait.ge [sflag:s16], $0x1400  }
0xb0: {  	[sflag:s16] =	ssyncset.done $0x0  }
0xb1: {  	[sflag:s16] =	ssyncadd.s32 $0xFFFFEC00  }
0xb2: {  	_ =	swait.ge [sflag:s16], $0x1400  }
0xb3: {  	[sflag:s16] =	ssyncset.done $0x0  }
0xb4: {  	[sflag:s16] =	ssyncadd.s32 $0xFFFFEC00  }
0xb5: {  	_ =	swait.ge [sflag:s16], $0x1400  }
0xb6: {  	[sflag:s16] =	ssyncset.done $0x0;
	s20 =	rddreg [dreg:$0x6]  }
0xb7: {  	[sflag:s16] =	ssyncadd.s32 $0xFFFFEC00;
	s19 =	sadd.s32 s18, s20;
	s20 =	rddreg [dreg:$0x7]  }
0xb8: {  	[hbm4b:s19+s3] =	stream.linear.scatter [tilespmem:s9], [sflag:$0x4], $0x1400, $0x38;
	[tilespmem:$0x16800] =	vst v63  }
0xb9: {  	s19 =	sadd.s32 s18, s20;
	s20 =	rddreg [dreg:$0x8]  }
0xba: {  	[hbm4b:s19+s3] =	stream.linear.scatter [tilespmem:s11], [sflag:$0x4], $0x1400, $0x38;
	[tilespmem:$0x16800] =	vst v63  }
0xbb: {  	s19 =	sadd.s32 s18, s20;
	s20 =	rddreg [dreg:$0x9]  }
0xbc: {  	[hbm4b:s19+s3] =	stream.linear.scatter [tilespmem:s12], [sflag:$0x4], $0x1400, $0x38;
	[tilespmem:$0x16800] =	vst v63  }
0xbd: {  	s19 =	sadd.s32 s18, s20  }
0xbe: {  	[hbm4b:s19+s3] =	stream.linear.scatter [tilespmem:s10], [sflag:$0x4], $0x1400, $0x38;
	[tilespmem:$0x16800] =	vst v63  }
0xbf: {  	_ =	swait.ge [sflag:s13], $0x1400  }
0xc0: {  	[sflag:s13] =	ssyncset.done $0x0  }
0xc1: {  	[sflag:s13] =	ssyncadd.s32 $0xFFFFEC00  }
0xc2: {  	_ =	swait.ge [sflag:s13], $0x1400  }
0xc3: {  	[sflag:s13] =	ssyncset.done $0x0  }
0xc4: {  	[sflag:s13] =	ssyncadd.s32 $0xFFFFEC00  }
0xc5: {  	p0 =	seq.s32 s18, $0x9600;
	_ =	swait.ge [sflag:s13], $0x1400  }
.Ltmp2:
0xc6: {  	[sflag:s13] =	ssyncset.done $0x0;
	(pc) =	sbr.rel @p0 .LBB2_4-.Ltmp2, $4  }
0xc7: {  	[sflag:s13] =	ssyncadd.s32 $0xFFFFEC00  }
0xc8: {  	_ =	swait.ge [sflag:s13], $0x1400  }
0xc9: {  	[sflag:s13] =	ssyncset.done $0x0  }
0xca: {  	[sflag:s13] =	ssyncadd.s32 $0xFFFFEC00  }
0xcb: {  	s19 =	sshra.s32 s17, $0x2  }
0xcc: {  	s20 =	sadd.s32 $0x140, s19  }
0xcd: {  	[tilespmem:s28], [sflag:$0x1] =	stream.indirect.gather [hbm4b:s2+s26], $0x40, s20, s26, $0xb8;
	[tilespmem:$0x16800] =	vst v63  }
0xce: {  	_ = 	snop  }
0xcf: {  	[tilespmem:s29], [sflag:$0x1] =	stream.indirect.gather [hbm4b:s4+s26], $0x40, s20, s26, $0xb8;
	[tilespmem:$0x16800] =	vst v63  }
0xd0: {  	s20 =	sadd.s32 $0x1540, s19  }
0xd1: {  	[tilespmem:s30], [sflag:$0x1] =	stream.indirect.gather [hbm4b:s2+s26], $0x40, s20, s26, $0xb8;
	[tilespmem:$0x16800] =	vst v63  }
0xd2: {  	_ = 	snop  }
0xd3: {  	[tilespmem:s31], [sflag:$0x1] =	stream.indirect.gather [hbm4b:s4+s26], $0x40, s20, s26, $0xb8;
	[tilespmem:$0x16800] =	vst v63  }
0xd4: {  	_ =	swait.ge [sflag:s14], $0x1400  }
0xd5: {  	[sflag:s14] =	ssyncset.done $0x0  }
0xd6: {  	[sflag:s14] =	ssyncadd.s32 $0xFFFFEC00  }
0xd7: {  	_ =	swait.ge [sflag:s14], $0x1400  }
0xd8: {  	[sflag:s14] =	ssyncset.done $0x0  }
0xd9: {  	[sflag:s14] =	ssyncadd.s32 $0xFFFFEC00  }
0xda: {  	_ =	swait.ge [sflag:s14], $0x1400  }
0xdb: {  	[sflag:s14] =	ssyncset.done $0x0  }
0xdc: {  	[sflag:s14] =	ssyncadd.s32 $0xFFFFEC00  }
0xdd: {  	_ =	swait.ge [sflag:s14], $0x1400  }
0xde: {  	[sflag:s14] =	ssyncset.done $0x0  }
0xdf: {  	s20 =	sadd.s32 $0x190, s19;
	[sflag:s14] =	ssyncadd.s32 $0xFFFFEC00  }
0xe0: {  	[tilespmem:s1], [sflag:$0x2] =	stream.indirect.gather [hbm4b:s2+s26], $0x40, s20, s26, $0xb8;
	[tilespmem:$0x16800] =	vst v63  }
0xe1: {  	_ = 	snop  }
0xe2: {  	[tilespmem:s0], [sflag:$0x2] =	stream.indirect.gather [hbm4b:s4+s26], $0x40, s20, s26, $0xb8;
	[tilespmem:$0x16800] =	vst v63  }
0xe3: {  	s20 =	sadd.s32 $0x1590, s19  }
0xe4: {  	[tilespmem:s6], [sflag:$0x2] =	stream.indirect.gather [hbm4b:s2+s26], $0x40, s20, s26, $0xb8;
	[tilespmem:$0x16800] =	vst v63  }
0xe5: {  	_ = 	snop  }
0xe6: {  	[tilespmem:s7], [sflag:$0x2] =	stream.indirect.gather [hbm4b:s4+s26], $0x40, s20, s26, $0xb8;
	[tilespmem:$0x16800] =	vst v63  }
0xe7: {  	_ =	swait.ge [sflag:s15], $0x1400  }
0xe8: {  	[sflag:s15] =	ssyncset.done $0x0  }
0xe9: {  	[sflag:s15] =	ssyncadd.s32 $0xFFFFEC00  }
0xea: {  	_ =	swait.ge [sflag:s15], $0x1400  }
0xeb: {  	[sflag:s15] =	ssyncset.done $0x0  }
0xec: {  	[sflag:s15] =	ssyncadd.s32 $0xFFFFEC00  }
0xed: {  	_ =	swait.ge [sflag:s15], $0x1400  }
0xee: {  	[sflag:s15] =	ssyncset.done $0x0  }
0xef: {  	[sflag:s15] =	ssyncadd.s32 $0xFFFFEC00  }
0xf0: {  	_ =	swait.ge [sflag:s15], $0x1400  }
0xf1: {  	[sflag:s15] =	ssyncset.done $0x0  }
0xf2: {  	s20 =	sadd.s32 $0x1E0, s19;
	[sflag:s15] =	ssyncadd.s32 $0xFFFFEC00  }
0xf3: {  	[tilespmem:s5], [sflag:$0x3] =	stream.indirect.gather [hbm4b:s2+s26], $0x40, s20, s26, $0xb8;
	[tilespmem:$0x16800] =	vst v63  }
0xf4: {  	_ = 	snop  }
0xf5: {  	[tilespmem:s25], [sflag:$0x3] =	stream.indirect.gather [hbm4b:s4+s26], $0x40, s20, s26, $0xb8;
	[tilespmem:$0x16800] =	vst v63  }
0xf6: {  	s20 =	sadd.s32 $0x15E0, s19  }
0xf7: {  	[tilespmem:s24], [sflag:$0x3] =	stream.indirect.gather [hbm4b:s2+s26], $0x40, s20, s26, $0xb8;
	[tilespmem:$0x16800] =	vst v63  }
0xf8: {  	_ = 	snop  }
0xf9: {  	[tilespmem:s8], [sflag:$0x3] =	stream.indirect.gather [hbm4b:s4+s26], $0x40, s20, s26, $0xb8;
	[tilespmem:$0x16800] =	vst v63  }
0xfa: {  	_ =	swait.ge [sflag:s16], $0x1400  }
0xfb: {  	[sflag:s16] =	ssyncset.done $0x0  }
0xfc: {  	[sflag:s16] =	ssyncadd.s32 $0xFFFFEC00  }
0xfd: {  	_ =	swait.ge [sflag:s16], $0x1400  }
0xfe: {  	[sflag:s16] =	ssyncset.done $0x0  }
0xff: {  	[sflag:s16] =	ssyncadd.s32 $0xFFFFEC00  }
0x100: {  	_ =	swait.ge [sflag:s16], $0x1400  }
0x101: {  	[sflag:s16] =	ssyncset.done $0x0  }
0x102: {  	[sflag:s16] =	ssyncadd.s32 $0xFFFFEC00  }
0x103: {  	_ =	swait.ge [sflag:s16], $0x1400  }
0x104: {  	[sflag:s16] =	ssyncset.done $0x0  }
0x105: {  	s20 =	sadd.s32 $0x230, s19;
	[sflag:s16] =	ssyncadd.s32 $0xFFFFEC00  }
0x106: {  	[tilespmem:s9], [sflag:$0x4] =	stream.indirect.gather [hbm4b:s2+s26], $0x40, s20, s26, $0xb8;
	[tilespmem:$0x16800] =	vst v63  }
0x107: {  	_ = 	snop  }
0x108: {  	[tilespmem:s10], [sflag:$0x4] =	stream.indirect.gather [hbm4b:s4+s26], $0x40, s20, s26, $0xb8;
	[tilespmem:$0x16800] =	vst v63  }
.Ltmp3:
0x109: {  	_ = 	snop;
	(pc) =	sbr.rel .LBB2_2-.Ltmp3, $4  }
0x10a: {  	s19 =	sadd.s32 $0x1630, s19  }
0x10b: {  	[tilespmem:s11], [sflag:$0x4] =	stream.indirect.gather [hbm4b:s2+s26], $0x40, s19, s26, $0xb8;
	[tilespmem:$0x16800] =	vst v63  }
0x10c: {  	s18 =	sadd.s32 $0xA00, s18;
	s17 =	sadd.s32 $0x500, s17  }
0x10d: {  	[tilespmem:s12], [sflag:$0x4] =	stream.indirect.gather [hbm4b:s4+s26], $0x40, s19, s26, $0xb8;
	[tilespmem:$0x16800] =	vst v63  }
.LBB2_5:
0x10e: {  	_ =	sfence.sel $0x180000  }
0x10f: {  	[bflag:$0x0] =	sbarrier.arrive $0xFFFF  }
0x110: {  	_ =	strace $0x9000004A  }
0x111: {  	s0 =	stileid.u32;
	[bflag:$0x2] =	sbarrier.arrive $0xFFFF  }
0x112: {  	p0 =	sne.s32 s0, $0x0;
	s0 =	rddreg [dreg:$0x2]  }
0x113: {  	s0 =	sadd.s32 @!p0 $0x100000, s0  }
0x114: {  	[sflag:s0] =	ssyncadd.tile.s32 @!p0 $0x1;
	_ =	shalt  }
.Lfunc_end2:
_tile_overlayer_lowered:
.L_overlay_start_2:
0x115: {  	(tag) =	ssettag $0x2  }
0x116: {  	s0 =	rddreg [dreg:$0x0];
	s2 =	stileid.u32  }
0x117: {  	s1 =	rddreg [dreg:$0x1];
	p0 =	sne.s32 s2, $0x0  }
0x118: {  	s3 =	rddreg [dreg:$0x2];
	[bflag:$0x3] =	sbarrier.arrive $0xFFFF;
	s2 =	simm.s32 @!p0 $0x1C05  }
0x119: {  	[timem:s3], [sflag:s2] =	dma.local @!p0 [hbm:s0], s1  }
0x11a: {  	s0 =	simm.s32 @!p0 $0x5  }
0x11b: {  	_ =	swait.ge @!p0 [sflag:s0], s1  }
0x11c: {  	s1 =	ssub.s32 @!p0 $0x0, s1;
	[sflag:s0] =	ssyncset.done @!p0 $0x0  }
0x11d: {  	[sflag:s0] =	ssyncadd.s32 @!p0 s1  }
0x11e: {  	[bflag:$0x3] =	sbarrier.arrive $0xFFFF  }
0x11f: {  	_ =	shalt  }

// kernel: kernel.8.cloned.1.call-start
scs
__scs_entry_jumppad:
0x0: {  	(pc) =	sbr.rel $0x88, $3  }
0x1: {  	(tag) =	ssettag $0x0;
	lr =	simm.s32 $0x1  }
0x2: {  	[smem:$0x3F8E] =	sst lr;
	_ =	strace $0xD0000000  }
0x3: {  	_ = 	snop  }
0x4: {  	_ = 	snop  }
0x5: {  	_ = 	snop  }
0x6: {  	_ = 	snop  }
0x7: {  	_ = 	snop  }
__scs_overlays_trampoline_lowered:
0x8: {  	[smem:$0x3F9D] =	sst s0  }
0x9: {  	[smem:$0x3F9E] =	sst s1  }
0xa: {  	[smem:$0x3F9F] =	sst s2  }
0xb: {  	[smem:$0x3FA0] =	sst s3  }
0xc: {  	[smem:$0x3FA1] =	sst s4  }
0xd: {  	[smem:$0x3FA2] =	sst s5  }
0xe: {  	[smem:$0x3FA3] =	sst s6  }
0xf: {  	[smem:$0x3FA4] =	sst s7  }
0x10: {  	[smem:$0x3FA5] =	sst s8  }
0x11: {  	[smem:$0x3FA6] =	sst s9;
	s0 =	simm.s32 @!p0 $0x0  }
0x12: {  	s1 =	sld [smem:$0x3F8C];
	s0 =	simm.s32 @p0 $0x1  }
0x13: {  	[smem:$0x3FA7] =	sst s0;
	s0 =	simm.s32 @!p1 $0x0  }
0x14: {  	s2 =	sld [smem:$0x3F8B];
	s0 =	simm.s32 @p1 $0x1  }
0x15: {  	[smem:$0x3FA8] =	sst s0;
	s0 =	simm.s32 @!p2 $0x0  }
0x16: {  	s3 =	sld [smem:$0x3FDB];
	s0 =	simm.s32 @p2 $0x1  }
0x17: {  	s4 =	simm.s32 $0x1BF5;
	[smem:$0x3FAA] =	sst s0  }
0x18: {  	s0 =	sld [smem:$0x3F8D];
	_ =	swait.ge [sflag:s4], $0x0  }
0x19: {  	s7 =	sld [smem:$0x3F8E]  }
0x1a: {  	s8 =	sadd.s32 $0xFFFFE003, lr  }
0x1b: {  	s9 =	sadd.s32 $0xFFFFFEF7, lr;
	s5 =	simm.s32 $0xFFFFFFFF;
	p2 =	slt.u32 s8, $0xFFFFF086  }
0x1c: {  	p1 =	slt.u32 s9, $0xF7A;
	s5 =	simm.s32 @!p2 $0x0  }
0x1d: {  	s5 =	simm.s32 @p1 $0x1;
	p0 =	seq.s32 s7, s2  }
0x1e: {  	s7 =	smul.u32 @!p0 $0xF7A, s2;
	p2 =	seq.s32 @!p0 s5, $0x0  }
0x1f: {  	s9 =	smul.u32 $0xF7A, s1;
	s8 =	simm.s32 @!p0 $0x1BF5;
	p2 =	por !p2, p0  }
0x20: {  	[sflag:s8] =	ssyncset.s32 @!p0 $0xFFFFF086;
	s6 =	sadd.s32 @!p0 s3, s7;
	s7 =	simm.s32 @!p0 $0x108  }
0x21: {  	s3 =	sadd.s32 s3, s9;
	s6 =	sadd.s32 @!p0 $0x88, s6;
	s7 =	simm.s32 @p2 $0x1082  }
0x22: {  	[simem:s7], [sflag:s8] =	dma.local @!p0 [hbm:s6], $0xF7A  }
0x23: {  	s9 =	sor.u32 $0xD0000000, s2;
	s6 =	simm.s32 $0x108;
	_ =	swait.ge @!p0 [sflag:s8], $0x0  }
0x24: {  	s3 =	sadd.s32 $0x88, s3;
	s6 =	simm.s32 @!p1 $0x1082;
	[sflag:s4] =	ssyncset.s32 $0xFFFFF086  }
0x25: {  	[simem:s6], [sflag:s4] =	dma.local [hbm:s3], $0xF7A  }
0x26: {  	[smem:$0x3F8E] =	sst s1;
	(tag) =	ssettag s2;
	_ =	strace s9  }
0x27: {  	s1 =	sld [smem:$0x3F9E]  }
0x28: {  	s2 =	sld [smem:$0x3F9F]  }
0x29: {  	s4 =	sld [smem:$0x3FA1]  }
0x2a: {  	p0 =	seq.s32 s5, $0x0;
	s5 =	sld [smem:$0x3FA2]  }
0x2b: {  	s6 =	sld [smem:$0x3FA3]  }
0x2c: {  	s7 =	sld [smem:$0x3FA4]  }
0x2d: {  	s3 =	simm.s32 $0x108;
	s8 =	sld [smem:$0x3FA5]  }
0x2e: {  	s3 =	simm.s32 @!p0 $0x1082;
	s9 =	sld [smem:$0x3FA6]  }
0x2f: {  	lr =	sadd.s32 s0, s3;
	s0 =	sld [smem:$0x3F9D]  }
0x30: {  	s3 =	sld [smem:$0x3FA0]  }
0x31: {  	[smem:$0x3FA9] =	sst s10  }
0x32: {  	s10 =	sld [smem:$0x3FA7];
	_ =	sdelay $0x3  }
0x33: {  	p0 =	seq.s32 s10, $0x1;
	s10 =	sld [smem:$0x3FA9];
	_ =	sdelay $0x3  }
0x34: {  	[smem:$0x3FA9] =	sst s10  }
0x35: {  	s10 =	sld [smem:$0x3FA8];
	_ =	sdelay $0x3  }
0x36: {  	p1 =	seq.s32 s10, $0x1;
	s10 =	sld [smem:$0x3FA9];
	_ =	sdelay $0x3  }
0x37: {  	[smem:$0x3FA9] =	sst s10  }
0x38: {  	s10 =	sld [smem:$0x3FAA]  }
0x39: {  	_ = 	snop;
	(pc) =	sbr.ind lr, $3  }
0x3a: {  	_ = 	snop  }
0x3b: {  	_ = 	snop  }
0x3c: {  	p2 =	seq.s32 s10, $0x1;
	s10 =	sld [smem:$0x3FA9]  }
0x3d: {  	_ =	shalt  }
0x3e: {  	_ =	shalt  }
0x3f: {  	_ =	shalt  }
0x40: {  	_ =	shalt  }
0x41: {  	_ =	shalt  }
0x42: {  	_ =	shalt  }
0x43: {  	_ =	shalt  }
0x44: {  	_ =	shalt  }
0x45: {  	_ =	shalt  }
0x46: {  	_ =	shalt  }
0x47: {  	_ =	shalt  }
0x48: {  	_ =	shalt  }
0x49: {  	_ =	shalt  }
0x4a: {  	_ =	shalt  }
0x4b: {  	_ =	shalt  }
0x4c: {  	_ =	shalt  }
0x4d: {  	_ =	shalt  }
0x4e: {  	_ =	shalt  }
0x4f: {  	_ =	shalt  }
0x50: {  	_ =	shalt  }
0x51: {  	_ =	shalt  }
0x52: {  	_ =	shalt  }
0x53: {  	_ =	shalt  }
0x54: {  	_ =	shalt  }
0x55: {  	_ =	shalt  }
0x56: {  	_ =	shalt  }
0x57: {  	_ =	shalt  }
0x58: {  	_ =	shalt  }
0x59: {  	_ =	shalt  }
0x5a: {  	_ =	shalt  }
0x5b: {  	_ =	shalt  }
0x5c: {  	_ =	shalt  }
0x5d: {  	_ =	shalt  }
0x5e: {  	_ =	shalt  }
0x5f: {  	_ =	shalt  }
0x60: {  	_ =	shalt  }
0x61: {  	_ =	shalt  }
0x62: {  	_ =	shalt  }
0x63: {  	_ =	shalt  }
0x64: {  	_ =	shalt  }
0x65: {  	_ =	shalt  }
0x66: {  	_ =	shalt  }
0x67: {  	_ =	shalt  }
0x68: {  	_ =	shalt  }
0x69: {  	_ =	shalt  }
0x6a: {  	_ =	shalt  }
0x6b: {  	_ =	shalt  }
0x6c: {  	_ =	shalt  }
0x6d: {  	_ =	shalt  }
0x6e: {  	_ =	shalt  }
0x6f: {  	_ =	shalt  }
0x70: {  	_ =	shalt  }
0x71: {  	_ =	shalt  }
0x72: {  	_ =	shalt  }
0x73: {  	_ =	shalt  }
0x74: {  	_ =	shalt  }
0x75: {  	_ =	shalt  }
0x76: {  	_ =	shalt  }
0x77: {  	_ =	shalt  }
0x78: {  	_ =	shalt  }
0x79: {  	_ =	shalt  }
0x7a: {  	_ =	shalt  }
0x7b: {  	_ =	shalt  }
0x7c: {  	_ =	shalt  }
0x7d: {  	_ =	shalt  }
0x7e: {  	_ =	shalt  }
0x7f: {  	_ =	shalt  }
0x80: {  	_ =	shalt  }
0x81: {  	_ =	shalt  }
0x82: {  	_ =	shalt  }
0x83: {  	_ =	shalt  }
0x84: {  	_ =	shalt  }
0x85: {  	_ =	shalt  }
0x86: {  	_ =	shalt  }
0x87: {  	_ =	shalt  }
.Lfunc_end0:
.L_simem_size_0:
called_computation_lowered:
.L_overlay_start_0:
0x88: {  	s2 =	sld [smem:$0x3FD9]  }
0x89: {  	s3 =	sld [smem:$0x3FFE];
	_ =	sdelay $0x1  }
0x8a: {  	s1 =	srdreg.scid  }
0x8b: {  	s0 =	sand.u32 $0x1, s1  }
0x8c: {  	s17 =	sshll.u32 s0, $0xA;
	s2 =	sadd.s32 s3, s2  }
0x8d: {  	s2 =	sadd.s32 s2, s17  }
0x8e: {  	[smem:$0x3FB5] =	sst s2  }
0x8f: {  	_ = 	snop  }
0x90: {  	s2 =	sld [smem:$0x3FD0];
	(tm) =	ssettm $0x1  }
0x91: {  	s18 =	sld [smem:$0x3FFB];
	_ =	sdelay $0x3  }
0x92: {  	_ =	strace s18  }
0x93: {  	s3 =	sld [smem:$0x3FFC];
	_ =	sdelay $0x3  }
0x94: {  	_ =	strace s3  }
0x95: {  	s3 =	sld [smem:$0x3FFD];
	_ =	sdelay $0x3  }
0x96: {  	_ =	strace s3  }
0x97: {  	_ =	strace $0x8FFFFFFF  }
0x98: {  	s19 =	sld [smem:$0x3FDB];
	_ =	sdelay $0x1  }
0x99: {  	s4 =	simm.s32 $_scs_section_size  }
0x9a: {  	s5 =	simm.s32 $_size__tile_overlayer_lowered;
	s6 =	simm.s32 $_tile_overlayer_lowered  }
0x9b: {  	s22 =	simm.s32 $0x1BFF;
	s21 =	sshll.u32 s6, $0x1;
	s3 =	sadd.s32 s4, s19  }
0x9c: {  	s7 =	simm.s32 $0x0;
	s20 =	sshll.u32 s5, $0x1;
	s5 =	sadd.s32 s21, s3  }
0x9d: {  	[timem:s7], [sflag:s22] =	dma.local [hbm:s5], s20  }
0x9e: {  	_ =	swait.ge [sflag:s22], s20  }
0x9f: {  	s4 =	ssub.s32 $0x0, s20;
	[sflag:s22] =	ssyncset.done $0x0  }
0xa0: {  	[sflag:s22] =	ssyncadd.s32 s4;
	_ =	sdelay $0x1  }
0xa1: {  	s23 =	simm.s32 $0x1B8B  }
0xa2: {  	_ =	swait.ge [sflag:s23], $0x1  }
0xa3: {  	[sflag:s23] =	ssyncset.done $0x0  }
0xa4: {  	s25 =	simm.s32 $0x1B8E;
	s24 =	sld [smem:$0x3FFE];
	[sflag:s23] =	ssyncadd.s32 $0xFFFFFFFF  }
0xa5: {  	s26 =	simm.s32 $execute0_lowered;
	[smem:$0x3FD2] =	sst s25  }
0xa6: {  	s5 =	sshll.u32 s26, $0x1;
	_ =	strace $0x80000046;
	[dreg:$0x1] =	wrdreg $0xFFFFFFFF  }
0xa7: {  	s28 =	simm.s32 $_size_execute0_lowered;
	s3 =	sadd.s32 s3, s5;
	[dreg:$0x0] =	wrdreg $0x0  }
0xa8: {  	s5 =	sshll.u32 s28, $0x1;
	[dreg:$0x2] =	wrdreg s3  }
0xa9: {  	[dreg:$0x3] =	wrdreg s5  }
0xaa: {  	[dreg:$0x4] =	wrdreg $0xC0  }
0xab: {  	_ =	task [dreg:s7], $0x5FFFF  }
0xac: {  	[dreg:$0x1] =	wrdreg $0xFFFFFFFF  }
0xad: {  	[dreg:$0x0] =	wrdreg $0x60  }
0xae: {  	[dreg:$0x2] =	wrdreg s2  }
0xaf: {  	[dreg:$0x3] =	wrdreg s24  }
0xb0: {  	[dreg:$0x4] =	wrdreg $0x9  }
0xb1: {  	_ =	task.clear_ibuf [dreg:s7], $0x5FFFF;
	_ =	strace $0x90000046  }
0xb2: {  	s29 =	simm.s32 $0x9;
	_ =	strace $0x80000048  }
0xb3: {  	_ =	swait.ge [sflag:s29], $0x1  }
0xb4: {  	[sflag:s29] =	ssyncadd.s32 $0xFFFFFFFF  }
0xb5: {  	_ =	strace $0x90000048  }
0xb6: {  	_ =	sfence  }
0xb7: {  	s30 =	sld [smem:$0x0];
	_ =	sdelay $0x2  }
0xb8: {  	s31 =	sshll.u32 s1, $0xD;
	s1 =	sshrl.u32 s1, $0x2  }
0xb9: {  	s3 =	sand.u32 $0x4000, s31;
	s1 =	sadd.s32 s1, s30  }
0xba: {  	s0 =	sor.u32 s3, s0;
	s1 =	sshll.u32 s1, $0x11  }
0xbb: {  	s0 =	sor.u32 s1, s0  }
0xbc: {  	s0 =	sadd.s32 $0x8F2B, s0  }
0xbd: {  	[sflag:s0] =	ssyncadd.remote.s32 $0x1  }
0xbe: {  	_ =	sfence.sel $0xFFFF  }
0xbf: {  	[dreg:$0x0] =	wrdreg $0xFFFFFFFF;
	(pc) =	sbr.abs _section_cstart, $3  }
0xc0: {  	[dreg:$0x1] =	wrdreg $0xFFFFFFFF  }
0xc1: {  	_ =	task.clear_ibuf [dreg:s7], $0x2FFFF;
	_ =	strace $0x9FFFFFFF  }
0xc2: {  	(tm) =	ssettm $0x7FFFFFFF  }
0xc3: {  	_ =	shalt  }
tec
execute0_lowered:
.L_overlay_start_1:
0x0: {  	(tag) =	ssettag $0x1  }
0x1: {  	s2 =	rddreg [dreg:$0x0];
	s1 =	srdreg.scid  }
0x2: {  	s0 =	stileid.u32;
	s5 =	rddreg [dreg:$0x1];
	s3 =	simm.s32 $0x0  }
0x3: {  	s10 =	simm.s32 $0x80;
	s11 =	simm.s32 $0x500;
	s12 =	simm.s32 $0x1500  }
0x4: {  	s13 =	simm.s32 $0x1;
	s14 =	simm.s32 $0x0;
	s6 =	sand.u32 $0x1, s1  }
0x5: {  	s4 =	sshll.u32 s0, $0x1;
	[smem:$0x7FF] =	sst s3;
	s8 =	smul.u32 $0x2800, s0  }
0x6: {  	s4 =	sor.u32 s6, s4;
	s9 =	ssub.s32 $0x2, s6;
	s6 =	smul.u32 $0x1400, s6  }
0x7: {  	s1 =	rddreg [dreg:$0x2];
	_ =	strace $0x80000047;
	s7 =	smul.u32 $0x500, s4  }
0x8: {  	s4 =	sadd.s32 $0x4000, s5;
	s8 =	sadd.s32 s8, s5;
	s31 =	sshrl.u32 s9, $0x1  }
0x9: {  	s9 =	ssub.s32 s9, s31;
	s8 =	sadd.s32 s6, s8;
	s7 =	sshrl.u32 s7, $0x3  }
0xa: {  	s6 =	smax.u32 s9, $0x1;
	s9 =	simm.s32 $0x2;
	s7 =	sadd.s32 s7, s5  }
0xb: {  	s5 =	sadd.s32 $0x8000, s7;
	s7 =	sadd.s32 $0x9400, s8;
	s8 =	sadd.s32 $0x31400, s8  }
.LBB2_1:
0xc: {  	[tilespmem:s3], [sflag:$0x2] =	stream.linear.gather [hbm4b:s5+s3], $0x500, $0x38;
	[tilespmem:$0x2500] =	vst v63  }
0xd: {  	_ =	swait.ge [sflag:s9], $0x500  }
0xe: {  	[sflag:s9] =	ssyncset.done $0x0  }
0xf: {  	s15 =	simm.s32 $0x0;
	[sflag:s9] =	ssyncadd.s32 $0xFFFFFB00  }
0x10: {  	[tilespmem:s11], [sflag:$0x1] =	stream.indirect.gather [hbm4b:s2+s10], $0x20, s15, s10, $0xb8;
	[tilespmem:$0x2500] =	vst v63  }
0x11: {  	_ = 	snop  }
0x12: {  	[tilespmem:s12], [sflag:$0x1] =	stream.indirect.gather [hbm4b:s4+s10], $0x20, s15, s10, $0xb8;
	[tilespmem:$0x2500] =	vst v63  }
0x13: {  	_ =	swait.ge [sflag:s13], $0x1000  }
0x14: {  	[sflag:s13] =	ssyncset.done $0x0  }
0x15: {  	[sflag:s13] =	ssyncadd.s32 $0xFFFFF000  }
0x16: {  	_ =	swait.ge [sflag:s13], $0x1000  }
0x17: {  	[sflag:s13] =	ssyncset.done $0x0  }
0x18: {  	s30 =	sadd.s32 $0x0, s8;
	[sflag:s13] =	ssyncadd.s32 $0xFFFFF000  }
0x19: {  	[hbm4b:s30+s3] =	stream.linear.scatter [tilespmem:s11], [sflag:$0x2], $0x1000, $0x38;
	[tilespmem:$0x2500] =	vst v63  }
0x1a: {  	_ =	swait.ge [sflag:s9], $0x1000  }
0x1b: {  	[sflag:s9] =	ssyncset.done $0x0  }
0x1c: {  	s31 =	sadd.s32 $0x0, s7;
	[sflag:s9] =	ssyncadd.s32 $0xFFFFF000  }
0x1d: {  	[hbm4b:s31+s3] =	stream.linear.scatter [tilespmem:s12], [sflag:$0x2], $0x1000, $0x38;
	[tilespmem:$0x2500] =	vst v63  }
0x1e: {  	_ =	swait.ge [sflag:s9], $0x1000  }
0x1f: {  	s16 =	simm.s32 $0x400;
	s15 =	simm.s32 $0x200;
	[sflag:s9] =	ssyncset.done $0x0  }
.LBB2_2:
0x20: {  	s17 =	sshra.s32 s15, $0x2  }
0x21: {  	[sflag:s9] =	ssyncadd.s32 $0xFFFFF000;
	s18 =	smov.u32 s16;
	s19 =	sadd.s32 $0x200, s16  }
0x22: {  	[tilespmem:s11], [sflag:$0x1] =	stream.indirect.gather [hbm4b:s2+s10], $0x20, s17, s10, $0xb8;
	[tilespmem:$0x2500] =	vst v63  }
0x23: {  	p0 =	sne.s32 s16, $0x1200  }
0x24: {  	[tilespmem:s12], [sflag:$0x1] =	stream.indirect.gather [hbm4b:s4+s10], $0x20, s17, s10, $0xb8;
	[tilespmem:$0x2500] =	vst v63  }
0x25: {  	_ =	swait.ge [sflag:s13], $0x1000  }
0x26: {  	[sflag:s13] =	ssyncset.done $0x0  }
0x27: {  	[sflag:s13] =	ssyncadd.s32 $0xFFFFF000  }
0x28: {  	_ =	swait.ge [sflag:s13], $0x1000  }
0x29: {  	[sflag:s13] =	ssyncset.done $0x0  }
0x2a: {  	s16 =	sadd.s32 s15, s8;
	[sflag:s13] =	ssyncadd.s32 $0xFFFFF000  }
0x2b: {  	[hbm4b:s16+s3] =	stream.linear.scatter [tilespmem:s11], [sflag:$0x2], $0x1000, $0x38;
	[tilespmem:$0x2500] =	vst v63  }
0x2c: {  	_ =	swait.ge [sflag:s9], $0x1000  }
.Ltmp0:
0x2d: {  	[sflag:s9] =	ssyncset.done $0x0;
	(pc) =	sbr.rel @p0 .LBB2_2-.Ltmp0, $4  }
0x2e: {  	s16 =	sadd.s32 s15, s7;
	s15 =	smov.u32 s18;
	[sflag:s9] =	ssyncadd.s32 $0xFFFFF000  }
0x2f: {  	[hbm4b:s16+s3] =	stream.linear.scatter [tilespmem:s12], [sflag:$0x2], $0x1000, $0x38;
	[tilespmem:$0x2500] =	vst v63  }
0x30: {  	_ =	swait.ge [sflag:s9], $0x1000  }
0x31: {  	s16 =	smov.u32 s19;
	[sflag:s9] =	ssyncset.done $0x0  }
0x32: {  	s16 =	sshra.s32 s15, $0x2;
	[sflag:s9] =	ssyncadd.s32 $0xFFFFF000  }
0x33: {  	[tilespmem:s11], [sflag:$0x1] =	stream.indirect.gather [hbm4b:s2+s10], $0x20, s16, s10, $0xb8;
	[tilespmem:$0x2500] =	vst v63  }
0x34: {  	_ = 	snop  }
0x35: {  	[tilespmem:s12], [sflag:$0x1] =	stream.indirect.gather [hbm4b:s4+s10], $0x20, s16, s10, $0xb8;
	[tilespmem:$0x2500] =	vst v63  }
0x36: {  	_ =	swait.ge [sflag:s13], $0x1000  }
0x37: {  	[sflag:s13] =	ssyncset.done $0x0  }
0x38: {  	[sflag:s13] =	ssyncadd.s32 $0xFFFFF000  }
0x39: {  	_ =	swait.ge [sflag:s13], $0x1000  }
0x3a: {  	[sflag:s13] =	ssyncset.done $0x0  }
0x3b: {  	s30 =	sadd.s32 s15, s8;
	[sflag:s13] =	ssyncadd.s32 $0xFFFFF000  }
0x3c: {  	[hbm4b:s30+s3] =	stream.linear.scatter [tilespmem:s11], [sflag:$0x2], $0x1000, $0x38;
	[tilespmem:$0x2500] =	vst v63  }
0x3d: {  	s14 =	sadd.s32 $0x1, s14;
	_ =	swait.ge [sflag:s9], $0x1000  }
0x3e: {  	p0 =	sne.s32 s14, s6;
	[sflag:s9] =	ssyncset.done $0x0  }
.Ltmp1:
0x3f: {  	s31 =	sadd.s32 s15, s7;
	[sflag:s9] =	ssyncadd.s32 $0xFFFFF000;
	(pc) =	sbr.rel @p0 .LBB2_1-.Ltmp1, $4  }
0x40: {  	[hbm4b:s31+s3] =	stream.linear.scatter [tilespmem:s12], [sflag:$0x2], $0x1000, $0x38;
	[tilespmem:$0x2500] =	vst v63  }
0x41: {  	_ =	swait.ge [sflag:s9], $0x1000  }
0x42: {  	[sflag:s9] =	ssyncset.done $0x0  }
0x43: {  	[sflag:s9] =	ssyncadd.s32 $0xFFFFF000  }
0x44: {  	_ =	sfence.sel $0x180000  }
0x45: {  	[bflag:$0x0] =	sbarrier.arrive $0xFFFF  }
0x46: {  	p0 =	sne.s32 s0, $0x0;
	_ =	strace $0x90000047  }
0x47: {  	s0 =	sadd.s32 @!p0 $0x100000, s1;
	[bflag:$0x2] =	sbarrier.arrive $0xFFFF  }
0x48: {  	[sflag:s0] =	ssyncadd.tile.s32 @!p0 $0x1;
	_ =	shalt  }
.Lfunc_end2:
_tile_overlayer_lowered:
.L_overlay_start_2:
0x49: {  	(tag) =	ssettag $0x2  }
0x4a: {  	s0 =	rddreg [dreg:$0x0];
	s2 =	stileid.u32  }
0x4b: {  	s1 =	rddreg [dreg:$0x1];
	p0 =	sne.s32 s2, $0x0  }
0x4c: {  	s3 =	rddreg [dreg:$0x2];
	[bflag:$0x3] =	sbarrier.arrive $0xFFFF;
	s2 =	simm.s32 @!p0 $0x1C02  }
0x4d: {  	[timem:s3], [sflag:s2] =	dma.local @!p0 [hbm:s0], s1  }
0x4e: {  	s0 =	simm.s32 @!p0 $0x2  }
0x4f: {  	_ =	swait.ge @!p0 [sflag:s0], s1  }
0x50: {  	s1 =	ssub.s32 @!p0 $0x0, s1;
	[sflag:s0] =	ssyncset.done @!p0 $0x0  }
0x51: {  	[sflag:s0] =	ssyncadd.s32 @!p0 s1  }
0x52: {  	[bflag:$0x3] =	sbarrier.arrive $0xFFFF  }
0x53: {  	_ =	shalt  }

</sc_bundles>
